<compile_context>
chip_gen: v7x
topology: tpu7x:2x2x1
jax: 0.10.2.dev20260603
libtpu: 0.0.44.dev20260713+nightly
codegen_flags: <defaults>
</compile_context>

<pallas_src>
import functools

import jax
import jax.numpy as jnp
from jax import lax
from jax.experimental import pallas as pl
from jax.experimental.pallas import tpu as pltpu
from jax.experimental.pallas import tpu_sc as plsc

N = 50000
NP = 50048
E = 800000
EP = 819200
H = 64
HH = 32
ZR = NP // 16
LCH = EP // 16 // 128
DCH = EP // 32 // 128
SLAB = 40
BR = 2000
NB = N // BR


def _sc_mesh():
    return plsc.VectorSubcoreMesh(core_axis_name="c", subcore_axis_name="s",
                                  num_cores=2)


def _make_deg_kernel():
    @functools.partial(
        pl.kernel,
        out_type=jax.ShapeDtypeStruct((2, NP, 16), jnp.float32),
        mesh=_sc_mesh(),
        compiler_params=pltpu.CompilerParams(use_tc_tiling_on_sc=False),
        scratch_types=[
            pltpu.VMEM((SLAB, 128), jnp.int32),
            pltpu.VMEM((128, 16), jnp.float32),
            pltpu.SemaphoreType.DMA,
            pltpu.SemaphoreType.DMA,
            pltpu.SemaphoreType.DMA,
            pltpu.SemaphoreType.DMA,
            pltpu.VMEM_SHARED((NP, 16), jnp.float32),
        ],
    )
    def deg_kernel(dst_hbm, zeros_hbm, ones_hbm, out_hbm, dstbuf, ones_v,
                   s0, s1, s2, s3, acc):
        ssems = (s0, s1, s2, s3)
        c = lax.axis_index("c")
        s = lax.axis_index("s")
        pltpu.sync_copy(ones_hbm, ones_v)
        pltpu.sync_copy(zeros_hbm, acc.at[pl.ds(s * ZR, ZR)])
        plsc.subcore_barrier()

        def slab_body(k, carry):
            pltpu.sync_copy(dst_hbm.at[c, s, pl.ds(k * SLAB, SLAB)], dstbuf)

            def group_body(g, carry2):
                not_first = jnp.logical_or(k > 0, g > 0)
                for p in range(4):
                    jj = g * 4 + p

                    @pl.when(not_first)
                    def _():
                        pltpu.make_async_copy(
                            ones_v, acc.at[dstbuf.at[jj]], ssems[p]).wait()

                    pltpu.async_copy(ones_v, acc.at[dstbuf.at[jj]],
                                     ssems[p], add=True)
                return carry2

            return lax.fori_loop(0, SLAB // 4, group_body, carry)

        lax.fori_loop(0, DCH // SLAB, slab_body, 0)
        for p in range(4):
            pltpu.make_async_copy(ones_v, acc.at[dstbuf.at[SLAB - 4 + p]],
                                  ssems[p]).wait()
        plsc.subcore_barrier()
        pltpu.sync_copy(acc.at[pl.ds(s * ZR, ZR)],
                        out_hbm.at[c, pl.ds(s * ZR, ZR)])

    return deg_kernel


QD = 5


def _make_gs_kernel():
    @functools.partial(
        pl.kernel,
        out_type=jax.ShapeDtypeStruct((2, NP, HH), jnp.float32),
        mesh=_sc_mesh(),
        compiler_params=pltpu.CompilerParams(use_tc_tiling_on_sc=False),
        scratch_types=(
            [pltpu.VMEM((128,), jnp.int32)] * QD
            + [pltpu.VMEM((SLAB, 128), jnp.int32)]
            + [pltpu.VMEM((128, HH), jnp.float32)] * QD
            + [pltpu.SemaphoreType.DMA] * (3 * QD)
            + [pltpu.VMEM_SHARED((NP, HH), jnp.float32)]
        ),
    )
    def gs_kernel(src_hbm, dst_hbm, hs_hbm, zeros_hbm, out_hbm, *refs):
        idxs = refs[0:QD]
        dstbuf = refs[QD]
        rows = refs[QD + 1:2 * QD + 1]
        isems = refs[2 * QD + 1:3 * QD + 1]
        gsems = refs[3 * QD + 1:4 * QD + 1]
        ssems = refs[4 * QD + 1:5 * QD + 1]
        acc = refs[5 * QD + 1]
        c = lax.axis_index("c")
        s = lax.axis_index("s")
        tile_base = (c * 16 + s) * (LCH * 128)
        pltpu.sync_copy(zeros_hbm, acc.at[pl.ds(s * ZR, ZR)])
        plsc.subcore_barrier()

        def slab_body(k, carry):
            pltpu.sync_copy(dst_hbm.at[s, pl.ds(k * SLAB, SLAB)], dstbuf)

            def group_body(g, carry2):
                not_first = jnp.logical_or(k > 0, g > 0)
                for p in range(QD):
                    jj = g * QD + p
                    base = tile_base + (k * SLAB + jj) * 128

                    @pl.when(not_first)
                    def _():
                        pltpu.make_async_copy(
                            rows[p], acc.at[dstbuf.at[jj]], ssems[p]).wait()

                    pltpu.async_copy(src_hbm.at[pl.ds(base, 128)], idxs[p],
                                     isems[p])
                for p in range(QD):
                    base = tile_base + (g * QD + p) * 128
                    pltpu.make_async_copy(src_hbm.at[pl.ds(base, 128)],
                                          idxs[p], isems[p]).wait()
                    pltpu.async_copy(hs_hbm.at[idxs[p]], rows[p], gsems[p])
                for p in range(QD):
                    jj = g * QD + p
                    pltpu.make_async_copy(hs_hbm.at[idxs[p]], rows[p],
                                          gsems[p]).wait()
                    pltpu.async_copy(rows[p], acc.at[dstbuf.at[jj]],
                                     ssems[p], add=True)
                return carry2

            return lax.fori_loop(0, SLAB // QD, group_body, carry)

        lax.fori_loop(0, LCH // SLAB, slab_body, 0)
        for p in range(QD):
            pltpu.make_async_copy(rows[p], acc.at[dstbuf.at[SLAB - QD + p]],
                                  ssems[p]).wait()
        plsc.subcore_barrier()
        pltpu.sync_copy(acc.at[pl.ds(s * ZR, ZR)],
                        out_hbm.at[c, pl.ds(s * ZR, ZR)])

    return gs_kernel



NH = N // 2
BR2 = 1000


def _enc_body(xa_ref, xb_ref, pa_ref, pb_ref, Wn1_ref, bn1_ref, Wn2_ref,
              bn2_ref, Wc_ref, ha_ref, hb_ref, da_ref, db_ref, hs_ref,
              st_ref, st_acc):
    j = pl.program_id(0)

    def half(x_ref, p_ref, h_ref, d_ref):
        x = x_ref[...]
        h1 = jnp.maximum(jnp.dot(x, Wn1_ref[...],
                                 preferred_element_type=jnp.float32)
                         + bn1_ref[...], 0.0)
        h = jnp.maximum(jnp.dot(h1, Wn2_ref[...],
                                preferred_element_type=jnp.float32)
                        + bn2_ref[...], 0.0)
        deg = 1.0 + p_ref[0, :, 0:1] + p_ref[1, :, 0:1]
        dinv = lax.rsqrt(deg)
        h_ref[...] = h
        d_ref[...] = dinv
        hs = jnp.dot(h, Wc_ref[...],
                     preferred_element_type=jnp.float32) * dinv
        return x, hs

    xa, hsa = half(xa_ref, pa_ref, ha_ref, da_ref)
    xb, hsb = half(xb_ref, pb_ref, hb_ref, db_ref)
    hs_ref[...] = jnp.concatenate([hsa, hsb], axis=1)

    rid_a = lax.broadcasted_iota(jnp.int32, (BR2, 1), 0) + j * BR2
    rid_b = rid_a + NH
    ms = jnp.minimum(jnp.min(jnp.where(xa[:, 2:3] == 1.0, rid_a, N)),
                     jnp.min(jnp.where(xb[:, 2:3] == 1.0, rid_b, N)))
    mt = jnp.minimum(jnp.min(jnp.where(xa[:, 3:4] == 1.0, rid_a, N)),
                     jnp.min(jnp.where(xb[:, 3:4] == 1.0, rid_b, N)))

    @pl.when(j == 0)
    def _():
        st_acc[0] = N
        st_acc[1] = N

    st_acc[0] = jnp.minimum(st_acc[0], ms)
    st_acc[1] = jnp.minimum(st_acc[1], mt)

    @pl.when(j == NB - 1)
    def _():
        lane = lax.broadcasted_iota(jnp.int32, (1, 8), 1)
        st_ref[...] = jnp.where(lane == 0, st_acc[0],
                                jnp.where(lane == 1, st_acc[1], 0))


def _enc_call(x, p, Wn1, bn1, Wn2, bn2, Wc):
    full = lambda j: (0, 0)
    return pl.pallas_call(
        _enc_body,
        grid=(NB,),
        in_specs=[
            pl.BlockSpec((BR2, 4), lambda j: (j, 0)),
            pl.BlockSpec((BR2, 4), lambda j: (j + NB, 0)),
            pl.BlockSpec((2, BR2, 16), lambda j: (0, j, 0)),
            pl.BlockSpec((2, BR2, 16), lambda j: (0, j + NB, 0)),
            pl.BlockSpec((4, H), full),
            pl.BlockSpec((1, H), full),
            pl.BlockSpec((H, H), full),
            pl.BlockSpec((1, H), full),
            pl.BlockSpec((H, H), full),
        ],
        out_specs=[
            pl.BlockSpec((BR2, H), lambda j: (j, 0)),
            pl.BlockSpec((BR2, H), lambda j: (j, 0)),
            pl.BlockSpec((BR2, 1), lambda j: (j, 0)),
            pl.BlockSpec((BR2, 1), lambda j: (j, 0)),
            pl.BlockSpec((BR2, 2 * H), lambda j: (j, 0)),
            pl.BlockSpec((1, 8), full),
        ],
        out_shape=[
            jax.ShapeDtypeStruct((NH, H), jnp.float32),
            jax.ShapeDtypeStruct((NH, H), jnp.float32),
            jax.ShapeDtypeStruct((NH, 1), jnp.float32),
            jax.ShapeDtypeStruct((NH, 1), jnp.float32),
            jax.ShapeDtypeStruct((NH, 2 * H), jnp.float32),
            jax.ShapeDtypeStruct((1, 8), jnp.int32),
        ],
        scratch_shapes=[pltpu.SMEM((2,), jnp.int32)],
    )(x, x, p, p, Wn1, bn1, Wn2, bn2, Wc)


def _mid_body(acca_ref, accb_ref, hs_ref, ha_ref, hb_ref, da_ref, db_ref,
              b_ref, W_ref, h2a_ref, h2b_ref, hs2_ref):
    hs = hs_ref[...]

    def half(acc_ref, hsx, h_ref, d_ref, h2_ref):
        dinv = d_ref[...]
        m = jnp.concatenate([acc_ref[0] + hsx[:, :HH],
                             acc_ref[1] + hsx[:, HH:]], axis=1)
        h2 = h_ref[...] + jnp.maximum(m * dinv + b_ref[...], 0.0)
        h2_ref[...] = h2
        return jnp.dot(h2, W_ref[...],
                       preferred_element_type=jnp.float32) * dinv

    hs2a = half(acca_ref, hs[:, :H], ha_ref, da_ref, h2a_ref)
    hs2b = half(accb_ref, hs[:, H:], hb_ref, db_ref, h2b_ref)
    hs2_ref[...] = jnp.concatenate([hs2a, hs2b], axis=1)


def _mid_call(acc, hs, ha, hb, da, db, b, W):
    full = lambda j: (0, 0)
    return pl.pallas_call(
        _mid_body,
        grid=(NB,),
        in_specs=[
            pl.BlockSpec((2, BR2, HH), lambda j: (0, j, 0)),
            pl.BlockSpec((2, BR2, HH), lambda j: (0, j + NB, 0)),
            pl.BlockSpec((BR2, 2 * H), lambda j: (j, 0)),
            pl.BlockSpec((BR2, H), lambda j: (j, 0)),
            pl.BlockSpec((BR2, H), lambda j: (j, 0)),
            pl.BlockSpec((BR2, 1), lambda j: (j, 0)),
            pl.BlockSpec((BR2, 1), lambda j: (j, 0)),
            pl.BlockSpec((1, H), full),
            pl.BlockSpec((H, H), full),
        ],
        out_specs=[
            pl.BlockSpec((BR2, H), lambda j: (j, 0)),
            pl.BlockSpec((BR2, H), lambda j: (j, 0)),
            pl.BlockSpec((BR2, 2 * H), lambda j: (j, 0)),
        ],
        out_shape=[
            jax.ShapeDtypeStruct((NH, H), jnp.float32),
            jax.ShapeDtypeStruct((NH, H), jnp.float32),
            jax.ShapeDtypeStruct((NH, 2 * H), jnp.float32),
        ],
    )(acc, acc, hs, ha, hb, da, db, b, W)


def _post_body(si_ti_ref, acca_ref, accb_ref, hs_ref, ha_ref, hb_ref,
               da_ref, db_ref, b_ref, Wo1_ref, bo1_ref, Wo2_ref, bo2_ref,
               Wo3_ref, bo3_ref, o_ref, sel_acc):
    j = pl.program_id(0)
    hs = hs_ref[...]

    def half(acc_ref, hsx, h_ref, d_ref, base):
        m = jnp.concatenate([acc_ref[0] + hsx[:, :HH],
                             acc_ref[1] + hsx[:, HH:]], axis=1)
        h3 = h_ref[...] + jnp.maximum(m * d_ref[...] + b_ref[...], 0.0)
        rid = lax.broadcasted_iota(jnp.int32, (BR2, 1), 0) + base
        sel2 = jnp.concatenate(
            [jnp.where(rid == si_ti_ref[0], 1.0, 0.0),
             jnp.where(rid == si_ti_ref[1], 1.0, 0.0)], axis=1)
        return lax.dot_general(sel2, h3, (((0,), (0,)), ((), ())),
                               preferred_element_type=jnp.float32)

    part = (half(acca_ref, hs[:, :H], ha_ref, da_ref, j * BR2)
            + half(accb_ref, hs[:, H:], hb_ref, db_ref, NH + j * BR2))

    @pl.when(j == 0)
    def _():
        sel_acc[...] = jnp.zeros_like(sel_acc)

    sel_acc[...] += part

    @pl.when(j == NB - 1)
    def _():
        combined = jnp.concatenate([sel_acc[0:1, :], sel_acc[1:2, :]], axis=1)
        o = jnp.maximum(jnp.dot(combined, Wo1_ref[...],
                                preferred_element_type=jnp.float32)
                        + bo1_ref[...], 0.0)
        o = jnp.maximum(jnp.dot(o, Wo2_ref[...],
                                preferred_element_type=jnp.float32)
                        + bo2_ref[...], 0.0)
        o_ref[...] = (jnp.dot(o, Wo3_ref[...],
                              preferred_element_type=jnp.float32)
                      + bo3_ref[...])


def _post_call(si_ti, acc, hs, ha, hb, da, db, b, Wo1, bo1, Wo2, bo2,
               Wo3, bo3):
    full = lambda j, *_: (0, 0)
    return pl.pallas_call(
        _post_body,
        grid_spec=pltpu.PrefetchScalarGridSpec(
            num_scalar_prefetch=1,
            grid=(NB,),
            in_specs=[
                pl.BlockSpec((2, BR2, HH), lambda j, *_: (0, j, 0)),
                pl.BlockSpec((2, BR2, HH), lambda j, *_: (0, j + NB, 0)),
                pl.BlockSpec((BR2, 2 * H), lambda j, *_: (j, 0)),
                pl.BlockSpec((BR2, H), lambda j, *_: (j, 0)),
                pl.BlockSpec((BR2, H), lambda j, *_: (j, 0)),
                pl.BlockSpec((BR2, 1), lambda j, *_: (j, 0)),
                pl.BlockSpec((BR2, 1), lambda j, *_: (j, 0)),
                pl.BlockSpec((1, H), full),
                pl.BlockSpec((2 * H, H), full),
                pl.BlockSpec((1, H), full),
                pl.BlockSpec((H, H // 2), full),
                pl.BlockSpec((1, H // 2), full),
                pl.BlockSpec((H // 2, 1), full),
                pl.BlockSpec((1, 1), full),
            ],
            out_specs=pl.BlockSpec((1, 1), full),
            scratch_shapes=[pltpu.VMEM((2, H), jnp.float32)],
        ),
        out_shape=jax.ShapeDtypeStruct((1, 1), jnp.float32),
    )(si_ti, acc, acc, hs, ha, hb, da, db, b, Wo1, bo1, Wo2, bo2, Wo3, bo3)


def kernel(x, edge_index, edge_attr, Wn1, bn1, Wn2, bn2, Wc0, bc0, Wc1, bc1,
           Wc2, bc2, Wo1, bo1, Wo2, bo2, Wo3, bo3):
    f32 = jnp.float32
    src = edge_index[0]
    dst = edge_index[1]
    pad = EP - E
    ar = jnp.arange(pad, dtype=jnp.int32)
    srcp = jnp.concatenate([src, (ar * 977) % N])
    dstp = jnp.concatenate([dst, N + (ar % (NP - N))])
    srcg = jnp.where(srcp < NH, 4 * srcp, 4 * (srcp - NH) + 2)
    src4 = jnp.concatenate([srcg, srcg + 1])
    dst3 = dstp.reshape(16, LCH, 128)
    dstd = dstp.reshape(2, 16, DCH, 128)
    zeros16 = jnp.zeros((ZR, 16), f32)
    zeros32 = jnp.zeros((ZR, HH), f32)
    ones16 = jnp.ones((128, 16), f32)

    deg_k = _make_deg_kernel()
    gs_k = _make_gs_kernel()

    p = deg_k(dstd, zeros16, ones16)

    ha, hb, da, db, hs, st = _enc_call(x, p, Wn1, bn1.reshape(1, H), Wn2,
                                       bn2.reshape(1, H), Wc0)

    acc = gs_k(src4, dst3, hs.reshape(4 * NH, HH), zeros32)
    ha, hb, hs = _mid_call(acc, hs, ha, hb, da, db, bc0.reshape(1, H), Wc1)

    acc = gs_k(src4, dst3, hs.reshape(4 * NH, HH), zeros32)
    ha, hb, hs = _mid_call(acc, hs, ha, hb, da, db, bc1.reshape(1, H), Wc2)

    acc = gs_k(src4, dst3, hs.reshape(4 * NH, HH), zeros32)

    ms, mt = st[0, 0], st[0, 1]
    has_both = jnp.logical_and(ms < N, mt < N)
    si = jnp.where(has_both, ms, 0)
    ti = jnp.where(has_both, mt, N - 1)
    si_ti = jnp.stack([si, ti])

    o = _post_call(si_ti, acc, hs, ha, hb, da, db, bc2.reshape(1, H),
                   Wo1, bo1.reshape(1, H), Wo2, bo2.reshape(1, H // 2),
                   Wo3, bo3.reshape(1, 1))
    return o.reshape(1)

# --- scband reference (transcript-rebuilt; emitter-appended) ---
"""Pipeline reference for scband-mpnn-90039694393773 (READ-ONLY COPY).

The authoritative reference and input builder live on the scoring server;
editing this copy changes nothing except your own understanding.
"""

import jax, jax.numpy as jnp
import numpy as np

N = 50000
E = 800000
FD = 4
H = 64


def setup_inputs(seed: int = 0) -> dict:
    key = jax.random.key(seed)
    ks = [jax.random.fold_in(key, i) for i in range(24)]

    def p(k, shape):
        return jax.random.normal(k, shape, dtype=jnp.float32) * 0.05

    x = jax.random.uniform(ks[0], (N, FD), dtype=jnp.float32)
    edge_index = jax.random.randint(ks[1], (2, E), 0, N, dtype=jnp.int32)
    edge_attr = jax.random.normal(ks[2], (E, 1), dtype=jnp.float32)
    inp = {
        'x': x,
        'edge_index': edge_index,
        'edge_attr': edge_attr,
        'Wn1': p(ks[3], (FD, H)), 'bn1': jnp.zeros((H,), jnp.float32),
        'Wn2': p(ks[4], (H, H)), 'bn2': jnp.zeros((H,), jnp.float32),
        'Wc0': p(ks[5], (H, H)), 'bc0': jnp.zeros((H,), jnp.float32),
        'Wc1': p(ks[6], (H, H)), 'bc1': jnp.zeros((H,), jnp.float32),
        'Wc2': p(ks[7], (H, H)), 'bc2': jnp.zeros((H,), jnp.float32),
        'Wo1': p(ks[8], (2 * H, H)), 'bo1': jnp.zeros((H,), jnp.float32),
        'Wo2': p(ks[9], (H, H // 2)), 'bo2': jnp.zeros((H // 2,), jnp.float32),
        'Wo3': p(ks[10], (H // 2, 1)), 'bo3': jnp.zeros((1,), jnp.float32),
    }
    return inp


def reference(x, edge_index, edge_attr, Wn1, bn1, Wn2, bn2, Wc0, bc0, Wc1, bc1, Wc2, bc2, Wo1, bo1, Wo2, bo2, Wo3, bo3):
    # node encoder (dropout inactive at inference)
    h = jax.nn.relu(x @ Wn1 + bn1)
    h = jax.nn.relu(h @ Wn2 + bn2)

    # GCNConv with self-loops and symmetric normalization (PyG semantics)
    loop = jnp.arange(N, dtype=edge_index.dtype)
    src = jnp.concatenate([edge_index[0], loop])
    dst = jnp.concatenate([edge_index[1], loop])
    deg = jnp.zeros((N,), jnp.float32).at[dst].add(1.0)
    dinv = jnp.where(deg > 0, deg ** -0.5, 0.0)
    norm = dinv[src] * dinv[dst]

    def gcn(h, W, b):
        hw = h @ W
        msg = hw[src] * norm[:, None]
        out = jax.ops.segment_sum(msg, dst, num_segments=N)
        return out + b

    for (W, b) in ((Wc0, bc0), (Wc1, bc1), (Wc2, bc2)):
        h_new = jax.nn.relu(gcn(h, W, b))
        h = h + h_new  # residual (dims match)

    # source/target selection from raw node features
    s_mask = x[:, 2] == 1.0
    t_mask = x[:, 3] == 1.0
    has_both = jnp.logical_and(jnp.any(s_mask), jnp.any(t_mask))
    si = jnp.where(has_both, jnp.argmax(s_mask), 0)
    ti = jnp.where(has_both, jnp.argmax(t_mask), N - 1)

    combined = jnp.concatenate([h[si], h[ti]], axis=0)
    o = jax.nn.relu(combined @ Wo1 + bo1)
    o = jax.nn.relu(o @ Wo2 + bo2)
    o = o @ Wo3 + bo3
    return o

if __name__ == "__main__":
    import jax
    _d = setup_inputs()
    print(jax.jit(kernel)(*tuple(_d.values())))

</pallas_src>

<mosaic_0001>
#map = affine_map<(d0, d1) -> (0, 0, 0, 0)>
#map1 = affine_map<(d0, d1) -> (0, 0)>
#map2 = affine_map<(d0, d1) -> (0, 0, 0)>
module attributes {stable_mosaic.version = 14 : i64} {
  func.func @deg_kernel(%arg0: i32, %arg1: i32, %arg2: memref<2x16x200x128xi32, #tpu.memory_space<hbm>>, %arg3: memref<3128x16xf32, #tpu.memory_space<hbm>>, %arg4: memref<128x16xf32, #tpu.memory_space<hbm>>, %arg5: memref<2x50048x16xf32, #tpu.memory_space<hbm>>, %arg6: memref<40x128xi32, #tpu.memory_space<vmem>>, %arg7: memref<128x16xf32, #tpu.memory_space<vmem>>, %arg8: memref<!tpu.dma_semaphore, #tpu.memory_space<semaphore_mem>>, %arg9: memref<!tpu.dma_semaphore, #tpu.memory_space<semaphore_mem>>, %arg10: memref<!tpu.dma_semaphore, #tpu.memory_space<semaphore_mem>>, %arg11: memref<!tpu.dma_semaphore, #tpu.memory_space<semaphore_mem>>, %arg12: memref<50048x16xf32, #tpu.memory_space<vmem_shared>>) attributes {dimension_semantics = [#tpu.dimension_semantics<core_parallel>, #tpu.dimension_semantics<subcore_parallel>], iteration_bounds = array<i64: 2, 16>, scalar_prefetch = 0 : i64, scratch_operands = 7 : i64, tpu.core_type = #tpu.core_type<sc_vector_subcore>, window_params = [{transform_indices = #map}, {transform_indices = #map1}, {transform_indices = #map1}, {transform_indices = #map2}]} {
    "tpu.region"() ({
      %run_scoped3A = tpu.sem_alloc : memref<!tpu.dma_semaphore, #tpu.memory_space<semaphore_mem>>
      tpu.enqueue_dma source(%arg4 : memref<128x16xf32, #tpu.memory_space<hbm>>) target(%arg7 : memref<128x16xf32, #tpu.memory_space<vmem>>) target_semaphore(%run_scoped3A : memref<!tpu.dma_semaphore, #tpu.memory_space<semaphore_mem>>)
      tpu.wait_dma2 semaphore(%run_scoped3A : memref<!tpu.dma_semaphore, #tpu.memory_space<semaphore_mem>>) src(%arg4 : memref<128x16xf32, #tpu.memory_space<hbm>>) dst(%arg7 : memref<128x16xf32, #tpu.memory_space<vmem>>)
      tpu.yield
    }) : () -> ()
    %mul3A = arith.constant 3128 : i32
    %mul3A_0 = arith.muli %arg1, %mul3A : i32
    "tpu.region"() ({
      %run_scoped3A = tpu.sem_alloc : memref<!tpu.dma_semaphore, #tpu.memory_space<semaphore_mem>>
      %dma_start3A = arith.constant 0 : i32
      %dma_start3A_38 = tpu.memref_slice %arg12[%mul3A_0, %dma_start3A] : memref<50048x16xf32, #tpu.memory_space<vmem_shared>> -> memref<3128x16xf32, #tpu.memory_space<vmem_shared>>
      tpu.enqueue_dma source(%arg3 : memref<3128x16xf32, #tpu.memory_space<hbm>>) target(%dma_start3A_38 : memref<3128x16xf32, #tpu.memory_space<vmem_shared>>) target_semaphore(%run_scoped3A : memref<!tpu.dma_semaphore, #tpu.memory_space<semaphore_mem>>)
      %dma_wait3A_39 = arith.constant 0 : i32
      %dma_wait3A_40 = tpu.memref_slice %arg12[%mul3A_0, %dma_wait3A_39] : memref<50048x16xf32, #tpu.memory_space<vmem_shared>> -> memref<3128x16xf32, #tpu.memory_space<vmem_shared>>
      tpu.wait_dma2 semaphore(%run_scoped3A : memref<!tpu.dma_semaphore, #tpu.memory_space<semaphore_mem>>) src(%arg3 : memref<3128x16xf32, #tpu.memory_space<hbm>>) dst(%dma_wait3A_40 : memref<3128x16xf32, #tpu.memory_space<vmem_shared>>)
      tpu.yield
    }) : () -> ()
    %barrier3A = arith.constant 0 : index
    tpu.barrier barrier_id(%barrier3A)
    %scan3A = arith.constant 0 : i32
    %scan3A_1 = arith.constant 0 : i32
    %scan3A_2 = arith.constant 5 : i32
    %scan3A_3 = arith.addi %scan3A_1, %scan3A_2 : i32
    %scan3A_4 = arith.constant 1 : i32
    scf.for %scan3A_38 = %scan3A_1 to %scan3A_3 step %scan3A_4  : i32 {
      %mul3A_39 = arith.constant 40 : i32
      %mul3A_40 = arith.muli %scan3A_38, %mul3A_39 : i32
      "tpu.region"() ({
        %run_scoped3A = tpu.sem_alloc : memref<!tpu.dma_semaphore, #tpu.memory_space<semaphore_mem>>
        %dma_start3A = arith.constant 0 : i32
        %dma_start3A_46 = tpu.memref_slice %arg2[%arg0, %arg1, %mul3A_40, %dma_start3A] : memref<2x16x200x128xi32, #tpu.memory_space<hbm>> -> memref<1x1x40x128xi32, #tpu.memory_space<hbm>>
        %dma_start3A_47 = tpu.memref_squeeze %dma_start3A_46 : memref<1x1x40x128xi32, #tpu.memory_space<hbm>> -> memref<40x128xi32, #tpu.memory_space<hbm>>
        %dma_start3A_48 = arith.constant 0 : i32
        %dma_start3A_49 = tpu.memref_slice %arg2[%arg0, %arg1, %mul3A_40, %dma_start3A_48] : memref<2x16x200x128xi32, #tpu.memory_space<hbm>> -> memref<1x1x40x128xi32, #tpu.memory_space<hbm>>
        %dma_start3A_50 = tpu.memref_squeeze %dma_start3A_49 : memref<1x1x40x128xi32, #tpu.memory_space<hbm>> -> memref<40x128xi32, #tpu.memory_space<hbm>>
        tpu.enqueue_dma source(%dma_start3A_50 : memref<40x128xi32, #tpu.memory_space<hbm>>) target(%arg6 : memref<40x128xi32, #tpu.memory_space<vmem>>) target_semaphore(%run_scoped3A : memref<!tpu.dma_semaphore, #tpu.memory_space<semaphore_mem>>)
        %dma_wait3A_51 = arith.constant 0 : i32
        %dma_wait3A_52 = tpu.memref_slice %arg2[%arg0, %arg1, %mul3A_40, %dma_wait3A_51] : memref<2x16x200x128xi32, #tpu.memory_space<hbm>> -> memref<1x1x40x128xi32, #tpu.memory_space<hbm>>
        %dma_wait3A_53 = tpu.memref_squeeze %dma_wait3A_52 : memref<1x1x40x128xi32, #tpu.memory_space<hbm>> -> memref<40x128xi32, #tpu.memory_space<hbm>>
        %dma_wait3A_54 = arith.constant 0 : i32
        %dma_wait3A_55 = tpu.memref_slice %arg2[%arg0, %arg1, %mul3A_40, %dma_wait3A_54] : memref<2x16x200x128xi32, #tpu.memory_space<hbm>> -> memref<1x1x40x128xi32, #tpu.memory_space<hbm>>
        %dma_wait3A_56 = tpu.memref_squeeze %dma_wait3A_55 : memref<1x1x40x128xi32, #tpu.memory_space<hbm>> -> memref<40x128xi32, #tpu.memory_space<hbm>>
        tpu.wait_dma2 semaphore(%run_scoped3A : memref<!tpu.dma_semaphore, #tpu.memory_space<semaphore_mem>>) src(%dma_wait3A_56 : memref<40x128xi32, #tpu.memory_space<hbm>>) dst(%arg6 : memref<40x128xi32, #tpu.memory_space<vmem>>)
        tpu.yield
      }) : () -> ()
      %scan3A_41 = arith.constant 0 : i32
      %scan3A_42 = arith.constant 10 : i32
      %scan3A_43 = arith.addi %scan3A_41, %scan3A_42 : i32
      %scan3A_44 = arith.constant 1 : i32
      scf.for %scan3A_46 = %scan3A_41 to %scan3A_43 step %scan3A_44  : i32 {
        %gt3A = arith.constant 0 : i32
        %gt3A_47 = arith.cmpi sgt, %scan3A_38, %gt3A : i32
        %gt3A_48 = arith.constant 0 : i32
        %gt3A_49 = arith.cmpi sgt, %scan3A_46, %gt3A_48 : i32
        %or3A = arith.ori %gt3A_47, %gt3A_49 : i1
        %mul3A_50 = arith.constant 4 : i32
        %mul3A_51 = arith.muli %scan3A_46, %mul3A_50 : i32
        %add3A = arith.constant 0 : i32
        %add3A_52 = arith.addi %mul3A_51, %add3A : i32
        %convert_element_type3A = arith.extui %or3A : i1 to i32
        %cond3A = arith.constant 0 : i32
        %cond3A_53 = arith.cmpi ne, %convert_element_type3A, %cond3A : i32
        scf.if %cond3A_53 {
          %dma_wait3A_98 = arith.constant 0 : i32
          %dma_wait3A_99 = tpu.memref_slice %arg6[%add3A_52, %dma_wait3A_98] : memref<40x128xi32, #tpu.memory_space<vmem>> -> memref<1x128xi32, #tpu.memory_space<vmem>>
          %dma_wait3A_100 = tpu.memref_squeeze %dma_wait3A_99 : memref<1x128xi32, #tpu.memory_space<vmem>> -> memref<128xi32, #tpu.memory_space<vmem>>
          %dma_wait3A_101 = arith.constant 0 : i32
          %dma_wait3A_102 = arith.constant 0 : i32
          %dma_wait3A_103 = tpu.memref_slice %arg12[%dma_wait3A_101, %dma_wait3A_102] : memref<50048x16xf32, #tpu.memory_space<vmem_shared>> -> memref<50048x16xf32, #tpu.memory_space<vmem_shared>>
          tpu.wait_indirect_dma semaphore(%arg8 : memref<!tpu.dma_semaphore, #tpu.memory_space<semaphore_mem>>) src(%arg7 : memref<128x16xf32, #tpu.memory_space<vmem>>) dst(%dma_wait3A_103 : memref<50048x16xf32, #tpu.memory_space<vmem_shared>>)
        } else {
        }
        %dma_start3A = arith.constant 0 : i32
        %dma_start3A_54 = tpu.memref_slice %arg6[%add3A_52, %dma_start3A] : memref<40x128xi32, #tpu.memory_space<vmem>> -> memref<1x128xi32, #tpu.memory_space<vmem>>
        %dma_start3A_55 = tpu.memref_squeeze %dma_start3A_54 : memref<1x128xi32, #tpu.memory_space<vmem>> -> memref<128xi32, #tpu.memory_space<vmem>>
        %dma_start3A_56 = arith.constant 0 : i32
        %dma_start3A_57 = arith.constant 0 : i32
        %dma_start3A_58 = tpu.memref_slice %arg12[%dma_start3A_56, %dma_start3A_57] : memref<50048x16xf32, #tpu.memory_space<vmem_shared>> -> memref<50048x16xf32, #tpu.memory_space<vmem_shared>>
        tpu.enqueue_indirect_dma source(%arg7 : memref<128x16xf32, #tpu.memory_space<vmem>>) target(%dma_start3A_58 : memref<50048x16xf32, #tpu.memory_space<vmem_shared>>) offsets(%dma_start3A_55 : memref<128xi32, #tpu.memory_space<vmem>>) semaphore(%arg8 : memref<!tpu.dma_semaphore, #tpu.memory_space<semaphore_mem>>) {add = true}
        %mul3A_59 = arith.constant 4 : i32
        %mul3A_60 = arith.muli %scan3A_46, %mul3A_59 : i32
        %add3A_61 = arith.constant 1 : i32
        %add3A_62 = arith.addi %mul3A_60, %add3A_61 : i32
        %convert_element_type3A_63 = arith.extui %or3A : i1 to i32
        %cond3A_64 = arith.constant 0 : i32
        %cond3A_65 = arith.cmpi ne, %convert_element_type3A_63, %cond3A_64 : i32
        scf.if %cond3A_65 {
          %dma_wait3A_98 = arith.constant 0 : i32
          %dma_wait3A_99 = tpu.memref_slice %arg6[%add3A_62, %dma_wait3A_98] : memref<40x128xi32, #tpu.memory_space<vmem>> -> memref<1x128xi32, #tpu.memory_space<vmem>>
          %dma_wait3A_100 = tpu.memref_squeeze %dma_wait3A_99 : memref<1x128xi32, #tpu.memory_space<vmem>> -> memref<128xi32, #tpu.memory_space<vmem>>
          %dma_wait3A_101 = arith.constant 0 : i32
          %dma_wait3A_102 = arith.constant 0 : i32
          %dma_wait3A_103 = tpu.memref_slice %arg12[%dma_wait3A_101, %dma_wait3A_102] : memref<50048x16xf32, #tpu.memory_space<vmem_shared>> -> memref<50048x16xf32, #tpu.memory_space<vmem_shared>>
          tpu.wait_indirect_dma semaphore(%arg9 : memref<!tpu.dma_semaphore, #tpu.memory_space<semaphore_mem>>) src(%arg7 : memref<128x16xf32, #tpu.memory_space<vmem>>) dst(%dma_wait3A_103 : memref<50048x16xf32, #tpu.memory_space<vmem_shared>>)
        } else {
        }
        %dma_start3A_66 = arith.constant 0 : i32
        %dma_start3A_67 = tpu.memref_slice %arg6[%add3A_62, %dma_start3A_66] : memref<40x128xi32, #tpu.memory_space<vmem>> -> memref<1x128xi32, #tpu.memory_space<vmem>>
        %dma_start3A_68 = tpu.memref_squeeze %dma_start3A_67 : memref<1x128xi32, #tpu.memory_space<vmem>> -> memref<128xi32, #tpu.memory_space<vmem>>
        %dma_start3A_69 = arith.constant 0 : i32
        %dma_start3A_70 = arith.constant 0 : i32
        %dma_start3A_71 = tpu.memref_slice %arg12[%dma_start3A_69, %dma_start3A_70] : memref<50048x16xf32, #tpu.memory_space<vmem_shared>> -> memref<50048x16xf32, #tpu.memory_space<vmem_shared>>
        tpu.enqueue_indirect_dma source(%arg7 : memref<128x16xf32, #tpu.memory_space<vmem>>) target(%dma_start3A_71 : memref<50048x16xf32, #tpu.memory_space<vmem_shared>>) offsets(%dma_start3A_68 : memref<128xi32, #tpu.memory_space<vmem>>) semaphore(%arg9 : memref<!tpu.dma_semaphore, #tpu.memory_space<semaphore_mem>>) {add = true}
        %mul3A_72 = arith.constant 4 : i32
        %mul3A_73 = arith.muli %scan3A_46, %mul3A_72 : i32
        %add3A_74 = arith.constant 2 : i32
        %add3A_75 = arith.addi %mul3A_73, %add3A_74 : i32
        %convert_element_type3A_76 = arith.extui %or3A : i1 to i32
        %cond3A_77 = arith.constant 0 : i32
        %cond3A_78 = arith.cmpi ne, %convert_element_type3A_76, %cond3A_77 : i32
        scf.if %cond3A_78 {
          %dma_wait3A_98 = arith.constant 0 : i32
          %dma_wait3A_99 = tpu.memref_slice %arg6[%add3A_75, %dma_wait3A_98] : memref<40x128xi32, #tpu.memory_space<vmem>> -> memref<1x128xi32, #tpu.memory_space<vmem>>
          %dma_wait3A_100 = tpu.memref_squeeze %dma_wait3A_99 : memref<1x128xi32, #tpu.memory_space<vmem>> -> memref<128xi32, #tpu.memory_space<vmem>>
          %dma_wait3A_101 = arith.constant 0 : i32
          %dma_wait3A_102 = arith.constant 0 : i32
          %dma_wait3A_103 = tpu.memref_slice %arg12[%dma_wait3A_101, %dma_wait3A_102] : memref<50048x16xf32, #tpu.memory_space<vmem_shared>> -> memref<50048x16xf32, #tpu.memory_space<vmem_shared>>
          tpu.wait_indirect_dma semaphore(%arg10 : memref<!tpu.dma_semaphore, #tpu.memory_space<semaphore_mem>>) src(%arg7 : memref<128x16xf32, #tpu.memory_space<vmem>>) dst(%dma_wait3A_103 : memref<50048x16xf32, #tpu.memory_space<vmem_shared>>)
        } else {
        }
        %dma_start3A_79 = arith.constant 0 : i32
        %dma_start3A_80 = tpu.memref_slice %arg6[%add3A_75, %dma_start3A_79] : memref<40x128xi32, #tpu.memory_space<vmem>> -> memref<1x128xi32, #tpu.memory_space<vmem>>
        %dma_start3A_81 = tpu.memref_squeeze %dma_start3A_80 : memref<1x128xi32, #tpu.memory_space<vmem>> -> memref<128xi32, #tpu.memory_space<vmem>>
        %dma_start3A_82 = arith.constant 0 : i32
        %dma_start3A_83 = arith.constant 0 : i32
        %dma_start3A_84 = tpu.memref_slice %arg12[%dma_start3A_82, %dma_start3A_83] : memref<50048x16xf32, #tpu.memory_space<vmem_shared>> -> memref<50048x16xf32, #tpu.memory_space<vmem_shared>>
        tpu.enqueue_indirect_dma source(%arg7 : memref<128x16xf32, #tpu.memory_space<vmem>>) target(%dma_start3A_84 : memref<50048x16xf32, #tpu.memory_space<vmem_shared>>) offsets(%dma_start3A_81 : memref<128xi32, #tpu.memory_space<vmem>>) semaphore(%arg10 : memref<!tpu.dma_semaphore, #tpu.memory_space<semaphore_mem>>) {add = true}
        %mul3A_85 = arith.constant 4 : i32
        %mul3A_86 = arith.muli %scan3A_46, %mul3A_85 : i32
        %add3A_87 = arith.constant 3 : i32
        %add3A_88 = arith.addi %mul3A_86, %add3A_87 : i32
        %convert_element_type3A_89 = arith.extui %or3A : i1 to i32
        %cond3A_90 = arith.constant 0 : i32
        %cond3A_91 = arith.cmpi ne, %convert_element_type3A_89, %cond3A_90 : i32
        scf.if %cond3A_91 {
          %dma_wait3A_98 = arith.constant 0 : i32
          %dma_wait3A_99 = tpu.memref_slice %arg6[%add3A_88, %dma_wait3A_98] : memref<40x128xi32, #tpu.memory_space<vmem>> -> memref<1x128xi32, #tpu.memory_space<vmem>>
          %dma_wait3A_100 = tpu.memref_squeeze %dma_wait3A_99 : memref<1x128xi32, #tpu.memory_space<vmem>> -> memref<128xi32, #tpu.memory_space<vmem>>
          %dma_wait3A_101 = arith.constant 0 : i32
          %dma_wait3A_102 = arith.constant 0 : i32
          %dma_wait3A_103 = tpu.memref_slice %arg12[%dma_wait3A_101, %dma_wait3A_102] : memref<50048x16xf32, #tpu.memory_space<vmem_shared>> -> memref<50048x16xf32, #tpu.memory_space<vmem_shared>>
          tpu.wait_indirect_dma semaphore(%arg11 : memref<!tpu.dma_semaphore, #tpu.memory_space<semaphore_mem>>) src(%arg7 : memref<128x16xf32, #tpu.memory_space<vmem>>) dst(%dma_wait3A_103 : memref<50048x16xf32, #tpu.memory_space<vmem_shared>>)
        } else {
        }
        %dma_start3A_92 = arith.constant 0 : i32
        %dma_start3A_93 = tpu.memref_slice %arg6[%add3A_88, %dma_start3A_92] : memref<40x128xi32, #tpu.memory_space<vmem>> -> memref<1x128xi32, #tpu.memory_space<vmem>>
        %dma_start3A_94 = tpu.memref_squeeze %dma_start3A_93 : memref<1x128xi32, #tpu.memory_space<vmem>> -> memref<128xi32, #tpu.memory_space<vmem>>
        %dma_start3A_95 = arith.constant 0 : i32
        %dma_start3A_96 = arith.constant 0 : i32
        %dma_start3A_97 = tpu.memref_slice %arg12[%dma_start3A_95, %dma_start3A_96] : memref<50048x16xf32, #tpu.memory_space<vmem_shared>> -> memref<50048x16xf32, #tpu.memory_space<vmem_shared>>
        tpu.enqueue_indirect_dma source(%arg7 : memref<128x16xf32, #tpu.memory_space<vmem>>) target(%dma_start3A_97 : memref<50048x16xf32, #tpu.memory_space<vmem_shared>>) offsets(%dma_start3A_94 : memref<128xi32, #tpu.memory_space<vmem>>) semaphore(%arg11 : memref<!tpu.dma_semaphore, #tpu.memory_space<semaphore_mem>>) {add = true}
      }
      %scan3A_45 = arith.constant 10 : i32
    }
    %scan3A_5 = arith.constant 5 : i32
    %dma_wait3A = arith.constant 36 : i32
    %dma_wait3A_6 = arith.constant 0 : i32
    %dma_wait3A_7 = tpu.memref_slice %arg6[%dma_wait3A, %dma_wait3A_6] : memref<40x128xi32, #tpu.memory_space<vmem>> -> memref<1x128xi32, #tpu.memory_space<vmem>>
    %dma_wait3A_8 = tpu.memref_squeeze %dma_wait3A_7 : memref<1x128xi32, #tpu.memory_space<vmem>> -> memref<128xi32, #tpu.memory_space<vmem>>
    %dma_wait3A_9 = arith.constant 0 : i32
    %dma_wait3A_10 = arith.constant 0 : i32
    %dma_wait3A_11 = tpu.memref_slice %arg12[%dma_wait3A_9, %dma_wait3A_10] : memref<50048x16xf32, #tpu.memory_space<vmem_shared>> -> memref<50048x16xf32, #tpu.memory_space<vmem_shared>>
    tpu.wait_indirect_dma semaphore(%arg8 : memref<!tpu.dma_semaphore, #tpu.memory_space<semaphore_mem>>) src(%arg7 : memref<128x16xf32, #tpu.memory_space<vmem>>) dst(%dma_wait3A_11 : memref<50048x16xf32, #tpu.memory_space<vmem_shared>>)
    %dma_wait3A_12 = arith.constant 37 : i32
    %dma_wait3A_13 = arith.constant 0 : i32
    %dma_wait3A_14 = tpu.memref_slice %arg6[%dma_wait3A_12, %dma_wait3A_13] : memref<40x128xi32, #tpu.memory_space<vmem>> -> memref<1x128xi32, #tpu.memory_space<vmem>>
    %dma_wait3A_15 = tpu.memref_squeeze %dma_wait3A_14 : memref<1x128xi32, #tpu.memory_space<vmem>> -> memref<128xi32, #tpu.memory_space<vmem>>
    %dma_wait3A_16 = arith.constant 0 : i32
    %dma_wait3A_17 = arith.constant 0 : i32
    %dma_wait3A_18 = tpu.memref_slice %arg12[%dma_wait3A_16, %dma_wait3A_17] : memref<50048x16xf32, #tpu.memory_space<vmem_shared>> -> memref<50048x16xf32, #tpu.memory_space<vmem_shared>>
    tpu.wait_indirect_dma semaphore(%arg9 : memref<!tpu.dma_semaphore, #tpu.memory_space<semaphore_mem>>) src(%arg7 : memref<128x16xf32, #tpu.memory_space<vmem>>) dst(%dma_wait3A_18 : memref<50048x16xf32, #tpu.memory_space<vmem_shared>>)
    %dma_wait3A_19 = arith.constant 38 : i32
    %dma_wait3A_20 = arith.constant 0 : i32
    %dma_wait3A_21 = tpu.memref_slice %arg6[%dma_wait3A_19, %dma_wait3A_20] : memref<40x128xi32, #tpu.memory_space<vmem>> -> memref<1x128xi32, #tpu.memory_space<vmem>>
    %dma_wait3A_22 = tpu.memref_squeeze %dma_wait3A_21 : memref<1x128xi32, #tpu.memory_space<vmem>> -> memref<128xi32, #tpu.memory_space<vmem>>
    %dma_wait3A_23 = arith.constant 0 : i32
    %dma_wait3A_24 = arith.constant 0 : i32
    %dma_wait3A_25 = tpu.memref_slice %arg12[%dma_wait3A_23, %dma_wait3A_24] : memref<50048x16xf32, #tpu.memory_space<vmem_shared>> -> memref<50048x16xf32, #tpu.memory_space<vmem_shared>>
    tpu.wait_indirect_dma semaphore(%arg10 : memref<!tpu.dma_semaphore, #tpu.memory_space<semaphore_mem>>) src(%arg7 : memref<128x16xf32, #tpu.memory_space<vmem>>) dst(%dma_wait3A_25 : memref<50048x16xf32, #tpu.memory_space<vmem_shared>>)
    %dma_wait3A_26 = arith.constant 39 : i32
    %dma_wait3A_27 = arith.constant 0 : i32
    %dma_wait3A_28 = tpu.memref_slice %arg6[%dma_wait3A_26, %dma_wait3A_27] : memref<40x128xi32, #tpu.memory_space<vmem>> -> memref<1x128xi32, #tpu.memory_space<vmem>>
    %dma_wait3A_29 = tpu.memref_squeeze %dma_wait3A_28 : memref<1x128xi32, #tpu.memory_space<vmem>> -> memref<128xi32, #tpu.memory_space<vmem>>
    %dma_wait3A_30 = arith.constant 0 : i32
    %dma_wait3A_31 = arith.constant 0 : i32
    %dma_wait3A_32 = tpu.memref_slice %arg12[%dma_wait3A_30, %dma_wait3A_31] : memref<50048x16xf32, #tpu.memory_space<vmem_shared>> -> memref<50048x16xf32, #tpu.memory_space<vmem_shared>>
    tpu.wait_indirect_dma semaphore(%arg11 : memref<!tpu.dma_semaphore, #tpu.memory_space<semaphore_mem>>) src(%arg7 : memref<128x16xf32, #tpu.memory_space<vmem>>) dst(%dma_wait3A_32 : memref<50048x16xf32, #tpu.memory_space<vmem_shared>>)
    %barrier3A_33 = arith.constant 0 : index
    tpu.barrier barrier_id(%barrier3A_33)
    %mul3A_34 = arith.constant 3128 : i32
    %mul3A_35 = arith.muli %arg1, %mul3A_34 : i32
    %mul3A_36 = arith.constant 3128 : i32
    %mul3A_37 = arith.muli %arg1, %mul3A_36 : i32
    "tpu.region"() ({
      %run_scoped3A = tpu.sem_alloc : memref<!tpu.dma_semaphore, #tpu.memory_space<semaphore_mem>>
      %dma_start3A = arith.constant 0 : i32
      %dma_start3A_38 = tpu.memref_slice %arg5[%arg0, %mul3A_37, %dma_start3A] : memref<2x50048x16xf32, #tpu.memory_space<hbm>> -> memref<1x3128x16xf32, #tpu.memory_space<hbm>>
      %dma_start3A_39 = tpu.memref_squeeze %dma_start3A_38 : memref<1x3128x16xf32, #tpu.memory_space<hbm>> -> memref<3128x16xf32, #tpu.memory_space<hbm>>
      %dma_start3A_40 = arith.constant 0 : i32
      %dma_start3A_41 = tpu.memref_slice %arg12[%mul3A_35, %dma_start3A_40] : memref<50048x16xf32, #tpu.memory_space<vmem_shared>> -> memref<3128x16xf32, #tpu.memory_space<vmem_shared>>
      tpu.enqueue_dma source(%dma_start3A_41 : memref<3128x16xf32, #tpu.memory_space<vmem_shared>>) target(%dma_start3A_39 : memref<3128x16xf32, #tpu.memory_space<hbm>>) target_semaphore(%run_scoped3A : memref<!tpu.dma_semaphore, #tpu.memory_space<semaphore_mem>>)
      %dma_wait3A_42 = arith.constant 0 : i32
      %dma_wait3A_43 = tpu.memref_slice %arg5[%arg0, %mul3A_37, %dma_wait3A_42] : memref<2x50048x16xf32, #tpu.memory_space<hbm>> -> memref<1x3128x16xf32, #tpu.memory_space<hbm>>
      %dma_wait3A_44 = tpu.memref_squeeze %dma_wait3A_43 : memref<1x3128x16xf32, #tpu.memory_space<hbm>> -> memref<3128x16xf32, #tpu.memory_space<hbm>>
      %dma_wait3A_45 = arith.constant 0 : i32
      %dma_wait3A_46 = tpu.memref_slice %arg12[%mul3A_35, %dma_wait3A_45] : memref<50048x16xf32, #tpu.memory_space<vmem_shared>> -> memref<3128x16xf32, #tpu.memory_space<vmem_shared>>
      tpu.wait_dma2 semaphore(%run_scoped3A : memref<!tpu.dma_semaphore, #tpu.memory_space<semaphore_mem>>) src(%dma_wait3A_46 : memref<3128x16xf32, #tpu.memory_space<vmem_shared>>) dst(%dma_wait3A_44 : memref<3128x16xf32, #tpu.memory_space<hbm>>)
      tpu.yield
    }) : () -> ()
    return
  }
}

#map = affine_map<(d0, d1) -> (0)>
#map1 = affine_map<(d0, d1) -> (0, 0, 0)>
#map2 = affine_map<(d0, d1) -> (0, 0)>
module attributes {stable_mosaic.version = 14 : i64} {
  func.func @gs_kernel(%arg0: i32, %arg1: i32, %arg2: memref<1638400xi32, #tpu.memory_space<hbm>>, %arg3: memref<16x400x128xi32, #tpu.memory_space<hbm>>, %arg4: memref<100000x32xf32, #tpu.memory_space<hbm>>, %arg5: memref<3128x32xf32, #tpu.memory_space<hbm>>, %arg6: memref<2x50048x32xf32, #tpu.memory_space<hbm>>, %arg7: memref<128xi32, #tpu.memory_space<vmem>>, %arg8: memref<128xi32, #tpu.memory_space<vmem>>, %arg9: memref<128xi32, #tpu.memory_space<vmem>>, %arg10: memref<128xi32, #tpu.memory_space<vmem>>, %arg11: memref<128xi32, #tpu.memory_space<vmem>>, %arg12: memref<40x128xi32, #tpu.memory_space<vmem>>, %arg13: memref<128x32xf32, #tpu.memory_space<vmem>>, %arg14: memref<128x32xf32, #tpu.memory_space<vmem>>, %arg15: memref<128x32xf32, #tpu.memory_space<vmem>>, %arg16: memref<128x32xf32, #tpu.memory_space<vmem>>, %arg17: memref<128x32xf32, #tpu.memory_space<vmem>>, %arg18: memref<!tpu.dma_semaphore, #tpu.memory_space<semaphore_mem>>, %arg19: memref<!tpu.dma_semaphore, #tpu.memory_space<semaphore_mem>>, %arg20: memref<!tpu.dma_semaphore, #tpu.memory_space<semaphore_mem>>, %arg21: memref<!tpu.dma_semaphore, #tpu.memory_space<semaphore_mem>>, %arg22: memref<!tpu.dma_semaphore, #tpu.memory_space<semaphore_mem>>, %arg23: memref<!tpu.dma_semaphore, #tpu.memory_space<semaphore_mem>>, %arg24: memref<!tpu.dma_semaphore, #tpu.memory_space<semaphore_mem>>, %arg25: memref<!tpu.dma_semaphore, #tpu.memory_space<semaphore_mem>>, %arg26: memref<!tpu.dma_semaphore, #tpu.memory_space<semaphore_mem>>, %arg27: memref<!tpu.dma_semaphore, #tpu.memory_space<semaphore_mem>>, %arg28: memref<!tpu.dma_semaphore, #tpu.memory_space<semaphore_mem>>, %arg29: memref<!tpu.dma_semaphore, #tpu.memory_space<semaphore_mem>>, %arg30: memref<!tpu.dma_semaphore, #tpu.memory_space<semaphore_mem>>, %arg31: memref<!tpu.dma_semaphore, #tpu.memory_space<semaphore_mem>>, %arg32: memref<!tpu.dma_semaphore, #tpu.memory_space<semaphore_mem>>, %arg33: memref<50048x32xf32, #tpu.memory_space<vmem_shared>>) attributes {dimension_semantics = [#tpu.dimension_semantics<core_parallel>, #tpu.dimension_semantics<subcore_parallel>], iteration_bounds = array<i64: 2, 16>, scalar_prefetch = 0 : i64, scratch_operands = 27 : i64, tpu.core_type = #tpu.core_type<sc_vector_subcore>, window_params = [{transform_indices = #map}, {transform_indices = #map1}, {transform_indices = #map2}, {transform_indices = #map2}, {transform_indices = #map1}]} {
    %mul3A = arith.constant 16 : i32
    %mul3A_0 = arith.muli %arg0, %mul3A : i32
    %add3A = arith.addi %mul3A_0, %arg1 : i32
    %mul3A_1 = arith.constant 51200 : i32
    %mul3A_2 = arith.muli %add3A, %mul3A_1 : i32
    %mul3A_3 = arith.constant 3128 : i32
    %mul3A_4 = arith.muli %arg1, %mul3A_3 : i32
    "tpu.region"() ({
      %run_scoped3A = tpu.sem_alloc : memref<!tpu.dma_semaphore, #tpu.memory_space<semaphore_mem>>
      %dma_start3A = arith.constant 0 : i32
      %dma_start3A_49 = tpu.memref_slice %arg33[%mul3A_4, %dma_start3A] : memref<50048x32xf32, #tpu.memory_space<vmem_shared>> -> memref<3128x32xf32, #tpu.memory_space<vmem_shared>>
      tpu.enqueue_dma source(%arg5 : memref<3128x32xf32, #tpu.memory_space<hbm>>) target(%dma_start3A_49 : memref<3128x32xf32, #tpu.memory_space<vmem_shared>>) target_semaphore(%run_scoped3A : memref<!tpu.dma_semaphore, #tpu.memory_space<semaphore_mem>>)
      %dma_wait3A_50 = arith.constant 0 : i32
      %dma_wait3A_51 = tpu.memref_slice %arg33[%mul3A_4, %dma_wait3A_50] : memref<50048x32xf32, #tpu.memory_space<vmem_shared>> -> memref<3128x32xf32, #tpu.memory_space<vmem_shared>>
      tpu.wait_dma2 semaphore(%run_scoped3A : memref<!tpu.dma_semaphore, #tpu.memory_space<semaphore_mem>>) src(%arg5 : memref<3128x32xf32, #tpu.memory_space<hbm>>) dst(%dma_wait3A_51 : memref<3128x32xf32, #tpu.memory_space<vmem_shared>>)
      tpu.yield
    }) : () -> ()
    %barrier3A = arith.constant 0 : index
    tpu.barrier barrier_id(%barrier3A)
    %scan3A = arith.constant 0 : i32
    %scan3A_5 = arith.constant 0 : i32
    %scan3A_6 = arith.constant 10 : i32
    %scan3A_7 = arith.addi %scan3A_5, %scan3A_6 : i32
    %scan3A_8 = arith.constant 1 : i32
    scf.for %scan3A_49 = %scan3A_5 to %scan3A_7 step %scan3A_8  : i32 {
      %mul3A_50 = arith.constant 40 : i32
      %mul3A_51 = arith.muli %scan3A_49, %mul3A_50 : i32
      "tpu.region"() ({
        %run_scoped3A = tpu.sem_alloc : memref<!tpu.dma_semaphore, #tpu.memory_space<semaphore_mem>>
        %dma_start3A = arith.constant 0 : i32
        %dma_start3A_57 = tpu.memref_slice %arg3[%arg1, %mul3A_51, %dma_start3A] : memref<16x400x128xi32, #tpu.memory_space<hbm>> -> memref<1x40x128xi32, #tpu.memory_space<hbm>>
        %dma_start3A_58 = tpu.memref_squeeze %dma_start3A_57 : memref<1x40x128xi32, #tpu.memory_space<hbm>> -> memref<40x128xi32, #tpu.memory_space<hbm>>
        %dma_start3A_59 = arith.constant 0 : i32
        %dma_start3A_60 = tpu.memref_slice %arg3[%arg1, %mul3A_51, %dma_start3A_59] : memref<16x400x128xi32, #tpu.memory_space<hbm>> -> memref<1x40x128xi32, #tpu.memory_space<hbm>>
        %dma_start3A_61 = tpu.memref_squeeze %dma_start3A_60 : memref<1x40x128xi32, #tpu.memory_space<hbm>> -> memref<40x128xi32, #tpu.memory_space<hbm>>
        tpu.enqueue_dma source(%dma_start3A_61 : memref<40x128xi32, #tpu.memory_space<hbm>>) target(%arg12 : memref<40x128xi32, #tpu.memory_space<vmem>>) target_semaphore(%run_scoped3A : memref<!tpu.dma_semaphore, #tpu.memory_space<semaphore_mem>>)
        %dma_wait3A_62 = arith.constant 0 : i32
        %dma_wait3A_63 = tpu.memref_slice %arg3[%arg1, %mul3A_51, %dma_wait3A_62] : memref<16x400x128xi32, #tpu.memory_space<hbm>> -> memref<1x40x128xi32, #tpu.memory_space<hbm>>
        %dma_wait3A_64 = tpu.memref_squeeze %dma_wait3A_63 : memref<1x40x128xi32, #tpu.memory_space<hbm>> -> memref<40x128xi32, #tpu.memory_space<hbm>>
        %dma_wait3A_65 = arith.constant 0 : i32
        %dma_wait3A_66 = tpu.memref_slice %arg3[%arg1, %mul3A_51, %dma_wait3A_65] : memref<16x400x128xi32, #tpu.memory_space<hbm>> -> memref<1x40x128xi32, #tpu.memory_space<hbm>>
        %dma_wait3A_67 = tpu.memref_squeeze %dma_wait3A_66 : memref<1x40x128xi32, #tpu.memory_space<hbm>> -> memref<40x128xi32, #tpu.memory_space<hbm>>
        tpu.wait_dma2 semaphore(%run_scoped3A : memref<!tpu.dma_semaphore, #tpu.memory_space<semaphore_mem>>) src(%dma_wait3A_67 : memref<40x128xi32, #tpu.memory_space<hbm>>) dst(%arg12 : memref<40x128xi32, #tpu.memory_space<vmem>>)
        tpu.yield
      }) : () -> ()
      %scan3A_52 = arith.constant 0 : i32
      %scan3A_53 = arith.constant 8 : i32
      %scan3A_54 = arith.addi %scan3A_52, %scan3A_53 : i32
      %scan3A_55 = arith.constant 1 : i32
      scf.for %scan3A_57 = %scan3A_52 to %scan3A_54 step %scan3A_55  : i32 {
        %gt3A = arith.constant 0 : i32
        %gt3A_58 = arith.cmpi sgt, %scan3A_49, %gt3A : i32
        %gt3A_59 = arith.constant 0 : i32
        %gt3A_60 = arith.cmpi sgt, %scan3A_57, %gt3A_59 : i32
        %or3A = arith.ori %gt3A_58, %gt3A_60 : i1
        %mul3A_61 = arith.constant 5 : i32
        %mul3A_62 = arith.muli %scan3A_57, %mul3A_61 : i32
        %add3A_63 = arith.constant 0 : i32
        %add3A_64 = arith.addi %mul3A_62, %add3A_63 : i32
        %mul3A_65 = arith.constant 40 : i32
        %mul3A_66 = arith.muli %scan3A_49, %mul3A_65 : i32
        %add3A_67 = arith.addi %mul3A_66, %add3A_64 : i32
        %mul3A_68 = arith.constant 128 : i32
        %mul3A_69 = arith.muli %add3A_67, %mul3A_68 : i32
        %add3A_70 = arith.addi %mul3A_2, %mul3A_69 : i32
        %convert_element_type3A = arith.extui %or3A : i1 to i32
        %cond3A = arith.constant 0 : i32
        %cond3A_71 = arith.cmpi ne, %convert_element_type3A, %cond3A : i32
        scf.if %cond3A_71 {
          %dma_wait3A_258 = arith.constant 0 : i32
          %dma_wait3A_259 = tpu.memref_slice %arg12[%add3A_64, %dma_wait3A_258] : memref<40x128xi32, #tpu.memory_space<vmem>> -> memref<1x128xi32, #tpu.memory_space<vmem>>
          %dma_wait3A_260 = tpu.memref_squeeze %dma_wait3A_259 : memref<1x128xi32, #tpu.memory_space<vmem>> -> memref<128xi32, #tpu.memory_space<vmem>>
          %dma_wait3A_261 = arith.constant 0 : i32
          %dma_wait3A_262 = arith.constant 0 : i32
          %dma_wait3A_263 = tpu.memref_slice %arg33[%dma_wait3A_261, %dma_wait3A_262] : memref<50048x32xf32, #tpu.memory_space<vmem_shared>> -> memref<50048x32xf32, #tpu.memory_space<vmem_shared>>
          tpu.wait_indirect_dma semaphore(%arg28 : memref<!tpu.dma_semaphore, #tpu.memory_space<semaphore_mem>>) src(%arg13 : memref<128x32xf32, #tpu.memory_space<vmem>>) dst(%dma_wait3A_263 : memref<50048x32xf32, #tpu.memory_space<vmem_shared>>)
        } else {
        }
        %dma_start3A = tpu.memref_slice %arg2[%add3A_70] : memref<1638400xi32, #tpu.memory_space<hbm>> -> memref<128xi32, #tpu.memory_space<hbm>>
        %dma_start3A_72 = tpu.memref_slice %arg2[%add3A_70] : memref<1638400xi32, #tpu.memory_space<hbm>> -> memref<128xi32, #tpu.memory_space<hbm>>
        tpu.enqueue_dma source(%dma_start3A_72 : memref<128xi32, #tpu.memory_space<hbm>>) target(%arg7 : memref<128xi32, #tpu.memory_space<vmem>>) target_semaphore(%arg18 : memref<!tpu.dma_semaphore, #tpu.memory_space<semaphore_mem>>)
        %mul3A_73 = arith.constant 5 : i32
        %mul3A_74 = arith.muli %scan3A_57, %mul3A_73 : i32
        %add3A_75 = arith.constant 1 : i32
        %add3A_76 = arith.addi %mul3A_74, %add3A_75 : i32
        %mul3A_77 = arith.constant 40 : i32
        %mul3A_78 = arith.muli %scan3A_49, %mul3A_77 : i32
        %add3A_79 = arith.addi %mul3A_78, %add3A_76 : i32
        %mul3A_80 = arith.constant 128 : i32
        %mul3A_81 = arith.muli %add3A_79, %mul3A_80 : i32
        %add3A_82 = arith.addi %mul3A_2, %mul3A_81 : i32
        %convert_element_type3A_83 = arith.extui %or3A : i1 to i32
        %cond3A_84 = arith.constant 0 : i32
        %cond3A_85 = arith.cmpi ne, %convert_element_type3A_83, %cond3A_84 : i32
        scf.if %cond3A_85 {
          %dma_wait3A_258 = arith.constant 0 : i32
          %dma_wait3A_259 = tpu.memref_slice %arg12[%add3A_76, %dma_wait3A_258] : memref<40x128xi32, #tpu.memory_space<vmem>> -> memref<1x128xi32, #tpu.memory_space<vmem>>
          %dma_wait3A_260 = tpu.memref_squeeze %dma_wait3A_259 : memref<1x128xi32, #tpu.memory_space<vmem>> -> memref<128xi32, #tpu.memory_space<vmem>>
          %dma_wait3A_261 = arith.constant 0 : i32
          %dma_wait3A_262 = arith.constant 0 : i32
          %dma_wait3A_263 = tpu.memref_slice %arg33[%dma_wait3A_261, %dma_wait3A_262] : memref<50048x32xf32, #tpu.memory_space<vmem_shared>> -> memref<50048x32xf32, #tpu.memory_space<vmem_shared>>
          tpu.wait_indirect_dma semaphore(%arg29 : memref<!tpu.dma_semaphore, #tpu.memory_space<semaphore_mem>>) src(%arg14 : memref<128x32xf32, #tpu.memory_space<vmem>>) dst(%dma_wait3A_263 : memref<50048x32xf32, #tpu.memory_space<vmem_shared>>)
        } else {
        }
        %dma_start3A_86 = tpu.memref_slice %arg2[%add3A_82] : memref<1638400xi32, #tpu.memory_space<hbm>> -> memref<128xi32, #tpu.memory_space<hbm>>
        %dma_start3A_87 = tpu.memref_slice %arg2[%add3A_82] : memref<1638400xi32, #tpu.memory_space<hbm>> -> memref<128xi32, #tpu.memory_space<hbm>>
        tpu.enqueue_dma source(%dma_start3A_87 : memref<128xi32, #tpu.memory_space<hbm>>) target(%arg8 : memref<128xi32, #tpu.memory_space<vmem>>) target_semaphore(%arg19 : memref<!tpu.dma_semaphore, #tpu.memory_space<semaphore_mem>>)
        %mul3A_88 = arith.constant 5 : i32
        %mul3A_89 = arith.muli %scan3A_57, %mul3A_88 : i32
        %add3A_90 = arith.constant 2 : i32
        %add3A_91 = arith.addi %mul3A_89, %add3A_90 : i32
        %mul3A_92 = arith.constant 40 : i32
        %mul3A_93 = arith.muli %scan3A_49, %mul3A_92 : i32
        %add3A_94 = arith.addi %mul3A_93, %add3A_91 : i32
        %mul3A_95 = arith.constant 128 : i32
        %mul3A_96 = arith.muli %add3A_94, %mul3A_95 : i32
        %add3A_97 = arith.addi %mul3A_2, %mul3A_96 : i32
        %convert_element_type3A_98 = arith.extui %or3A : i1 to i32
        %cond3A_99 = arith.constant 0 : i32
        %cond3A_100 = arith.cmpi ne, %convert_element_type3A_98, %cond3A_99 : i32
        scf.if %cond3A_100 {
          %dma_wait3A_258 = arith.constant 0 : i32
          %dma_wait3A_259 = tpu.memref_slice %arg12[%add3A_91, %dma_wait3A_258] : memref<40x128xi32, #tpu.memory_space<vmem>> -> memref<1x128xi32, #tpu.memory_space<vmem>>
          %dma_wait3A_260 = tpu.memref_squeeze %dma_wait3A_259 : memref<1x128xi32, #tpu.memory_space<vmem>> -> memref<128xi32, #tpu.memory_space<vmem>>
          %dma_wait3A_261 = arith.constant 0 : i32
          %dma_wait3A_262 = arith.constant 0 : i32
          %dma_wait3A_263 = tpu.memref_slice %arg33[%dma_wait3A_261, %dma_wait3A_262] : memref<50048x32xf32, #tpu.memory_space<vmem_shared>> -> memref<50048x32xf32, #tpu.memory_space<vmem_shared>>
          tpu.wait_indirect_dma semaphore(%arg30 : memref<!tpu.dma_semaphore, #tpu.memory_space<semaphore_mem>>) src(%arg15 : memref<128x32xf32, #tpu.memory_space<vmem>>) dst(%dma_wait3A_263 : memref<50048x32xf32, #tpu.memory_space<vmem_shared>>)
        } else {
        }
        %dma_start3A_101 = tpu.memref_slice %arg2[%add3A_97] : memref<1638400xi32, #tpu.memory_space<hbm>> -> memref<128xi32, #tpu.memory_space<hbm>>
        %dma_start3A_102 = tpu.memref_slice %arg2[%add3A_97] : memref<1638400xi32, #tpu.memory_space<hbm>> -> memref<128xi32, #tpu.memory_space<hbm>>
        tpu.enqueue_dma source(%dma_start3A_102 : memref<128xi32, #tpu.memory_space<hbm>>) target(%arg9 : memref<128xi32, #tpu.memory_space<vmem>>) target_semaphore(%arg20 : memref<!tpu.dma_semaphore, #tpu.memory_space<semaphore_mem>>)
        %mul3A_103 = arith.constant 5 : i32
        %mul3A_104 = arith.muli %scan3A_57, %mul3A_103 : i32
        %add3A_105 = arith.constant 3 : i32
        %add3A_106 = arith.addi %mul3A_104, %add3A_105 : i32
        %mul3A_107 = arith.constant 40 : i32
        %mul3A_108 = arith.muli %scan3A_49, %mul3A_107 : i32
        %add3A_109 = arith.addi %mul3A_108, %add3A_106 : i32
        %mul3A_110 = arith.constant 128 : i32
        %mul3A_111 = arith.muli %add3A_109, %mul3A_110 : i32
        %add3A_112 = arith.addi %mul3A_2, %mul3A_111 : i32
        %convert_element_type3A_113 = arith.extui %or3A : i1 to i32
        %cond3A_114 = arith.constant 0 : i32
        %cond3A_115 = arith.cmpi ne, %convert_element_type3A_113, %cond3A_114 : i32
        scf.if %cond3A_115 {
          %dma_wait3A_258 = arith.constant 0 : i32
          %dma_wait3A_259 = tpu.memref_slice %arg12[%add3A_106, %dma_wait3A_258] : memref<40x128xi32, #tpu.memory_space<vmem>> -> memref<1x128xi32, #tpu.memory_space<vmem>>
          %dma_wait3A_260 = tpu.memref_squeeze %dma_wait3A_259 : memref<1x128xi32, #tpu.memory_space<vmem>> -> memref<128xi32, #tpu.memory_space<vmem>>
          %dma_wait3A_261 = arith.constant 0 : i32
          %dma_wait3A_262 = arith.constant 0 : i32
          %dma_wait3A_263 = tpu.memref_slice %arg33[%dma_wait3A_261, %dma_wait3A_262] : memref<50048x32xf32, #tpu.memory_space<vmem_shared>> -> memref<50048x32xf32, #tpu.memory_space<vmem_shared>>
          tpu.wait_indirect_dma semaphore(%arg31 : memref<!tpu.dma_semaphore, #tpu.memory_space<semaphore_mem>>) src(%arg16 : memref<128x32xf32, #tpu.memory_space<vmem>>) dst(%dma_wait3A_263 : memref<50048x32xf32, #tpu.memory_space<vmem_shared>>)
        } else {
        }
        %dma_start3A_116 = tpu.memref_slice %arg2[%add3A_112] : memref<1638400xi32, #tpu.memory_space<hbm>> -> memref<128xi32, #tpu.memory_space<hbm>>
        %dma_start3A_117 = tpu.memref_slice %arg2[%add3A_112] : memref<1638400xi32, #tpu.memory_space<hbm>> -> memref<128xi32, #tpu.memory_space<hbm>>
        tpu.enqueue_dma source(%dma_start3A_117 : memref<128xi32, #tpu.memory_space<hbm>>) target(%arg10 : memref<128xi32, #tpu.memory_space<vmem>>) target_semaphore(%arg21 : memref<!tpu.dma_semaphore, #tpu.memory_space<semaphore_mem>>)
        %mul3A_118 = arith.constant 5 : i32
        %mul3A_119 = arith.muli %scan3A_57, %mul3A_118 : i32
        %add3A_120 = arith.constant 4 : i32
        %add3A_121 = arith.addi %mul3A_119, %add3A_120 : i32
        %mul3A_122 = arith.constant 40 : i32
        %mul3A_123 = arith.muli %scan3A_49, %mul3A_122 : i32
        %add3A_124 = arith.addi %mul3A_123, %add3A_121 : i32
        %mul3A_125 = arith.constant 128 : i32
        %mul3A_126 = arith.muli %add3A_124, %mul3A_125 : i32
        %add3A_127 = arith.addi %mul3A_2, %mul3A_126 : i32
        %convert_element_type3A_128 = arith.extui %or3A : i1 to i32
        %cond3A_129 = arith.constant 0 : i32
        %cond3A_130 = arith.cmpi ne, %convert_element_type3A_128, %cond3A_129 : i32
        scf.if %cond3A_130 {
          %dma_wait3A_258 = arith.constant 0 : i32
          %dma_wait3A_259 = tpu.memref_slice %arg12[%add3A_121, %dma_wait3A_258] : memref<40x128xi32, #tpu.memory_space<vmem>> -> memref<1x128xi32, #tpu.memory_space<vmem>>
          %dma_wait3A_260 = tpu.memref_squeeze %dma_wait3A_259 : memref<1x128xi32, #tpu.memory_space<vmem>> -> memref<128xi32, #tpu.memory_space<vmem>>
          %dma_wait3A_261 = arith.constant 0 : i32
          %dma_wait3A_262 = arith.constant 0 : i32
          %dma_wait3A_263 = tpu.memref_slice %arg33[%dma_wait3A_261, %dma_wait3A_262] : memref<50048x32xf32, #tpu.memory_space<vmem_shared>> -> memref<50048x32xf32, #tpu.memory_space<vmem_shared>>
          tpu.wait_indirect_dma semaphore(%arg32 : memref<!tpu.dma_semaphore, #tpu.memory_space<semaphore_mem>>) src(%arg17 : memref<128x32xf32, #tpu.memory_space<vmem>>) dst(%dma_wait3A_263 : memref<50048x32xf32, #tpu.memory_space<vmem_shared>>)
        } else {
        }
        %dma_start3A_131 = tpu.memref_slice %arg2[%add3A_127] : memref<1638400xi32, #tpu.memory_space<hbm>> -> memref<128xi32, #tpu.memory_space<hbm>>
        %dma_start3A_132 = tpu.memref_slice %arg2[%add3A_127] : memref<1638400xi32, #tpu.memory_space<hbm>> -> memref<128xi32, #tpu.memory_space<hbm>>
        tpu.enqueue_dma source(%dma_start3A_132 : memref<128xi32, #tpu.memory_space<hbm>>) target(%arg11 : memref<128xi32, #tpu.memory_space<vmem>>) target_semaphore(%arg22 : memref<!tpu.dma_semaphore, #tpu.memory_space<semaphore_mem>>)
        %mul3A_133 = arith.constant 5 : i32
        %mul3A_134 = arith.muli %scan3A_57, %mul3A_133 : i32
        %add3A_135 = arith.constant 0 : i32
        %add3A_136 = arith.addi %mul3A_134, %add3A_135 : i32
        %mul3A_137 = arith.constant 128 : i32
        %mul3A_138 = arith.muli %add3A_136, %mul3A_137 : i32
        %add3A_139 = arith.addi %mul3A_2, %mul3A_138 : i32
        %dma_wait3A_140 = tpu.memref_slice %arg2[%add3A_139] : memref<1638400xi32, #tpu.memory_space<hbm>> -> memref<128xi32, #tpu.memory_space<hbm>>
        %dma_wait3A_141 = tpu.memref_slice %arg2[%add3A_139] : memref<1638400xi32, #tpu.memory_space<hbm>> -> memref<128xi32, #tpu.memory_space<hbm>>
        tpu.wait_dma2 semaphore(%arg18 : memref<!tpu.dma_semaphore, #tpu.memory_space<semaphore_mem>>) src(%dma_wait3A_141 : memref<128xi32, #tpu.memory_space<hbm>>) dst(%arg7 : memref<128xi32, #tpu.memory_space<vmem>>)
        %dma_start3A_142 = arith.constant 0 : i32
        %dma_start3A_143 = arith.constant 0 : i32
        %dma_start3A_144 = tpu.memref_slice %arg4[%dma_start3A_142, %dma_start3A_143] : memref<100000x32xf32, #tpu.memory_space<hbm>> -> memref<100000x32xf32, #tpu.memory_space<hbm>>
        tpu.enqueue_indirect_dma source(%dma_start3A_144 : memref<100000x32xf32, #tpu.memory_space<hbm>>) target(%arg13 : memref<128x32xf32, #tpu.memory_space<vmem>>) offsets(%arg7 : memref<128xi32, #tpu.memory_space<vmem>>) semaphore(%arg23 : memref<!tpu.dma_semaphore, #tpu.memory_space<semaphore_mem>>)
        %mul3A_145 = arith.constant 5 : i32
        %mul3A_146 = arith.muli %scan3A_57, %mul3A_145 : i32
        %add3A_147 = arith.constant 1 : i32
        %add3A_148 = arith.addi %mul3A_146, %add3A_147 : i32
        %mul3A_149 = arith.constant 128 : i32
        %mul3A_150 = arith.muli %add3A_148, %mul3A_149 : i32
        %add3A_151 = arith.addi %mul3A_2, %mul3A_150 : i32
        %dma_wait3A_152 = tpu.memref_slice %arg2[%add3A_151] : memref<1638400xi32, #tpu.memory_space<hbm>> -> memref<128xi32, #tpu.memory_space<hbm>>
        %dma_wait3A_153 = tpu.memref_slice %arg2[%add3A_151] : memref<1638400xi32, #tpu.memory_space<hbm>> -> memref<128xi32, #tpu.memory_space<hbm>>
        tpu.wait_dma2 semaphore(%arg19 : memref<!tpu.dma_semaphore, #tpu.memory_space<semaphore_mem>>) src(%dma_wait3A_153 : memref<128xi32, #tpu.memory_space<hbm>>) dst(%arg8 : memref<128xi32, #tpu.memory_space<vmem>>)
        %dma_start3A_154 = arith.constant 0 : i32
        %dma_start3A_155 = arith.constant 0 : i32
        %dma_start3A_156 = tpu.memref_slice %arg4[%dma_start3A_154, %dma_start3A_155] : memref<100000x32xf32, #tpu.memory_space<hbm>> -> memref<100000x32xf32, #tpu.memory_space<hbm>>
        tpu.enqueue_indirect_dma source(%dma_start3A_156 : memref<100000x32xf32, #tpu.memory_space<hbm>>) target(%arg14 : memref<128x32xf32, #tpu.memory_space<vmem>>) offsets(%arg8 : memref<128xi32, #tpu.memory_space<vmem>>) semaphore(%arg24 : memref<!tpu.dma_semaphore, #tpu.memory_space<semaphore_mem>>)
        %mul3A_157 = arith.constant 5 : i32
        %mul3A_158 = arith.muli %scan3A_57, %mul3A_157 : i32
        %add3A_159 = arith.constant 2 : i32
        %add3A_160 = arith.addi %mul3A_158, %add3A_159 : i32
        %mul3A_161 = arith.constant 128 : i32
        %mul3A_162 = arith.muli %add3A_160, %mul3A_161 : i32
        %add3A_163 = arith.addi %mul3A_2, %mul3A_162 : i32
        %dma_wait3A_164 = tpu.memref_slice %arg2[%add3A_163] : memref<1638400xi32, #tpu.memory_space<hbm>> -> memref<128xi32, #tpu.memory_space<hbm>>
        %dma_wait3A_165 = tpu.memref_slice %arg2[%add3A_163] : memref<1638400xi32, #tpu.memory_space<hbm>> -> memref<128xi32, #tpu.memory_space<hbm>>
        tpu.wait_dma2 semaphore(%arg20 : memref<!tpu.dma_semaphore, #tpu.memory_space<semaphore_mem>>) src(%dma_wait3A_165 : memref<128xi32, #tpu.memory_space<hbm>>) dst(%arg9 : memref<128xi32, #tpu.memory_space<vmem>>)
        %dma_start3A_166 = arith.constant 0 : i32
        %dma_start3A_167 = arith.constant 0 : i32
        %dma_start3A_168 = tpu.memref_slice %arg4[%dma_start3A_166, %dma_start3A_167] : memref<100000x32xf32, #tpu.memory_space<hbm>> -> memref<100000x32xf32, #tpu.memory_space<hbm>>
        tpu.enqueue_indirect_dma source(%dma_start3A_168 : memref<100000x32xf32, #tpu.memory_space<hbm>>) target(%arg15 : memref<128x32xf32, #tpu.memory_space<vmem>>) offsets(%arg9 : memref<128xi32, #tpu.memory_space<vmem>>) semaphore(%arg25 : memref<!tpu.dma_semaphore, #tpu.memory_space<semaphore_mem>>)
        %mul3A_169 = arith.constant 5 : i32
        %mul3A_170 = arith.muli %scan3A_57, %mul3A_169 : i32
        %add3A_171 = arith.constant 3 : i32
        %add3A_172 = arith.addi %mul3A_170, %add3A_171 : i32
        %mul3A_173 = arith.constant 128 : i32
        %mul3A_174 = arith.muli %add3A_172, %mul3A_173 : i32
        %add3A_175 = arith.addi %mul3A_2, %mul3A_174 : i32
        %dma_wait3A_176 = tpu.memref_slice %arg2[%add3A_175] : memref<1638400xi32, #tpu.memory_space<hbm>> -> memref<128xi32, #tpu.memory_space<hbm>>
        %dma_wait3A_177 = tpu.memref_slice %arg2[%add3A_175] : memref<1638400xi32, #tpu.memory_space<hbm>> -> memref<128xi32, #tpu.memory_space<hbm>>
        tpu.wait_dma2 semaphore(%arg21 : memref<!tpu.dma_semaphore, #tpu.memory_space<semaphore_mem>>) src(%dma_wait3A_177 : memref<128xi32, #tpu.memory_space<hbm>>) dst(%arg10 : memref<128xi32, #tpu.memory_space<vmem>>)
        %dma_start3A_178 = arith.constant 0 : i32
        %dma_start3A_179 = arith.constant 0 : i32
        %dma_start3A_180 = tpu.memref_slice %arg4[%dma_start3A_178, %dma_start3A_179] : memref<100000x32xf32, #tpu.memory_space<hbm>> -> memref<100000x32xf32, #tpu.memory_space<hbm>>
        tpu.enqueue_indirect_dma source(%dma_start3A_180 : memref<100000x32xf32, #tpu.memory_space<hbm>>) target(%arg16 : memref<128x32xf32, #tpu.memory_space<vmem>>) offsets(%arg10 : memref<128xi32, #tpu.memory_space<vmem>>) semaphore(%arg26 : memref<!tpu.dma_semaphore, #tpu.memory_space<semaphore_mem>>)
        %mul3A_181 = arith.constant 5 : i32
        %mul3A_182 = arith.muli %scan3A_57, %mul3A_181 : i32
        %add3A_183 = arith.constant 4 : i32
        %add3A_184 = arith.addi %mul3A_182, %add3A_183 : i32
        %mul3A_185 = arith.constant 128 : i32
        %mul3A_186 = arith.muli %add3A_184, %mul3A_185 : i32
        %add3A_187 = arith.addi %mul3A_2, %mul3A_186 : i32
        %dma_wait3A_188 = tpu.memref_slice %arg2[%add3A_187] : memref<1638400xi32, #tpu.memory_space<hbm>> -> memref<128xi32, #tpu.memory_space<hbm>>
        %dma_wait3A_189 = tpu.memref_slice %arg2[%add3A_187] : memref<1638400xi32, #tpu.memory_space<hbm>> -> memref<128xi32, #tpu.memory_space<hbm>>
        tpu.wait_dma2 semaphore(%arg22 : memref<!tpu.dma_semaphore, #tpu.memory_space<semaphore_mem>>) src(%dma_wait3A_189 : memref<128xi32, #tpu.memory_space<hbm>>) dst(%arg11 : memref<128xi32, #tpu.memory_space<vmem>>)
        %dma_start3A_190 = arith.constant 0 : i32
        %dma_start3A_191 = arith.constant 0 : i32
        %dma_start3A_192 = tpu.memref_slice %arg4[%dma_start3A_190, %dma_start3A_191] : memref<100000x32xf32, #tpu.memory_space<hbm>> -> memref<100000x32xf32, #tpu.memory_space<hbm>>
        tpu.enqueue_indirect_dma source(%dma_start3A_192 : memref<100000x32xf32, #tpu.memory_space<hbm>>) target(%arg17 : memref<128x32xf32, #tpu.memory_space<vmem>>) offsets(%arg11 : memref<128xi32, #tpu.memory_space<vmem>>) semaphore(%arg27 : memref<!tpu.dma_semaphore, #tpu.memory_space<semaphore_mem>>)
        %mul3A_193 = arith.constant 5 : i32
        %mul3A_194 = arith.muli %scan3A_57, %mul3A_193 : i32
        %add3A_195 = arith.constant 0 : i32
        %add3A_196 = arith.addi %mul3A_194, %add3A_195 : i32
        %dma_wait3A_197 = arith.constant 0 : i32
        %dma_wait3A_198 = arith.constant 0 : i32
        %dma_wait3A_199 = tpu.memref_slice %arg4[%dma_wait3A_197, %dma_wait3A_198] : memref<100000x32xf32, #tpu.memory_space<hbm>> -> memref<100000x32xf32, #tpu.memory_space<hbm>>
        tpu.wait_indirect_dma semaphore(%arg23 : memref<!tpu.dma_semaphore, #tpu.memory_space<semaphore_mem>>) src(%dma_wait3A_199 : memref<100000x32xf32, #tpu.memory_space<hbm>>) dst(%arg13 : memref<128x32xf32, #tpu.memory_space<vmem>>)
        %dma_start3A_200 = arith.constant 0 : i32
        %dma_start3A_201 = tpu.memref_slice %arg12[%add3A_196, %dma_start3A_200] : memref<40x128xi32, #tpu.memory_space<vmem>> -> memref<1x128xi32, #tpu.memory_space<vmem>>
        %dma_start3A_202 = tpu.memref_squeeze %dma_start3A_201 : memref<1x128xi32, #tpu.memory_space<vmem>> -> memref<128xi32, #tpu.memory_space<vmem>>
        %dma_start3A_203 = arith.constant 0 : i32
        %dma_start3A_204 = arith.constant 0 : i32
        %dma_start3A_205 = tpu.memref_slice %arg33[%dma_start3A_203, %dma_start3A_204] : memref<50048x32xf32, #tpu.memory_space<vmem_shared>> -> memref<50048x32xf32, #tpu.memory_space<vmem_shared>>
        tpu.enqueue_indirect_dma source(%arg13 : memref<128x32xf32, #tpu.memory_space<vmem>>) target(%dma_start3A_205 : memref<50048x32xf32, #tpu.memory_space<vmem_shared>>) offsets(%dma_start3A_202 : memref<128xi32, #tpu.memory_space<vmem>>) semaphore(%arg28 : memref<!tpu.dma_semaphore, #tpu.memory_space<semaphore_mem>>) {add = true}
        %mul3A_206 = arith.constant 5 : i32
        %mul3A_207 = arith.muli %scan3A_57, %mul3A_206 : i32
        %add3A_208 = arith.constant 1 : i32
        %add3A_209 = arith.addi %mul3A_207, %add3A_208 : i32
        %dma_wait3A_210 = arith.constant 0 : i32
        %dma_wait3A_211 = arith.constant 0 : i32
        %dma_wait3A_212 = tpu.memref_slice %arg4[%dma_wait3A_210, %dma_wait3A_211] : memref<100000x32xf32, #tpu.memory_space<hbm>> -> memref<100000x32xf32, #tpu.memory_space<hbm>>
        tpu.wait_indirect_dma semaphore(%arg24 : memref<!tpu.dma_semaphore, #tpu.memory_space<semaphore_mem>>) src(%dma_wait3A_212 : memref<100000x32xf32, #tpu.memory_space<hbm>>) dst(%arg14 : memref<128x32xf32, #tpu.memory_space<vmem>>)
        %dma_start3A_213 = arith.constant 0 : i32
        %dma_start3A_214 = tpu.memref_slice %arg12[%add3A_209, %dma_start3A_213] : memref<40x128xi32, #tpu.memory_space<vmem>> -> memref<1x128xi32, #tpu.memory_space<vmem>>
        %dma_start3A_215 = tpu.memref_squeeze %dma_start3A_214 : memref<1x128xi32, #tpu.memory_space<vmem>> -> memref<128xi32, #tpu.memory_space<vmem>>
        %dma_start3A_216 = arith.constant 0 : i32
        %dma_start3A_217 = arith.constant 0 : i32
        %dma_start3A_218 = tpu.memref_slice %arg33[%dma_start3A_216, %dma_start3A_217] : memref<50048x32xf32, #tpu.memory_space<vmem_shared>> -> memref<50048x32xf32, #tpu.memory_space<vmem_shared>>
        tpu.enqueue_indirect_dma source(%arg14 : memref<128x32xf32, #tpu.memory_space<vmem>>) target(%dma_start3A_218 : memref<50048x32xf32, #tpu.memory_space<vmem_shared>>) offsets(%dma_start3A_215 : memref<128xi32, #tpu.memory_space<vmem>>) semaphore(%arg29 : memref<!tpu.dma_semaphore, #tpu.memory_space<semaphore_mem>>) {add = true}
        %mul3A_219 = arith.constant 5 : i32
        %mul3A_220 = arith.muli %scan3A_57, %mul3A_219 : i32
        %add3A_221 = arith.constant 2 : i32
        %add3A_222 = arith.addi %mul3A_220, %add3A_221 : i32
        %dma_wait3A_223 = arith.constant 0 : i32
        %dma_wait3A_224 = arith.constant 0 : i32
        %dma_wait3A_225 = tpu.memref_slice %arg4[%dma_wait3A_223, %dma_wait3A_224] : memref<100000x32xf32, #tpu.memory_space<hbm>> -> memref<100000x32xf32, #tpu.memory_space<hbm>>
        tpu.wait_indirect_dma semaphore(%arg25 : memref<!tpu.dma_semaphore, #tpu.memory_space<semaphore_mem>>) src(%dma_wait3A_225 : memref<100000x32xf32, #tpu.memory_space<hbm>>) dst(%arg15 : memref<128x32xf32, #tpu.memory_space<vmem>>)
        %dma_start3A_226 = arith.constant 0 : i32
        %dma_start3A_227 = tpu.memref_slice %arg12[%add3A_222, %dma_start3A_226] : memref<40x128xi32, #tpu.memory_space<vmem>> -> memref<1x128xi32, #tpu.memory_space<vmem>>
        %dma_start3A_228 = tpu.memref_squeeze %dma_start3A_227 : memref<1x128xi32, #tpu.memory_space<vmem>> -> memref<128xi32, #tpu.memory_space<vmem>>
        %dma_start3A_229 = arith.constant 0 : i32
        %dma_start3A_230 = arith.constant 0 : i32
        %dma_start3A_231 = tpu.memref_slice %arg33[%dma_start3A_229, %dma_start3A_230] : memref<50048x32xf32, #tpu.memory_space<vmem_shared>> -> memref<50048x32xf32, #tpu.memory_space<vmem_shared>>
        tpu.enqueue_indirect_dma source(%arg15 : memref<128x32xf32, #tpu.memory_space<vmem>>) target(%dma_start3A_231 : memref<50048x32xf32, #tpu.memory_space<vmem_shared>>) offsets(%dma_start3A_228 : memref<128xi32, #tpu.memory_space<vmem>>) semaphore(%arg30 : memref<!tpu.dma_semaphore, #tpu.memory_space<semaphore_mem>>) {add = true}
        %mul3A_232 = arith.constant 5 : i32
        %mul3A_233 = arith.muli %scan3A_57, %mul3A_232 : i32
        %add3A_234 = arith.constant 3 : i32
        %add3A_235 = arith.addi %mul3A_233, %add3A_234 : i32
        %dma_wait3A_236 = arith.constant 0 : i32
        %dma_wait3A_237 = arith.constant 0 : i32
        %dma_wait3A_238 = tpu.memref_slice %arg4[%dma_wait3A_236, %dma_wait3A_237] : memref<100000x32xf32, #tpu.memory_space<hbm>> -> memref<100000x32xf32, #tpu.memory_space<hbm>>
        tpu.wait_indirect_dma semaphore(%arg26 : memref<!tpu.dma_semaphore, #tpu.memory_space<semaphore_mem>>) src(%dma_wait3A_238 : memref<100000x32xf32, #tpu.memory_space<hbm>>) dst(%arg16 : memref<128x32xf32, #tpu.memory_space<vmem>>)
        %dma_start3A_239 = arith.constant 0 : i32
        %dma_start3A_240 = tpu.memref_slice %arg12[%add3A_235, %dma_start3A_239] : memref<40x128xi32, #tpu.memory_space<vmem>> -> memref<1x128xi32, #tpu.memory_space<vmem>>
        %dma_start3A_241 = tpu.memref_squeeze %dma_start3A_240 : memref<1x128xi32, #tpu.memory_space<vmem>> -> memref<128xi32, #tpu.memory_space<vmem>>
        %dma_start3A_242 = arith.constant 0 : i32
        %dma_start3A_243 = arith.constant 0 : i32
        %dma_start3A_244 = tpu.memref_slice %arg33[%dma_start3A_242, %dma_start3A_243] : memref<50048x32xf32, #tpu.memory_space<vmem_shared>> -> memref<50048x32xf32, #tpu.memory_space<vmem_shared>>
        tpu.enqueue_indirect_dma source(%arg16 : memref<128x32xf32, #tpu.memory_space<vmem>>) target(%dma_start3A_244 : memref<50048x32xf32, #tpu.memory_space<vmem_shared>>) offsets(%dma_start3A_241 : memref<128xi32, #tpu.memory_space<vmem>>) semaphore(%arg31 : memref<!tpu.dma_semaphore, #tpu.memory_space<semaphore_mem>>) {add = true}
        %mul3A_245 = arith.constant 5 : i32
        %mul3A_246 = arith.muli %scan3A_57, %mul3A_245 : i32
        %add3A_247 = arith.constant 4 : i32
        %add3A_248 = arith.addi %mul3A_246, %add3A_247 : i32
        %dma_wait3A_249 = arith.constant 0 : i32
        %dma_wait3A_250 = arith.constant 0 : i32
        %dma_wait3A_251 = tpu.memref_slice %arg4[%dma_wait3A_249, %dma_wait3A_250] : memref<100000x32xf32, #tpu.memory_space<hbm>> -> memref<100000x32xf32, #tpu.memory_space<hbm>>
        tpu.wait_indirect_dma semaphore(%arg27 : memref<!tpu.dma_semaphore, #tpu.memory_space<semaphore_mem>>) src(%dma_wait3A_251 : memref<100000x32xf32, #tpu.memory_space<hbm>>) dst(%arg17 : memref<128x32xf32, #tpu.memory_space<vmem>>)
        %dma_start3A_252 = arith.constant 0 : i32
        %dma_start3A_253 = tpu.memref_slice %arg12[%add3A_248, %dma_start3A_252] : memref<40x128xi32, #tpu.memory_space<vmem>> -> memref<1x128xi32, #tpu.memory_space<vmem>>
        %dma_start3A_254 = tpu.memref_squeeze %dma_start3A_253 : memref<1x128xi32, #tpu.memory_space<vmem>> -> memref<128xi32, #tpu.memory_space<vmem>>
        %dma_start3A_255 = arith.constant 0 : i32
        %dma_start3A_256 = arith.constant 0 : i32
        %dma_start3A_257 = tpu.memref_slice %arg33[%dma_start3A_255, %dma_start3A_256] : memref<50048x32xf32, #tpu.memory_space<vmem_shared>> -> memref<50048x32xf32, #tpu.memory_space<vmem_shared>>
        tpu.enqueue_indirect_dma source(%arg17 : memref<128x32xf32, #tpu.memory_space<vmem>>) target(%dma_start3A_257 : memref<50048x32xf32, #tpu.memory_space<vmem_shared>>) offsets(%dma_start3A_254 : memref<128xi32, #tpu.memory_space<vmem>>) semaphore(%arg32 : memref<!tpu.dma_semaphore, #tpu.memory_space<semaphore_mem>>) {add = true}
      }
      %scan3A_56 = arith.constant 8 : i32
    }
    %scan3A_9 = arith.constant 10 : i32
    %dma_wait3A = arith.constant 35 : i32
    %dma_wait3A_10 = arith.constant 0 : i32
    %dma_wait3A_11 = tpu.memref_slice %arg12[%dma_wait3A, %dma_wait3A_10] : memref<40x128xi32, #tpu.memory_space<vmem>> -> memref<1x128xi32, #tpu.memory_space<vmem>>
    %dma_wait3A_12 = tpu.memref_squeeze %dma_wait3A_11 : memref<1x128xi32, #tpu.memory_space<vmem>> -> memref<128xi32, #tpu.memory_space<vmem>>
    %dma_wait3A_13 = arith.constant 0 : i32
    %dma_wait3A_14 = arith.constant 0 : i32
    %dma_wait3A_15 = tpu.memref_slice %arg33[%dma_wait3A_13, %dma_wait3A_14] : memref<50048x32xf32, #tpu.memory_space<vmem_shared>> -> memref<50048x32xf32, #tpu.memory_space<vmem_shared>>
    tpu.wait_indirect_dma semaphore(%arg28 : memref<!tpu.dma_semaphore, #tpu.memory_space<semaphore_mem>>) src(%arg13 : memref<128x32xf32, #tpu.memory_space<vmem>>) dst(%dma_wait3A_15 : memref<50048x32xf32, #tpu.memory_space<vmem_shared>>)
    %dma_wait3A_16 = arith.constant 36 : i32
    %dma_wait3A_17 = arith.constant 0 : i32
    %dma_wait3A_18 = tpu.memref_slice %arg12[%dma_wait3A_16, %dma_wait3A_17] : memref<40x128xi32, #tpu.memory_space<vmem>> -> memref<1x128xi32, #tpu.memory_space<vmem>>
    %dma_wait3A_19 = tpu.memref_squeeze %dma_wait3A_18 : memref<1x128xi32, #tpu.memory_space<vmem>> -> memref<128xi32, #tpu.memory_space<vmem>>
    %dma_wait3A_20 = arith.constant 0 : i32
    %dma_wait3A_21 = arith.constant 0 : i32
    %dma_wait3A_22 = tpu.memref_slice %arg33[%dma_wait3A_20, %dma_wait3A_21] : memref<50048x32xf32, #tpu.memory_space<vmem_shared>> -> memref<50048x32xf32, #tpu.memory_space<vmem_shared>>
    tpu.wait_indirect_dma semaphore(%arg29 : memref<!tpu.dma_semaphore, #tpu.memory_space<semaphore_mem>>) src(%arg14 : memref<128x32xf32, #tpu.memory_space<vmem>>) dst(%dma_wait3A_22 : memref<50048x32xf32, #tpu.memory_space<vmem_shared>>)
    %dma_wait3A_23 = arith.constant 37 : i32
    %dma_wait3A_24 = arith.constant 0 : i32
    %dma_wait3A_25 = tpu.memref_slice %arg12[%dma_wait3A_23, %dma_wait3A_24] : memref<40x128xi32, #tpu.memory_space<vmem>> -> memref<1x128xi32, #tpu.memory_space<vmem>>
    %dma_wait3A_26 = tpu.memref_squeeze %dma_wait3A_25 : memref<1x128xi32, #tpu.memory_space<vmem>> -> memref<128xi32, #tpu.memory_space<vmem>>
    %dma_wait3A_27 = arith.constant 0 : i32
    %dma_wait3A_28 = arith.constant 0 : i32
    %dma_wait3A_29 = tpu.memref_slice %arg33[%dma_wait3A_27, %dma_wait3A_28] : memref<50048x32xf32, #tpu.memory_space<vmem_shared>> -> memref<50048x32xf32, #tpu.memory_space<vmem_shared>>
    tpu.wait_indirect_dma semaphore(%arg30 : memref<!tpu.dma_semaphore, #tpu.memory_space<semaphore_mem>>) src(%arg15 : memref<128x32xf32, #tpu.memory_space<vmem>>) dst(%dma_wait3A_29 : memref<50048x32xf32, #tpu.memory_space<vmem_shared>>)
    %dma_wait3A_30 = arith.constant 38 : i32
    %dma_wait3A_31 = arith.constant 0 : i32
    %dma_wait3A_32 = tpu.memref_slice %arg12[%dma_wait3A_30, %dma_wait3A_31] : memref<40x128xi32, #tpu.memory_space<vmem>> -> memref<1x128xi32, #tpu.memory_space<vmem>>
    %dma_wait3A_33 = tpu.memref_squeeze %dma_wait3A_32 : memref<1x128xi32, #tpu.memory_space<vmem>> -> memref<128xi32, #tpu.memory_space<vmem>>
    %dma_wait3A_34 = arith.constant 0 : i32
    %dma_wait3A_35 = arith.constant 0 : i32
    %dma_wait3A_36 = tpu.memref_slice %arg33[%dma_wait3A_34, %dma_wait3A_35] : memref<50048x32xf32, #tpu.memory_space<vmem_shared>> -> memref<50048x32xf32, #tpu.memory_space<vmem_shared>>
    tpu.wait_indirect_dma semaphore(%arg31 : memref<!tpu.dma_semaphore, #tpu.memory_space<semaphore_mem>>) src(%arg16 : memref<128x32xf32, #tpu.memory_space<vmem>>) dst(%dma_wait3A_36 : memref<50048x32xf32, #tpu.memory_space<vmem_shared>>)
    %dma_wait3A_37 = arith.constant 39 : i32
    %dma_wait3A_38 = arith.constant 0 : i32
    %dma_wait3A_39 = tpu.memref_slice %arg12[%dma_wait3A_37, %dma_wait3A_38] : memref<40x128xi32, #tpu.memory_space<vmem>> -> memref<1x128xi32, #tpu.memory_space<vmem>>
    %dma_wait3A_40 = tpu.memref_squeeze %dma_wait3A_39 : memref<1x128xi32, #tpu.memory_space<vmem>> -> memref<128xi32, #tpu.memory_space<vmem>>
    %dma_wait3A_41 = arith.constant 0 : i32
    %dma_wait3A_42 = arith.constant 0 : i32
    %dma_wait3A_43 = tpu.memref_slice %arg33[%dma_wait3A_41, %dma_wait3A_42] : memref<50048x32xf32, #tpu.memory_space<vmem_shared>> -> memref<50048x32xf32, #tpu.memory_space<vmem_shared>>
    tpu.wait_indirect_dma semaphore(%arg32 : memref<!tpu.dma_semaphore, #tpu.memory_space<semaphore_mem>>) src(%arg17 : memref<128x32xf32, #tpu.memory_space<vmem>>) dst(%dma_wait3A_43 : memref<50048x32xf32, #tpu.memory_space<vmem_shared>>)
    %barrier3A_44 = arith.constant 0 : index
    tpu.barrier barrier_id(%barrier3A_44)
    %mul3A_45 = arith.constant 3128 : i32
    %mul3A_46 = arith.muli %arg1, %mul3A_45 : i32
    %mul3A_47 = arith.constant 3128 : i32
    %mul3A_48 = arith.muli %arg1, %mul3A_47 : i32
    "tpu.region"() ({
      %run_scoped3A = tpu.sem_alloc : memref<!tpu.dma_semaphore, #tpu.memory_space<semaphore_mem>>
      %dma_start3A = arith.constant 0 : i32
      %dma_start3A_49 = tpu.memref_slice %arg6[%arg0, %mul3A_48, %dma_start3A] : memref<2x50048x32xf32, #tpu.memory_space<hbm>> -> memref<1x3128x32xf32, #tpu.memory_space<hbm>>
      %dma_start3A_50 = tpu.memref_squeeze %dma_start3A_49 : memref<1x3128x32xf32, #tpu.memory_space<hbm>> -> memref<3128x32xf32, #tpu.memory_space<hbm>>
      %dma_start3A_51 = arith.constant 0 : i32
      %dma_start3A_52 = tpu.memref_slice %arg33[%mul3A_46, %dma_start3A_51] : memref<50048x32xf32, #tpu.memory_space<vmem_shared>> -> memref<3128x32xf32, #tpu.memory_space<vmem_shared>>
      tpu.enqueue_dma source(%dma_start3A_52 : memref<3128x32xf32, #tpu.memory_space<vmem_shared>>) target(%dma_start3A_50 : memref<3128x32xf32, #tpu.memory_space<hbm>>) target_semaphore(%run_scoped3A : memref<!tpu.dma_semaphore, #tpu.memory_space<semaphore_mem>>)
      %dma_wait3A_53 = arith.constant 0 : i32
      %dma_wait3A_54 = tpu.memref_slice %arg6[%arg0, %mul3A_48, %dma_wait3A_53] : memref<2x50048x32xf32, #tpu.memory_space<hbm>> -> memref<1x3128x32xf32, #tpu.memory_space<hbm>>
      %dma_wait3A_55 = tpu.memref_squeeze %dma_wait3A_54 : memref<1x3128x32xf32, #tpu.memory_space<hbm>> -> memref<3128x32xf32, #tpu.memory_space<hbm>>
      %dma_wait3A_56 = arith.constant 0 : i32
      %dma_wait3A_57 = tpu.memref_slice %arg33[%mul3A_46, %dma_wait3A_56] : memref<50048x32xf32, #tpu.memory_space<vmem_shared>> -> memref<3128x32xf32, #tpu.memory_space<vmem_shared>>
      tpu.wait_dma2 semaphore(%run_scoped3A : memref<!tpu.dma_semaphore, #tpu.memory_space<semaphore_mem>>) src(%dma_wait3A_57 : memref<3128x32xf32, #tpu.memory_space<vmem_shared>>) dst(%dma_wait3A_55 : memref<3128x32xf32, #tpu.memory_space<hbm>>)
      tpu.yield
    }) : () -> ()
    return
  }
}

#map = affine_map<(d0, d1) -> (0)>
#map1 = affine_map<(d0, d1) -> (0, 0, 0)>
#map2 = affine_map<(d0, d1) -> (0, 0)>
module attributes {stable_mosaic.version = 14 : i64} {
  func.func @gs_kernel(%arg0: i32, %arg1: i32, %arg2: memref<1638400xi32, #tpu.memory_space<hbm>>, %arg3: memref<16x400x128xi32, #tpu.memory_space<hbm>>, %arg4: memref<100000x32xf32, #tpu.memory_space<hbm>>, %arg5: memref<3128x32xf32, #tpu.memory_space<hbm>>, %arg6: memref<2x50048x32xf32, #tpu.memory_space<hbm>>, %arg7: memref<128xi32, #tpu.memory_space<vmem>>, %arg8: memref<128xi32, #tpu.memory_space<vmem>>, %arg9: memref<128xi32, #tpu.memory_space<vmem>>, %arg10: memref<128xi32, #tpu.memory_space<vmem>>, %arg11: memref<128xi32, #tpu.memory_space<vmem>>, %arg12: memref<40x128xi32, #tpu.memory_space<vmem>>, %arg13: memref<128x32xf32, #tpu.memory_space<vmem>>, %arg14: memref<128x32xf32, #tpu.memory_space<vmem>>, %arg15: memref<128x32xf32, #tpu.memory_space<vmem>>, %arg16: memref<128x32xf32, #tpu.memory_space<vmem>>, %arg17: memref<128x32xf32, #tpu.memory_space<vmem>>, %arg18: memref<!tpu.dma_semaphore, #tpu.memory_space<semaphore_mem>>, %arg19: memref<!tpu.dma_semaphore, #tpu.memory_space<semaphore_mem>>, %arg20: memref<!tpu.dma_semaphore, #tpu.memory_space<semaphore_mem>>, %arg21: memref<!tpu.dma_semaphore, #tpu.memory_space<semaphore_mem>>, %arg22: memref<!tpu.dma_semaphore, #tpu.memory_space<semaphore_mem>>, %arg23: memref<!tpu.dma_semaphore, #tpu.memory_space<semaphore_mem>>, %arg24: memref<!tpu.dma_semaphore, #tpu.memory_space<semaphore_mem>>, %arg25: memref<!tpu.dma_semaphore, #tpu.memory_space<semaphore_mem>>, %arg26: memref<!tpu.dma_semaphore, #tpu.memory_space<semaphore_mem>>, %arg27: memref<!tpu.dma_semaphore, #tpu.memory_space<semaphore_mem>>, %arg28: memref<!tpu.dma_semaphore, #tpu.memory_space<semaphore_mem>>, %arg29: memref<!tpu.dma_semaphore, #tpu.memory_space<semaphore_mem>>, %arg30: memref<!tpu.dma_semaphore, #tpu.memory_space<semaphore_mem>>, %arg31: memref<!tpu.dma_semaphore, #tpu.memory_space<semaphore_mem>>, %arg32: memref<!tpu.dma_semaphore, #tpu.memory_space<semaphore_mem>>, %arg33: memref<50048x32xf32, #tpu.memory_space<vmem_shared>>) attributes {dimension_semantics = [#tpu.dimension_semantics<core_parallel>, #tpu.dimension_semantics<subcore_parallel>], iteration_bounds = array<i64: 2, 16>, scalar_prefetch = 0 : i64, scratch_operands = 27 : i64, tpu.core_type = #tpu.core_type<sc_vector_subcore>, window_params = [{transform_indices = #map}, {transform_indices = #map1}, {transform_indices = #map2}, {transform_indices = #map2}, {transform_indices = #map1}]} {
    %mul3A = arith.constant 16 : i32
    %mul3A_0 = arith.muli %arg0, %mul3A : i32
    %add3A = arith.addi %mul3A_0, %arg1 : i32
    %mul3A_1 = arith.constant 51200 : i32
    %mul3A_2 = arith.muli %add3A, %mul3A_1 : i32
    %mul3A_3 = arith.constant 3128 : i32
    %mul3A_4 = arith.muli %arg1, %mul3A_3 : i32
    "tpu.region"() ({
      %run_scoped3A = tpu.sem_alloc : memref<!tpu.dma_semaphore, #tpu.memory_space<semaphore_mem>>
      %dma_start3A = arith.constant 0 : i32
      %dma_start3A_49 = tpu.memref_slice %arg33[%mul3A_4, %dma_start3A] : memref<50048x32xf32, #tpu.memory_space<vmem_shared>> -> memref<3128x32xf32, #tpu.memory_space<vmem_shared>>
      tpu.enqueue_dma source(%arg5 : memref<3128x32xf32, #tpu.memory_space<hbm>>) target(%dma_start3A_49 : memref<3128x32xf32, #tpu.memory_space<vmem_shared>>) target_semaphore(%run_scoped3A : memref<!tpu.dma_semaphore, #tpu.memory_space<semaphore_mem>>)
      %dma_wait3A_50 = arith.constant 0 : i32
      %dma_wait3A_51 = tpu.memref_slice %arg33[%mul3A_4, %dma_wait3A_50] : memref<50048x32xf32, #tpu.memory_space<vmem_shared>> -> memref<3128x32xf32, #tpu.memory_space<vmem_shared>>
      tpu.wait_dma2 semaphore(%run_scoped3A : memref<!tpu.dma_semaphore, #tpu.memory_space<semaphore_mem>>) src(%arg5 : memref<3128x32xf32, #tpu.memory_space<hbm>>) dst(%dma_wait3A_51 : memref<3128x32xf32, #tpu.memory_space<vmem_shared>>)
      tpu.yield
    }) : () -> ()
    %barrier3A = arith.constant 0 : index
    tpu.barrier barrier_id(%barrier3A)
    %scan3A = arith.constant 0 : i32
    %scan3A_5 = arith.constant 0 : i32
    %scan3A_6 = arith.constant 10 : i32
    %scan3A_7 = arith.addi %scan3A_5, %scan3A_6 : i32
    %scan3A_8 = arith.constant 1 : i32
    scf.for %scan3A_49 = %scan3A_5 to %scan3A_7 step %scan3A_8  : i32 {
      %mul3A_50 = arith.constant 40 : i32
      %mul3A_51 = arith.muli %scan3A_49, %mul3A_50 : i32
      "tpu.region"() ({
        %run_scoped3A = tpu.sem_alloc : memref<!tpu.dma_semaphore, #tpu.memory_space<semaphore_mem>>
        %dma_start3A = arith.constant 0 : i32
        %dma_start3A_57 = tpu.memref_slice %arg3[%arg1, %mul3A_51, %dma_start3A] : memref<16x400x128xi32, #tpu.memory_space<hbm>> -> memref<1x40x128xi32, #tpu.memory_space<hbm>>
        %dma_start3A_58 = tpu.memref_squeeze %dma_start3A_57 : memref<1x40x128xi32, #tpu.memory_space<hbm>> -> memref<40x128xi32, #tpu.memory_space<hbm>>
        %dma_start3A_59 = arith.constant 0 : i32
        %dma_start3A_60 = tpu.memref_slice %arg3[%arg1, %mul3A_51, %dma_start3A_59] : memref<16x400x128xi32, #tpu.memory_space<hbm>> -> memref<1x40x128xi32, #tpu.memory_space<hbm>>
        %dma_start3A_61 = tpu.memref_squeeze %dma_start3A_60 : memref<1x40x128xi32, #tpu.memory_space<hbm>> -> memref<40x128xi32, #tpu.memory_space<hbm>>
        tpu.enqueue_dma source(%dma_start3A_61 : memref<40x128xi32, #tpu.memory_space<hbm>>) target(%arg12 : memref<40x128xi32, #tpu.memory_space<vmem>>) target_semaphore(%run_scoped3A : memref<!tpu.dma_semaphore, #tpu.memory_space<semaphore_mem>>)
        %dma_wait3A_62 = arith.constant 0 : i32
        %dma_wait3A_63 = tpu.memref_slice %arg3[%arg1, %mul3A_51, %dma_wait3A_62] : memref<16x400x128xi32, #tpu.memory_space<hbm>> -> memref<1x40x128xi32, #tpu.memory_space<hbm>>
        %dma_wait3A_64 = tpu.memref_squeeze %dma_wait3A_63 : memref<1x40x128xi32, #tpu.memory_space<hbm>> -> memref<40x128xi32, #tpu.memory_space<hbm>>
        %dma_wait3A_65 = arith.constant 0 : i32
        %dma_wait3A_66 = tpu.memref_slice %arg3[%arg1, %mul3A_51, %dma_wait3A_65] : memref<16x400x128xi32, #tpu.memory_space<hbm>> -> memref<1x40x128xi32, #tpu.memory_space<hbm>>
        %dma_wait3A_67 = tpu.memref_squeeze %dma_wait3A_66 : memref<1x40x128xi32, #tpu.memory_space<hbm>> -> memref<40x128xi32, #tpu.memory_space<hbm>>
        tpu.wait_dma2 semaphore(%run_scoped3A : memref<!tpu.dma_semaphore, #tpu.memory_space<semaphore_mem>>) src(%dma_wait3A_67 : memref<40x128xi32, #tpu.memory_space<hbm>>) dst(%arg12 : memref<40x128xi32, #tpu.memory_space<vmem>>)
        tpu.yield
      }) : () -> ()
      %scan3A_52 = arith.constant 0 : i32
      %scan3A_53 = arith.constant 8 : i32
      %scan3A_54 = arith.addi %scan3A_52, %scan3A_53 : i32
      %scan3A_55 = arith.constant 1 : i32
      scf.for %scan3A_57 = %scan3A_52 to %scan3A_54 step %scan3A_55  : i32 {
        %gt3A = arith.constant 0 : i32
        %gt3A_58 = arith.cmpi sgt, %scan3A_49, %gt3A : i32
        %gt3A_59 = arith.constant 0 : i32
        %gt3A_60 = arith.cmpi sgt, %scan3A_57, %gt3A_59 : i32
        %or3A = arith.ori %gt3A_58, %gt3A_60 : i1
        %mul3A_61 = arith.constant 5 : i32
        %mul3A_62 = arith.muli %scan3A_57, %mul3A_61 : i32
        %add3A_63 = arith.constant 0 : i32
        %add3A_64 = arith.addi %mul3A_62, %add3A_63 : i32
        %mul3A_65 = arith.constant 40 : i32
        %mul3A_66 = arith.muli %scan3A_49, %mul3A_65 : i32
        %add3A_67 = arith.addi %mul3A_66, %add3A_64 : i32
        %mul3A_68 = arith.constant 128 : i32
        %mul3A_69 = arith.muli %add3A_67, %mul3A_68 : i32
        %add3A_70 = arith.addi %mul3A_2, %mul3A_69 : i32
        %convert_element_type3A = arith.extui %or3A : i1 to i32
        %cond3A = arith.constant 0 : i32
        %cond3A_71 = arith.cmpi ne, %convert_element_type3A, %cond3A : i32
        scf.if %cond3A_71 {
          %dma_wait3A_258 = arith.constant 0 : i32
          %dma_wait3A_259 = tpu.memref_slice %arg12[%add3A_64, %dma_wait3A_258] : memref<40x128xi32, #tpu.memory_space<vmem>> -> memref<1x128xi32, #tpu.memory_space<vmem>>
          %dma_wait3A_260 = tpu.memref_squeeze %dma_wait3A_259 : memref<1x128xi32, #tpu.memory_space<vmem>> -> memref<128xi32, #tpu.memory_space<vmem>>
          %dma_wait3A_261 = arith.constant 0 : i32
          %dma_wait3A_262 = arith.constant 0 : i32
          %dma_wait3A_263 = tpu.memref_slice %arg33[%dma_wait3A_261, %dma_wait3A_262] : memref<50048x32xf32, #tpu.memory_space<vmem_shared>> -> memref<50048x32xf32, #tpu.memory_space<vmem_shared>>
          tpu.wait_indirect_dma semaphore(%arg28 : memref<!tpu.dma_semaphore, #tpu.memory_space<semaphore_mem>>) src(%arg13 : memref<128x32xf32, #tpu.memory_space<vmem>>) dst(%dma_wait3A_263 : memref<50048x32xf32, #tpu.memory_space<vmem_shared>>)
        } else {
        }
        %dma_start3A = tpu.memref_slice %arg2[%add3A_70] : memref<1638400xi32, #tpu.memory_space<hbm>> -> memref<128xi32, #tpu.memory_space<hbm>>
        %dma_start3A_72 = tpu.memref_slice %arg2[%add3A_70] : memref<1638400xi32, #tpu.memory_space<hbm>> -> memref<128xi32, #tpu.memory_space<hbm>>
        tpu.enqueue_dma source(%dma_start3A_72 : memref<128xi32, #tpu.memory_space<hbm>>) target(%arg7 : memref<128xi32, #tpu.memory_space<vmem>>) target_semaphore(%arg18 : memref<!tpu.dma_semaphore, #tpu.memory_space<semaphore_mem>>)
        %mul3A_73 = arith.constant 5 : i32
        %mul3A_74 = arith.muli %scan3A_57, %mul3A_73 : i32
        %add3A_75 = arith.constant 1 : i32
        %add3A_76 = arith.addi %mul3A_74, %add3A_75 : i32
        %mul3A_77 = arith.constant 40 : i32
        %mul3A_78 = arith.muli %scan3A_49, %mul3A_77 : i32
        %add3A_79 = arith.addi %mul3A_78, %add3A_76 : i32
        %mul3A_80 = arith.constant 128 : i32
        %mul3A_81 = arith.muli %add3A_79, %mul3A_80 : i32
        %add3A_82 = arith.addi %mul3A_2, %mul3A_81 : i32
        %convert_element_type3A_83 = arith.extui %or3A : i1 to i32
        %cond3A_84 = arith.constant 0 : i32
        %cond3A_85 = arith.cmpi ne, %convert_element_type3A_83, %cond3A_84 : i32
        scf.if %cond3A_85 {
          %dma_wait3A_258 = arith.constant 0 : i32
          %dma_wait3A_259 = tpu.memref_slice %arg12[%add3A_76, %dma_wait3A_258] : memref<40x128xi32, #tpu.memory_space<vmem>> -> memref<1x128xi32, #tpu.memory_space<vmem>>
          %dma_wait3A_260 = tpu.memref_squeeze %dma_wait3A_259 : memref<1x128xi32, #tpu.memory_space<vmem>> -> memref<128xi32, #tpu.memory_space<vmem>>
          %dma_wait3A_261 = arith.constant 0 : i32
          %dma_wait3A_262 = arith.constant 0 : i32
          %dma_wait3A_263 = tpu.memref_slice %arg33[%dma_wait3A_261, %dma_wait3A_262] : memref<50048x32xf32, #tpu.memory_space<vmem_shared>> -> memref<50048x32xf32, #tpu.memory_space<vmem_shared>>
          tpu.wait_indirect_dma semaphore(%arg29 : memref<!tpu.dma_semaphore, #tpu.memory_space<semaphore_mem>>) src(%arg14 : memref<128x32xf32, #tpu.memory_space<vmem>>) dst(%dma_wait3A_263 : memref<50048x32xf32, #tpu.memory_space<vmem_shared>>)
        } else {
        }
        %dma_start3A_86 = tpu.memref_slice %arg2[%add3A_82] : memref<1638400xi32, #tpu.memory_space<hbm>> -> memref<128xi32, #tpu.memory_space<hbm>>
        %dma_start3A_87 = tpu.memref_slice %arg2[%add3A_82] : memref<1638400xi32, #tpu.memory_space<hbm>> -> memref<128xi32, #tpu.memory_space<hbm>>
        tpu.enqueue_dma source(%dma_start3A_87 : memref<128xi32, #tpu.memory_space<hbm>>) target(%arg8 : memref<128xi32, #tpu.memory_space<vmem>>) target_semaphore(%arg19 : memref<!tpu.dma_semaphore, #tpu.memory_space<semaphore_mem>>)
        %mul3A_88 = arith.constant 5 : i32
        %mul3A_89 = arith.muli %scan3A_57, %mul3A_88 : i32
        %add3A_90 = arith.constant 2 : i32
        %add3A_91 = arith.addi %mul3A_89, %add3A_90 : i32
        %mul3A_92 = arith.constant 40 : i32
        %mul3A_93 = arith.muli %scan3A_49, %mul3A_92 : i32
        %add3A_94 = arith.addi %mul3A_93, %add3A_91 : i32
        %mul3A_95 = arith.constant 128 : i32
        %mul3A_96 = arith.muli %add3A_94, %mul3A_95 : i32
        %add3A_97 = arith.addi %mul3A_2, %mul3A_96 : i32
        %convert_element_type3A_98 = arith.extui %or3A : i1 to i32
        %cond3A_99 = arith.constant 0 : i32
        %cond3A_100 = arith.cmpi ne, %convert_element_type3A_98, %cond3A_99 : i32
        scf.if %cond3A_100 {
          %dma_wait3A_258 = arith.constant 0 : i32
          %dma_wait3A_259 = tpu.memref_slice %arg12[%add3A_91, %dma_wait3A_258] : memref<40x128xi32, #tpu.memory_space<vmem>> -> memref<1x128xi32, #tpu.memory_space<vmem>>
          %dma_wait3A_260 = tpu.memref_squeeze %dma_wait3A_259 : memref<1x128xi32, #tpu.memory_space<vmem>> -> memref<128xi32, #tpu.memory_space<vmem>>
          %dma_wait3A_261 = arith.constant 0 : i32
          %dma_wait3A_262 = arith.constant 0 : i32
          %dma_wait3A_263 = tpu.memref_slice %arg33[%dma_wait3A_261, %dma_wait3A_262] : memref<50048x32xf32, #tpu.memory_space<vmem_shared>> -> memref<50048x32xf32, #tpu.memory_space<vmem_shared>>
          tpu.wait_indirect_dma semaphore(%arg30 : memref<!tpu.dma_semaphore, #tpu.memory_space<semaphore_mem>>) src(%arg15 : memref<128x32xf32, #tpu.memory_space<vmem>>) dst(%dma_wait3A_263 : memref<50048x32xf32, #tpu.memory_space<vmem_shared>>)
        } else {
        }
        %dma_start3A_101 = tpu.memref_slice %arg2[%add3A_97] : memref<1638400xi32, #tpu.memory_space<hbm>> -> memref<128xi32, #tpu.memory_space<hbm>>
        %dma_start3A_102 = tpu.memref_slice %arg2[%add3A_97] : memref<1638400xi32, #tpu.memory_space<hbm>> -> memref<128xi32, #tpu.memory_space<hbm>>
        tpu.enqueue_dma source(%dma_start3A_102 : memref<128xi32, #tpu.memory_space<hbm>>) target(%arg9 : memref<128xi32, #tpu.memory_space<vmem>>) target_semaphore(%arg20 : memref<!tpu.dma_semaphore, #tpu.memory_space<semaphore_mem>>)
        %mul3A_103 = arith.constant 5 : i32
        %mul3A_104 = arith.muli %scan3A_57, %mul3A_103 : i32
        %add3A_105 = arith.constant 3 : i32
        %add3A_106 = arith.addi %mul3A_104, %add3A_105 : i32
        %mul3A_107 = arith.constant 40 : i32
        %mul3A_108 = arith.muli %scan3A_49, %mul3A_107 : i32
        %add3A_109 = arith.addi %mul3A_108, %add3A_106 : i32
        %mul3A_110 = arith.constant 128 : i32
        %mul3A_111 = arith.muli %add3A_109, %mul3A_110 : i32
        %add3A_112 = arith.addi %mul3A_2, %mul3A_111 : i32
        %convert_element_type3A_113 = arith.extui %or3A : i1 to i32
        %cond3A_114 = arith.constant 0 : i32
        %cond3A_115 = arith.cmpi ne, %convert_element_type3A_113, %cond3A_114 : i32
        scf.if %cond3A_115 {
          %dma_wait3A_258 = arith.constant 0 : i32
          %dma_wait3A_259 = tpu.memref_slice %arg12[%add3A_106, %dma_wait3A_258] : memref<40x128xi32, #tpu.memory_space<vmem>> -> memref<1x128xi32, #tpu.memory_space<vmem>>
          %dma_wait3A_260 = tpu.memref_squeeze %dma_wait3A_259 : memref<1x128xi32, #tpu.memory_space<vmem>> -> memref<128xi32, #tpu.memory_space<vmem>>
          %dma_wait3A_261 = arith.constant 0 : i32
          %dma_wait3A_262 = arith.constant 0 : i32
          %dma_wait3A_263 = tpu.memref_slice %arg33[%dma_wait3A_261, %dma_wait3A_262] : memref<50048x32xf32, #tpu.memory_space<vmem_shared>> -> memref<50048x32xf32, #tpu.memory_space<vmem_shared>>
          tpu.wait_indirect_dma semaphore(%arg31 : memref<!tpu.dma_semaphore, #tpu.memory_space<semaphore_mem>>) src(%arg16 : memref<128x32xf32, #tpu.memory_space<vmem>>) dst(%dma_wait3A_263 : memref<50048x32xf32, #tpu.memory_space<vmem_shared>>)
        } else {
        }
        %dma_start3A_116 = tpu.memref_slice %arg2[%add3A_112] : memref<1638400xi32, #tpu.memory_space<hbm>> -> memref<128xi32, #tpu.memory_space<hbm>>
        %dma_start3A_117 = tpu.memref_slice %arg2[%add3A_112] : memref<1638400xi32, #tpu.memory_space<hbm>> -> memref<128xi32, #tpu.memory_space<hbm>>
        tpu.enqueue_dma source(%dma_start3A_117 : memref<128xi32, #tpu.memory_space<hbm>>) target(%arg10 : memref<128xi32, #tpu.memory_space<vmem>>) target_semaphore(%arg21 : memref<!tpu.dma_semaphore, #tpu.memory_space<semaphore_mem>>)
        %mul3A_118 = arith.constant 5 : i32
        %mul3A_119 = arith.muli %scan3A_57, %mul3A_118 : i32
        %add3A_120 = arith.constant 4 : i32
        %add3A_121 = arith.addi %mul3A_119, %add3A_120 : i32
        %mul3A_122 = arith.constant 40 : i32
        %mul3A_123 = arith.muli %scan3A_49, %mul3A_122 : i32
        %add3A_124 = arith.addi %mul3A_123, %add3A_121 : i32
        %mul3A_125 = arith.constant 128 : i32
        %mul3A_126 = arith.muli %add3A_124, %mul3A_125 : i32
        %add3A_127 = arith.addi %mul3A_2, %mul3A_126 : i32
        %convert_element_type3A_128 = arith.extui %or3A : i1 to i32
        %cond3A_129 = arith.constant 0 : i32
        %cond3A_130 = arith.cmpi ne, %convert_element_type3A_128, %cond3A_129 : i32
        scf.if %cond3A_130 {
          %dma_wait3A_258 = arith.constant 0 : i32
          %dma_wait3A_259 = tpu.memref_slice %arg12[%add3A_121, %dma_wait3A_258] : memref<40x128xi32, #tpu.memory_space<vmem>> -> memref<1x128xi32, #tpu.memory_space<vmem>>
          %dma_wait3A_260 = tpu.memref_squeeze %dma_wait3A_259 : memref<1x128xi32, #tpu.memory_space<vmem>> -> memref<128xi32, #tpu.memory_space<vmem>>
          %dma_wait3A_261 = arith.constant 0 : i32
          %dma_wait3A_262 = arith.constant 0 : i32
          %dma_wait3A_263 = tpu.memref_slice %arg33[%dma_wait3A_261, %dma_wait3A_262] : memref<50048x32xf32, #tpu.memory_space<vmem_shared>> -> memref<50048x32xf32, #tpu.memory_space<vmem_shared>>
          tpu.wait_indirect_dma semaphore(%arg32 : memref<!tpu.dma_semaphore, #tpu.memory_space<semaphore_mem>>) src(%arg17 : memref<128x32xf32, #tpu.memory_space<vmem>>) dst(%dma_wait3A_263 : memref<50048x32xf32, #tpu.memory_space<vmem_shared>>)
        } else {
        }
        %dma_start3A_131 = tpu.memref_slice %arg2[%add3A_127] : memref<1638400xi32, #tpu.memory_space<hbm>> -> memref<128xi32, #tpu.memory_space<hbm>>
        %dma_start3A_132 = tpu.memref_slice %arg2[%add3A_127] : memref<1638400xi32, #tpu.memory_space<hbm>> -> memref<128xi32, #tpu.memory_space<hbm>>
        tpu.enqueue_dma source(%dma_start3A_132 : memref<128xi32, #tpu.memory_space<hbm>>) target(%arg11 : memref<128xi32, #tpu.memory_space<vmem>>) target_semaphore(%arg22 : memref<!tpu.dma_semaphore, #tpu.memory_space<semaphore_mem>>)
        %mul3A_133 = arith.constant 5 : i32
        %mul3A_134 = arith.muli %scan3A_57, %mul3A_133 : i32
        %add3A_135 = arith.constant 0 : i32
        %add3A_136 = arith.addi %mul3A_134, %add3A_135 : i32
        %mul3A_137 = arith.constant 128 : i32
        %mul3A_138 = arith.muli %add3A_136, %mul3A_137 : i32
        %add3A_139 = arith.addi %mul3A_2, %mul3A_138 : i32
        %dma_wait3A_140 = tpu.memref_slice %arg2[%add3A_139] : memref<1638400xi32, #tpu.memory_space<hbm>> -> memref<128xi32, #tpu.memory_space<hbm>>
        %dma_wait3A_141 = tpu.memref_slice %arg2[%add3A_139] : memref<1638400xi32, #tpu.memory_space<hbm>> -> memref<128xi32, #tpu.memory_space<hbm>>
        tpu.wait_dma2 semaphore(%arg18 : memref<!tpu.dma_semaphore, #tpu.memory_space<semaphore_mem>>) src(%dma_wait3A_141 : memref<128xi32, #tpu.memory_space<hbm>>) dst(%arg7 : memref<128xi32, #tpu.memory_space<vmem>>)
        %dma_start3A_142 = arith.constant 0 : i32
        %dma_start3A_143 = arith.constant 0 : i32
        %dma_start3A_144 = tpu.memref_slice %arg4[%dma_start3A_142, %dma_start3A_143] : memref<100000x32xf32, #tpu.memory_space<hbm>> -> memref<100000x32xf32, #tpu.memory_space<hbm>>
        tpu.enqueue_indirect_dma source(%dma_start3A_144 : memref<100000x32xf32, #tpu.memory_space<hbm>>) target(%arg13 : memref<128x32xf32, #tpu.memory_space<vmem>>) offsets(%arg7 : memref<128xi32, #tpu.memory_space<vmem>>) semaphore(%arg23 : memref<!tpu.dma_semaphore, #tpu.memory_space<semaphore_mem>>)
        %mul3A_145 = arith.constant 5 : i32
        %mul3A_146 = arith.muli %scan3A_57, %mul3A_145 : i32
        %add3A_147 = arith.constant 1 : i32
        %add3A_148 = arith.addi %mul3A_146, %add3A_147 : i32
        %mul3A_149 = arith.constant 128 : i32
        %mul3A_150 = arith.muli %add3A_148, %mul3A_149 : i32
        %add3A_151 = arith.addi %mul3A_2, %mul3A_150 : i32
        %dma_wait3A_152 = tpu.memref_slice %arg2[%add3A_151] : memref<1638400xi32, #tpu.memory_space<hbm>> -> memref<128xi32, #tpu.memory_space<hbm>>
        %dma_wait3A_153 = tpu.memref_slice %arg2[%add3A_151] : memref<1638400xi32, #tpu.memory_space<hbm>> -> memref<128xi32, #tpu.memory_space<hbm>>
        tpu.wait_dma2 semaphore(%arg19 : memref<!tpu.dma_semaphore, #tpu.memory_space<semaphore_mem>>) src(%dma_wait3A_153 : memref<128xi32, #tpu.memory_space<hbm>>) dst(%arg8 : memref<128xi32, #tpu.memory_space<vmem>>)
        %dma_start3A_154 = arith.constant 0 : i32
        %dma_start3A_155 = arith.constant 0 : i32
        %dma_start3A_156 = tpu.memref_slice %arg4[%dma_start3A_154, %dma_start3A_155] : memref<100000x32xf32, #tpu.memory_space<hbm>> -> memref<100000x32xf32, #tpu.memory_space<hbm>>
        tpu.enqueue_indirect_dma source(%dma_start3A_156 : memref<100000x32xf32, #tpu.memory_space<hbm>>) target(%arg14 : memref<128x32xf32, #tpu.memory_space<vmem>>) offsets(%arg8 : memref<128xi32, #tpu.memory_space<vmem>>) semaphore(%arg24 : memref<!tpu.dma_semaphore, #tpu.memory_space<semaphore_mem>>)
        %mul3A_157 = arith.constant 5 : i32
        %mul3A_158 = arith.muli %scan3A_57, %mul3A_157 : i32
        %add3A_159 = arith.constant 2 : i32
        %add3A_160 = arith.addi %mul3A_158, %add3A_159 : i32
        %mul3A_161 = arith.constant 128 : i32
        %mul3A_162 = arith.muli %add3A_160, %mul3A_161 : i32
        %add3A_163 = arith.addi %mul3A_2, %mul3A_162 : i32
        %dma_wait3A_164 = tpu.memref_slice %arg2[%add3A_163] : memref<1638400xi32, #tpu.memory_space<hbm>> -> memref<128xi32, #tpu.memory_space<hbm>>
        %dma_wait3A_165 = tpu.memref_slice %arg2[%add3A_163] : memref<1638400xi32, #tpu.memory_space<hbm>> -> memref<128xi32, #tpu.memory_space<hbm>>
        tpu.wait_dma2 semaphore(%arg20 : memref<!tpu.dma_semaphore, #tpu.memory_space<semaphore_mem>>) src(%dma_wait3A_165 : memref<128xi32, #tpu.memory_space<hbm>>) dst(%arg9 : memref<128xi32, #tpu.memory_space<vmem>>)
        %dma_start3A_166 = arith.constant 0 : i32
        %dma_start3A_167 = arith.constant 0 : i32
        %dma_start3A_168 = tpu.memref_slice %arg4[%dma_start3A_166, %dma_start3A_167] : memref<100000x32xf32, #tpu.memory_space<hbm>> -> memref<100000x32xf32, #tpu.memory_space<hbm>>
        tpu.enqueue_indirect_dma source(%dma_start3A_168 : memref<100000x32xf32, #tpu.memory_space<hbm>>) target(%arg15 : memref<128x32xf32, #tpu.memory_space<vmem>>) offsets(%arg9 : memref<128xi32, #tpu.memory_space<vmem>>) semaphore(%arg25 : memref<!tpu.dma_semaphore, #tpu.memory_space<semaphore_mem>>)
        %mul3A_169 = arith.constant 5 : i32
        %mul3A_170 = arith.muli %scan3A_57, %mul3A_169 : i32
        %add3A_171 = arith.constant 3 : i32
        %add3A_172 = arith.addi %mul3A_170, %add3A_171 : i32
        %mul3A_173 = arith.constant 128 : i32
        %mul3A_174 = arith.muli %add3A_172, %mul3A_173 : i32
        %add3A_175 = arith.addi %mul3A_2, %mul3A_174 : i32
        %dma_wait3A_176 = tpu.memref_slice %arg2[%add3A_175] : memref<1638400xi32, #tpu.memory_space<hbm>> -> memref<128xi32, #tpu.memory_space<hbm>>
        %dma_wait3A_177 = tpu.memref_slice %arg2[%add3A_175] : memref<1638400xi32, #tpu.memory_space<hbm>> -> memref<128xi32, #tpu.memory_space<hbm>>
        tpu.wait_dma2 semaphore(%arg21 : memref<!tpu.dma_semaphore, #tpu.memory_space<semaphore_mem>>) src(%dma_wait3A_177 : memref<128xi32, #tpu.memory_space<hbm>>) dst(%arg10 : memref<128xi32, #tpu.memory_space<vmem>>)
        %dma_start3A_178 = arith.constant 0 : i32
        %dma_start3A_179 = arith.constant 0 : i32
        %dma_start3A_180 = tpu.memref_slice %arg4[%dma_start3A_178, %dma_start3A_179] : memref<100000x32xf32, #tpu.memory_space<hbm>> -> memref<100000x32xf32, #tpu.memory_space<hbm>>
        tpu.enqueue_indirect_dma source(%dma_start3A_180 : memref<100000x32xf32, #tpu.memory_space<hbm>>) target(%arg16 : memref<128x32xf32, #tpu.memory_space<vmem>>) offsets(%arg10 : memref<128xi32, #tpu.memory_space<vmem>>) semaphore(%arg26 : memref<!tpu.dma_semaphore, #tpu.memory_space<semaphore_mem>>)
        %mul3A_181 = arith.constant 5 : i32
        %mul3A_182 = arith.muli %scan3A_57, %mul3A_181 : i32
        %add3A_183 = arith.constant 4 : i32
        %add3A_184 = arith.addi %mul3A_182, %add3A_183 : i32
        %mul3A_185 = arith.constant 128 : i32
        %mul3A_186 = arith.muli %add3A_184, %mul3A_185 : i32
        %add3A_187 = arith.addi %mul3A_2, %mul3A_186 : i32
        %dma_wait3A_188 = tpu.memref_slice %arg2[%add3A_187] : memref<1638400xi32, #tpu.memory_space<hbm>> -> memref<128xi32, #tpu.memory_space<hbm>>
        %dma_wait3A_189 = tpu.memref_slice %arg2[%add3A_187] : memref<1638400xi32, #tpu.memory_space<hbm>> -> memref<128xi32, #tpu.memory_space<hbm>>
        tpu.wait_dma2 semaphore(%arg22 : memref<!tpu.dma_semaphore, #tpu.memory_space<semaphore_mem>>) src(%dma_wait3A_189 : memref<128xi32, #tpu.memory_space<hbm>>) dst(%arg11 : memref<128xi32, #tpu.memory_space<vmem>>)
        %dma_start3A_190 = arith.constant 0 : i32
        %dma_start3A_191 = arith.constant 0 : i32
        %dma_start3A_192 = tpu.memref_slice %arg4[%dma_start3A_190, %dma_start3A_191] : memref<100000x32xf32, #tpu.memory_space<hbm>> -> memref<100000x32xf32, #tpu.memory_space<hbm>>
        tpu.enqueue_indirect_dma source(%dma_start3A_192 : memref<100000x32xf32, #tpu.memory_space<hbm>>) target(%arg17 : memref<128x32xf32, #tpu.memory_space<vmem>>) offsets(%arg11 : memref<128xi32, #tpu.memory_space<vmem>>) semaphore(%arg27 : memref<!tpu.dma_semaphore, #tpu.memory_space<semaphore_mem>>)
        %mul3A_193 = arith.constant 5 : i32
        %mul3A_194 = arith.muli %scan3A_57, %mul3A_193 : i32
        %add3A_195 = arith.constant 0 : i32
        %add3A_196 = arith.addi %mul3A_194, %add3A_195 : i32
        %dma_wait3A_197 = arith.constant 0 : i32
        %dma_wait3A_198 = arith.constant 0 : i32
        %dma_wait3A_199 = tpu.memref_slice %arg4[%dma_wait3A_197, %dma_wait3A_198] : memref<100000x32xf32, #tpu.memory_space<hbm>> -> memref<100000x32xf32, #tpu.memory_space<hbm>>
        tpu.wait_indirect_dma semaphore(%arg23 : memref<!tpu.dma_semaphore, #tpu.memory_space<semaphore_mem>>) src(%dma_wait3A_199 : memref<100000x32xf32, #tpu.memory_space<hbm>>) dst(%arg13 : memref<128x32xf32, #tpu.memory_space<vmem>>)
        %dma_start3A_200 = arith.constant 0 : i32
        %dma_start3A_201 = tpu.memref_slice %arg12[%add3A_196, %dma_start3A_200] : memref<40x128xi32, #tpu.memory_space<vmem>> -> memref<1x128xi32, #tpu.memory_space<vmem>>
        %dma_start3A_202 = tpu.memref_squeeze %dma_start3A_201 : memref<1x128xi32, #tpu.memory_space<vmem>> -> memref<128xi32, #tpu.memory_space<vmem>>
        %dma_start3A_203 = arith.constant 0 : i32
        %dma_start3A_204 = arith.constant 0 : i32
        %dma_start3A_205 = tpu.memref_slice %arg33[%dma_start3A_203, %dma_start3A_204] : memref<50048x32xf32, #tpu.memory_space<vmem_shared>> -> memref<50048x32xf32, #tpu.memory_space<vmem_shared>>
        tpu.enqueue_indirect_dma source(%arg13 : memref<128x32xf32, #tpu.memory_space<vmem>>) target(%dma_start3A_205 : memref<50048x32xf32, #tpu.memory_space<vmem_shared>>) offsets(%dma_start3A_202 : memref<128xi32, #tpu.memory_space<vmem>>) semaphore(%arg28 : memref<!tpu.dma_semaphore, #tpu.memory_space<semaphore_mem>>) {add = true}
        %mul3A_206 = arith.constant 5 : i32
        %mul3A_207 = arith.muli %scan3A_57, %mul3A_206 : i32
        %add3A_208 = arith.constant 1 : i32
        %add3A_209 = arith.addi %mul3A_207, %add3A_208 : i32
        %dma_wait3A_210 = arith.constant 0 : i32
        %dma_wait3A_211 = arith.constant 0 : i32
        %dma_wait3A_212 = tpu.memref_slice %arg4[%dma_wait3A_210, %dma_wait3A_211] : memref<100000x32xf32, #tpu.memory_space<hbm>> -> memref<100000x32xf32, #tpu.memory_space<hbm>>
        tpu.wait_indirect_dma semaphore(%arg24 : memref<!tpu.dma_semaphore, #tpu.memory_space<semaphore_mem>>) src(%dma_wait3A_212 : memref<100000x32xf32, #tpu.memory_space<hbm>>) dst(%arg14 : memref<128x32xf32, #tpu.memory_space<vmem>>)
        %dma_start3A_213 = arith.constant 0 : i32
        %dma_start3A_214 = tpu.memref_slice %arg12[%add3A_209, %dma_start3A_213] : memref<40x128xi32, #tpu.memory_space<vmem>> -> memref<1x128xi32, #tpu.memory_space<vmem>>
        %dma_start3A_215 = tpu.memref_squeeze %dma_start3A_214 : memref<1x128xi32, #tpu.memory_space<vmem>> -> memref<128xi32, #tpu.memory_space<vmem>>
        %dma_start3A_216 = arith.constant 0 : i32
        %dma_start3A_217 = arith.constant 0 : i32
        %dma_start3A_218 = tpu.memref_slice %arg33[%dma_start3A_216, %dma_start3A_217] : memref<50048x32xf32, #tpu.memory_space<vmem_shared>> -> memref<50048x32xf32, #tpu.memory_space<vmem_shared>>
        tpu.enqueue_indirect_dma source(%arg14 : memref<128x32xf32, #tpu.memory_space<vmem>>) target(%dma_start3A_218 : memref<50048x32xf32, #tpu.memory_space<vmem_shared>>) offsets(%dma_start3A_215 : memref<128xi32, #tpu.memory_space<vmem>>) semaphore(%arg29 : memref<!tpu.dma_semaphore, #tpu.memory_space<semaphore_mem>>) {add = true}
        %mul3A_219 = arith.constant 5 : i32
        %mul3A_220 = arith.muli %scan3A_57, %mul3A_219 : i32
        %add3A_221 = arith.constant 2 : i32
        %add3A_222 = arith.addi %mul3A_220, %add3A_221 : i32
        %dma_wait3A_223 = arith.constant 0 : i32
        %dma_wait3A_224 = arith.constant 0 : i32
        %dma_wait3A_225 = tpu.memref_slice %arg4[%dma_wait3A_223, %dma_wait3A_224] : memref<100000x32xf32, #tpu.memory_space<hbm>> -> memref<100000x32xf32, #tpu.memory_space<hbm>>
        tpu.wait_indirect_dma semaphore(%arg25 : memref<!tpu.dma_semaphore, #tpu.memory_space<semaphore_mem>>) src(%dma_wait3A_225 : memref<100000x32xf32, #tpu.memory_space<hbm>>) dst(%arg15 : memref<128x32xf32, #tpu.memory_space<vmem>>)
        %dma_start3A_226 = arith.constant 0 : i32
        %dma_start3A_227 = tpu.memref_slice %arg12[%add3A_222, %dma_start3A_226] : memref<40x128xi32, #tpu.memory_space<vmem>> -> memref<1x128xi32, #tpu.memory_space<vmem>>
        %dma_start3A_228 = tpu.memref_squeeze %dma_start3A_227 : memref<1x128xi32, #tpu.memory_space<vmem>> -> memref<128xi32, #tpu.memory_space<vmem>>
        %dma_start3A_229 = arith.constant 0 : i32
        %dma_start3A_230 = arith.constant 0 : i32
        %dma_start3A_231 = tpu.memref_slice %arg33[%dma_start3A_229, %dma_start3A_230] : memref<50048x32xf32, #tpu.memory_space<vmem_shared>> -> memref<50048x32xf32, #tpu.memory_space<vmem_shared>>
        tpu.enqueue_indirect_dma source(%arg15 : memref<128x32xf32, #tpu.memory_space<vmem>>) target(%dma_start3A_231 : memref<50048x32xf32, #tpu.memory_space<vmem_shared>>) offsets(%dma_start3A_228 : memref<128xi32, #tpu.memory_space<vmem>>) semaphore(%arg30 : memref<!tpu.dma_semaphore, #tpu.memory_space<semaphore_mem>>) {add = true}
        %mul3A_232 = arith.constant 5 : i32
        %mul3A_233 = arith.muli %scan3A_57, %mul3A_232 : i32
        %add3A_234 = arith.constant 3 : i32
        %add3A_235 = arith.addi %mul3A_233, %add3A_234 : i32
        %dma_wait3A_236 = arith.constant 0 : i32
        %dma_wait3A_237 = arith.constant 0 : i32
        %dma_wait3A_238 = tpu.memref_slice %arg4[%dma_wait3A_236, %dma_wait3A_237] : memref<100000x32xf32, #tpu.memory_space<hbm>> -> memref<100000x32xf32, #tpu.memory_space<hbm>>
        tpu.wait_indirect_dma semaphore(%arg26 : memref<!tpu.dma_semaphore, #tpu.memory_space<semaphore_mem>>) src(%dma_wait3A_238 : memref<100000x32xf32, #tpu.memory_space<hbm>>) dst(%arg16 : memref<128x32xf32, #tpu.memory_space<vmem>>)
        %dma_start3A_239 = arith.constant 0 : i32
        %dma_start3A_240 = tpu.memref_slice %arg12[%add3A_235, %dma_start3A_239] : memref<40x128xi32, #tpu.memory_space<vmem>> -> memref<1x128xi32, #tpu.memory_space<vmem>>
        %dma_start3A_241 = tpu.memref_squeeze %dma_start3A_240 : memref<1x128xi32, #tpu.memory_space<vmem>> -> memref<128xi32, #tpu.memory_space<vmem>>
        %dma_start3A_242 = arith.constant 0 : i32
        %dma_start3A_243 = arith.constant 0 : i32
        %dma_start3A_244 = tpu.memref_slice %arg33[%dma_start3A_242, %dma_start3A_243] : memref<50048x32xf32, #tpu.memory_space<vmem_shared>> -> memref<50048x32xf32, #tpu.memory_space<vmem_shared>>
        tpu.enqueue_indirect_dma source(%arg16 : memref<128x32xf32, #tpu.memory_space<vmem>>) target(%dma_start3A_244 : memref<50048x32xf32, #tpu.memory_space<vmem_shared>>) offsets(%dma_start3A_241 : memref<128xi32, #tpu.memory_space<vmem>>) semaphore(%arg31 : memref<!tpu.dma_semaphore, #tpu.memory_space<semaphore_mem>>) {add = true}
        %mul3A_245 = arith.constant 5 : i32
        %mul3A_246 = arith.muli %scan3A_57, %mul3A_245 : i32
        %add3A_247 = arith.constant 4 : i32
        %add3A_248 = arith.addi %mul3A_246, %add3A_247 : i32
        %dma_wait3A_249 = arith.constant 0 : i32
        %dma_wait3A_250 = arith.constant 0 : i32
        %dma_wait3A_251 = tpu.memref_slice %arg4[%dma_wait3A_249, %dma_wait3A_250] : memref<100000x32xf32, #tpu.memory_space<hbm>> -> memref<100000x32xf32, #tpu.memory_space<hbm>>
        tpu.wait_indirect_dma semaphore(%arg27 : memref<!tpu.dma_semaphore, #tpu.memory_space<semaphore_mem>>) src(%dma_wait3A_251 : memref<100000x32xf32, #tpu.memory_space<hbm>>) dst(%arg17 : memref<128x32xf32, #tpu.memory_space<vmem>>)
        %dma_start3A_252 = arith.constant 0 : i32
        %dma_start3A_253 = tpu.memref_slice %arg12[%add3A_248, %dma_start3A_252] : memref<40x128xi32, #tpu.memory_space<vmem>> -> memref<1x128xi32, #tpu.memory_space<vmem>>
        %dma_start3A_254 = tpu.memref_squeeze %dma_start3A_253 : memref<1x128xi32, #tpu.memory_space<vmem>> -> memref<128xi32, #tpu.memory_space<vmem>>
        %dma_start3A_255 = arith.constant 0 : i32
        %dma_start3A_256 = arith.constant 0 : i32
        %dma_start3A_257 = tpu.memref_slice %arg33[%dma_start3A_255, %dma_start3A_256] : memref<50048x32xf32, #tpu.memory_space<vmem_shared>> -> memref<50048x32xf32, #tpu.memory_space<vmem_shared>>
        tpu.enqueue_indirect_dma source(%arg17 : memref<128x32xf32, #tpu.memory_space<vmem>>) target(%dma_start3A_257 : memref<50048x32xf32, #tpu.memory_space<vmem_shared>>) offsets(%dma_start3A_254 : memref<128xi32, #tpu.memory_space<vmem>>) semaphore(%arg32 : memref<!tpu.dma_semaphore, #tpu.memory_space<semaphore_mem>>) {add = true}
      }
      %scan3A_56 = arith.constant 8 : i32
    }
    %scan3A_9 = arith.constant 10 : i32
    %dma_wait3A = arith.constant 35 : i32
    %dma_wait3A_10 = arith.constant 0 : i32
    %dma_wait3A_11 = tpu.memref_slice %arg12[%dma_wait3A, %dma_wait3A_10] : memref<40x128xi32, #tpu.memory_space<vmem>> -> memref<1x128xi32, #tpu.memory_space<vmem>>
    %dma_wait3A_12 = tpu.memref_squeeze %dma_wait3A_11 : memref<1x128xi32, #tpu.memory_space<vmem>> -> memref<128xi32, #tpu.memory_space<vmem>>
    %dma_wait3A_13 = arith.constant 0 : i32
    %dma_wait3A_14 = arith.constant 0 : i32
    %dma_wait3A_15 = tpu.memref_slice %arg33[%dma_wait3A_13, %dma_wait3A_14] : memref<50048x32xf32, #tpu.memory_space<vmem_shared>> -> memref<50048x32xf32, #tpu.memory_space<vmem_shared>>
    tpu.wait_indirect_dma semaphore(%arg28 : memref<!tpu.dma_semaphore, #tpu.memory_space<semaphore_mem>>) src(%arg13 : memref<128x32xf32, #tpu.memory_space<vmem>>) dst(%dma_wait3A_15 : memref<50048x32xf32, #tpu.memory_space<vmem_shared>>)
    %dma_wait3A_16 = arith.constant 36 : i32
    %dma_wait3A_17 = arith.constant 0 : i32
    %dma_wait3A_18 = tpu.memref_slice %arg12[%dma_wait3A_16, %dma_wait3A_17] : memref<40x128xi32, #tpu.memory_space<vmem>> -> memref<1x128xi32, #tpu.memory_space<vmem>>
    %dma_wait3A_19 = tpu.memref_squeeze %dma_wait3A_18 : memref<1x128xi32, #tpu.memory_space<vmem>> -> memref<128xi32, #tpu.memory_space<vmem>>
    %dma_wait3A_20 = arith.constant 0 : i32
    %dma_wait3A_21 = arith.constant 0 : i32
    %dma_wait3A_22 = tpu.memref_slice %arg33[%dma_wait3A_20, %dma_wait3A_21] : memref<50048x32xf32, #tpu.memory_space<vmem_shared>> -> memref<50048x32xf32, #tpu.memory_space<vmem_shared>>
    tpu.wait_indirect_dma semaphore(%arg29 : memref<!tpu.dma_semaphore, #tpu.memory_space<semaphore_mem>>) src(%arg14 : memref<128x32xf32, #tpu.memory_space<vmem>>) dst(%dma_wait3A_22 : memref<50048x32xf32, #tpu.memory_space<vmem_shared>>)
    %dma_wait3A_23 = arith.constant 37 : i32
    %dma_wait3A_24 = arith.constant 0 : i32
    %dma_wait3A_25 = tpu.memref_slice %arg12[%dma_wait3A_23, %dma_wait3A_24] : memref<40x128xi32, #tpu.memory_space<vmem>> -> memref<1x128xi32, #tpu.memory_space<vmem>>
    %dma_wait3A_26 = tpu.memref_squeeze %dma_wait3A_25 : memref<1x128xi32, #tpu.memory_space<vmem>> -> memref<128xi32, #tpu.memory_space<vmem>>
    %dma_wait3A_27 = arith.constant 0 : i32
    %dma_wait3A_28 = arith.constant 0 : i32
    %dma_wait3A_29 = tpu.memref_slice %arg33[%dma_wait3A_27, %dma_wait3A_28] : memref<50048x32xf32, #tpu.memory_space<vmem_shared>> -> memref<50048x32xf32, #tpu.memory_space<vmem_shared>>
    tpu.wait_indirect_dma semaphore(%arg30 : memref<!tpu.dma_semaphore, #tpu.memory_space<semaphore_mem>>) src(%arg15 : memref<128x32xf32, #tpu.memory_space<vmem>>) dst(%dma_wait3A_29 : memref<50048x32xf32, #tpu.memory_space<vmem_shared>>)
    %dma_wait3A_30 = arith.constant 38 : i32
    %dma_wait3A_31 = arith.constant 0 : i32
    %dma_wait3A_32 = tpu.memref_slice %arg12[%dma_wait3A_30, %dma_wait3A_31] : memref<40x128xi32, #tpu.memory_space<vmem>> -> memref<1x128xi32, #tpu.memory_space<vmem>>
    %dma_wait3A_33 = tpu.memref_squeeze %dma_wait3A_32 : memref<1x128xi32, #tpu.memory_space<vmem>> -> memref<128xi32, #tpu.memory_space<vmem>>
    %dma_wait3A_34 = arith.constant 0 : i32
    %dma_wait3A_35 = arith.constant 0 : i32
    %dma_wait3A_36 = tpu.memref_slice %arg33[%dma_wait3A_34, %dma_wait3A_35] : memref<50048x32xf32, #tpu.memory_space<vmem_shared>> -> memref<50048x32xf32, #tpu.memory_space<vmem_shared>>
    tpu.wait_indirect_dma semaphore(%arg31 : memref<!tpu.dma_semaphore, #tpu.memory_space<semaphore_mem>>) src(%arg16 : memref<128x32xf32, #tpu.memory_space<vmem>>) dst(%dma_wait3A_36 : memref<50048x32xf32, #tpu.memory_space<vmem_shared>>)
    %dma_wait3A_37 = arith.constant 39 : i32
    %dma_wait3A_38 = arith.constant 0 : i32
    %dma_wait3A_39 = tpu.memref_slice %arg12[%dma_wait3A_37, %dma_wait3A_38] : memref<40x128xi32, #tpu.memory_space<vmem>> -> memref<1x128xi32, #tpu.memory_space<vmem>>
    %dma_wait3A_40 = tpu.memref_squeeze %dma_wait3A_39 : memref<1x128xi32, #tpu.memory_space<vmem>> -> memref<128xi32, #tpu.memory_space<vmem>>
    %dma_wait3A_41 = arith.constant 0 : i32
    %dma_wait3A_42 = arith.constant 0 : i32
    %dma_wait3A_43 = tpu.memref_slice %arg33[%dma_wait3A_41, %dma_wait3A_42] : memref<50048x32xf32, #tpu.memory_space<vmem_shared>> -> memref<50048x32xf32, #tpu.memory_space<vmem_shared>>
    tpu.wait_indirect_dma semaphore(%arg32 : memref<!tpu.dma_semaphore, #tpu.memory_space<semaphore_mem>>) src(%arg17 : memref<128x32xf32, #tpu.memory_space<vmem>>) dst(%dma_wait3A_43 : memref<50048x32xf32, #tpu.memory_space<vmem_shared>>)
    %barrier3A_44 = arith.constant 0 : index
    tpu.barrier barrier_id(%barrier3A_44)
    %mul3A_45 = arith.constant 3128 : i32
    %mul3A_46 = arith.muli %arg1, %mul3A_45 : i32
    %mul3A_47 = arith.constant 3128 : i32
    %mul3A_48 = arith.muli %arg1, %mul3A_47 : i32
    "tpu.region"() ({
      %run_scoped3A = tpu.sem_alloc : memref<!tpu.dma_semaphore, #tpu.memory_space<semaphore_mem>>
      %dma_start3A = arith.constant 0 : i32
      %dma_start3A_49 = tpu.memref_slice %arg6[%arg0, %mul3A_48, %dma_start3A] : memref<2x50048x32xf32, #tpu.memory_space<hbm>> -> memref<1x3128x32xf32, #tpu.memory_space<hbm>>
      %dma_start3A_50 = tpu.memref_squeeze %dma_start3A_49 : memref<1x3128x32xf32, #tpu.memory_space<hbm>> -> memref<3128x32xf32, #tpu.memory_space<hbm>>
      %dma_start3A_51 = arith.constant 0 : i32
      %dma_start3A_52 = tpu.memref_slice %arg33[%mul3A_46, %dma_start3A_51] : memref<50048x32xf32, #tpu.memory_space<vmem_shared>> -> memref<3128x32xf32, #tpu.memory_space<vmem_shared>>
      tpu.enqueue_dma source(%dma_start3A_52 : memref<3128x32xf32, #tpu.memory_space<vmem_shared>>) target(%dma_start3A_50 : memref<3128x32xf32, #tpu.memory_space<hbm>>) target_semaphore(%run_scoped3A : memref<!tpu.dma_semaphore, #tpu.memory_space<semaphore_mem>>)
      %dma_wait3A_53 = arith.constant 0 : i32
      %dma_wait3A_54 = tpu.memref_slice %arg6[%arg0, %mul3A_48, %dma_wait3A_53] : memref<2x50048x32xf32, #tpu.memory_space<hbm>> -> memref<1x3128x32xf32, #tpu.memory_space<hbm>>
      %dma_wait3A_55 = tpu.memref_squeeze %dma_wait3A_54 : memref<1x3128x32xf32, #tpu.memory_space<hbm>> -> memref<3128x32xf32, #tpu.memory_space<hbm>>
      %dma_wait3A_56 = arith.constant 0 : i32
      %dma_wait3A_57 = tpu.memref_slice %arg33[%mul3A_46, %dma_wait3A_56] : memref<50048x32xf32, #tpu.memory_space<vmem_shared>> -> memref<3128x32xf32, #tpu.memory_space<vmem_shared>>
      tpu.wait_dma2 semaphore(%run_scoped3A : memref<!tpu.dma_semaphore, #tpu.memory_space<semaphore_mem>>) src(%dma_wait3A_57 : memref<3128x32xf32, #tpu.memory_space<vmem_shared>>) dst(%dma_wait3A_55 : memref<3128x32xf32, #tpu.memory_space<hbm>>)
      tpu.yield
    }) : () -> ()
    return
  }
}

#map = affine_map<(d0, d1) -> (0)>
#map1 = affine_map<(d0, d1) -> (0, 0, 0)>
#map2 = affine_map<(d0, d1) -> (0, 0)>
module attributes {stable_mosaic.version = 14 : i64} {
  func.func @gs_kernel(%arg0: i32, %arg1: i32, %arg2: memref<1638400xi32, #tpu.memory_space<hbm>>, %arg3: memref<16x400x128xi32, #tpu.memory_space<hbm>>, %arg4: memref<100000x32xf32, #tpu.memory_space<hbm>>, %arg5: memref<3128x32xf32, #tpu.memory_space<hbm>>, %arg6: memref<2x50048x32xf32, #tpu.memory_space<hbm>>, %arg7: memref<128xi32, #tpu.memory_space<vmem>>, %arg8: memref<128xi32, #tpu.memory_space<vmem>>, %arg9: memref<128xi32, #tpu.memory_space<vmem>>, %arg10: memref<128xi32, #tpu.memory_space<vmem>>, %arg11: memref<128xi32, #tpu.memory_space<vmem>>, %arg12: memref<40x128xi32, #tpu.memory_space<vmem>>, %arg13: memref<128x32xf32, #tpu.memory_space<vmem>>, %arg14: memref<128x32xf32, #tpu.memory_space<vmem>>, %arg15: memref<128x32xf32, #tpu.memory_space<vmem>>, %arg16: memref<128x32xf32, #tpu.memory_space<vmem>>, %arg17: memref<128x32xf32, #tpu.memory_space<vmem>>, %arg18: memref<!tpu.dma_semaphore, #tpu.memory_space<semaphore_mem>>, %arg19: memref<!tpu.dma_semaphore, #tpu.memory_space<semaphore_mem>>, %arg20: memref<!tpu.dma_semaphore, #tpu.memory_space<semaphore_mem>>, %arg21: memref<!tpu.dma_semaphore, #tpu.memory_space<semaphore_mem>>, %arg22: memref<!tpu.dma_semaphore, #tpu.memory_space<semaphore_mem>>, %arg23: memref<!tpu.dma_semaphore, #tpu.memory_space<semaphore_mem>>, %arg24: memref<!tpu.dma_semaphore, #tpu.memory_space<semaphore_mem>>, %arg25: memref<!tpu.dma_semaphore, #tpu.memory_space<semaphore_mem>>, %arg26: memref<!tpu.dma_semaphore, #tpu.memory_space<semaphore_mem>>, %arg27: memref<!tpu.dma_semaphore, #tpu.memory_space<semaphore_mem>>, %arg28: memref<!tpu.dma_semaphore, #tpu.memory_space<semaphore_mem>>, %arg29: memref<!tpu.dma_semaphore, #tpu.memory_space<semaphore_mem>>, %arg30: memref<!tpu.dma_semaphore, #tpu.memory_space<semaphore_mem>>, %arg31: memref<!tpu.dma_semaphore, #tpu.memory_space<semaphore_mem>>, %arg32: memref<!tpu.dma_semaphore, #tpu.memory_space<semaphore_mem>>, %arg33: memref<50048x32xf32, #tpu.memory_space<vmem_shared>>) attributes {dimension_semantics = [#tpu.dimension_semantics<core_parallel>, #tpu.dimension_semantics<subcore_parallel>], iteration_bounds = array<i64: 2, 16>, scalar_prefetch = 0 : i64, scratch_operands = 27 : i64, tpu.core_type = #tpu.core_type<sc_vector_subcore>, window_params = [{transform_indices = #map}, {transform_indices = #map1}, {transform_indices = #map2}, {transform_indices = #map2}, {transform_indices = #map1}]} {
    %mul3A = arith.constant 16 : i32
    %mul3A_0 = arith.muli %arg0, %mul3A : i32
    %add3A = arith.addi %mul3A_0, %arg1 : i32
    %mul3A_1 = arith.constant 51200 : i32
    %mul3A_2 = arith.muli %add3A, %mul3A_1 : i32
    %mul3A_3 = arith.constant 3128 : i32
    %mul3A_4 = arith.muli %arg1, %mul3A_3 : i32
    "tpu.region"() ({
      %run_scoped3A = tpu.sem_alloc : memref<!tpu.dma_semaphore, #tpu.memory_space<semaphore_mem>>
      %dma_start3A = arith.constant 0 : i32
      %dma_start3A_49 = tpu.memref_slice %arg33[%mul3A_4, %dma_start3A] : memref<50048x32xf32, #tpu.memory_space<vmem_shared>> -> memref<3128x32xf32, #tpu.memory_space<vmem_shared>>
      tpu.enqueue_dma source(%arg5 : memref<3128x32xf32, #tpu.memory_space<hbm>>) target(%dma_start3A_49 : memref<3128x32xf32, #tpu.memory_space<vmem_shared>>) target_semaphore(%run_scoped3A : memref<!tpu.dma_semaphore, #tpu.memory_space<semaphore_mem>>)
      %dma_wait3A_50 = arith.constant 0 : i32
      %dma_wait3A_51 = tpu.memref_slice %arg33[%mul3A_4, %dma_wait3A_50] : memref<50048x32xf32, #tpu.memory_space<vmem_shared>> -> memref<3128x32xf32, #tpu.memory_space<vmem_shared>>
      tpu.wait_dma2 semaphore(%run_scoped3A : memref<!tpu.dma_semaphore, #tpu.memory_space<semaphore_mem>>) src(%arg5 : memref<3128x32xf32, #tpu.memory_space<hbm>>) dst(%dma_wait3A_51 : memref<3128x32xf32, #tpu.memory_space<vmem_shared>>)
      tpu.yield
    }) : () -> ()
    %barrier3A = arith.constant 0 : index
    tpu.barrier barrier_id(%barrier3A)
    %scan3A = arith.constant 0 : i32
    %scan3A_5 = arith.constant 0 : i32
    %scan3A_6 = arith.constant 10 : i32
    %scan3A_7 = arith.addi %scan3A_5, %scan3A_6 : i32
    %scan3A_8 = arith.constant 1 : i32
    scf.for %scan3A_49 = %scan3A_5 to %scan3A_7 step %scan3A_8  : i32 {
      %mul3A_50 = arith.constant 40 : i32
      %mul3A_51 = arith.muli %scan3A_49, %mul3A_50 : i32
      "tpu.region"() ({
        %run_scoped3A = tpu.sem_alloc : memref<!tpu.dma_semaphore, #tpu.memory_space<semaphore_mem>>
        %dma_start3A = arith.constant 0 : i32
        %dma_start3A_57 = tpu.memref_slice %arg3[%arg1, %mul3A_51, %dma_start3A] : memref<16x400x128xi32, #tpu.memory_space<hbm>> -> memref<1x40x128xi32, #tpu.memory_space<hbm>>
        %dma_start3A_58 = tpu.memref_squeeze %dma_start3A_57 : memref<1x40x128xi32, #tpu.memory_space<hbm>> -> memref<40x128xi32, #tpu.memory_space<hbm>>
        %dma_start3A_59 = arith.constant 0 : i32
        %dma_start3A_60 = tpu.memref_slice %arg3[%arg1, %mul3A_51, %dma_start3A_59] : memref<16x400x128xi32, #tpu.memory_space<hbm>> -> memref<1x40x128xi32, #tpu.memory_space<hbm>>
        %dma_start3A_61 = tpu.memref_squeeze %dma_start3A_60 : memref<1x40x128xi32, #tpu.memory_space<hbm>> -> memref<40x128xi32, #tpu.memory_space<hbm>>
        tpu.enqueue_dma source(%dma_start3A_61 : memref<40x128xi32, #tpu.memory_space<hbm>>) target(%arg12 : memref<40x128xi32, #tpu.memory_space<vmem>>) target_semaphore(%run_scoped3A : memref<!tpu.dma_semaphore, #tpu.memory_space<semaphore_mem>>)
        %dma_wait3A_62 = arith.constant 0 : i32
        %dma_wait3A_63 = tpu.memref_slice %arg3[%arg1, %mul3A_51, %dma_wait3A_62] : memref<16x400x128xi32, #tpu.memory_space<hbm>> -> memref<1x40x128xi32, #tpu.memory_space<hbm>>
        %dma_wait3A_64 = tpu.memref_squeeze %dma_wait3A_63 : memref<1x40x128xi32, #tpu.memory_space<hbm>> -> memref<40x128xi32, #tpu.memory_space<hbm>>
        %dma_wait3A_65 = arith.constant 0 : i32
        %dma_wait3A_66 = tpu.memref_slice %arg3[%arg1, %mul3A_51, %dma_wait3A_65] : memref<16x400x128xi32, #tpu.memory_space<hbm>> -> memref<1x40x128xi32, #tpu.memory_space<hbm>>
        %dma_wait3A_67 = tpu.memref_squeeze %dma_wait3A_66 : memref<1x40x128xi32, #tpu.memory_space<hbm>> -> memref<40x128xi32, #tpu.memory_space<hbm>>
        tpu.wait_dma2 semaphore(%run_scoped3A : memref<!tpu.dma_semaphore, #tpu.memory_space<semaphore_mem>>) src(%dma_wait3A_67 : memref<40x128xi32, #tpu.memory_space<hbm>>) dst(%arg12 : memref<40x128xi32, #tpu.memory_space<vmem>>)
        tpu.yield
      }) : () -> ()
      %scan3A_52 = arith.constant 0 : i32
      %scan3A_53 = arith.constant 8 : i32
      %scan3A_54 = arith.addi %scan3A_52, %scan3A_53 : i32
      %scan3A_55 = arith.constant 1 : i32
      scf.for %scan3A_57 = %scan3A_52 to %scan3A_54 step %scan3A_55  : i32 {
        %gt3A = arith.constant 0 : i32
        %gt3A_58 = arith.cmpi sgt, %scan3A_49, %gt3A : i32
        %gt3A_59 = arith.constant 0 : i32
        %gt3A_60 = arith.cmpi sgt, %scan3A_57, %gt3A_59 : i32
        %or3A = arith.ori %gt3A_58, %gt3A_60 : i1
        %mul3A_61 = arith.constant 5 : i32
        %mul3A_62 = arith.muli %scan3A_57, %mul3A_61 : i32
        %add3A_63 = arith.constant 0 : i32
        %add3A_64 = arith.addi %mul3A_62, %add3A_63 : i32
        %mul3A_65 = arith.constant 40 : i32
        %mul3A_66 = arith.muli %scan3A_49, %mul3A_65 : i32
        %add3A_67 = arith.addi %mul3A_66, %add3A_64 : i32
        %mul3A_68 = arith.constant 128 : i32
        %mul3A_69 = arith.muli %add3A_67, %mul3A_68 : i32
        %add3A_70 = arith.addi %mul3A_2, %mul3A_69 : i32
        %convert_element_type3A = arith.extui %or3A : i1 to i32
        %cond3A = arith.constant 0 : i32
        %cond3A_71 = arith.cmpi ne, %convert_element_type3A, %cond3A : i32
        scf.if %cond3A_71 {
          %dma_wait3A_258 = arith.constant 0 : i32
          %dma_wait3A_259 = tpu.memref_slice %arg12[%add3A_64, %dma_wait3A_258] : memref<40x128xi32, #tpu.memory_space<vmem>> -> memref<1x128xi32, #tpu.memory_space<vmem>>
          %dma_wait3A_260 = tpu.memref_squeeze %dma_wait3A_259 : memref<1x128xi32, #tpu.memory_space<vmem>> -> memref<128xi32, #tpu.memory_space<vmem>>
          %dma_wait3A_261 = arith.constant 0 : i32
          %dma_wait3A_262 = arith.constant 0 : i32
          %dma_wait3A_263 = tpu.memref_slice %arg33[%dma_wait3A_261, %dma_wait3A_262] : memref<50048x32xf32, #tpu.memory_space<vmem_shared>> -> memref<50048x32xf32, #tpu.memory_space<vmem_shared>>
          tpu.wait_indirect_dma semaphore(%arg28 : memref<!tpu.dma_semaphore, #tpu.memory_space<semaphore_mem>>) src(%arg13 : memref<128x32xf32, #tpu.memory_space<vmem>>) dst(%dma_wait3A_263 : memref<50048x32xf32, #tpu.memory_space<vmem_shared>>)
        } else {
        }
        %dma_start3A = tpu.memref_slice %arg2[%add3A_70] : memref<1638400xi32, #tpu.memory_space<hbm>> -> memref<128xi32, #tpu.memory_space<hbm>>
        %dma_start3A_72 = tpu.memref_slice %arg2[%add3A_70] : memref<1638400xi32, #tpu.memory_space<hbm>> -> memref<128xi32, #tpu.memory_space<hbm>>
        tpu.enqueue_dma source(%dma_start3A_72 : memref<128xi32, #tpu.memory_space<hbm>>) target(%arg7 : memref<128xi32, #tpu.memory_space<vmem>>) target_semaphore(%arg18 : memref<!tpu.dma_semaphore, #tpu.memory_space<semaphore_mem>>)
        %mul3A_73 = arith.constant 5 : i32
        %mul3A_74 = arith.muli %scan3A_57, %mul3A_73 : i32
        %add3A_75 = arith.constant 1 : i32
        %add3A_76 = arith.addi %mul3A_74, %add3A_75 : i32
        %mul3A_77 = arith.constant 40 : i32
        %mul3A_78 = arith.muli %scan3A_49, %mul3A_77 : i32
        %add3A_79 = arith.addi %mul3A_78, %add3A_76 : i32
        %mul3A_80 = arith.constant 128 : i32
        %mul3A_81 = arith.muli %add3A_79, %mul3A_80 : i32
        %add3A_82 = arith.addi %mul3A_2, %mul3A_81 : i32
        %convert_element_type3A_83 = arith.extui %or3A : i1 to i32
        %cond3A_84 = arith.constant 0 : i32
        %cond3A_85 = arith.cmpi ne, %convert_element_type3A_83, %cond3A_84 : i32
        scf.if %cond3A_85 {
          %dma_wait3A_258 = arith.constant 0 : i32
          %dma_wait3A_259 = tpu.memref_slice %arg12[%add3A_76, %dma_wait3A_258] : memref<40x128xi32, #tpu.memory_space<vmem>> -> memref<1x128xi32, #tpu.memory_space<vmem>>
          %dma_wait3A_260 = tpu.memref_squeeze %dma_wait3A_259 : memref<1x128xi32, #tpu.memory_space<vmem>> -> memref<128xi32, #tpu.memory_space<vmem>>
          %dma_wait3A_261 = arith.constant 0 : i32
          %dma_wait3A_262 = arith.constant 0 : i32
          %dma_wait3A_263 = tpu.memref_slice %arg33[%dma_wait3A_261, %dma_wait3A_262] : memref<50048x32xf32, #tpu.memory_space<vmem_shared>> -> memref<50048x32xf32, #tpu.memory_space<vmem_shared>>
          tpu.wait_indirect_dma semaphore(%arg29 : memref<!tpu.dma_semaphore, #tpu.memory_space<semaphore_mem>>) src(%arg14 : memref<128x32xf32, #tpu.memory_space<vmem>>) dst(%dma_wait3A_263 : memref<50048x32xf32, #tpu.memory_space<vmem_shared>>)
        } else {
        }
        %dma_start3A_86 = tpu.memref_slice %arg2[%add3A_82] : memref<1638400xi32, #tpu.memory_space<hbm>> -> memref<128xi32, #tpu.memory_space<hbm>>
        %dma_start3A_87 = tpu.memref_slice %arg2[%add3A_82] : memref<1638400xi32, #tpu.memory_space<hbm>> -> memref<128xi32, #tpu.memory_space<hbm>>
        tpu.enqueue_dma source(%dma_start3A_87 : memref<128xi32, #tpu.memory_space<hbm>>) target(%arg8 : memref<128xi32, #tpu.memory_space<vmem>>) target_semaphore(%arg19 : memref<!tpu.dma_semaphore, #tpu.memory_space<semaphore_mem>>)
        %mul3A_88 = arith.constant 5 : i32
        %mul3A_89 = arith.muli %scan3A_57, %mul3A_88 : i32
        %add3A_90 = arith.constant 2 : i32
        %add3A_91 = arith.addi %mul3A_89, %add3A_90 : i32
        %mul3A_92 = arith.constant 40 : i32
        %mul3A_93 = arith.muli %scan3A_49, %mul3A_92 : i32
        %add3A_94 = arith.addi %mul3A_93, %add3A_91 : i32
        %mul3A_95 = arith.constant 128 : i32
        %mul3A_96 = arith.muli %add3A_94, %mul3A_95 : i32
        %add3A_97 = arith.addi %mul3A_2, %mul3A_96 : i32
        %convert_element_type3A_98 = arith.extui %or3A : i1 to i32
        %cond3A_99 = arith.constant 0 : i32
        %cond3A_100 = arith.cmpi ne, %convert_element_type3A_98, %cond3A_99 : i32
        scf.if %cond3A_100 {
          %dma_wait3A_258 = arith.constant 0 : i32
          %dma_wait3A_259 = tpu.memref_slice %arg12[%add3A_91, %dma_wait3A_258] : memref<40x128xi32, #tpu.memory_space<vmem>> -> memref<1x128xi32, #tpu.memory_space<vmem>>
          %dma_wait3A_260 = tpu.memref_squeeze %dma_wait3A_259 : memref<1x128xi32, #tpu.memory_space<vmem>> -> memref<128xi32, #tpu.memory_space<vmem>>
          %dma_wait3A_261 = arith.constant 0 : i32
          %dma_wait3A_262 = arith.constant 0 : i32
          %dma_wait3A_263 = tpu.memref_slice %arg33[%dma_wait3A_261, %dma_wait3A_262] : memref<50048x32xf32, #tpu.memory_space<vmem_shared>> -> memref<50048x32xf32, #tpu.memory_space<vmem_shared>>
          tpu.wait_indirect_dma semaphore(%arg30 : memref<!tpu.dma_semaphore, #tpu.memory_space<semaphore_mem>>) src(%arg15 : memref<128x32xf32, #tpu.memory_space<vmem>>) dst(%dma_wait3A_263 : memref<50048x32xf32, #tpu.memory_space<vmem_shared>>)
        } else {
        }
        %dma_start3A_101 = tpu.memref_slice %arg2[%add3A_97] : memref<1638400xi32, #tpu.memory_space<hbm>> -> memref<128xi32, #tpu.memory_space<hbm>>
        %dma_start3A_102 = tpu.memref_slice %arg2[%add3A_97] : memref<1638400xi32, #tpu.memory_space<hbm>> -> memref<128xi32, #tpu.memory_space<hbm>>
        tpu.enqueue_dma source(%dma_start3A_102 : memref<128xi32, #tpu.memory_space<hbm>>) target(%arg9 : memref<128xi32, #tpu.memory_space<vmem>>) target_semaphore(%arg20 : memref<!tpu.dma_semaphore, #tpu.memory_space<semaphore_mem>>)
        %mul3A_103 = arith.constant 5 : i32
        %mul3A_104 = arith.muli %scan3A_57, %mul3A_103 : i32
        %add3A_105 = arith.constant 3 : i32
        %add3A_106 = arith.addi %mul3A_104, %add3A_105 : i32
        %mul3A_107 = arith.constant 40 : i32
        %mul3A_108 = arith.muli %scan3A_49, %mul3A_107 : i32
        %add3A_109 = arith.addi %mul3A_108, %add3A_106 : i32
        %mul3A_110 = arith.constant 128 : i32
        %mul3A_111 = arith.muli %add3A_109, %mul3A_110 : i32
        %add3A_112 = arith.addi %mul3A_2, %mul3A_111 : i32
        %convert_element_type3A_113 = arith.extui %or3A : i1 to i32
        %cond3A_114 = arith.constant 0 : i32
        %cond3A_115 = arith.cmpi ne, %convert_element_type3A_113, %cond3A_114 : i32
        scf.if %cond3A_115 {
          %dma_wait3A_258 = arith.constant 0 : i32
          %dma_wait3A_259 = tpu.memref_slice %arg12[%add3A_106, %dma_wait3A_258] : memref<40x128xi32, #tpu.memory_space<vmem>> -> memref<1x128xi32, #tpu.memory_space<vmem>>
          %dma_wait3A_260 = tpu.memref_squeeze %dma_wait3A_259 : memref<1x128xi32, #tpu.memory_space<vmem>> -> memref<128xi32, #tpu.memory_space<vmem>>
          %dma_wait3A_261 = arith.constant 0 : i32
          %dma_wait3A_262 = arith.constant 0 : i32
          %dma_wait3A_263 = tpu.memref_slice %arg33[%dma_wait3A_261, %dma_wait3A_262] : memref<50048x32xf32, #tpu.memory_space<vmem_shared>> -> memref<50048x32xf32, #tpu.memory_space<vmem_shared>>
          tpu.wait_indirect_dma semaphore(%arg31 : memref<!tpu.dma_semaphore, #tpu.memory_space<semaphore_mem>>) src(%arg16 : memref<128x32xf32, #tpu.memory_space<vmem>>) dst(%dma_wait3A_263 : memref<50048x32xf32, #tpu.memory_space<vmem_shared>>)
        } else {
        }
        %dma_start3A_116 = tpu.memref_slice %arg2[%add3A_112] : memref<1638400xi32, #tpu.memory_space<hbm>> -> memref<128xi32, #tpu.memory_space<hbm>>
        %dma_start3A_117 = tpu.memref_slice %arg2[%add3A_112] : memref<1638400xi32, #tpu.memory_space<hbm>> -> memref<128xi32, #tpu.memory_space<hbm>>
        tpu.enqueue_dma source(%dma_start3A_117 : memref<128xi32, #tpu.memory_space<hbm>>) target(%arg10 : memref<128xi32, #tpu.memory_space<vmem>>) target_semaphore(%arg21 : memref<!tpu.dma_semaphore, #tpu.memory_space<semaphore_mem>>)
        %mul3A_118 = arith.constant 5 : i32
        %mul3A_119 = arith.muli %scan3A_57, %mul3A_118 : i32
        %add3A_120 = arith.constant 4 : i32
        %add3A_121 = arith.addi %mul3A_119, %add3A_120 : i32
        %mul3A_122 = arith.constant 40 : i32
        %mul3A_123 = arith.muli %scan3A_49, %mul3A_122 : i32
        %add3A_124 = arith.addi %mul3A_123, %add3A_121 : i32
        %mul3A_125 = arith.constant 128 : i32
        %mul3A_126 = arith.muli %add3A_124, %mul3A_125 : i32
        %add3A_127 = arith.addi %mul3A_2, %mul3A_126 : i32
        %convert_element_type3A_128 = arith.extui %or3A : i1 to i32
        %cond3A_129 = arith.constant 0 : i32
        %cond3A_130 = arith.cmpi ne, %convert_element_type3A_128, %cond3A_129 : i32
        scf.if %cond3A_130 {
          %dma_wait3A_258 = arith.constant 0 : i32
          %dma_wait3A_259 = tpu.memref_slice %arg12[%add3A_121, %dma_wait3A_258] : memref<40x128xi32, #tpu.memory_space<vmem>> -> memref<1x128xi32, #tpu.memory_space<vmem>>
          %dma_wait3A_260 = tpu.memref_squeeze %dma_wait3A_259 : memref<1x128xi32, #tpu.memory_space<vmem>> -> memref<128xi32, #tpu.memory_space<vmem>>
          %dma_wait3A_261 = arith.constant 0 : i32
          %dma_wait3A_262 = arith.constant 0 : i32
          %dma_wait3A_263 = tpu.memref_slice %arg33[%dma_wait3A_261, %dma_wait3A_262] : memref<50048x32xf32, #tpu.memory_space<vmem_shared>> -> memref<50048x32xf32, #tpu.memory_space<vmem_shared>>
          tpu.wait_indirect_dma semaphore(%arg32 : memref<!tpu.dma_semaphore, #tpu.memory_space<semaphore_mem>>) src(%arg17 : memref<128x32xf32, #tpu.memory_space<vmem>>) dst(%dma_wait3A_263 : memref<50048x32xf32, #tpu.memory_space<vmem_shared>>)
        } else {
        }
        %dma_start3A_131 = tpu.memref_slice %arg2[%add3A_127] : memref<1638400xi32, #tpu.memory_space<hbm>> -> memref<128xi32, #tpu.memory_space<hbm>>
        %dma_start3A_132 = tpu.memref_slice %arg2[%add3A_127] : memref<1638400xi32, #tpu.memory_space<hbm>> -> memref<128xi32, #tpu.memory_space<hbm>>
        tpu.enqueue_dma source(%dma_start3A_132 : memref<128xi32, #tpu.memory_space<hbm>>) target(%arg11 : memref<128xi32, #tpu.memory_space<vmem>>) target_semaphore(%arg22 : memref<!tpu.dma_semaphore, #tpu.memory_space<semaphore_mem>>)
        %mul3A_133 = arith.constant 5 : i32
        %mul3A_134 = arith.muli %scan3A_57, %mul3A_133 : i32
        %add3A_135 = arith.constant 0 : i32
        %add3A_136 = arith.addi %mul3A_134, %add3A_135 : i32
        %mul3A_137 = arith.constant 128 : i32
        %mul3A_138 = arith.muli %add3A_136, %mul3A_137 : i32
        %add3A_139 = arith.addi %mul3A_2, %mul3A_138 : i32
        %dma_wait3A_140 = tpu.memref_slice %arg2[%add3A_139] : memref<1638400xi32, #tpu.memory_space<hbm>> -> memref<128xi32, #tpu.memory_space<hbm>>
        %dma_wait3A_141 = tpu.memref_slice %arg2[%add3A_139] : memref<1638400xi32, #tpu.memory_space<hbm>> -> memref<128xi32, #tpu.memory_space<hbm>>
        tpu.wait_dma2 semaphore(%arg18 : memref<!tpu.dma_semaphore, #tpu.memory_space<semaphore_mem>>) src(%dma_wait3A_141 : memref<128xi32, #tpu.memory_space<hbm>>) dst(%arg7 : memref<128xi32, #tpu.memory_space<vmem>>)
        %dma_start3A_142 = arith.constant 0 : i32
        %dma_start3A_143 = arith.constant 0 : i32
        %dma_start3A_144 = tpu.memref_slice %arg4[%dma_start3A_142, %dma_start3A_143] : memref<100000x32xf32, #tpu.memory_space<hbm>> -> memref<100000x32xf32, #tpu.memory_space<hbm>>
        tpu.enqueue_indirect_dma source(%dma_start3A_144 : memref<100000x32xf32, #tpu.memory_space<hbm>>) target(%arg13 : memref<128x32xf32, #tpu.memory_space<vmem>>) offsets(%arg7 : memref<128xi32, #tpu.memory_space<vmem>>) semaphore(%arg23 : memref<!tpu.dma_semaphore, #tpu.memory_space<semaphore_mem>>)
        %mul3A_145 = arith.constant 5 : i32
        %mul3A_146 = arith.muli %scan3A_57, %mul3A_145 : i32
        %add3A_147 = arith.constant 1 : i32
        %add3A_148 = arith.addi %mul3A_146, %add3A_147 : i32
        %mul3A_149 = arith.constant 128 : i32
        %mul3A_150 = arith.muli %add3A_148, %mul3A_149 : i32
        %add3A_151 = arith.addi %mul3A_2, %mul3A_150 : i32
        %dma_wait3A_152 = tpu.memref_slice %arg2[%add3A_151] : memref<1638400xi32, #tpu.memory_space<hbm>> -> memref<128xi32, #tpu.memory_space<hbm>>
        %dma_wait3A_153 = tpu.memref_slice %arg2[%add3A_151] : memref<1638400xi32, #tpu.memory_space<hbm>> -> memref<128xi32, #tpu.memory_space<hbm>>
        tpu.wait_dma2 semaphore(%arg19 : memref<!tpu.dma_semaphore, #tpu.memory_space<semaphore_mem>>) src(%dma_wait3A_153 : memref<128xi32, #tpu.memory_space<hbm>>) dst(%arg8 : memref<128xi32, #tpu.memory_space<vmem>>)
        %dma_start3A_154 = arith.constant 0 : i32
        %dma_start3A_155 = arith.constant 0 : i32
        %dma_start3A_156 = tpu.memref_slice %arg4[%dma_start3A_154, %dma_start3A_155] : memref<100000x32xf32, #tpu.memory_space<hbm>> -> memref<100000x32xf32, #tpu.memory_space<hbm>>
        tpu.enqueue_indirect_dma source(%dma_start3A_156 : memref<100000x32xf32, #tpu.memory_space<hbm>>) target(%arg14 : memref<128x32xf32, #tpu.memory_space<vmem>>) offsets(%arg8 : memref<128xi32, #tpu.memory_space<vmem>>) semaphore(%arg24 : memref<!tpu.dma_semaphore, #tpu.memory_space<semaphore_mem>>)
        %mul3A_157 = arith.constant 5 : i32
        %mul3A_158 = arith.muli %scan3A_57, %mul3A_157 : i32
        %add3A_159 = arith.constant 2 : i32
        %add3A_160 = arith.addi %mul3A_158, %add3A_159 : i32
        %mul3A_161 = arith.constant 128 : i32
        %mul3A_162 = arith.muli %add3A_160, %mul3A_161 : i32
        %add3A_163 = arith.addi %mul3A_2, %mul3A_162 : i32
        %dma_wait3A_164 = tpu.memref_slice %arg2[%add3A_163] : memref<1638400xi32, #tpu.memory_space<hbm>> -> memref<128xi32, #tpu.memory_space<hbm>>
        %dma_wait3A_165 = tpu.memref_slice %arg2[%add3A_163] : memref<1638400xi32, #tpu.memory_space<hbm>> -> memref<128xi32, #tpu.memory_space<hbm>>
        tpu.wait_dma2 semaphore(%arg20 : memref<!tpu.dma_semaphore, #tpu.memory_space<semaphore_mem>>) src(%dma_wait3A_165 : memref<128xi32, #tpu.memory_space<hbm>>) dst(%arg9 : memref<128xi32, #tpu.memory_space<vmem>>)
        %dma_start3A_166 = arith.constant 0 : i32
        %dma_start3A_167 = arith.constant 0 : i32
        %dma_start3A_168 = tpu.memref_slice %arg4[%dma_start3A_166, %dma_start3A_167] : memref<100000x32xf32, #tpu.memory_space<hbm>> -> memref<100000x32xf32, #tpu.memory_space<hbm>>
        tpu.enqueue_indirect_dma source(%dma_start3A_168 : memref<100000x32xf32, #tpu.memory_space<hbm>>) target(%arg15 : memref<128x32xf32, #tpu.memory_space<vmem>>) offsets(%arg9 : memref<128xi32, #tpu.memory_space<vmem>>) semaphore(%arg25 : memref<!tpu.dma_semaphore, #tpu.memory_space<semaphore_mem>>)
        %mul3A_169 = arith.constant 5 : i32
        %mul3A_170 = arith.muli %scan3A_57, %mul3A_169 : i32
        %add3A_171 = arith.constant 3 : i32
        %add3A_172 = arith.addi %mul3A_170, %add3A_171 : i32
        %mul3A_173 = arith.constant 128 : i32
        %mul3A_174 = arith.muli %add3A_172, %mul3A_173 : i32
        %add3A_175 = arith.addi %mul3A_2, %mul3A_174 : i32
        %dma_wait3A_176 = tpu.memref_slice %arg2[%add3A_175] : memref<1638400xi32, #tpu.memory_space<hbm>> -> memref<128xi32, #tpu.memory_space<hbm>>
        %dma_wait3A_177 = tpu.memref_slice %arg2[%add3A_175] : memref<1638400xi32, #tpu.memory_space<hbm>> -> memref<128xi32, #tpu.memory_space<hbm>>
        tpu.wait_dma2 semaphore(%arg21 : memref<!tpu.dma_semaphore, #tpu.memory_space<semaphore_mem>>) src(%dma_wait3A_177 : memref<128xi32, #tpu.memory_space<hbm>>) dst(%arg10 : memref<128xi32, #tpu.memory_space<vmem>>)
        %dma_start3A_178 = arith.constant 0 : i32
        %dma_start3A_179 = arith.constant 0 : i32
        %dma_start3A_180 = tpu.memref_slice %arg4[%dma_start3A_178, %dma_start3A_179] : memref<100000x32xf32, #tpu.memory_space<hbm>> -> memref<100000x32xf32, #tpu.memory_space<hbm>>
        tpu.enqueue_indirect_dma source(%dma_start3A_180 : memref<100000x32xf32, #tpu.memory_space<hbm>>) target(%arg16 : memref<128x32xf32, #tpu.memory_space<vmem>>) offsets(%arg10 : memref<128xi32, #tpu.memory_space<vmem>>) semaphore(%arg26 : memref<!tpu.dma_semaphore, #tpu.memory_space<semaphore_mem>>)
        %mul3A_181 = arith.constant 5 : i32
        %mul3A_182 = arith.muli %scan3A_57, %mul3A_181 : i32
        %add3A_183 = arith.constant 4 : i32
        %add3A_184 = arith.addi %mul3A_182, %add3A_183 : i32
        %mul3A_185 = arith.constant 128 : i32
        %mul3A_186 = arith.muli %add3A_184, %mul3A_185 : i32
        %add3A_187 = arith.addi %mul3A_2, %mul3A_186 : i32
        %dma_wait3A_188 = tpu.memref_slice %arg2[%add3A_187] : memref<1638400xi32, #tpu.memory_space<hbm>> -> memref<128xi32, #tpu.memory_space<hbm>>
        %dma_wait3A_189 = tpu.memref_slice %arg2[%add3A_187] : memref<1638400xi32, #tpu.memory_space<hbm>> -> memref<128xi32, #tpu.memory_space<hbm>>
        tpu.wait_dma2 semaphore(%arg22 : memref<!tpu.dma_semaphore, #tpu.memory_space<semaphore_mem>>) src(%dma_wait3A_189 : memref<128xi32, #tpu.memory_space<hbm>>) dst(%arg11 : memref<128xi32, #tpu.memory_space<vmem>>)
        %dma_start3A_190 = arith.constant 0 : i32
        %dma_start3A_191 = arith.constant 0 : i32
        %dma_start3A_192 = tpu.memref_slice %arg4[%dma_start3A_190, %dma_start3A_191] : memref<100000x32xf32, #tpu.memory_space<hbm>> -> memref<100000x32xf32, #tpu.memory_space<hbm>>
        tpu.enqueue_indirect_dma source(%dma_start3A_192 : memref<100000x32xf32, #tpu.memory_space<hbm>>) target(%arg17 : memref<128x32xf32, #tpu.memory_space<vmem>>) offsets(%arg11 : memref<128xi32, #tpu.memory_space<vmem>>) semaphore(%arg27 : memref<!tpu.dma_semaphore, #tpu.memory_space<semaphore_mem>>)
        %mul3A_193 = arith.constant 5 : i32
        %mul3A_194 = arith.muli %scan3A_57, %mul3A_193 : i32
        %add3A_195 = arith.constant 0 : i32
        %add3A_196 = arith.addi %mul3A_194, %add3A_195 : i32
        %dma_wait3A_197 = arith.constant 0 : i32
        %dma_wait3A_198 = arith.constant 0 : i32
        %dma_wait3A_199 = tpu.memref_slice %arg4[%dma_wait3A_197, %dma_wait3A_198] : memref<100000x32xf32, #tpu.memory_space<hbm>> -> memref<100000x32xf32, #tpu.memory_space<hbm>>
        tpu.wait_indirect_dma semaphore(%arg23 : memref<!tpu.dma_semaphore, #tpu.memory_space<semaphore_mem>>) src(%dma_wait3A_199 : memref<100000x32xf32, #tpu.memory_space<hbm>>) dst(%arg13 : memref<128x32xf32, #tpu.memory_space<vmem>>)
        %dma_start3A_200 = arith.constant 0 : i32
        %dma_start3A_201 = tpu.memref_slice %arg12[%add3A_196, %dma_start3A_200] : memref<40x128xi32, #tpu.memory_space<vmem>> -> memref<1x128xi32, #tpu.memory_space<vmem>>
        %dma_start3A_202 = tpu.memref_squeeze %dma_start3A_201 : memref<1x128xi32, #tpu.memory_space<vmem>> -> memref<128xi32, #tpu.memory_space<vmem>>
        %dma_start3A_203 = arith.constant 0 : i32
        %dma_start3A_204 = arith.constant 0 : i32
        %dma_start3A_205 = tpu.memref_slice %arg33[%dma_start3A_203, %dma_start3A_204] : memref<50048x32xf32, #tpu.memory_space<vmem_shared>> -> memref<50048x32xf32, #tpu.memory_space<vmem_shared>>
        tpu.enqueue_indirect_dma source(%arg13 : memref<128x32xf32, #tpu.memory_space<vmem>>) target(%dma_start3A_205 : memref<50048x32xf32, #tpu.memory_space<vmem_shared>>) offsets(%dma_start3A_202 : memref<128xi32, #tpu.memory_space<vmem>>) semaphore(%arg28 : memref<!tpu.dma_semaphore, #tpu.memory_space<semaphore_mem>>) {add = true}
        %mul3A_206 = arith.constant 5 : i32
        %mul3A_207 = arith.muli %scan3A_57, %mul3A_206 : i32
        %add3A_208 = arith.constant 1 : i32
        %add3A_209 = arith.addi %mul3A_207, %add3A_208 : i32
        %dma_wait3A_210 = arith.constant 0 : i32
        %dma_wait3A_211 = arith.constant 0 : i32
        %dma_wait3A_212 = tpu.memref_slice %arg4[%dma_wait3A_210, %dma_wait3A_211] : memref<100000x32xf32, #tpu.memory_space<hbm>> -> memref<100000x32xf32, #tpu.memory_space<hbm>>
        tpu.wait_indirect_dma semaphore(%arg24 : memref<!tpu.dma_semaphore, #tpu.memory_space<semaphore_mem>>) src(%dma_wait3A_212 : memref<100000x32xf32, #tpu.memory_space<hbm>>) dst(%arg14 : memref<128x32xf32, #tpu.memory_space<vmem>>)
        %dma_start3A_213 = arith.constant 0 : i32
        %dma_start3A_214 = tpu.memref_slice %arg12[%add3A_209, %dma_start3A_213] : memref<40x128xi32, #tpu.memory_space<vmem>> -> memref<1x128xi32, #tpu.memory_space<vmem>>
        %dma_start3A_215 = tpu.memref_squeeze %dma_start3A_214 : memref<1x128xi32, #tpu.memory_space<vmem>> -> memref<128xi32, #tpu.memory_space<vmem>>
        %dma_start3A_216 = arith.constant 0 : i32
        %dma_start3A_217 = arith.constant 0 : i32
        %dma_start3A_218 = tpu.memref_slice %arg33[%dma_start3A_216, %dma_start3A_217] : memref<50048x32xf32, #tpu.memory_space<vmem_shared>> -> memref<50048x32xf32, #tpu.memory_space<vmem_shared>>
        tpu.enqueue_indirect_dma source(%arg14 : memref<128x32xf32, #tpu.memory_space<vmem>>) target(%dma_start3A_218 : memref<50048x32xf32, #tpu.memory_space<vmem_shared>>) offsets(%dma_start3A_215 : memref<128xi32, #tpu.memory_space<vmem>>) semaphore(%arg29 : memref<!tpu.dma_semaphore, #tpu.memory_space<semaphore_mem>>) {add = true}
        %mul3A_219 = arith.constant 5 : i32
        %mul3A_220 = arith.muli %scan3A_57, %mul3A_219 : i32
        %add3A_221 = arith.constant 2 : i32
        %add3A_222 = arith.addi %mul3A_220, %add3A_221 : i32
        %dma_wait3A_223 = arith.constant 0 : i32
        %dma_wait3A_224 = arith.constant 0 : i32
        %dma_wait3A_225 = tpu.memref_slice %arg4[%dma_wait3A_223, %dma_wait3A_224] : memref<100000x32xf32, #tpu.memory_space<hbm>> -> memref<100000x32xf32, #tpu.memory_space<hbm>>
        tpu.wait_indirect_dma semaphore(%arg25 : memref<!tpu.dma_semaphore, #tpu.memory_space<semaphore_mem>>) src(%dma_wait3A_225 : memref<100000x32xf32, #tpu.memory_space<hbm>>) dst(%arg15 : memref<128x32xf32, #tpu.memory_space<vmem>>)
        %dma_start3A_226 = arith.constant 0 : i32
        %dma_start3A_227 = tpu.memref_slice %arg12[%add3A_222, %dma_start3A_226] : memref<40x128xi32, #tpu.memory_space<vmem>> -> memref<1x128xi32, #tpu.memory_space<vmem>>
        %dma_start3A_228 = tpu.memref_squeeze %dma_start3A_227 : memref<1x128xi32, #tpu.memory_space<vmem>> -> memref<128xi32, #tpu.memory_space<vmem>>
        %dma_start3A_229 = arith.constant 0 : i32
        %dma_start3A_230 = arith.constant 0 : i32
        %dma_start3A_231 = tpu.memref_slice %arg33[%dma_start3A_229, %dma_start3A_230] : memref<50048x32xf32, #tpu.memory_space<vmem_shared>> -> memref<50048x32xf32, #tpu.memory_space<vmem_shared>>
        tpu.enqueue_indirect_dma source(%arg15 : memref<128x32xf32, #tpu.memory_space<vmem>>) target(%dma_start3A_231 : memref<50048x32xf32, #tpu.memory_space<vmem_shared>>) offsets(%dma_start3A_228 : memref<128xi32, #tpu.memory_space<vmem>>) semaphore(%arg30 : memref<!tpu.dma_semaphore, #tpu.memory_space<semaphore_mem>>) {add = true}
        %mul3A_232 = arith.constant 5 : i32
        %mul3A_233 = arith.muli %scan3A_57, %mul3A_232 : i32
        %add3A_234 = arith.constant 3 : i32
        %add3A_235 = arith.addi %mul3A_233, %add3A_234 : i32
        %dma_wait3A_236 = arith.constant 0 : i32
        %dma_wait3A_237 = arith.constant 0 : i32
        %dma_wait3A_238 = tpu.memref_slice %arg4[%dma_wait3A_236, %dma_wait3A_237] : memref<100000x32xf32, #tpu.memory_space<hbm>> -> memref<100000x32xf32, #tpu.memory_space<hbm>>
        tpu.wait_indirect_dma semaphore(%arg26 : memref<!tpu.dma_semaphore, #tpu.memory_space<semaphore_mem>>) src(%dma_wait3A_238 : memref<100000x32xf32, #tpu.memory_space<hbm>>) dst(%arg16 : memref<128x32xf32, #tpu.memory_space<vmem>>)
        %dma_start3A_239 = arith.constant 0 : i32
        %dma_start3A_240 = tpu.memref_slice %arg12[%add3A_235, %dma_start3A_239] : memref<40x128xi32, #tpu.memory_space<vmem>> -> memref<1x128xi32, #tpu.memory_space<vmem>>
        %dma_start3A_241 = tpu.memref_squeeze %dma_start3A_240 : memref<1x128xi32, #tpu.memory_space<vmem>> -> memref<128xi32, #tpu.memory_space<vmem>>
        %dma_start3A_242 = arith.constant 0 : i32
        %dma_start3A_243 = arith.constant 0 : i32
        %dma_start3A_244 = tpu.memref_slice %arg33[%dma_start3A_242, %dma_start3A_243] : memref<50048x32xf32, #tpu.memory_space<vmem_shared>> -> memref<50048x32xf32, #tpu.memory_space<vmem_shared>>
        tpu.enqueue_indirect_dma source(%arg16 : memref<128x32xf32, #tpu.memory_space<vmem>>) target(%dma_start3A_244 : memref<50048x32xf32, #tpu.memory_space<vmem_shared>>) offsets(%dma_start3A_241 : memref<128xi32, #tpu.memory_space<vmem>>) semaphore(%arg31 : memref<!tpu.dma_semaphore, #tpu.memory_space<semaphore_mem>>) {add = true}
        %mul3A_245 = arith.constant 5 : i32
        %mul3A_246 = arith.muli %scan3A_57, %mul3A_245 : i32
        %add3A_247 = arith.constant 4 : i32
        %add3A_248 = arith.addi %mul3A_246, %add3A_247 : i32
        %dma_wait3A_249 = arith.constant 0 : i32
        %dma_wait3A_250 = arith.constant 0 : i32
        %dma_wait3A_251 = tpu.memref_slice %arg4[%dma_wait3A_249, %dma_wait3A_250] : memref<100000x32xf32, #tpu.memory_space<hbm>> -> memref<100000x32xf32, #tpu.memory_space<hbm>>
        tpu.wait_indirect_dma semaphore(%arg27 : memref<!tpu.dma_semaphore, #tpu.memory_space<semaphore_mem>>) src(%dma_wait3A_251 : memref<100000x32xf32, #tpu.memory_space<hbm>>) dst(%arg17 : memref<128x32xf32, #tpu.memory_space<vmem>>)
        %dma_start3A_252 = arith.constant 0 : i32
        %dma_start3A_253 = tpu.memref_slice %arg12[%add3A_248, %dma_start3A_252] : memref<40x128xi32, #tpu.memory_space<vmem>> -> memref<1x128xi32, #tpu.memory_space<vmem>>
        %dma_start3A_254 = tpu.memref_squeeze %dma_start3A_253 : memref<1x128xi32, #tpu.memory_space<vmem>> -> memref<128xi32, #tpu.memory_space<vmem>>
        %dma_start3A_255 = arith.constant 0 : i32
        %dma_start3A_256 = arith.constant 0 : i32
        %dma_start3A_257 = tpu.memref_slice %arg33[%dma_start3A_255, %dma_start3A_256] : memref<50048x32xf32, #tpu.memory_space<vmem_shared>> -> memref<50048x32xf32, #tpu.memory_space<vmem_shared>>
        tpu.enqueue_indirect_dma source(%arg17 : memref<128x32xf32, #tpu.memory_space<vmem>>) target(%dma_start3A_257 : memref<50048x32xf32, #tpu.memory_space<vmem_shared>>) offsets(%dma_start3A_254 : memref<128xi32, #tpu.memory_space<vmem>>) semaphore(%arg32 : memref<!tpu.dma_semaphore, #tpu.memory_space<semaphore_mem>>) {add = true}
      }
      %scan3A_56 = arith.constant 8 : i32
    }
    %scan3A_9 = arith.constant 10 : i32
    %dma_wait3A = arith.constant 35 : i32
    %dma_wait3A_10 = arith.constant 0 : i32
    %dma_wait3A_11 = tpu.memref_slice %arg12[%dma_wait3A, %dma_wait3A_10] : memref<40x128xi32, #tpu.memory_space<vmem>> -> memref<1x128xi32, #tpu.memory_space<vmem>>
    %dma_wait3A_12 = tpu.memref_squeeze %dma_wait3A_11 : memref<1x128xi32, #tpu.memory_space<vmem>> -> memref<128xi32, #tpu.memory_space<vmem>>
    %dma_wait3A_13 = arith.constant 0 : i32
    %dma_wait3A_14 = arith.constant 0 : i32
    %dma_wait3A_15 = tpu.memref_slice %arg33[%dma_wait3A_13, %dma_wait3A_14] : memref<50048x32xf32, #tpu.memory_space<vmem_shared>> -> memref<50048x32xf32, #tpu.memory_space<vmem_shared>>
    tpu.wait_indirect_dma semaphore(%arg28 : memref<!tpu.dma_semaphore, #tpu.memory_space<semaphore_mem>>) src(%arg13 : memref<128x32xf32, #tpu.memory_space<vmem>>) dst(%dma_wait3A_15 : memref<50048x32xf32, #tpu.memory_space<vmem_shared>>)
    %dma_wait3A_16 = arith.constant 36 : i32
    %dma_wait3A_17 = arith.constant 0 : i32
    %dma_wait3A_18 = tpu.memref_slice %arg12[%dma_wait3A_16, %dma_wait3A_17] : memref<40x128xi32, #tpu.memory_space<vmem>> -> memref<1x128xi32, #tpu.memory_space<vmem>>
    %dma_wait3A_19 = tpu.memref_squeeze %dma_wait3A_18 : memref<1x128xi32, #tpu.memory_space<vmem>> -> memref<128xi32, #tpu.memory_space<vmem>>
    %dma_wait3A_20 = arith.constant 0 : i32
    %dma_wait3A_21 = arith.constant 0 : i32
    %dma_wait3A_22 = tpu.memref_slice %arg33[%dma_wait3A_20, %dma_wait3A_21] : memref<50048x32xf32, #tpu.memory_space<vmem_shared>> -> memref<50048x32xf32, #tpu.memory_space<vmem_shared>>
    tpu.wait_indirect_dma semaphore(%arg29 : memref<!tpu.dma_semaphore, #tpu.memory_space<semaphore_mem>>) src(%arg14 : memref<128x32xf32, #tpu.memory_space<vmem>>) dst(%dma_wait3A_22 : memref<50048x32xf32, #tpu.memory_space<vmem_shared>>)
    %dma_wait3A_23 = arith.constant 37 : i32
    %dma_wait3A_24 = arith.constant 0 : i32
    %dma_wait3A_25 = tpu.memref_slice %arg12[%dma_wait3A_23, %dma_wait3A_24] : memref<40x128xi32, #tpu.memory_space<vmem>> -> memref<1x128xi32, #tpu.memory_space<vmem>>
    %dma_wait3A_26 = tpu.memref_squeeze %dma_wait3A_25 : memref<1x128xi32, #tpu.memory_space<vmem>> -> memref<128xi32, #tpu.memory_space<vmem>>
    %dma_wait3A_27 = arith.constant 0 : i32
    %dma_wait3A_28 = arith.constant 0 : i32
    %dma_wait3A_29 = tpu.memref_slice %arg33[%dma_wait3A_27, %dma_wait3A_28] : memref<50048x32xf32, #tpu.memory_space<vmem_shared>> -> memref<50048x32xf32, #tpu.memory_space<vmem_shared>>
    tpu.wait_indirect_dma semaphore(%arg30 : memref<!tpu.dma_semaphore, #tpu.memory_space<semaphore_mem>>) src(%arg15 : memref<128x32xf32, #tpu.memory_space<vmem>>) dst(%dma_wait3A_29 : memref<50048x32xf32, #tpu.memory_space<vmem_shared>>)
    %dma_wait3A_30 = arith.constant 38 : i32
    %dma_wait3A_31 = arith.constant 0 : i32
    %dma_wait3A_32 = tpu.memref_slice %arg12[%dma_wait3A_30, %dma_wait3A_31] : memref<40x128xi32, #tpu.memory_space<vmem>> -> memref<1x128xi32, #tpu.memory_space<vmem>>
    %dma_wait3A_33 = tpu.memref_squeeze %dma_wait3A_32 : memref<1x128xi32, #tpu.memory_space<vmem>> -> memref<128xi32, #tpu.memory_space<vmem>>
    %dma_wait3A_34 = arith.constant 0 : i32
    %dma_wait3A_35 = arith.constant 0 : i32
    %dma_wait3A_36 = tpu.memref_slice %arg33[%dma_wait3A_34, %dma_wait3A_35] : memref<50048x32xf32, #tpu.memory_space<vmem_shared>> -> memref<50048x32xf32, #tpu.memory_space<vmem_shared>>
    tpu.wait_indirect_dma semaphore(%arg31 : memref<!tpu.dma_semaphore, #tpu.memory_space<semaphore_mem>>) src(%arg16 : memref<128x32xf32, #tpu.memory_space<vmem>>) dst(%dma_wait3A_36 : memref<50048x32xf32, #tpu.memory_space<vmem_shared>>)
    %dma_wait3A_37 = arith.constant 39 : i32
    %dma_wait3A_38 = arith.constant 0 : i32
    %dma_wait3A_39 = tpu.memref_slice %arg12[%dma_wait3A_37, %dma_wait3A_38] : memref<40x128xi32, #tpu.memory_space<vmem>> -> memref<1x128xi32, #tpu.memory_space<vmem>>
    %dma_wait3A_40 = tpu.memref_squeeze %dma_wait3A_39 : memref<1x128xi32, #tpu.memory_space<vmem>> -> memref<128xi32, #tpu.memory_space<vmem>>
    %dma_wait3A_41 = arith.constant 0 : i32
    %dma_wait3A_42 = arith.constant 0 : i32
    %dma_wait3A_43 = tpu.memref_slice %arg33[%dma_wait3A_41, %dma_wait3A_42] : memref<50048x32xf32, #tpu.memory_space<vmem_shared>> -> memref<50048x32xf32, #tpu.memory_space<vmem_shared>>
    tpu.wait_indirect_dma semaphore(%arg32 : memref<!tpu.dma_semaphore, #tpu.memory_space<semaphore_mem>>) src(%arg17 : memref<128x32xf32, #tpu.memory_space<vmem>>) dst(%dma_wait3A_43 : memref<50048x32xf32, #tpu.memory_space<vmem_shared>>)
    %barrier3A_44 = arith.constant 0 : index
    tpu.barrier barrier_id(%barrier3A_44)
    %mul3A_45 = arith.constant 3128 : i32
    %mul3A_46 = arith.muli %arg1, %mul3A_45 : i32
    %mul3A_47 = arith.constant 3128 : i32
    %mul3A_48 = arith.muli %arg1, %mul3A_47 : i32
    "tpu.region"() ({
      %run_scoped3A = tpu.sem_alloc : memref<!tpu.dma_semaphore, #tpu.memory_space<semaphore_mem>>
      %dma_start3A = arith.constant 0 : i32
      %dma_start3A_49 = tpu.memref_slice %arg6[%arg0, %mul3A_48, %dma_start3A] : memref<2x50048x32xf32, #tpu.memory_space<hbm>> -> memref<1x3128x32xf32, #tpu.memory_space<hbm>>
      %dma_start3A_50 = tpu.memref_squeeze %dma_start3A_49 : memref<1x3128x32xf32, #tpu.memory_space<hbm>> -> memref<3128x32xf32, #tpu.memory_space<hbm>>
      %dma_start3A_51 = arith.constant 0 : i32
      %dma_start3A_52 = tpu.memref_slice %arg33[%mul3A_46, %dma_start3A_51] : memref<50048x32xf32, #tpu.memory_space<vmem_shared>> -> memref<3128x32xf32, #tpu.memory_space<vmem_shared>>
      tpu.enqueue_dma source(%dma_start3A_52 : memref<3128x32xf32, #tpu.memory_space<vmem_shared>>) target(%dma_start3A_50 : memref<3128x32xf32, #tpu.memory_space<hbm>>) target_semaphore(%run_scoped3A : memref<!tpu.dma_semaphore, #tpu.memory_space<semaphore_mem>>)
      %dma_wait3A_53 = arith.constant 0 : i32
      %dma_wait3A_54 = tpu.memref_slice %arg6[%arg0, %mul3A_48, %dma_wait3A_53] : memref<2x50048x32xf32, #tpu.memory_space<hbm>> -> memref<1x3128x32xf32, #tpu.memory_space<hbm>>
      %dma_wait3A_55 = tpu.memref_squeeze %dma_wait3A_54 : memref<1x3128x32xf32, #tpu.memory_space<hbm>> -> memref<3128x32xf32, #tpu.memory_space<hbm>>
      %dma_wait3A_56 = arith.constant 0 : i32
      %dma_wait3A_57 = tpu.memref_slice %arg33[%mul3A_46, %dma_wait3A_56] : memref<50048x32xf32, #tpu.memory_space<vmem_shared>> -> memref<3128x32xf32, #tpu.memory_space<vmem_shared>>
      tpu.wait_dma2 semaphore(%run_scoped3A : memref<!tpu.dma_semaphore, #tpu.memory_space<semaphore_mem>>) src(%dma_wait3A_57 : memref<3128x32xf32, #tpu.memory_space<vmem_shared>>) dst(%dma_wait3A_55 : memref<3128x32xf32, #tpu.memory_space<hbm>>)
      tpu.yield
    }) : () -> ()
    return
  }
}

module attributes {stable_mosaic.version = 14 : i64} {
  func.func @_enc_body(%arg0: i32, %arg1: memref<1000x4xf32, #tpu.memory_space<vmem>>, %arg2: memref<1000x4xf32, #tpu.memory_space<vmem>>, %arg3: memref<2x1000x16xf32, #tpu.memory_space<vmem>>, %arg4: memref<2x1000x16xf32, #tpu.memory_space<vmem>>, %arg5: memref<4x64xf32, #tpu.memory_space<vmem>>, %arg6: memref<1x64xf32, #tpu.memory_space<vmem>>, %arg7: memref<64x64xf32, #tpu.memory_space<vmem>>, %arg8: memref<1x64xf32, #tpu.memory_space<vmem>>, %arg9: memref<64x64xf32, #tpu.memory_space<vmem>>, %arg10: memref<1000x64xf32, #tpu.memory_space<vmem>>, %arg11: memref<1000x64xf32, #tpu.memory_space<vmem>>, %arg12: memref<1000x1xf32, #tpu.memory_space<vmem>>, %arg13: memref<1000x1xf32, #tpu.memory_space<vmem>>, %arg14: memref<1000x128xf32, #tpu.memory_space<vmem>>, %arg15: memref<1x8xi32, #tpu.memory_space<vmem>>, %arg16: memref<2xi32, #tpu.memory_space<smem>>) attributes {dimension_semantics = [#tpu.dimension_semantics<arbitrary>], iteration_bounds = array<i64: 25>, scalar_prefetch = 0 : i64, scratch_operands = 1 : i64, tpu.core_type = #tpu.core_type<tc>, window_params = [{transform_indices = @transform_0, window_bounds = array<i64: 1000, 4>}, {transform_indices = @transform_1, window_bounds = array<i64: 1000, 4>}, {transform_indices = @transform_2, window_bounds = array<i64: 2, 1000, 16>}, {transform_indices = @transform_3, window_bounds = array<i64: 2, 1000, 16>}, {pipeline_mode = #tpu.pipeline_mode<synchronous>, transform_indices = @transform_4, window_bounds = array<i64: 4, 64>}, {pipeline_mode = #tpu.pipeline_mode<synchronous>, transform_indices = @transform_5, window_bounds = array<i64: 1, 64>}, {pipeline_mode = #tpu.pipeline_mode<synchronous>, transform_indices = @transform_6, window_bounds = array<i64: 64, 64>}, {pipeline_mode = #tpu.pipeline_mode<synchronous>, transform_indices = @transform_7, window_bounds = array<i64: 1, 64>}, {pipeline_mode = #tpu.pipeline_mode<synchronous>, transform_indices = @transform_8, window_bounds = array<i64: 64, 64>}, {transform_indices = @transform_9, window_bounds = array<i64: 1000, 64>}, {transform_indices = @transform_10, window_bounds = array<i64: 1000, 64>}, {transform_indices = @transform_11, window_bounds = array<i64: 1000, 1>}, {transform_indices = @transform_12, window_bounds = array<i64: 1000, 1>}, {transform_indices = @transform_13, window_bounds = array<i64: 1000, 128>}, {pipeline_mode = #tpu.pipeline_mode<synchronous>, transform_indices = @transform_14, window_bounds = array<i64: 1, 8>}]} {
    %get3A = arith.constant 0 : index
    %get3A_0 = arith.constant 0 : index
    %get3A_1 = vector.load %arg1[%get3A, %get3A_0] : memref<1000x4xf32, #tpu.memory_space<vmem>>, vector<1000x4xf32>
    %get3A_2 = arith.constant 0 : index
    %get3A_3 = arith.constant 0 : index
    %get3A_4 = vector.load %arg5[%get3A_2, %get3A_3] : memref<4x64xf32, #tpu.memory_space<vmem>>, vector<4x64xf32>
    %dot_general3A = arith.constant dense<0.000000e+00> : vector<1000x64xf32>
    %dot_general3A_5 = tpu.matmul %get3A_1, %get3A_4, %dot_general3A {dimension_numbers = #tpu.dot_dimension_numbers<[1], [0], [0], [1], [0, 0, 1, 1], [], []>, transpose_lhs_hint = false} : vector<1000x4xf32>, vector<4x64xf32>, vector<1000x64xf32> -> vector<1000x64xf32>
    %get3A_6 = arith.constant 0 : index
    %get3A_7 = arith.constant 0 : index
    %get3A_8 = vector.load %arg6[%get3A_6, %get3A_7] : memref<1x64xf32, #tpu.memory_space<vmem>>, vector<1x64xf32>
    %add3A = vector.broadcast %get3A_8 : vector<1x64xf32> to vector<1000x64xf32>
    %add3A_9 = arith.addf %dot_general3A_5, %add3A : vector<1000x64xf32>
    %max3A = arith.constant 0.000000e+00 : f32
    %max3A_10 = vector.broadcast %max3A : f32 to vector<1000x64xf32>
    %max3A_11 = arith.maximumf %add3A_9, %max3A_10 : vector<1000x64xf32>
    %get3A_12 = arith.constant 0 : index
    %get3A_13 = arith.constant 0 : index
    %get3A_14 = vector.load %arg7[%get3A_12, %get3A_13] : memref<64x64xf32, #tpu.memory_space<vmem>>, vector<64x64xf32>
    %dot_general3A_15 = arith.constant dense<0.000000e+00> : vector<1000x64xf32>
    %dot_general3A_16 = tpu.matmul %max3A_11, %get3A_14, %dot_general3A_15 {dimension_numbers = #tpu.dot_dimension_numbers<[1], [0], [0], [1], [0, 0, 1, 1], [], []>, transpose_lhs_hint = false} : vector<1000x64xf32>, vector<64x64xf32>, vector<1000x64xf32> -> vector<1000x64xf32>
    %get3A_17 = arith.constant 0 : index
    %get3A_18 = arith.constant 0 : index
    %get3A_19 = vector.load %arg8[%get3A_17, %get3A_18] : memref<1x64xf32, #tpu.memory_space<vmem>>, vector<1x64xf32>
    %add3A_20 = vector.broadcast %get3A_19 : vector<1x64xf32> to vector<1000x64xf32>
    %add3A_21 = arith.addf %dot_general3A_16, %add3A_20 : vector<1000x64xf32>
    %max3A_22 = arith.constant 0.000000e+00 : f32
    %max3A_23 = vector.broadcast %max3A_22 : f32 to vector<1000x64xf32>
    %max3A_24 = arith.maximumf %add3A_21, %max3A_23 : vector<1000x64xf32>
    %get3A_25 = arith.constant 0 : index
    %get3A_26 = arith.constant 0 : index
    %get3A_27 = arith.constant 0 : index
    %get3A_28 = vector.load %arg3[%get3A_25, %get3A_26, %get3A_27] : memref<2x1000x16xf32, #tpu.memory_space<vmem>>, vector<1x1000x1xf32>
    %get3A_29 = vector.shape_cast %get3A_28 : vector<1x1000x1xf32> to vector<1000x1xf32>
    %add3A_30 = arith.constant 1.000000e+00 : f32
    %add3A_31 = vector.broadcast %add3A_30 : f32 to vector<1000x1xf32>
    %add3A_32 = arith.addf %add3A_31, %get3A_29 : vector<1000x1xf32>
    %get3A_33 = arith.constant 1 : index
    %get3A_34 = arith.constant 0 : index
    %get3A_35 = arith.constant 0 : index
    %get3A_36 = vector.load %arg3[%get3A_33, %get3A_34, %get3A_35] : memref<2x1000x16xf32, #tpu.memory_space<vmem>>, vector<1x1000x1xf32>
    %get3A_37 = vector.shape_cast %get3A_36 : vector<1x1000x1xf32> to vector<1000x1xf32>
    %add3A_38 = arith.addf %add3A_32, %get3A_37 : vector<1000x1xf32>
    %rsqrt3A = math.rsqrt %add3A_38 : vector<1000x1xf32>
    %swap3A = arith.constant 0 : index
    %swap3A_39 = arith.constant 0 : index
    %swap3A_40 = vector.load %arg10[%swap3A, %swap3A_39] : memref<1000x64xf32, #tpu.memory_space<vmem>>, vector<1000x64xf32>
    tpu.vector_store %arg10[%swap3A, %swap3A_39], %max3A_24 {strides = array<i32>} : memref<1000x64xf32, #tpu.memory_space<vmem>>, vector<1000x64xf32>,
    %swap3A_41 = arith.constant 0 : index
    %swap3A_42 = arith.constant 0 : index
    %swap3A_43 = vector.load %arg12[%swap3A_41, %swap3A_42] : memref<1000x1xf32, #tpu.memory_space<vmem>>, vector<1000x1xf32>
    tpu.vector_store %arg12[%swap3A_41, %swap3A_42], %rsqrt3A {strides = array<i32>} : memref<1000x1xf32, #tpu.memory_space<vmem>>, vector<1000x1xf32>,
    %get3A_44 = arith.constant 0 : index
    %get3A_45 = arith.constant 0 : index
    %get3A_46 = vector.load %arg9[%get3A_44, %get3A_45] : memref<64x64xf32, #tpu.memory_space<vmem>>, vector<64x64xf32>
    %dot_general3A_47 = arith.constant dense<0.000000e+00> : vector<1000x64xf32>
    %dot_general3A_48 = tpu.matmul %max3A_24, %get3A_46, %dot_general3A_47 {dimension_numbers = #tpu.dot_dimension_numbers<[1], [0], [0], [1], [0, 0, 1, 1], [], []>, transpose_lhs_hint = false} : vector<1000x64xf32>, vector<64x64xf32>, vector<1000x64xf32> -> vector<1000x64xf32>
    %mul3A = vector.broadcast %rsqrt3A : vector<1000x1xf32> to vector<1000x64xf32>
    %mul3A_49 = arith.mulf %dot_general3A_48, %mul3A : vector<1000x64xf32>
    %get3A_50 = arith.constant 0 : index
    %get3A_51 = arith.constant 0 : index
    %get3A_52 = vector.load %arg2[%get3A_50, %get3A_51] : memref<1000x4xf32, #tpu.memory_space<vmem>>, vector<1000x4xf32>
    %get3A_53 = arith.constant 0 : index
    %get3A_54 = arith.constant 0 : index
    %get3A_55 = vector.load %arg5[%get3A_53, %get3A_54] : memref<4x64xf32, #tpu.memory_space<vmem>>, vector<4x64xf32>
    %dot_general3A_56 = arith.constant dense<0.000000e+00> : vector<1000x64xf32>
    %dot_general3A_57 = tpu.matmul %get3A_52, %get3A_55, %dot_general3A_56 {dimension_numbers = #tpu.dot_dimension_numbers<[1], [0], [0], [1], [0, 0, 1, 1], [], []>, transpose_lhs_hint = false} : vector<1000x4xf32>, vector<4x64xf32>, vector<1000x64xf32> -> vector<1000x64xf32>
    %get3A_58 = arith.constant 0 : index
    %get3A_59 = arith.constant 0 : index
    %get3A_60 = vector.load %arg6[%get3A_58, %get3A_59] : memref<1x64xf32, #tpu.memory_space<vmem>>, vector<1x64xf32>
    %add3A_61 = vector.broadcast %get3A_60 : vector<1x64xf32> to vector<1000x64xf32>
    %add3A_62 = arith.addf %dot_general3A_57, %add3A_61 : vector<1000x64xf32>
    %max3A_63 = arith.constant 0.000000e+00 : f32
    %max3A_64 = vector.broadcast %max3A_63 : f32 to vector<1000x64xf32>
    %max3A_65 = arith.maximumf %add3A_62, %max3A_64 : vector<1000x64xf32>
    %get3A_66 = arith.constant 0 : index
    %get3A_67 = arith.constant 0 : index
    %get3A_68 = vector.load %arg7[%get3A_66, %get3A_67] : memref<64x64xf32, #tpu.memory_space<vmem>>, vector<64x64xf32>
    %dot_general3A_69 = arith.constant dense<0.000000e+00> : vector<1000x64xf32>
    %dot_general3A_70 = tpu.matmul %max3A_65, %get3A_68, %dot_general3A_69 {dimension_numbers = #tpu.dot_dimension_numbers<[1], [0], [0], [1], [0, 0, 1, 1], [], []>, transpose_lhs_hint = false} : vector<1000x64xf32>, vector<64x64xf32>, vector<1000x64xf32> -> vector<1000x64xf32>
    %get3A_71 = arith.constant 0 : index
    %get3A_72 = arith.constant 0 : index
    %get3A_73 = vector.load %arg8[%get3A_71, %get3A_72] : memref<1x64xf32, #tpu.memory_space<vmem>>, vector<1x64xf32>
    %add3A_74 = vector.broadcast %get3A_73 : vector<1x64xf32> to vector<1000x64xf32>
    %add3A_75 = arith.addf %dot_general3A_70, %add3A_74 : vector<1000x64xf32>
    %max3A_76 = arith.constant 0.000000e+00 : f32
    %max3A_77 = vector.broadcast %max3A_76 : f32 to vector<1000x64xf32>
    %max3A_78 = arith.maximumf %add3A_75, %max3A_77 : vector<1000x64xf32>
    %get3A_79 = arith.constant 0 : index
    %get3A_80 = arith.constant 0 : index
    %get3A_81 = arith.constant 0 : index
    %get3A_82 = vector.load %arg4[%get3A_79, %get3A_80, %get3A_81] : memref<2x1000x16xf32, #tpu.memory_space<vmem>>, vector<1x1000x1xf32>
    %get3A_83 = vector.shape_cast %get3A_82 : vector<1x1000x1xf32> to vector<1000x1xf32>
    %add3A_84 = arith.constant 1.000000e+00 : f32
    %add3A_85 = vector.broadcast %add3A_84 : f32 to vector<1000x1xf32>
    %add3A_86 = arith.addf %add3A_85, %get3A_83 : vector<1000x1xf32>
    %get3A_87 = arith.constant 1 : index
    %get3A_88 = arith.constant 0 : index
    %get3A_89 = arith.constant 0 : index
    %get3A_90 = vector.load %arg4[%get3A_87, %get3A_88, %get3A_89] : memref<2x1000x16xf32, #tpu.memory_space<vmem>>, vector<1x1000x1xf32>
    %get3A_91 = vector.shape_cast %get3A_90 : vector<1x1000x1xf32> to vector<1000x1xf32>
    %add3A_92 = arith.addf %add3A_86, %get3A_91 : vector<1000x1xf32>
    %rsqrt3A_93 = math.rsqrt %add3A_92 : vector<1000x1xf32>
    %swap3A_94 = arith.constant 0 : index
    %swap3A_95 = arith.constant 0 : index
    %swap3A_96 = vector.load %arg11[%swap3A_94, %swap3A_95] : memref<1000x64xf32, #tpu.memory_space<vmem>>, vector<1000x64xf32>
    tpu.vector_store %arg11[%swap3A_94, %swap3A_95], %max3A_78 {strides = array<i32>} : memref<1000x64xf32, #tpu.memory_space<vmem>>, vector<1000x64xf32>,
    %swap3A_97 = arith.constant 0 : index
    %swap3A_98 = arith.constant 0 : index
    %swap3A_99 = vector.load %arg13[%swap3A_97, %swap3A_98] : memref<1000x1xf32, #tpu.memory_space<vmem>>, vector<1000x1xf32>
    tpu.vector_store %arg13[%swap3A_97, %swap3A_98], %rsqrt3A_93 {strides = array<i32>} : memref<1000x1xf32, #tpu.memory_space<vmem>>, vector<1000x1xf32>,
    %get3A_100 = arith.constant 0 : index
    %get3A_101 = arith.constant 0 : index
    %get3A_102 = vector.load %arg9[%get3A_100, %get3A_101] : memref<64x64xf32, #tpu.memory_space<vmem>>, vector<64x64xf32>
    %dot_general3A_103 = arith.constant dense<0.000000e+00> : vector<1000x64xf32>
    %dot_general3A_104 = tpu.matmul %max3A_78, %get3A_102, %dot_general3A_103 {dimension_numbers = #tpu.dot_dimension_numbers<[1], [0], [0], [1], [0, 0, 1, 1], [], []>, transpose_lhs_hint = false} : vector<1000x64xf32>, vector<64x64xf32>, vector<1000x64xf32> -> vector<1000x64xf32>
    %mul3A_105 = vector.broadcast %rsqrt3A_93 : vector<1000x1xf32> to vector<1000x64xf32>
    %mul3A_106 = arith.mulf %dot_general3A_104, %mul3A_105 : vector<1000x64xf32>
    %concatenate3A = tpu.concatenate %mul3A_49, %mul3A_106 in 1 : vector<1000x64xf32>, vector<1000x64xf32> -> vector<1000x128xf32>
    %swap3A_107 = arith.constant 0 : index
    %swap3A_108 = arith.constant 0 : index
    %swap3A_109 = vector.load %arg14[%swap3A_107, %swap3A_108] : memref<1000x128xf32, #tpu.memory_space<vmem>>, vector<1000x128xf32>
    tpu.vector_store %arg14[%swap3A_107, %swap3A_108], %concatenate3A {strides = array<i32>} : memref<1000x128xf32, #tpu.memory_space<vmem>>, vector<1000x128xf32>,
    %iota3A = tpu.iota {dimensions = array<i32: 0>} : vector<1000x1xi32>
    %mul3A_110 = arith.constant 1000 : i32
    %mul3A_111 = arith.muli %arg0, %mul3A_110 : i32
    %add3A_112 = vector.broadcast %mul3A_111 : i32 to vector<1000x1xi32>
    %add3A_113 = arith.addi %iota3A, %add3A_112 : vector<1000x1xi32>
    %add3A_114 = arith.constant 25000 : i32
    %add3A_115 = vector.broadcast %add3A_114 : i32 to vector<1000x1xi32>
    %add3A_116 = arith.addi %add3A_113, %add3A_115 : vector<1000x1xi32>
    %slice3A = vector.extract_strided_slice %get3A_1 {offsets = [0, 2], sizes = [1000, 1], strides = [1, 1]} : vector<1000x4xf32> to vector<1000x1xf32>
    %eq3A = arith.constant 1.000000e+00 : f32
    %eq3A_117 = vector.broadcast %eq3A : f32 to vector<1000x1xf32>
    %eq3A_118 = arith.cmpf oeq, %slice3A, %eq3A_117 : vector<1000x1xf32>
    %jit3A = arith.constant 50000 : i32
    %broadcast_in_dim3A = vector.broadcast %jit3A : i32 to vector<1000x1xi32>
    %select_n3A = arith.select %eq3A_118, %add3A_113, %broadcast_in_dim3A : vector<1000x1xi1>, vector<1000x1xi32>
    %reduce_min3A = vector.shape_cast %select_n3A : vector<1000x1xi32> to vector<1x1000x1xi32>
    %reduce_min3A_119 = arith.constant dense<2147483647> : vector<1xi32>
    %reduce_min3A_120 = vector.multi_reduction <minsi>, %reduce_min3A, %reduce_min3A_119 [1, 2] : vector<1x1000x1xi32> to vector<1xi32>
    %reduce_min3A_121 = vector.shape_cast %reduce_min3A_120 : vector<1xi32> to vector<1x1x1xi32>
    %reduce_min3A_122 = vector.extract %reduce_min3A_121[0, 0, 0] : i32 from vector<1x1x1xi32>
    %slice3A_123 = vector.extract_strided_slice %get3A_52 {offsets = [0, 2], sizes = [1000, 1], strides = [1, 1]} : vector<1000x4xf32> to vector<1000x1xf32>
    %eq3A_124 = arith.constant 1.000000e+00 : f32
    %eq3A_125 = vector.broadcast %eq3A_124 : f32 to vector<1000x1xf32>
    %eq3A_126 = arith.cmpf oeq, %slice3A_123, %eq3A_125 : vector<1000x1xf32>
    %jit3A_127 = arith.constant 50000 : i32
    %broadcast_in_dim3A_128 = vector.broadcast %jit3A_127 : i32 to vector<1000x1xi32>
    %select_n3A_129 = arith.select %eq3A_126, %add3A_116, %broadcast_in_dim3A_128 : vector<1000x1xi1>, vector<1000x1xi32>
    %reduce_min3A_130 = vector.shape_cast %select_n3A_129 : vector<1000x1xi32> to vector<1x1000x1xi32>
    %reduce_min3A_131 = arith.constant dense<2147483647> : vector<1xi32>
    %reduce_min3A_132 = vector.multi_reduction <minsi>, %reduce_min3A_130, %reduce_min3A_131 [1, 2] : vector<1x1000x1xi32> to vector<1xi32>
    %reduce_min3A_133 = vector.shape_cast %reduce_min3A_132 : vector<1xi32> to vector<1x1x1xi32>
    %reduce_min3A_134 = vector.extract %reduce_min3A_133[0, 0, 0] : i32 from vector<1x1x1xi32>
    %min3A = arith.minsi %reduce_min3A_122, %reduce_min3A_134 : i32
    %slice3A_135 = vector.extract_strided_slice %get3A_1 {offsets = [0, 3], sizes = [1000, 1], strides = [1, 1]} : vector<1000x4xf32> to vector<1000x1xf32>
    %eq3A_136 = arith.constant 1.000000e+00 : f32
    %eq3A_137 = vector.broadcast %eq3A_136 : f32 to vector<1000x1xf32>
    %eq3A_138 = arith.cmpf oeq, %slice3A_135, %eq3A_137 : vector<1000x1xf32>
    %jit3A_139 = arith.constant 50000 : i32
    %broadcast_in_dim3A_140 = vector.broadcast %jit3A_139 : i32 to vector<1000x1xi32>
    %select_n3A_141 = arith.select %eq3A_138, %add3A_113, %broadcast_in_dim3A_140 : vector<1000x1xi1>, vector<1000x1xi32>
    %reduce_min3A_142 = vector.shape_cast %select_n3A_141 : vector<1000x1xi32> to vector<1x1000x1xi32>
    %reduce_min3A_143 = arith.constant dense<2147483647> : vector<1xi32>
    %reduce_min3A_144 = vector.multi_reduction <minsi>, %reduce_min3A_142, %reduce_min3A_143 [1, 2] : vector<1x1000x1xi32> to vector<1xi32>
    %reduce_min3A_145 = vector.shape_cast %reduce_min3A_144 : vector<1xi32> to vector<1x1x1xi32>
    %reduce_min3A_146 = vector.extract %reduce_min3A_145[0, 0, 0] : i32 from vector<1x1x1xi32>
    %slice3A_147 = vector.extract_strided_slice %get3A_52 {offsets = [0, 3], sizes = [1000, 1], strides = [1, 1]} : vector<1000x4xf32> to vector<1000x1xf32>
    %eq3A_148 = arith.constant 1.000000e+00 : f32
    %eq3A_149 = vector.broadcast %eq3A_148 : f32 to vector<1000x1xf32>
    %eq3A_150 = arith.cmpf oeq, %slice3A_147, %eq3A_149 : vector<1000x1xf32>
    %jit3A_151 = arith.constant 50000 : i32
    %broadcast_in_dim3A_152 = vector.broadcast %jit3A_151 : i32 to vector<1000x1xi32>
    %select_n3A_153 = arith.select %eq3A_150, %add3A_116, %broadcast_in_dim3A_152 : vector<1000x1xi1>, vector<1000x1xi32>
    %reduce_min3A_154 = vector.shape_cast %select_n3A_153 : vector<1000x1xi32> to vector<1x1000x1xi32>
    %reduce_min3A_155 = arith.constant dense<2147483647> : vector<1xi32>
    %reduce_min3A_156 = vector.multi_reduction <minsi>, %reduce_min3A_154, %reduce_min3A_155 [1, 2] : vector<1x1000x1xi32> to vector<1xi32>
    %reduce_min3A_157 = vector.shape_cast %reduce_min3A_156 : vector<1xi32> to vector<1x1x1xi32>
    %reduce_min3A_158 = vector.extract %reduce_min3A_157[0, 0, 0] : i32 from vector<1x1x1xi32>
    %min3A_159 = arith.minsi %reduce_min3A_146, %reduce_min3A_158 : i32
    %eq3A_160 = arith.constant 0 : i32
    %eq3A_161 = arith.cmpi eq, %arg0, %eq3A_160 : i32
    %convert_element_type3A = arith.extui %eq3A_161 : i1 to i32
    %cond3A = arith.constant 0 : i32
    %cond3A_162 = arith.cmpi ne, %convert_element_type3A, %cond3A : i32
    scf.if %cond3A_162 {
      %swap3A_178 = arith.constant 50000 : i32
      %swap3A_179 = arith.constant 0 : index
      %swap3A_180 = memref.load %arg16[%swap3A_179] : memref<2xi32, #tpu.memory_space<smem>>
      memref.store %swap3A_178, %arg16[%swap3A_179] : memref<2xi32, #tpu.memory_space<smem>>
      %swap3A_181 = arith.constant 50000 : i32
      %swap3A_182 = arith.constant 1 : index
      %swap3A_183 = memref.load %arg16[%swap3A_182] : memref<2xi32, #tpu.memory_space<smem>>
      memref.store %swap3A_181, %arg16[%swap3A_182] : memref<2xi32, #tpu.memory_space<smem>>
    } else {
    }
    %get3A_163 = arith.constant 0 : index
    %get3A_164 = memref.load %arg16[%get3A_163] : memref<2xi32, #tpu.memory_space<smem>>
    %min3A_165 = arith.minsi %get3A_164, %min3A : i32
    %swap3A_166 = arith.constant 0 : index
    %swap3A_167 = memref.load %arg16[%swap3A_166] : memref<2xi32, #tpu.memory_space<smem>>
    memref.store %min3A_165, %arg16[%swap3A_166] : memref<2xi32, #tpu.memory_space<smem>>
    %get3A_168 = arith.constant 1 : index
    %get3A_169 = memref.load %arg16[%get3A_168] : memref<2xi32, #tpu.memory_space<smem>>
    %min3A_170 = arith.minsi %get3A_169, %min3A_159 : i32
    %swap3A_171 = arith.constant 1 : index
    %swap3A_172 = memref.load %arg16[%swap3A_171] : memref<2xi32, #tpu.memory_space<smem>>
    memref.store %min3A_170, %arg16[%swap3A_171] : memref<2xi32, #tpu.memory_space<smem>>
    %eq3A_173 = arith.constant 24 : i32
    %eq3A_174 = arith.cmpi eq, %arg0, %eq3A_173 : i32
    %convert_element_type3A_175 = arith.extui %eq3A_174 : i1 to i32
    %cond3A_176 = arith.constant 0 : i32
    %cond3A_177 = arith.cmpi ne, %convert_element_type3A_175, %cond3A_176 : i32
    scf.if %cond3A_177 {
      %iota3A_178 = tpu.iota {dimensions = array<i32: 1>} : vector<1x8xi32>
      %eq3A_179 = arith.constant 0 : i32
      %eq3A_180 = vector.broadcast %eq3A_179 : i32 to vector<1x8xi32>
      %eq3A_181 = arith.cmpi eq, %iota3A_178, %eq3A_180 : vector<1x8xi32>
      %get3A_182 = arith.constant 0 : index
      %get3A_183 = memref.load %arg16[%get3A_182] : memref<2xi32, #tpu.memory_space<smem>>
      %eq3A_184 = arith.constant 1 : i32
      %eq3A_185 = vector.broadcast %eq3A_184 : i32 to vector<1x8xi32>
      %eq3A_186 = arith.cmpi eq, %iota3A_178, %eq3A_185 : vector<1x8xi32>
      %get3A_187 = arith.constant 1 : index
      %get3A_188 = memref.load %arg16[%get3A_187] : memref<2xi32, #tpu.memory_space<smem>>
      %jit3A_189 = arith.constant 0 : i32
      %broadcast_in_dim3A_190 = vector.broadcast %get3A_188 : i32 to vector<1x8xi32>
      %broadcast_in_dim3A_191 = vector.broadcast %jit3A_189 : i32 to vector<1x8xi32>
      %select_n3A_192 = arith.select %eq3A_186, %broadcast_in_dim3A_190, %broadcast_in_dim3A_191 : vector<1x8xi1>, vector<1x8xi32>
      %broadcast_in_dim3A_193 = vector.broadcast %get3A_183 : i32 to vector<1x8xi32>
      %select_n3A_194 = arith.select %eq3A_181, %broadcast_in_dim3A_193, %select_n3A_192 : vector<1x8xi1>, vector<1x8xi32>
      %swap3A_195 = arith.constant 0 : index
      %swap3A_196 = arith.constant 0 : index
      %swap3A_197 = vector.load %arg15[%swap3A_195, %swap3A_196] : memref<1x8xi32, #tpu.memory_space<vmem>>, vector<1x8xi32>
      tpu.vector_store %arg15[%swap3A_195, %swap3A_196], %select_n3A_194 {strides = array<i32>} : memref<1x8xi32, #tpu.memory_space<vmem>>, vector<1x8xi32>,
    } else {
    }
    return
  }
  func.func @transform_0(%arg0: i32) -> (i32, i32) {
    %c0_i32 = arith.constant 0 : i32
    %c0_i32_0 = arith.constant 0 : i32
    return %arg0, %c0_i32 : i32, i32
  }
  func.func @transform_1(%arg0: i32) -> (i32, i32) {
    %add3A = arith.constant 25 : i32
    %add3A_0 = arith.addi %arg0, %add3A : i32
    %c0_i32 = arith.constant 0 : i32
    %c0_i32_1 = arith.constant 0 : i32
    return %add3A_0, %c0_i32 : i32, i32
  }
  func.func @transform_2(%arg0: i32) -> (i32, i32, i32) {
    %c0_i32 = arith.constant 0 : i32
    %c0_i32_0 = arith.constant 0 : i32
    %c0_i32_1 = arith.constant 0 : i32
    return %c0_i32, %arg0, %c0_i32_0 : i32, i32, i32
  }
  func.func @transform_3(%arg0: i32) -> (i32, i32, i32) {
    %add3A = arith.constant 25 : i32
    %add3A_0 = arith.addi %arg0, %add3A : i32
    %c0_i32 = arith.constant 0 : i32
    %c0_i32_1 = arith.constant 0 : i32
    %c0_i32_2 = arith.constant 0 : i32
    return %c0_i32, %add3A_0, %c0_i32_1 : i32, i32, i32
  }
  func.func @transform_4(%arg0: i32) -> (i32, i32) {
    %c0_i32 = arith.constant 0 : i32
    %c0_i32_0 = arith.constant 0 : i32
    %c0_i32_1 = arith.constant 0 : i32
    return %c0_i32, %c0_i32_0 : i32, i32
  }
  func.func @transform_5(%arg0: i32) -> (i32, i32) {
    %c0_i32 = arith.constant 0 : i32
    %c0_i32_0 = arith.constant 0 : i32
    %c0_i32_1 = arith.constant 0 : i32
    return %c0_i32, %c0_i32_0 : i32, i32
  }
  func.func @transform_6(%arg0: i32) -> (i32, i32) {
    %c0_i32 = arith.constant 0 : i32
    %c0_i32_0 = arith.constant 0 : i32
    %c0_i32_1 = arith.constant 0 : i32
    return %c0_i32, %c0_i32_0 : i32, i32
  }
  func.func @transform_7(%arg0: i32) -> (i32, i32) {
    %c0_i32 = arith.constant 0 : i32
    %c0_i32_0 = arith.constant 0 : i32
    %c0_i32_1 = arith.constant 0 : i32
    return %c0_i32, %c0_i32_0 : i32, i32
  }
  func.func @transform_8(%arg0: i32) -> (i32, i32) {
    %c0_i32 = arith.constant 0 : i32
    %c0_i32_0 = arith.constant 0 : i32
    %c0_i32_1 = arith.constant 0 : i32
    return %c0_i32, %c0_i32_0 : i32, i32
  }
  func.func @transform_9(%arg0: i32) -> (i32, i32) {
    %c0_i32 = arith.constant 0 : i32
    %c0_i32_0 = arith.constant 0 : i32
    return %arg0, %c0_i32 : i32, i32
  }
  func.func @transform_10(%arg0: i32) -> (i32, i32) {
    %c0_i32 = arith.constant 0 : i32
    %c0_i32_0 = arith.constant 0 : i32
    return %arg0, %c0_i32 : i32, i32
  }
  func.func @transform_11(%arg0: i32) -> (i32, i32) {
    %c0_i32 = arith.constant 0 : i32
    %c0_i32_0 = arith.constant 0 : i32
    return %arg0, %c0_i32 : i32, i32
  }
  func.func @transform_12(%arg0: i32) -> (i32, i32) {
    %c0_i32 = arith.constant 0 : i32
    %c0_i32_0 = arith.constant 0 : i32
    return %arg0, %c0_i32 : i32, i32
  }
  func.func @transform_13(%arg0: i32) -> (i32, i32) {
    %c0_i32 = arith.constant 0 : i32
    %c0_i32_0 = arith.constant 0 : i32
    return %arg0, %c0_i32 : i32, i32
  }
  func.func @transform_14(%arg0: i32) -> (i32, i32) {
    %c0_i32 = arith.constant 0 : i32
    %c0_i32_0 = arith.constant 0 : i32
    %c0_i32_1 = arith.constant 0 : i32
    return %c0_i32, %c0_i32_0 : i32, i32
  }
}

module attributes {stable_mosaic.version = 14 : i64} {
  func.func @_mid_body(%arg0: i32, %arg1: memref<2x1000x32xf32, #tpu.memory_space<vmem>>, %arg2: memref<2x1000x32xf32, #tpu.memory_space<vmem>>, %arg3: memref<1000x128xf32, #tpu.memory_space<vmem>>, %arg4: memref<1000x64xf32, #tpu.memory_space<vmem>>, %arg5: memref<1000x64xf32, #tpu.memory_space<vmem>>, %arg6: memref<1000x1xf32, #tpu.memory_space<vmem>>, %arg7: memref<1000x1xf32, #tpu.memory_space<vmem>>, %arg8: memref<1x64xf32, #tpu.memory_space<vmem>>, %arg9: memref<64x64xf32, #tpu.memory_space<vmem>>, %arg10: memref<1000x64xf32, #tpu.memory_space<vmem>>, %arg11: memref<1000x64xf32, #tpu.memory_space<vmem>>, %arg12: memref<1000x128xf32, #tpu.memory_space<vmem>>) attributes {dimension_semantics = [#tpu.dimension_semantics<arbitrary>], iteration_bounds = array<i64: 25>, scalar_prefetch = 0 : i64, scratch_operands = 0 : i64, tpu.core_type = #tpu.core_type<tc>, window_params = [{transform_indices = @transform_0, window_bounds = array<i64: 2, 1000, 32>}, {transform_indices = @transform_1, window_bounds = array<i64: 2, 1000, 32>}, {transform_indices = @transform_2, window_bounds = array<i64: 1000, 128>}, {transform_indices = @transform_3, window_bounds = array<i64: 1000, 64>}, {transform_indices = @transform_4, window_bounds = array<i64: 1000, 64>}, {transform_indices = @transform_5, window_bounds = array<i64: 1000, 1>}, {transform_indices = @transform_6, window_bounds = array<i64: 1000, 1>}, {pipeline_mode = #tpu.pipeline_mode<synchronous>, transform_indices = @transform_7, window_bounds = array<i64: 1, 64>}, {pipeline_mode = #tpu.pipeline_mode<synchronous>, transform_indices = @transform_8, window_bounds = array<i64: 64, 64>}, {transform_indices = @transform_9, window_bounds = array<i64: 1000, 64>}, {transform_indices = @transform_10, window_bounds = array<i64: 1000, 64>}, {transform_indices = @transform_11, window_bounds = array<i64: 1000, 128>}]} {
    %get3A = arith.constant 0 : index
    %get3A_0 = arith.constant 0 : index
    %get3A_1 = vector.load %arg3[%get3A, %get3A_0] : memref<1000x128xf32, #tpu.memory_space<vmem>>, vector<1000x128xf32>
    %slice3A = vector.extract_strided_slice %get3A_1 {offsets = [0, 0], sizes = [1000, 64], strides = [1, 1]} : vector<1000x128xf32> to vector<1000x64xf32>
    %get3A_2 = arith.constant 0 : index
    %get3A_3 = arith.constant 0 : index
    %get3A_4 = vector.load %arg6[%get3A_2, %get3A_3] : memref<1000x1xf32, #tpu.memory_space<vmem>>, vector<1000x1xf32>
    %get3A_5 = arith.constant 0 : index
    %get3A_6 = arith.constant 0 : index
    %get3A_7 = arith.constant 0 : index
    %get3A_8 = vector.load %arg1[%get3A_5, %get3A_6, %get3A_7] : memref<2x1000x32xf32, #tpu.memory_space<vmem>>, vector<1x1000x32xf32>
    %get3A_9 = vector.shape_cast %get3A_8 : vector<1x1000x32xf32> to vector<1000x32xf32>
    %slice3A_10 = vector.extract_strided_slice %slice3A {offsets = [0, 0], sizes = [1000, 32], strides = [1, 1]} : vector<1000x64xf32> to vector<1000x32xf32>
    %add3A = arith.addf %get3A_9, %slice3A_10 : vector<1000x32xf32>
    %get3A_11 = arith.constant 1 : index
    %get3A_12 = arith.constant 0 : index
    %get3A_13 = arith.constant 0 : index
    %get3A_14 = vector.load %arg1[%get3A_11, %get3A_12, %get3A_13] : memref<2x1000x32xf32, #tpu.memory_space<vmem>>, vector<1x1000x32xf32>
    %get3A_15 = vector.shape_cast %get3A_14 : vector<1x1000x32xf32> to vector<1000x32xf32>
    %slice3A_16 = vector.extract_strided_slice %slice3A {offsets = [0, 32], sizes = [1000, 32], strides = [1, 1]} : vector<1000x64xf32> to vector<1000x32xf32>
    %add3A_17 = arith.addf %get3A_15, %slice3A_16 : vector<1000x32xf32>
    %concatenate3A = tpu.concatenate %add3A, %add3A_17 in 1 : vector<1000x32xf32>, vector<1000x32xf32> -> vector<1000x64xf32>
    %get3A_18 = arith.constant 0 : index
    %get3A_19 = arith.constant 0 : index
    %get3A_20 = vector.load %arg4[%get3A_18, %get3A_19] : memref<1000x64xf32, #tpu.memory_space<vmem>>, vector<1000x64xf32>
    %mul3A = vector.broadcast %get3A_4 : vector<1000x1xf32> to vector<1000x64xf32>
    %mul3A_21 = arith.mulf %concatenate3A, %mul3A : vector<1000x64xf32>
    %get3A_22 = arith.constant 0 : index
    %get3A_23 = arith.constant 0 : index
    %get3A_24 = vector.load %arg8[%get3A_22, %get3A_23] : memref<1x64xf32, #tpu.memory_space<vmem>>, vector<1x64xf32>
    %add3A_25 = vector.broadcast %get3A_24 : vector<1x64xf32> to vector<1000x64xf32>
    %add3A_26 = arith.addf %mul3A_21, %add3A_25 : vector<1000x64xf32>
    %max3A = arith.constant 0.000000e+00 : f32
    %max3A_27 = vector.broadcast %max3A : f32 to vector<1000x64xf32>
    %max3A_28 = arith.maximumf %add3A_26, %max3A_27 : vector<1000x64xf32>
    %add3A_29 = arith.addf %get3A_20, %max3A_28 : vector<1000x64xf32>
    %swap3A = arith.constant 0 : index
    %swap3A_30 = arith.constant 0 : index
    %swap3A_31 = vector.load %arg10[%swap3A, %swap3A_30] : memref<1000x64xf32, #tpu.memory_space<vmem>>, vector<1000x64xf32>
    tpu.vector_store %arg10[%swap3A, %swap3A_30], %add3A_29 {strides = array<i32>} : memref<1000x64xf32, #tpu.memory_space<vmem>>, vector<1000x64xf32>,
    %get3A_32 = arith.constant 0 : index
    %get3A_33 = arith.constant 0 : index
    %get3A_34 = vector.load %arg9[%get3A_32, %get3A_33] : memref<64x64xf32, #tpu.memory_space<vmem>>, vector<64x64xf32>
    %dot_general3A = arith.constant dense<0.000000e+00> : vector<1000x64xf32>
    %dot_general3A_35 = tpu.matmul %add3A_29, %get3A_34, %dot_general3A {dimension_numbers = #tpu.dot_dimension_numbers<[1], [0], [0], [1], [0, 0, 1, 1], [], []>, transpose_lhs_hint = false} : vector<1000x64xf32>, vector<64x64xf32>, vector<1000x64xf32> -> vector<1000x64xf32>
    %mul3A_36 = vector.broadcast %get3A_4 : vector<1000x1xf32> to vector<1000x64xf32>
    %mul3A_37 = arith.mulf %dot_general3A_35, %mul3A_36 : vector<1000x64xf32>
    %slice3A_38 = vector.extract_strided_slice %get3A_1 {offsets = [0, 64], sizes = [1000, 64], strides = [1, 1]} : vector<1000x128xf32> to vector<1000x64xf32>
    %get3A_39 = arith.constant 0 : index
    %get3A_40 = arith.constant 0 : index
    %get3A_41 = vector.load %arg7[%get3A_39, %get3A_40] : memref<1000x1xf32, #tpu.memory_space<vmem>>, vector<1000x1xf32>
    %get3A_42 = arith.constant 0 : index
    %get3A_43 = arith.constant 0 : index
    %get3A_44 = arith.constant 0 : index
    %get3A_45 = vector.load %arg2[%get3A_42, %get3A_43, %get3A_44] : memref<2x1000x32xf32, #tpu.memory_space<vmem>>, vector<1x1000x32xf32>
    %get3A_46 = vector.shape_cast %get3A_45 : vector<1x1000x32xf32> to vector<1000x32xf32>
    %slice3A_47 = vector.extract_strided_slice %slice3A_38 {offsets = [0, 0], sizes = [1000, 32], strides = [1, 1]} : vector<1000x64xf32> to vector<1000x32xf32>
    %add3A_48 = arith.addf %get3A_46, %slice3A_47 : vector<1000x32xf32>
    %get3A_49 = arith.constant 1 : index
    %get3A_50 = arith.constant 0 : index
    %get3A_51 = arith.constant 0 : index
    %get3A_52 = vector.load %arg2[%get3A_49, %get3A_50, %get3A_51] : memref<2x1000x32xf32, #tpu.memory_space<vmem>>, vector<1x1000x32xf32>
    %get3A_53 = vector.shape_cast %get3A_52 : vector<1x1000x32xf32> to vector<1000x32xf32>
    %slice3A_54 = vector.extract_strided_slice %slice3A_38 {offsets = [0, 32], sizes = [1000, 32], strides = [1, 1]} : vector<1000x64xf32> to vector<1000x32xf32>
    %add3A_55 = arith.addf %get3A_53, %slice3A_54 : vector<1000x32xf32>
    %concatenate3A_56 = tpu.concatenate %add3A_48, %add3A_55 in 1 : vector<1000x32xf32>, vector<1000x32xf32> -> vector<1000x64xf32>
    %get3A_57 = arith.constant 0 : index
    %get3A_58 = arith.constant 0 : index
    %get3A_59 = vector.load %arg5[%get3A_57, %get3A_58] : memref<1000x64xf32, #tpu.memory_space<vmem>>, vector<1000x64xf32>
    %mul3A_60 = vector.broadcast %get3A_41 : vector<1000x1xf32> to vector<1000x64xf32>
    %mul3A_61 = arith.mulf %concatenate3A_56, %mul3A_60 : vector<1000x64xf32>
    %get3A_62 = arith.constant 0 : index
    %get3A_63 = arith.constant 0 : index
    %get3A_64 = vector.load %arg8[%get3A_62, %get3A_63] : memref<1x64xf32, #tpu.memory_space<vmem>>, vector<1x64xf32>
    %add3A_65 = vector.broadcast %get3A_64 : vector<1x64xf32> to vector<1000x64xf32>
    %add3A_66 = arith.addf %mul3A_61, %add3A_65 : vector<1000x64xf32>
    %max3A_67 = arith.constant 0.000000e+00 : f32
    %max3A_68 = vector.broadcast %max3A_67 : f32 to vector<1000x64xf32>
    %max3A_69 = arith.maximumf %add3A_66, %max3A_68 : vector<1000x64xf32>
    %add3A_70 = arith.addf %get3A_59, %max3A_69 : vector<1000x64xf32>
    %swap3A_71 = arith.constant 0 : index
    %swap3A_72 = arith.constant 0 : index
    %swap3A_73 = vector.load %arg11[%swap3A_71, %swap3A_72] : memref<1000x64xf32, #tpu.memory_space<vmem>>, vector<1000x64xf32>
    tpu.vector_store %arg11[%swap3A_71, %swap3A_72], %add3A_70 {strides = array<i32>} : memref<1000x64xf32, #tpu.memory_space<vmem>>, vector<1000x64xf32>,
    %get3A_74 = arith.constant 0 : index
    %get3A_75 = arith.constant 0 : index
    %get3A_76 = vector.load %arg9[%get3A_74, %get3A_75] : memref<64x64xf32, #tpu.memory_space<vmem>>, vector<64x64xf32>
    %dot_general3A_77 = arith.constant dense<0.000000e+00> : vector<1000x64xf32>
    %dot_general3A_78 = tpu.matmul %add3A_70, %get3A_76, %dot_general3A_77 {dimension_numbers = #tpu.dot_dimension_numbers<[1], [0], [0], [1], [0, 0, 1, 1], [], []>, transpose_lhs_hint = false} : vector<1000x64xf32>, vector<64x64xf32>, vector<1000x64xf32> -> vector<1000x64xf32>
    %mul3A_79 = vector.broadcast %get3A_41 : vector<1000x1xf32> to vector<1000x64xf32>
    %mul3A_80 = arith.mulf %dot_general3A_78, %mul3A_79 : vector<1000x64xf32>
    %concatenate3A_81 = tpu.concatenate %mul3A_37, %mul3A_80 in 1 : vector<1000x64xf32>, vector<1000x64xf32> -> vector<1000x128xf32>
    %swap3A_82 = arith.constant 0 : index
    %swap3A_83 = arith.constant 0 : index
    %swap3A_84 = vector.load %arg12[%swap3A_82, %swap3A_83] : memref<1000x128xf32, #tpu.memory_space<vmem>>, vector<1000x128xf32>
    tpu.vector_store %arg12[%swap3A_82, %swap3A_83], %concatenate3A_81 {strides = array<i32>} : memref<1000x128xf32, #tpu.memory_space<vmem>>, vector<1000x128xf32>,
    return
  }
  func.func @transform_0(%arg0: i32) -> (i32, i32, i32) {
    %c0_i32 = arith.constant 0 : i32
    %c0_i32_0 = arith.constant 0 : i32
    %c0_i32_1 = arith.constant 0 : i32
    return %c0_i32, %arg0, %c0_i32_0 : i32, i32, i32
  }
  func.func @transform_1(%arg0: i32) -> (i32, i32, i32) {
    %add3A = arith.constant 25 : i32
    %add3A_0 = arith.addi %arg0, %add3A : i32
    %c0_i32 = arith.constant 0 : i32
    %c0_i32_1 = arith.constant 0 : i32
    %c0_i32_2 = arith.constant 0 : i32
    return %c0_i32, %add3A_0, %c0_i32_1 : i32, i32, i32
  }
  func.func @transform_2(%arg0: i32) -> (i32, i32) {
    %c0_i32 = arith.constant 0 : i32
    %c0_i32_0 = arith.constant 0 : i32
    return %arg0, %c0_i32 : i32, i32
  }
  func.func @transform_3(%arg0: i32) -> (i32, i32) {
    %c0_i32 = arith.constant 0 : i32
    %c0_i32_0 = arith.constant 0 : i32
    return %arg0, %c0_i32 : i32, i32
  }
  func.func @transform_4(%arg0: i32) -> (i32, i32) {
    %c0_i32 = arith.constant 0 : i32
    %c0_i32_0 = arith.constant 0 : i32
    return %arg0, %c0_i32 : i32, i32
  }
  func.func @transform_5(%arg0: i32) -> (i32, i32) {
    %c0_i32 = arith.constant 0 : i32
    %c0_i32_0 = arith.constant 0 : i32
    return %arg0, %c0_i32 : i32, i32
  }
  func.func @transform_6(%arg0: i32) -> (i32, i32) {
    %c0_i32 = arith.constant 0 : i32
    %c0_i32_0 = arith.constant 0 : i32
    return %arg0, %c0_i32 : i32, i32
  }
  func.func @transform_7(%arg0: i32) -> (i32, i32) {
    %c0_i32 = arith.constant 0 : i32
    %c0_i32_0 = arith.constant 0 : i32
    %c0_i32_1 = arith.constant 0 : i32
    return %c0_i32, %c0_i32_0 : i32, i32
  }
  func.func @transform_8(%arg0: i32) -> (i32, i32) {
    %c0_i32 = arith.constant 0 : i32
    %c0_i32_0 = arith.constant 0 : i32
    %c0_i32_1 = arith.constant 0 : i32
    return %c0_i32, %c0_i32_0 : i32, i32
  }
  func.func @transform_9(%arg0: i32) -> (i32, i32) {
    %c0_i32 = arith.constant 0 : i32
    %c0_i32_0 = arith.constant 0 : i32
    return %arg0, %c0_i32 : i32, i32
  }
  func.func @transform_10(%arg0: i32) -> (i32, i32) {
    %c0_i32 = arith.constant 0 : i32
    %c0_i32_0 = arith.constant 0 : i32
    return %arg0, %c0_i32 : i32, i32
  }
  func.func @transform_11(%arg0: i32) -> (i32, i32) {
    %c0_i32 = arith.constant 0 : i32
    %c0_i32_0 = arith.constant 0 : i32
    return %arg0, %c0_i32 : i32, i32
  }
}

module attributes {stable_mosaic.version = 14 : i64} {
  func.func @_post_body(%arg0: i32, %arg1: memref<2xi32, #tpu.memory_space<smem>>, %arg2: memref<2x1000x32xf32, #tpu.memory_space<vmem>>, %arg3: memref<2x1000x32xf32, #tpu.memory_space<vmem>>, %arg4: memref<1000x128xf32, #tpu.memory_space<vmem>>, %arg5: memref<1000x64xf32, #tpu.memory_space<vmem>>, %arg6: memref<1000x64xf32, #tpu.memory_space<vmem>>, %arg7: memref<1000x1xf32, #tpu.memory_space<vmem>>, %arg8: memref<1000x1xf32, #tpu.memory_space<vmem>>, %arg9: memref<1x64xf32, #tpu.memory_space<vmem>>, %arg10: memref<128x64xf32, #tpu.memory_space<vmem>>, %arg11: memref<1x64xf32, #tpu.memory_space<vmem>>, %arg12: memref<64x32xf32, #tpu.memory_space<vmem>>, %arg13: memref<1x32xf32, #tpu.memory_space<vmem>>, %arg14: memref<32x1xf32, #tpu.memory_space<vmem>>, %arg15: memref<1x1xf32, #tpu.memory_space<vmem>>, %arg16: memref<1x1xf32, #tpu.memory_space<vmem>>, %arg17: memref<2x64xf32, #tpu.memory_space<vmem>>) attributes {dimension_semantics = [#tpu.dimension_semantics<arbitrary>], iteration_bounds = array<i64: 25>, scalar_prefetch = 1 : i64, scratch_operands = 1 : i64, tpu.core_type = #tpu.core_type<tc>, window_params = [{transform_indices = @transform_0, window_bounds = array<i64: 2, 1000, 32>}, {transform_indices = @transform_1, window_bounds = array<i64: 2, 1000, 32>}, {transform_indices = @transform_2, window_bounds = array<i64: 1000, 128>}, {transform_indices = @transform_3, window_bounds = array<i64: 1000, 64>}, {transform_indices = @transform_4, window_bounds = array<i64: 1000, 64>}, {transform_indices = @transform_5, window_bounds = array<i64: 1000, 1>}, {transform_indices = @transform_6, window_bounds = array<i64: 1000, 1>}, {pipeline_mode = #tpu.pipeline_mode<synchronous>, transform_indices = @transform_7, window_bounds = array<i64: 1, 64>}, {pipeline_mode = #tpu.pipeline_mode<synchronous>, transform_indices = @transform_8, window_bounds = array<i64: 128, 64>}, {pipeline_mode = #tpu.pipeline_mode<synchronous>, transform_indices = @transform_9, window_bounds = array<i64: 1, 64>}, {pipeline_mode = #tpu.pipeline_mode<synchronous>, transform_indices = @transform_10, window_bounds = array<i64: 64, 32>}, {pipeline_mode = #tpu.pipeline_mode<synchronous>, transform_indices = @transform_11, window_bounds = array<i64: 1, 32>}, {pipeline_mode = #tpu.pipeline_mode<synchronous>, transform_indices = @transform_12, window_bounds = array<i64: 32, 1>}, {pipeline_mode = #tpu.pipeline_mode<synchronous>, transform_indices = @transform_13, window_bounds = array<i64: 1, 1>}, {pipeline_mode = #tpu.pipeline_mode<synchronous>, transform_indices = @transform_14, window_bounds = array<i64: 1, 1>}]} {
    %get3A = arith.constant 0 : index
    %get3A_0 = arith.constant 0 : index
    %get3A_1 = vector.load %arg4[%get3A, %get3A_0] : memref<1000x128xf32, #tpu.memory_space<vmem>>, vector<1000x128xf32>
    %slice3A = vector.extract_strided_slice %get3A_1 {offsets = [0, 0], sizes = [1000, 64], strides = [1, 1]} : vector<1000x128xf32> to vector<1000x64xf32>
    %mul3A = arith.constant 1000 : i32
    %mul3A_2 = arith.muli %arg0, %mul3A : i32
    %get3A_3 = arith.constant 0 : index
    %get3A_4 = arith.constant 0 : index
    %get3A_5 = arith.constant 0 : index
    %get3A_6 = vector.load %arg2[%get3A_3, %get3A_4, %get3A_5] : memref<2x1000x32xf32, #tpu.memory_space<vmem>>, vector<1x1000x32xf32>
    %get3A_7 = vector.shape_cast %get3A_6 : vector<1x1000x32xf32> to vector<1000x32xf32>
    %slice3A_8 = vector.extract_strided_slice %slice3A {offsets = [0, 0], sizes = [1000, 32], strides = [1, 1]} : vector<1000x64xf32> to vector<1000x32xf32>
    %add3A = arith.addf %get3A_7, %slice3A_8 : vector<1000x32xf32>
    %get3A_9 = arith.constant 1 : index
    %get3A_10 = arith.constant 0 : index
    %get3A_11 = arith.constant 0 : index
    %get3A_12 = vector.load %arg2[%get3A_9, %get3A_10, %get3A_11] : memref<2x1000x32xf32, #tpu.memory_space<vmem>>, vector<1x1000x32xf32>
    %get3A_13 = vector.shape_cast %get3A_12 : vector<1x1000x32xf32> to vector<1000x32xf32>
    %slice3A_14 = vector.extract_strided_slice %slice3A {offsets = [0, 32], sizes = [1000, 32], strides = [1, 1]} : vector<1000x64xf32> to vector<1000x32xf32>
    %add3A_15 = arith.addf %get3A_13, %slice3A_14 : vector<1000x32xf32>
    %concatenate3A = tpu.concatenate %add3A, %add3A_15 in 1 : vector<1000x32xf32>, vector<1000x32xf32> -> vector<1000x64xf32>
    %get3A_16 = arith.constant 0 : index
    %get3A_17 = arith.constant 0 : index
    %get3A_18 = vector.load %arg5[%get3A_16, %get3A_17] : memref<1000x64xf32, #tpu.memory_space<vmem>>, vector<1000x64xf32>
    %get3A_19 = arith.constant 0 : index
    %get3A_20 = arith.constant 0 : index
    %get3A_21 = vector.load %arg7[%get3A_19, %get3A_20] : memref<1000x1xf32, #tpu.memory_space<vmem>>, vector<1000x1xf32>
    %mul3A_22 = vector.broadcast %get3A_21 : vector<1000x1xf32> to vector<1000x64xf32>
    %mul3A_23 = arith.mulf %concatenate3A, %mul3A_22 : vector<1000x64xf32>
    %get3A_24 = arith.constant 0 : index
    %get3A_25 = arith.constant 0 : index
    %get3A_26 = vector.load %arg9[%get3A_24, %get3A_25] : memref<1x64xf32, #tpu.memory_space<vmem>>, vector<1x64xf32>
    %add3A_27 = vector.broadcast %get3A_26 : vector<1x64xf32> to vector<1000x64xf32>
    %add3A_28 = arith.addf %mul3A_23, %add3A_27 : vector<1000x64xf32>
    %max3A = arith.constant 0.000000e+00 : f32
    %max3A_29 = vector.broadcast %max3A : f32 to vector<1000x64xf32>
    %max3A_30 = arith.maximumf %add3A_28, %max3A_29 : vector<1000x64xf32>
    %add3A_31 = arith.addf %get3A_18, %max3A_30 : vector<1000x64xf32>
    %iota3A = tpu.iota {dimensions = array<i32: 0>} : vector<1000x1xi32>
    %add3A_32 = vector.broadcast %mul3A_2 : i32 to vector<1000x1xi32>
    %add3A_33 = arith.addi %iota3A, %add3A_32 : vector<1000x1xi32>
    %get3A_34 = arith.constant 0 : index
    %get3A_35 = memref.load %arg1[%get3A_34] : memref<2xi32, #tpu.memory_space<smem>>
    %eq3A = vector.broadcast %get3A_35 : i32 to vector<1000x1xi32>
    %eq3A_36 = arith.cmpi eq, %add3A_33, %eq3A : vector<1000x1xi32>
    %jit3A = arith.constant 1.000000e+00 : f32
    %jit3A_37 = arith.constant 0.000000e+00 : f32
    %broadcast_in_dim3A = vector.broadcast %jit3A : f32 to vector<1000x1xf32>
    %broadcast_in_dim3A_38 = vector.broadcast %jit3A_37 : f32 to vector<1000x1xf32>
    %select_n3A = arith.select %eq3A_36, %broadcast_in_dim3A, %broadcast_in_dim3A_38 : vector<1000x1xi1>, vector<1000x1xf32>
    %get3A_39 = arith.constant 1 : index
    %get3A_40 = memref.load %arg1[%get3A_39] : memref<2xi32, #tpu.memory_space<smem>>
    %eq3A_41 = vector.broadcast %get3A_40 : i32 to vector<1000x1xi32>
    %eq3A_42 = arith.cmpi eq, %add3A_33, %eq3A_41 : vector<1000x1xi32>
    %jit3A_43 = arith.constant 1.000000e+00 : f32
    %jit3A_44 = arith.constant 0.000000e+00 : f32
    %broadcast_in_dim3A_45 = vector.broadcast %jit3A_43 : f32 to vector<1000x1xf32>
    %broadcast_in_dim3A_46 = vector.broadcast %jit3A_44 : f32 to vector<1000x1xf32>
    %select_n3A_47 = arith.select %eq3A_42, %broadcast_in_dim3A_45, %broadcast_in_dim3A_46 : vector<1000x1xi1>, vector<1000x1xf32>
    %concatenate3A_48 = tpu.concatenate %select_n3A, %select_n3A_47 in 1 : vector<1000x1xf32>, vector<1000x1xf32> -> vector<1000x2xf32>
    %dot_general3A = arith.constant dense<0.000000e+00> : vector<2x64xf32>
    %dot_general3A_49 = tpu.matmul %concatenate3A_48, %add3A_31, %dot_general3A {dimension_numbers = #tpu.dot_dimension_numbers<[0], [0], [1], [1], [0, 1, 1, 1], [], []>, transpose_lhs_hint = false} : vector<1000x2xf32>, vector<1000x64xf32>, vector<2x64xf32> -> vector<2x64xf32>
    %slice3A_50 = vector.extract_strided_slice %get3A_1 {offsets = [0, 64], sizes = [1000, 64], strides = [1, 1]} : vector<1000x128xf32> to vector<1000x64xf32>
    %mul3A_51 = arith.constant 1000 : i32
    %mul3A_52 = arith.muli %arg0, %mul3A_51 : i32
    %add3A_53 = arith.constant 25000 : i32
    %add3A_54 = arith.addi %add3A_53, %mul3A_52 : i32
    %get3A_55 = arith.constant 0 : index
    %get3A_56 = arith.constant 0 : index
    %get3A_57 = arith.constant 0 : index
    %get3A_58 = vector.load %arg3[%get3A_55, %get3A_56, %get3A_57] : memref<2x1000x32xf32, #tpu.memory_space<vmem>>, vector<1x1000x32xf32>
    %get3A_59 = vector.shape_cast %get3A_58 : vector<1x1000x32xf32> to vector<1000x32xf32>
    %slice3A_60 = vector.extract_strided_slice %slice3A_50 {offsets = [0, 0], sizes = [1000, 32], strides = [1, 1]} : vector<1000x64xf32> to vector<1000x32xf32>
    %add3A_61 = arith.addf %get3A_59, %slice3A_60 : vector<1000x32xf32>
    %get3A_62 = arith.constant 1 : index
    %get3A_63 = arith.constant 0 : index
    %get3A_64 = arith.constant 0 : index
    %get3A_65 = vector.load %arg3[%get3A_62, %get3A_63, %get3A_64] : memref<2x1000x32xf32, #tpu.memory_space<vmem>>, vector<1x1000x32xf32>
    %get3A_66 = vector.shape_cast %get3A_65 : vector<1x1000x32xf32> to vector<1000x32xf32>
    %slice3A_67 = vector.extract_strided_slice %slice3A_50 {offsets = [0, 32], sizes = [1000, 32], strides = [1, 1]} : vector<1000x64xf32> to vector<1000x32xf32>
    %add3A_68 = arith.addf %get3A_66, %slice3A_67 : vector<1000x32xf32>
    %concatenate3A_69 = tpu.concatenate %add3A_61, %add3A_68 in 1 : vector<1000x32xf32>, vector<1000x32xf32> -> vector<1000x64xf32>
    %get3A_70 = arith.constant 0 : index
    %get3A_71 = arith.constant 0 : index
    %get3A_72 = vector.load %arg6[%get3A_70, %get3A_71] : memref<1000x64xf32, #tpu.memory_space<vmem>>, vector<1000x64xf32>
    %get3A_73 = arith.constant 0 : index
    %get3A_74 = arith.constant 0 : index
    %get3A_75 = vector.load %arg8[%get3A_73, %get3A_74] : memref<1000x1xf32, #tpu.memory_space<vmem>>, vector<1000x1xf32>
    %mul3A_76 = vector.broadcast %get3A_75 : vector<1000x1xf32> to vector<1000x64xf32>
    %mul3A_77 = arith.mulf %concatenate3A_69, %mul3A_76 : vector<1000x64xf32>
    %get3A_78 = arith.constant 0 : index
    %get3A_79 = arith.constant 0 : index
    %get3A_80 = vector.load %arg9[%get3A_78, %get3A_79] : memref<1x64xf32, #tpu.memory_space<vmem>>, vector<1x64xf32>
    %add3A_81 = vector.broadcast %get3A_80 : vector<1x64xf32> to vector<1000x64xf32>
    %add3A_82 = arith.addf %mul3A_77, %add3A_81 : vector<1000x64xf32>
    %max3A_83 = arith.constant 0.000000e+00 : f32
    %max3A_84 = vector.broadcast %max3A_83 : f32 to vector<1000x64xf32>
    %max3A_85 = arith.maximumf %add3A_82, %max3A_84 : vector<1000x64xf32>
    %add3A_86 = arith.addf %get3A_72, %max3A_85 : vector<1000x64xf32>
    %iota3A_87 = tpu.iota {dimensions = array<i32: 0>} : vector<1000x1xi32>
    %add3A_88 = vector.broadcast %add3A_54 : i32 to vector<1000x1xi32>
    %add3A_89 = arith.addi %iota3A_87, %add3A_88 : vector<1000x1xi32>
    %get3A_90 = arith.constant 0 : index
    %get3A_91 = memref.load %arg1[%get3A_90] : memref<2xi32, #tpu.memory_space<smem>>
    %eq3A_92 = vector.broadcast %get3A_91 : i32 to vector<1000x1xi32>
    %eq3A_93 = arith.cmpi eq, %add3A_89, %eq3A_92 : vector<1000x1xi32>
    %jit3A_94 = arith.constant 1.000000e+00 : f32
    %jit3A_95 = arith.constant 0.000000e+00 : f32
    %broadcast_in_dim3A_96 = vector.broadcast %jit3A_94 : f32 to vector<1000x1xf32>
    %broadcast_in_dim3A_97 = vector.broadcast %jit3A_95 : f32 to vector<1000x1xf32>
    %select_n3A_98 = arith.select %eq3A_93, %broadcast_in_dim3A_96, %broadcast_in_dim3A_97 : vector<1000x1xi1>, vector<1000x1xf32>
    %get3A_99 = arith.constant 1 : index
    %get3A_100 = memref.load %arg1[%get3A_99] : memref<2xi32, #tpu.memory_space<smem>>
    %eq3A_101 = vector.broadcast %get3A_100 : i32 to vector<1000x1xi32>
    %eq3A_102 = arith.cmpi eq, %add3A_89, %eq3A_101 : vector<1000x1xi32>
    %jit3A_103 = arith.constant 1.000000e+00 : f32
    %jit3A_104 = arith.constant 0.000000e+00 : f32
    %broadcast_in_dim3A_105 = vector.broadcast %jit3A_103 : f32 to vector<1000x1xf32>
    %broadcast_in_dim3A_106 = vector.broadcast %jit3A_104 : f32 to vector<1000x1xf32>
    %select_n3A_107 = arith.select %eq3A_102, %broadcast_in_dim3A_105, %broadcast_in_dim3A_106 : vector<1000x1xi1>, vector<1000x1xf32>
    %concatenate3A_108 = tpu.concatenate %select_n3A_98, %select_n3A_107 in 1 : vector<1000x1xf32>, vector<1000x1xf32> -> vector<1000x2xf32>
    %dot_general3A_109 = arith.constant dense<0.000000e+00> : vector<2x64xf32>
    %dot_general3A_110 = tpu.matmul %concatenate3A_108, %add3A_86, %dot_general3A_109 {dimension_numbers = #tpu.dot_dimension_numbers<[0], [0], [1], [1], [0, 1, 1, 1], [], []>, transpose_lhs_hint = false} : vector<1000x2xf32>, vector<1000x64xf32>, vector<2x64xf32> -> vector<2x64xf32>
    %add3A_111 = arith.addf %dot_general3A_49, %dot_general3A_110 : vector<2x64xf32>
    %eq3A_112 = arith.constant 0 : i32
    %eq3A_113 = arith.cmpi eq, %arg0, %eq3A_112 : i32
    %convert_element_type3A = arith.extui %eq3A_113 : i1 to i32
    %cond3A = arith.constant 0 : i32
    %cond3A_114 = arith.cmpi ne, %convert_element_type3A, %cond3A : i32
    scf.if %cond3A_114 {
      %broadcast_in_dim3A_126 = arith.constant 0.000000e+00 : f32
      %broadcast_in_dim3A_127 = vector.broadcast %broadcast_in_dim3A_126 : f32 to vector<2x64xf32>
      %swap3A_128 = arith.constant 0 : index
      %swap3A_129 = arith.constant 0 : index
      %swap3A_130 = vector.load %arg17[%swap3A_128, %swap3A_129] : memref<2x64xf32, #tpu.memory_space<vmem>>, vector<2x64xf32>
      tpu.vector_store %arg17[%swap3A_128, %swap3A_129], %broadcast_in_dim3A_127 {strides = array<i32>} : memref<2x64xf32, #tpu.memory_space<vmem>>, vector<2x64xf32>,
    } else {
    }
    %get3A_115 = arith.constant 0 : index
    %get3A_116 = arith.constant 0 : index
    %get3A_117 = vector.load %arg17[%get3A_115, %get3A_116] : memref<2x64xf32, #tpu.memory_space<vmem>>, vector<2x64xf32>
    %add3A_118 = arith.addf %get3A_117, %add3A_111 : vector<2x64xf32>
    %swap3A = arith.constant 0 : index
    %swap3A_119 = arith.constant 0 : index
    %swap3A_120 = vector.load %arg17[%swap3A, %swap3A_119] : memref<2x64xf32, #tpu.memory_space<vmem>>, vector<2x64xf32>
    tpu.vector_store %arg17[%swap3A, %swap3A_119], %add3A_118 {strides = array<i32>} : memref<2x64xf32, #tpu.memory_space<vmem>>, vector<2x64xf32>,
    %eq3A_121 = arith.constant 24 : i32
    %eq3A_122 = arith.cmpi eq, %arg0, %eq3A_121 : i32
    %convert_element_type3A_123 = arith.extui %eq3A_122 : i1 to i32
    %cond3A_124 = arith.constant 0 : i32
    %cond3A_125 = arith.cmpi ne, %convert_element_type3A_123, %cond3A_124 : i32
    scf.if %cond3A_125 {
      %get3A_126 = arith.constant 0 : index
      %get3A_127 = arith.constant 0 : index
      %get3A_128 = vector.load %arg17[%get3A_126, %get3A_127] : memref<2x64xf32, #tpu.memory_space<vmem>>, vector<1x64xf32>
      %get3A_129 = arith.constant 1 : index
      %get3A_130 = arith.constant 0 : index
      %get3A_131 = vector.load %arg17[%get3A_129, %get3A_130] : memref<2x64xf32, #tpu.memory_space<vmem>>, vector<1x64xf32>
      %concatenate3A_132 = tpu.concatenate %get3A_128, %get3A_131 in 1 : vector<1x64xf32>, vector<1x64xf32> -> vector<1x128xf32>
      %get3A_133 = arith.constant 0 : index
      %get3A_134 = arith.constant 0 : index
      %get3A_135 = vector.load %arg10[%get3A_133, %get3A_134] : memref<128x64xf32, #tpu.memory_space<vmem>>, vector<128x64xf32>
      %dot_general3A_136 = arith.constant dense<0.000000e+00> : vector<1x64xf32>
      %dot_general3A_137 = tpu.matmul %concatenate3A_132, %get3A_135, %dot_general3A_136 {dimension_numbers = #tpu.dot_dimension_numbers<[1], [0], [0], [1], [0, 0, 1, 1], [], []>, transpose_lhs_hint = false} : vector<1x128xf32>, vector<128x64xf32>, vector<1x64xf32> -> vector<1x64xf32>
      %get3A_138 = arith.constant 0 : index
      %get3A_139 = arith.constant 0 : index
      %get3A_140 = vector.load %arg11[%get3A_138, %get3A_139] : memref<1x64xf32, #tpu.memory_space<vmem>>, vector<1x64xf32>
      %add3A_141 = arith.addf %dot_general3A_137, %get3A_140 : vector<1x64xf32>
      %max3A_142 = arith.constant 0.000000e+00 : f32
      %max3A_143 = vector.broadcast %max3A_142 : f32 to vector<1x64xf32>
      %max3A_144 = arith.maximumf %add3A_141, %max3A_143 : vector<1x64xf32>
      %get3A_145 = arith.constant 0 : index
      %get3A_146 = arith.constant 0 : index
      %get3A_147 = vector.load %arg12[%get3A_145, %get3A_146] : memref<64x32xf32, #tpu.memory_space<vmem>>, vector<64x32xf32>
      %dot_general3A_148 = arith.constant dense<0.000000e+00> : vector<1x32xf32>
      %dot_general3A_149 = tpu.matmul %max3A_144, %get3A_147, %dot_general3A_148 {dimension_numbers = #tpu.dot_dimension_numbers<[1], [0], [0], [1], [0, 0, 1, 1], [], []>, transpose_lhs_hint = false} : vector<1x64xf32>, vector<64x32xf32>, vector<1x32xf32> -> vector<1x32xf32>
      %get3A_150 = arith.constant 0 : index
      %get3A_151 = arith.constant 0 : index
      %get3A_152 = vector.load %arg13[%get3A_150, %get3A_151] : memref<1x32xf32, #tpu.memory_space<vmem>>, vector<1x32xf32>
      %add3A_153 = arith.addf %dot_general3A_149, %get3A_152 : vector<1x32xf32>
      %max3A_154 = arith.constant 0.000000e+00 : f32
      %max3A_155 = vector.broadcast %max3A_154 : f32 to vector<1x32xf32>
      %max3A_156 = arith.maximumf %add3A_153, %max3A_155 : vector<1x32xf32>
      %get3A_157 = arith.constant 0 : index
      %get3A_158 = arith.constant 0 : index
      %get3A_159 = vector.load %arg14[%get3A_157, %get3A_158] : memref<32x1xf32, #tpu.memory_space<vmem>>, vector<32x1xf32>
      %dot_general3A_160 = arith.constant dense<0.000000e+00> : vector<1x1xf32>
      %dot_general3A_161 = tpu.matmul %max3A_156, %get3A_159, %dot_general3A_160 {dimension_numbers = #tpu.dot_dimension_numbers<[1], [0], [0], [1], [0, 0, 1, 1], [], []>, transpose_lhs_hint = false} : vector<1x32xf32>, vector<32x1xf32>, vector<1x1xf32> -> vector<1x1xf32>
      %get3A_162 = arith.constant 0 : index
      %get3A_163 = arith.constant 0 : index
      %get3A_164 = vector.load %arg15[%get3A_162, %get3A_163] : memref<1x1xf32, #tpu.memory_space<vmem>>, vector<1x1xf32>
      %add3A_165 = arith.addf %dot_general3A_161, %get3A_164 : vector<1x1xf32>
      %swap3A_166 = arith.constant 0 : index
      %swap3A_167 = arith.constant 0 : index
      %swap3A_168 = vector.load %arg16[%swap3A_166, %swap3A_167] : memref<1x1xf32, #tpu.memory_space<vmem>>, vector<1x1xf32>
      tpu.vector_store %arg16[%swap3A_166, %swap3A_167], %add3A_165 {strides = array<i32>} : memref<1x1xf32, #tpu.memory_space<vmem>>, vector<1x1xf32>,
    } else {
    }
    return
  }
  func.func @transform_0(%arg0: i32, %arg1: memref<2xi32, #tpu.memory_space<smem>>) -> (i32, i32, i32) {
    %c0_i32 = arith.constant 0 : i32
    %c0_i32_0 = arith.constant 0 : i32
    %c0_i32_1 = arith.constant 0 : i32
    return %c0_i32, %arg0, %c0_i32_0 : i32, i32, i32
  }
  func.func @transform_1(%arg0: i32, %arg1: memref<2xi32, #tpu.memory_space<smem>>) -> (i32, i32, i32) {
    %add3A = arith.constant 25 : i32
    %add3A_0 = arith.addi %arg0, %add3A : i32
    %c0_i32 = arith.constant 0 : i32
    %c0_i32_1 = arith.constant 0 : i32
    %c0_i32_2 = arith.constant 0 : i32
    return %c0_i32, %add3A_0, %c0_i32_1 : i32, i32, i32
  }
  func.func @transform_2(%arg0: i32, %arg1: memref<2xi32, #tpu.memory_space<smem>>) -> (i32, i32) {
    %c0_i32 = arith.constant 0 : i32
    %c0_i32_0 = arith.constant 0 : i32
    return %arg0, %c0_i32 : i32, i32
  }
  func.func @transform_3(%arg0: i32, %arg1: memref<2xi32, #tpu.memory_space<smem>>) -> (i32, i32) {
    %c0_i32 = arith.constant 0 : i32
    %c0_i32_0 = arith.constant 0 : i32
    return %arg0, %c0_i32 : i32, i32
  }
  func.func @transform_4(%arg0: i32, %arg1: memref<2xi32, #tpu.memory_space<smem>>) -> (i32, i32) {
    %c0_i32 = arith.constant 0 : i32
    %c0_i32_0 = arith.constant 0 : i32
    return %arg0, %c0_i32 : i32, i32
  }
  func.func @transform_5(%arg0: i32, %arg1: memref<2xi32, #tpu.memory_space<smem>>) -> (i32, i32) {
    %c0_i32 = arith.constant 0 : i32
    %c0_i32_0 = arith.constant 0 : i32
    return %arg0, %c0_i32 : i32, i32
  }
  func.func @transform_6(%arg0: i32, %arg1: memref<2xi32, #tpu.memory_space<smem>>) -> (i32, i32) {
    %c0_i32 = arith.constant 0 : i32
    %c0_i32_0 = arith.constant 0 : i32
    return %arg0, %c0_i32 : i32, i32
  }
  func.func @transform_7(%arg0: i32, %arg1: memref<2xi32, #tpu.memory_space<smem>>) -> (i32, i32) {
    %c0_i32 = arith.constant 0 : i32
    %c0_i32_0 = arith.constant 0 : i32
    %c0_i32_1 = arith.constant 0 : i32
    return %c0_i32, %c0_i32_0 : i32, i32
  }
  func.func @transform_8(%arg0: i32, %arg1: memref<2xi32, #tpu.memory_space<smem>>) -> (i32, i32) {
    %c0_i32 = arith.constant 0 : i32
    %c0_i32_0 = arith.constant 0 : i32
    %c0_i32_1 = arith.constant 0 : i32
    return %c0_i32, %c0_i32_0 : i32, i32
  }
  func.func @transform_9(%arg0: i32, %arg1: memref<2xi32, #tpu.memory_space<smem>>) -> (i32, i32) {
    %c0_i32 = arith.constant 0 : i32
    %c0_i32_0 = arith.constant 0 : i32
    %c0_i32_1 = arith.constant 0 : i32
    return %c0_i32, %c0_i32_0 : i32, i32
  }
  func.func @transform_10(%arg0: i32, %arg1: memref<2xi32, #tpu.memory_space<smem>>) -> (i32, i32) {
    %c0_i32 = arith.constant 0 : i32
    %c0_i32_0 = arith.constant 0 : i32
    %c0_i32_1 = arith.constant 0 : i32
    return %c0_i32, %c0_i32_0 : i32, i32
  }
  func.func @transform_11(%arg0: i32, %arg1: memref<2xi32, #tpu.memory_space<smem>>) -> (i32, i32) {
    %c0_i32 = arith.constant 0 : i32
    %c0_i32_0 = arith.constant 0 : i32
    %c0_i32_1 = arith.constant 0 : i32
    return %c0_i32, %c0_i32_0 : i32, i32
  }
  func.func @transform_12(%arg0: i32, %arg1: memref<2xi32, #tpu.memory_space<smem>>) -> (i32, i32) {
    %c0_i32 = arith.constant 0 : i32
    %c0_i32_0 = arith.constant 0 : i32
    %c0_i32_1 = arith.constant 0 : i32
    return %c0_i32, %c0_i32_0 : i32, i32
  }
  func.func @transform_13(%arg0: i32, %arg1: memref<2xi32, #tpu.memory_space<smem>>) -> (i32, i32) {
    %c0_i32 = arith.constant 0 : i32
    %c0_i32_0 = arith.constant 0 : i32
    %c0_i32_1 = arith.constant 0 : i32
    return %c0_i32, %c0_i32_0 : i32, i32
  }
  func.func @transform_14(%arg0: i32, %arg1: memref<2xi32, #tpu.memory_space<smem>>) -> (i32, i32) {
    %c0_i32 = arith.constant 0 : i32
    %c0_i32_0 = arith.constant 0 : i32
    %c0_i32_1 = arith.constant 0 : i32
    return %c0_i32, %c0_i32_0 : i32, i32
  }
}

</mosaic_0001>

<sc_bundles>
// kernel: kernel.10.cloned.1.call-start
scs
__scs_entry_jumppad:
0x0: {  	(pc) =	sbr.rel $0x88, $3  }
0x1: {  	(tag) =	ssettag $0x0;
	lr =	simm.s32 $0x1  }
0x2: {  	[smem:$0x3F8F] =	sst lr;
	_ =	strace $0xD0000000  }
0x3: {  	_ = 	snop  }
0x4: {  	_ = 	snop  }
0x5: {  	_ = 	snop  }
0x6: {  	_ = 	snop  }
0x7: {  	_ = 	snop  }
__scs_overlays_trampoline_lowered:
0x8: {  	[smem:$0x3F9E] =	sst s0  }
0x9: {  	[smem:$0x3F9F] =	sst s1  }
0xa: {  	[smem:$0x3FA0] =	sst s2  }
0xb: {  	[smem:$0x3FA1] =	sst s3  }
0xc: {  	[smem:$0x3FA2] =	sst s4  }
0xd: {  	[smem:$0x3FA3] =	sst s5  }
0xe: {  	[smem:$0x3FA4] =	sst s6  }
0xf: {  	[smem:$0x3FA5] =	sst s7  }
0x10: {  	[smem:$0x3FA6] =	sst s8  }
0x11: {  	[smem:$0x3FA7] =	sst s9;
	s0 =	simm.s32 @!p0 $0x0  }
0x12: {  	s1 =	sld [smem:$0x3F8D];
	s0 =	simm.s32 @p0 $0x1  }
0x13: {  	[smem:$0x3FA8] =	sst s0;
	s0 =	simm.s32 @!p1 $0x0  }
0x14: {  	s2 =	sld [smem:$0x3F8C];
	s0 =	simm.s32 @p1 $0x1  }
0x15: {  	[smem:$0x3FA9] =	sst s0;
	s0 =	simm.s32 @!p2 $0x0  }
0x16: {  	s3 =	sld [smem:$0x3FDB];
	s0 =	simm.s32 @p2 $0x1  }
0x17: {  	s4 =	simm.s32 $0x1BF5;
	[smem:$0x3FAB] =	sst s0  }
0x18: {  	s0 =	sld [smem:$0x3F8E];
	_ =	swait.ge [sflag:s4], $0x0  }
0x19: {  	s7 =	sld [smem:$0x3F8F]  }
0x1a: {  	s8 =	sadd.s32 $0xFFFFE003, lr  }
0x1b: {  	s9 =	sadd.s32 $0xFFFFFEF7, lr;
	s5 =	simm.s32 $0xFFFFFFFF;
	p2 =	slt.u32 s8, $0xFFFFF086  }
0x1c: {  	p1 =	slt.u32 s9, $0xF7A;
	s5 =	simm.s32 @!p2 $0x0  }
0x1d: {  	s5 =	simm.s32 @p1 $0x1;
	p0 =	seq.s32 s7, s2  }
0x1e: {  	s7 =	smul.u32 @!p0 $0xF7A, s2;
	p2 =	seq.s32 @!p0 s5, $0x0  }
0x1f: {  	s9 =	smul.u32 $0xF7A, s1;
	s8 =	simm.s32 @!p0 $0x1BF5;
	p2 =	por !p2, p0  }
0x20: {  	[sflag:s8] =	ssyncset.s32 @!p0 $0xFFFFF086;
	s6 =	sadd.s32 @!p0 s3, s7;
	s7 =	simm.s32 @!p0 $0x108  }
0x21: {  	s3 =	sadd.s32 s3, s9;
	s6 =	sadd.s32 @!p0 $0x88, s6;
	s7 =	simm.s32 @p2 $0x1082  }
0x22: {  	[simem:s7], [sflag:s8] =	dma.local @!p0 [hbm:s6], $0xF7A  }
0x23: {  	s9 =	sor.u32 $0xD0000000, s2;
	s6 =	simm.s32 $0x108;
	_ =	swait.ge @!p0 [sflag:s8], $0x0  }
0x24: {  	s3 =	sadd.s32 $0x88, s3;
	s6 =	simm.s32 @!p1 $0x1082;
	[sflag:s4] =	ssyncset.s32 $0xFFFFF086  }
0x25: {  	[simem:s6], [sflag:s4] =	dma.local [hbm:s3], $0xF7A  }
0x26: {  	[smem:$0x3F8F] =	sst s1;
	(tag) =	ssettag s2;
	_ =	strace s9  }
0x27: {  	s1 =	sld [smem:$0x3F9F]  }
0x28: {  	s2 =	sld [smem:$0x3FA0]  }
0x29: {  	s4 =	sld [smem:$0x3FA2]  }
0x2a: {  	p0 =	seq.s32 s5, $0x0;
	s5 =	sld [smem:$0x3FA3]  }
0x2b: {  	s6 =	sld [smem:$0x3FA4]  }
0x2c: {  	s7 =	sld [smem:$0x3FA5]  }
0x2d: {  	s3 =	simm.s32 $0x108;
	s8 =	sld [smem:$0x3FA6]  }
0x2e: {  	s3 =	simm.s32 @!p0 $0x1082;
	s9 =	sld [smem:$0x3FA7]  }
0x2f: {  	lr =	sadd.s32 s0, s3;
	s0 =	sld [smem:$0x3F9E]  }
0x30: {  	s3 =	sld [smem:$0x3FA1]  }
0x31: {  	[smem:$0x3FAA] =	sst s10  }
0x32: {  	s10 =	sld [smem:$0x3FA8];
	_ =	sdelay $0x3  }
0x33: {  	p0 =	seq.s32 s10, $0x1;
	s10 =	sld [smem:$0x3FAA];
	_ =	sdelay $0x3  }
0x34: {  	[smem:$0x3FAA] =	sst s10  }
0x35: {  	s10 =	sld [smem:$0x3FA9];
	_ =	sdelay $0x3  }
0x36: {  	p1 =	seq.s32 s10, $0x1;
	s10 =	sld [smem:$0x3FAA];
	_ =	sdelay $0x3  }
0x37: {  	[smem:$0x3FAA] =	sst s10  }
0x38: {  	s10 =	sld [smem:$0x3FAB]  }
0x39: {  	_ = 	snop;
	(pc) =	sbr.ind lr, $3  }
0x3a: {  	_ = 	snop  }
0x3b: {  	_ = 	snop  }
0x3c: {  	p2 =	seq.s32 s10, $0x1;
	s10 =	sld [smem:$0x3FAA]  }
0x3d: {  	_ =	shalt  }
0x3e: {  	_ =	shalt  }
0x3f: {  	_ =	shalt  }
0x40: {  	_ =	shalt  }
0x41: {  	_ =	shalt  }
0x42: {  	_ =	shalt  }
0x43: {  	_ =	shalt  }
0x44: {  	_ =	shalt  }
0x45: {  	_ =	shalt  }
0x46: {  	_ =	shalt  }
0x47: {  	_ =	shalt  }
0x48: {  	_ =	shalt  }
0x49: {  	_ =	shalt  }
0x4a: {  	_ =	shalt  }
0x4b: {  	_ =	shalt  }
0x4c: {  	_ =	shalt  }
0x4d: {  	_ =	shalt  }
0x4e: {  	_ =	shalt  }
0x4f: {  	_ =	shalt  }
0x50: {  	_ =	shalt  }
0x51: {  	_ =	shalt  }
0x52: {  	_ =	shalt  }
0x53: {  	_ =	shalt  }
0x54: {  	_ =	shalt  }
0x55: {  	_ =	shalt  }
0x56: {  	_ =	shalt  }
0x57: {  	_ =	shalt  }
0x58: {  	_ =	shalt  }
0x59: {  	_ =	shalt  }
0x5a: {  	_ =	shalt  }
0x5b: {  	_ =	shalt  }
0x5c: {  	_ =	shalt  }
0x5d: {  	_ =	shalt  }
0x5e: {  	_ =	shalt  }
0x5f: {  	_ =	shalt  }
0x60: {  	_ =	shalt  }
0x61: {  	_ =	shalt  }
0x62: {  	_ =	shalt  }
0x63: {  	_ =	shalt  }
0x64: {  	_ =	shalt  }
0x65: {  	_ =	shalt  }
0x66: {  	_ =	shalt  }
0x67: {  	_ =	shalt  }
0x68: {  	_ =	shalt  }
0x69: {  	_ =	shalt  }
0x6a: {  	_ =	shalt  }
0x6b: {  	_ =	shalt  }
0x6c: {  	_ =	shalt  }
0x6d: {  	_ =	shalt  }
0x6e: {  	_ =	shalt  }
0x6f: {  	_ =	shalt  }
0x70: {  	_ =	shalt  }
0x71: {  	_ =	shalt  }
0x72: {  	_ =	shalt  }
0x73: {  	_ =	shalt  }
0x74: {  	_ =	shalt  }
0x75: {  	_ =	shalt  }
0x76: {  	_ =	shalt  }
0x77: {  	_ =	shalt  }
0x78: {  	_ =	shalt  }
0x79: {  	_ =	shalt  }
0x7a: {  	_ =	shalt  }
0x7b: {  	_ =	shalt  }
0x7c: {  	_ =	shalt  }
0x7d: {  	_ =	shalt  }
0x7e: {  	_ =	shalt  }
0x7f: {  	_ =	shalt  }
0x80: {  	_ =	shalt  }
0x81: {  	_ =	shalt  }
0x82: {  	_ =	shalt  }
0x83: {  	_ =	shalt  }
0x84: {  	_ =	shalt  }
0x85: {  	_ =	shalt  }
0x86: {  	_ =	shalt  }
0x87: {  	_ =	shalt  }
.Lfunc_end0:
.L_simem_size_0:
called_computation_lowered:
.L_overlay_start_0:
0x88: {  	s2 =	sld [smem:$0x3FD9]  }
0x89: {  	s3 =	sld [smem:$0x3FFE];
	_ =	sdelay $0x1  }
0x8a: {  	s1 =	srdreg.scid  }
0x8b: {  	s0 =	sand.u32 $0x1, s1  }
0x8c: {  	s16 =	sshll.u32 s0, $0xA;
	s2 =	sadd.s32 s3, s2  }
0x8d: {  	s2 =	sadd.s32 s2, s16  }
0x8e: {  	[smem:$0x3FB6] =	sst s2  }
0x8f: {  	_ = 	snop  }
0x90: {  	(tm) =	ssettm $0x1  }
0x91: {  	s17 =	sld [smem:$0x3FFB];
	_ =	sdelay $0x3  }
0x92: {  	_ =	strace s17  }
0x93: {  	s2 =	sld [smem:$0x3FFC];
	_ =	sdelay $0x3  }
0x94: {  	_ =	strace s2  }
0x95: {  	s2 =	sld [smem:$0x3FFD];
	_ =	sdelay $0x3  }
0x96: {  	_ =	strace s2  }
0x97: {  	_ =	strace $0x8FFFFFFF  }
0x98: {  	s18 =	sld [smem:$0x3FDB];
	_ =	sdelay $0x1  }
0x99: {  	s19 =	simm.s32 $_scs_section_size  }
0x9a: {  	s4 =	simm.s32 $_size__tile_overlayer_lowered;
	s5 =	simm.s32 $_tile_overlayer_lowered  }
0x9b: {  	s22 =	simm.s32 $0x1BFF;
	s21 =	sshll.u32 s5, $0x1;
	s2 =	sadd.s32 s19, s18  }
0x9c: {  	s6 =	simm.s32 $0x0;
	s20 =	sshll.u32 s4, $0x1;
	s4 =	sadd.s32 s21, s2  }
0x9d: {  	[timem:s6], [sflag:s22] =	dma.local [hbm:s4], s20  }
0x9e: {  	_ =	swait.ge [sflag:s22], s20  }
0x9f: {  	s3 =	ssub.s32 $0x0, s20;
	[sflag:s22] =	ssyncset.done $0x0  }
0xa0: {  	[sflag:s22] =	ssyncadd.s32 s3;
	_ =	sdelay $0x1  }
0xa1: {  	s23 =	simm.s32 $0x1B8B  }
0xa2: {  	_ =	swait.ge [sflag:s23], $0x1  }
0xa3: {  	[sflag:s23] =	ssyncset.done $0x0  }
0xa4: {  	s25 =	simm.s32 $0x1B8E;
	s24 =	sld [smem:$0x3FFE];
	[sflag:s23] =	ssyncadd.s32 $0xFFFFFFFF  }
0xa5: {  	s26 =	simm.s32 $execute0_lowered;
	[smem:$0x3FD2] =	sst s25  }
0xa6: {  	s4 =	sshll.u32 s26, $0x1;
	_ =	strace $0x80000046;
	[dreg:$0x1] =	wrdreg $0xFFFFFFFF  }
0xa7: {  	s28 =	simm.s32 $_size_execute0_lowered;
	s2 =	sadd.s32 s2, s4;
	[dreg:$0x0] =	wrdreg $0x0  }
0xa8: {  	s4 =	sshll.u32 s28, $0x1;
	[dreg:$0x2] =	wrdreg s2  }
0xa9: {  	[dreg:$0x3] =	wrdreg s4  }
0xaa: {  	[dreg:$0x4] =	wrdreg $0xC0  }
0xab: {  	_ =	task [dreg:s6], $0x5FFFF  }
0xac: {  	[dreg:$0x1] =	wrdreg $0xFFFFFFFF  }
0xad: {  	[dreg:$0x0] =	wrdreg $0x60  }
0xae: {  	[dreg:$0x2] =	wrdreg s24  }
0xaf: {  	[dreg:$0x3] =	wrdreg $0x1C000  }
0xb0: {  	[dreg:$0x4] =	wrdreg $0x9  }
0xb1: {  	_ =	task.clear_ibuf [dreg:s6], $0x5FFFF;
	_ =	strace $0x90000046  }
0xb2: {  	s29 =	simm.s32 $0x9;
	_ =	strace $0x80000048  }
0xb3: {  	_ =	swait.ge [sflag:s29], $0x1  }
0xb4: {  	[sflag:s29] =	ssyncadd.s32 $0xFFFFFFFF  }
0xb5: {  	_ =	strace $0x90000048  }
0xb6: {  	_ =	sfence  }
0xb7: {  	s30 =	sld [smem:$0x0];
	_ =	sdelay $0x2  }
0xb8: {  	s31 =	sshll.u32 s1, $0xD;
	s1 =	sshrl.u32 s1, $0x2  }
0xb9: {  	s3 =	sand.u32 $0x4000, s31;
	s1 =	sadd.s32 s1, s30  }
0xba: {  	s0 =	sor.u32 s3, s0;
	s1 =	sshll.u32 s1, $0x11  }
0xbb: {  	s0 =	sor.u32 s1, s0  }
0xbc: {  	s0 =	sadd.s32 $0x8F2B, s0  }
0xbd: {  	[sflag:s0] =	ssyncadd.remote.s32 $0x1  }
0xbe: {  	_ =	sfence.sel $0xFFFF  }
0xbf: {  	[dreg:$0x0] =	wrdreg $0xFFFFFFFF;
	(pc) =	sbr.abs _section_cstart, $3  }
0xc0: {  	[dreg:$0x1] =	wrdreg $0xFFFFFFFF  }
0xc1: {  	_ =	task.clear_ibuf [dreg:s6], $0x2FFFF;
	_ =	strace $0x9FFFFFFF  }
0xc2: {  	(tm) =	ssettm $0x7FFFFFFF  }
0xc3: {  	_ =	shalt  }
tec
execute0_lowered:
.L_overlay_start_1:
0x0: {  	(tag) =	ssettag $0x1  }
0x1: {  	s7 =	rddreg [dreg:$0x0]  }
0x2: {  	s2 =	rddreg [dreg:$0x1]  }
0x3: {  	s0 =	rddreg [dreg:$0x2];
	s4 =	srdreg.scid  }
0x4: {  	s1 =	stileid.u32;
	s3 =	simm.s32 $0x0;
	s15 =	simm.s32 $0x1  }
0x5: {  	s16 =	simm.s32 $0x2;
	s17 =	simm.s32 $0x3;
	s18 =	simm.s32 $0x4  }
0x6: {  	s19 =	simm.s32 $0x0;
	s6 =	sand.u32 $0x1, s4;
	s8 =	smul.u32 $0xC380, s1  }
0x7: {  	[smem:$0x7FF] =	sst s3;
	s4 =	sadd.s32 $0x4C00, s7;
	s13 =	smul.u32 $0x6400, s1  }
0x8: {  	s5 =	sadd.s32 $0x1DC00, s7;
	s31 =	sshll.u32 s1, $0x6;
	s9 =	smul.u32 $0xC3800, s6  }
0x9: {  	_ =	strace $0x80000047;
	s10 =	ssub.s32 $0x2, s6;
	s11 =	smul.u32 $0x64000, s6  }
0xa: {  	s6 =	sadd.s32 $0x1F600, s7;
	s12 =	sshrl.u32 s10, $0x1;
	s9 =	sadd.s32 s8, s9  }
0xb: {  	s14 =	sadd.s32 s8, s2;
	s10 =	ssub.s32 s10, s12;
	s9 =	sshrl.u32 s9, $0x3  }
0xc: {  	s12 =	sor.u32 $0x1C05, s31;
	s9 =	sadd.s32 s9, s7;
	s7 =	sadd.s32 s13, s11  }
0xd: {  	s11 =	simm.s32 $0x5;
	s13 =	sshrl.u32 s14, $0x3;
	s14 =	simm.s32 $0x80  }
0xe: {  	s8 =	sadd.s32 $0x1F800, s9;
	s9 =	smax.u32 s10, $0x1;
	s10 =	simm.s32 $0x1400  }
.LBB2_1:
0xf: {  	[tilespmem:s10], [sflag:$0x5] =	stream.linear.gather [hbm4b:s6+s3], $0x800, $0x38;
	[tilespmem:$0xDF80] =	vst v63  }
0x10: {  	_ =	swait.ge [sflag:s11], $0x800  }
0x11: {  	[sflag:s11] =	ssyncset.done $0x0  }
0x12: {  	[sflag:s11] =	ssyncadd.s32 $0xFFFFF800  }
0x13: {  	[spmem:s13], [sflag:s12] =	dma.local [hbm:s5], $0x1870  }
0x14: {  	_ =	swait.ge [sflag:s11], $0x1870  }
0x15: {  	[sflag:s11] =	ssyncset.done $0x0  }
0x16: {  	[sflag:s11] =	ssyncadd.s32 $0xFFFFE790  }
0x17: {  	s20 =	simm.s32 $0x0;
	[bflag:$0x0] =	sbarrier.arrive $0xFFFF  }
.LBB2_2:
0x18: {  	s21 =	smul.u32 $0x1400, s20;
	_ =	sdelay $0x1  }
0x19: {  	s21 =	sadd.s32 s21, s7  }
0x1a: {  	s22 =	simm.s32 $0x0;
	s21 =	sshrl.u32 s21, $0x3  }
0x1b: {  	s31 =	sor.u32 s20, s22;
	s21 =	sadd.s32 s4, s21  }
0x1c: {  	[tilespmem:s22], [sflag:$0x5] =	stream.linear.gather [hbm4b:s21+s22], $0x1400, $0x38;
	[tilespmem:$0xDF80] =	vst v63  }
0x1d: {  	p0 =	seq.s32 s31, $0x0;
	_ =	swait.ge [sflag:s11], $0x1400  }
0x1e: {  	s23 =	simm.s32 @p0 $0x1400;
	[sflag:s11] =	ssyncset.done $0x0  }
0x1f: {  	s21 =	simm.s32 @p0 $0x80;
	s22 =	simm.s32 @p0 $0x0;
	[sflag:s11] =	ssyncadd.s32 $0xFFFFEC00  }
0x20: {  	[spmem:s2] =	stream.indirect.scatter.add.f32 @p0 [tilespmem:s23], [sflag:$0x1], $0x10, s22, s21, $0xb8;
	[tilespmem:$0xDF80] =	vst v63  }
0x21: {  	_ = 	snop  }
0x22: {  	[spmem:s2] =	stream.indirect.scatter.add.f32 @p0 [tilespmem:s23], [sflag:$0x2], $0x10, s21, s21, $0xb8;
	[tilespmem:$0xDF80] =	vst v63  }
0x23: {  	s24 =	simm.s32 @!p0 $0x1;
	s22 =	simm.s32 @p0 $0x100  }
0x24: {  	[spmem:s2] =	stream.indirect.scatter.add.f32 @p0 [tilespmem:s23], [sflag:$0x3], $0x10, s22, s21, $0xb8;
	[tilespmem:$0xDF80] =	vst v63  }
0x25: {  	_ =	swait.ge @!p0 [sflag:s24], $0x800  }
0x26: {  	s25 =	simm.s32 @!p0 $0x80;
	s21 =	simm.s32 @!p0 $0x1400;
	[sflag:s24] =	ssyncset.done @!p0 $0x0  }
0x27: {  	s22 =	simm.s32 @!p0 $0x2;
	[sflag:s24] =	ssyncadd.s32 @!p0 $0xFFFFF800;
	s24 =	simm.s32 @!p0 $0x0  }
0x28: {  	[spmem:s2] =	stream.indirect.scatter.add.f32 @!p0 [tilespmem:s21], [sflag:$0x1], $0x10, s24, s25, $0xb8;
	[tilespmem:$0xDF80] =	vst v63  }
0x29: {  	_ =	swait.ge @!p0 [sflag:s22], $0x800  }
0x2a: {  	[sflag:s22] =	ssyncset.done @!p0 $0x0  }
0x2b: {  	s26 =	simm.s32 @!p0 $0x3;
	s23 =	simm.s32 $0x80;
	[sflag:s22] =	ssyncadd.s32 @!p0 $0xFFFFF800  }
0x2c: {  	[spmem:s2] =	stream.indirect.scatter.add.f32 @!p0 [tilespmem:s21], [sflag:$0x2], $0x10, s23, s25, $0xb8;
	[tilespmem:$0xDF80] =	vst v63  }
0x2d: {  	_ =	swait.ge @!p0 [sflag:s26], $0x800  }
0x2e: {  	s28 =	simm.s32 $0x1;
	s24 =	simm.s32 @p0 $0x0;
	[sflag:s26] =	ssyncset.done @!p0 $0x0  }
0x2f: {  	s23 =	simm.s32 @!p0 $0x4;
	[sflag:s26] =	ssyncadd.s32 @!p0 $0xFFFFF800;
	s26 =	simm.s32 @!p0 $0x100  }
0x30: {  	[spmem:s2] =	stream.indirect.scatter.add.f32 @!p0 [tilespmem:s21], [sflag:$0x3], $0x10, s26, s25, $0xb8;
	[tilespmem:$0xDF80] =	vst v63  }
0x31: {  	s24 =	sadd.s32 $0x180, s24;
	s22 =	simm.s32 $0x2;
	_ =	swait.ge @!p0 [sflag:s23], $0x800  }
0x32: {  	s21 =	simm.s32 $0x280;
	s25 =	sor.u32 s20, s28;
	[sflag:s23] =	ssyncset.done @!p0 $0x0  }
.LBB2_3:
0x33: {  	[sflag:s23] =	ssyncadd.s32 @!p0 $0xFFFFF800  }
0x34: {  	p0 =	seq.s32 s25, $0x0;
	s25 =	smov.u32 s22;
	s22 =	sadd.s32 $0x1, s22  }
0x35: {  	[spmem:s2] =	stream.indirect.scatter.add.f32 [tilespmem:s10], [sflag:$0x4], $0x10, s24, s14, $0xb8;
	[tilespmem:$0xDF80] =	vst v63  }
0x36: {  	s23 =	simm.s32 @p0 $0x80;
	s24 =	simm.s32 @p0 $0x0;
	s26 =	simm.s32 @p0 $0x1400  }
0x37: {  	[spmem:s2] =	stream.indirect.scatter.add.f32 @p0 [tilespmem:s26], [sflag:$0x1], $0x10, s24, s23, $0xb8;
	[tilespmem:$0xDF80] =	vst v63  }
0x38: {  	p1 =	sne.s32 s22, $0xA  }
0x39: {  	[spmem:s2] =	stream.indirect.scatter.add.f32 @p0 [tilespmem:s26], [sflag:$0x2], $0x10, s23, s23, $0xb8;
	[tilespmem:$0xDF80] =	vst v63  }
0x3a: {  	s28 =	simm.s32 @!p0 $0x1;
	s24 =	simm.s32 @p0 $0x100  }
0x3b: {  	[spmem:s2] =	stream.indirect.scatter.add.f32 @p0 [tilespmem:s26], [sflag:$0x3], $0x10, s24, s23, $0xb8;
	[tilespmem:$0xDF80] =	vst v63  }
0x3c: {  	_ =	swait.ge @!p0 [sflag:s28], $0x800  }
0x3d: {  	s24 =	simm.s32 @!p0 $0x1400;
	s23 =	simm.s32 @!p0 $0x2;
	[sflag:s28] =	ssyncset.done @!p0 $0x0  }
0x3e: {  	s26 =	sadd.s32 @!p0 $0xFFFFFF80, s21;
	[sflag:s28] =	ssyncadd.s32 @!p0 $0xFFFFF800;
	s28 =	simm.s32 @!p0 $0x80  }
0x3f: {  	[spmem:s2] =	stream.indirect.scatter.add.f32 @!p0 [tilespmem:s24], [sflag:$0x1], $0x10, s26, s28, $0xb8;
	[tilespmem:$0xDF80] =	vst v63  }
0x40: {  	s26 =	simm.s32 @p0 $0x0;
	_ =	swait.ge @!p0 [sflag:s23], $0x800  }
0x41: {  	[sflag:s23] =	ssyncset.done @!p0 $0x0  }
0x42: {  	[sflag:s23] =	ssyncadd.s32 @!p0 $0xFFFFF800;
	s23 =	simm.s32 @!p0 $0x3  }
0x43: {  	[spmem:s2] =	stream.indirect.scatter.add.f32 @!p0 [tilespmem:s24], [sflag:$0x2], $0x10, s21, s28, $0xb8;
	[tilespmem:$0xDF80] =	vst v63  }
0x44: {  	_ =	swait.ge @!p0 [sflag:s23], $0x800  }
.Ltmp0:
0x45: {  	[sflag:s23] =	ssyncset.done @!p0 $0x0;
	(pc) =	sbr.rel @p1 .LBB2_3-.Ltmp0, $4  }
0x46: {  	s29 =	sadd.s32 @!p0 $0x80, s21;
	[sflag:s23] =	ssyncadd.s32 @!p0 $0xFFFFF800;
	s23 =	simm.s32 @!p0 $0x4  }
0x47: {  	[spmem:s2] =	stream.indirect.scatter.add.f32 @!p0 [tilespmem:s24], [sflag:$0x3], $0x10, s29, s28, $0xb8;
	[tilespmem:$0xDF80] =	vst v63  }
0x48: {  	s21 =	sadd.s32 $0x200, s21;
	_ =	swait.ge @!p0 [sflag:s23], $0x800  }
0x49: {  	s25 =	sor.u32 s20, s25;
	s24 =	sadd.s32 $0x180, s26;
	[sflag:s23] =	ssyncset.done @!p0 $0x0  }
0x4a: {  	p1 =	seq.s32 s25, $0x0;
	[sflag:s23] =	ssyncadd.s32 @!p0 $0xFFFFF800  }
0x4b: {  	[spmem:s2] =	stream.indirect.scatter.add.f32 [tilespmem:s10], [sflag:$0x4], $0x10, s24, s14, $0xb8;
	[tilespmem:$0xDF80] =	vst v63  }
0x4c: {  	s22 =	simm.s32 @p1 $0x80;
	s23 =	simm.s32 @p1 $0x0;
	s24 =	simm.s32 @p1 $0x1400  }
0x4d: {  	[spmem:s2] =	stream.indirect.scatter.add.f32 @p1 [tilespmem:s24], [sflag:$0x1], $0x10, s23, s22, $0xb8;
	[tilespmem:$0xDF80] =	vst v63  }
0x4e: {  	_ = 	snop  }
0x4f: {  	[spmem:s2] =	stream.indirect.scatter.add.f32 @p1 [tilespmem:s24], [sflag:$0x2], $0x10, s22, s22, $0xb8;
	[tilespmem:$0xDF80] =	vst v63  }
0x50: {  	s25 =	simm.s32 @!p1 $0x1;
	s23 =	simm.s32 @p1 $0x100  }
0x51: {  	[spmem:s2] =	stream.indirect.scatter.add.f32 @p1 [tilespmem:s24], [sflag:$0x3], $0x10, s23, s22, $0xb8;
	[tilespmem:$0xDF80] =	vst v63  }
0x52: {  	_ =	swait.ge @!p1 [sflag:s25], $0x800  }
0x53: {  	s22 =	simm.s32 @!p1 $0x1400;
	s23 =	simm.s32 @!p1 $0x2;
	[sflag:s25] =	ssyncset.done @!p1 $0x0  }
0x54: {  	s24 =	sadd.s32 @!p1 $0xFFFFFF80, s21;
	[sflag:s25] =	ssyncadd.s32 @!p1 $0xFFFFF800;
	s25 =	simm.s32 @!p1 $0x80  }
0x55: {  	[spmem:s2] =	stream.indirect.scatter.add.f32 @!p1 [tilespmem:s22], [sflag:$0x1], $0x10, s24, s25, $0xb8;
	[tilespmem:$0xDF80] =	vst v63  }
0x56: {  	_ =	swait.ge @!p1 [sflag:s23], $0x800  }
0x57: {  	[sflag:s23] =	ssyncset.done @!p1 $0x0  }
0x58: {  	[sflag:s23] =	ssyncadd.s32 @!p1 $0xFFFFF800;
	s23 =	simm.s32 @!p1 $0x3  }
0x59: {  	[spmem:s2] =	stream.indirect.scatter.add.f32 @!p1 [tilespmem:s22], [sflag:$0x2], $0x10, s21, s25, $0xb8;
	[tilespmem:$0xDF80] =	vst v63  }
0x5a: {  	_ =	swait.ge @!p1 [sflag:s23], $0x800  }
0x5b: {  	s20 =	sadd.s32 $0x1, s20;
	[sflag:s23] =	ssyncset.done @!p1 $0x0  }
0x5c: {  	p0 =	sne.s32 s20, $0x5;
	s21 =	sadd.s32 @!p1 $0x80, s21;
	[sflag:s23] =	ssyncadd.s32 @!p1 $0xFFFFF800  }
0x5d: {  	[spmem:s2] =	stream.indirect.scatter.add.f32 @!p1 [tilespmem:s22], [sflag:$0x3], $0x10, s21, s25, $0xb8;
	[tilespmem:$0xDF80] =	vst v63  }
.Ltmp1:
0x5e: {  	s23 =	simm.s32 @!p1 $0x4;
	(pc) =	sbr.rel @p0 .LBB2_2-.Ltmp1, $4  }
0x5f: {  	_ =	swait.ge @!p1 [sflag:s23], $0x800  }
0x60: {  	s24 =	simm.s32 @p1 $0x0;
	[sflag:s23] =	ssyncset.done @!p1 $0x0  }
0x61: {  	s31 =	sadd.s32 $0x180, s24;
	[sflag:s23] =	ssyncadd.s32 @!p1 $0xFFFFF800  }
0x62: {  	[spmem:s2] =	stream.indirect.scatter.add.f32 [tilespmem:s10], [sflag:$0x4], $0x10, s31, s14, $0xb8;
	[tilespmem:$0xDF80] =	vst v63  }
0x63: {  	_ =	swait.ge [sflag:s15], $0x800  }
0x64: {  	[sflag:s15] =	ssyncset.done $0x0  }
0x65: {  	[sflag:s15] =	ssyncadd.s32 $0xFFFFF800  }
0x66: {  	_ =	swait.ge [sflag:s16], $0x800  }
0x67: {  	[sflag:s16] =	ssyncset.done $0x0  }
0x68: {  	[sflag:s16] =	ssyncadd.s32 $0xFFFFF800  }
0x69: {  	_ =	swait.ge [sflag:s17], $0x800  }
0x6a: {  	[sflag:s17] =	ssyncset.done $0x0  }
0x6b: {  	[sflag:s17] =	ssyncadd.s32 $0xFFFFF800  }
0x6c: {  	_ =	swait.ge [sflag:s18], $0x800  }
0x6d: {  	s19 =	sadd.s32 $0x1, s19;
	[sflag:s18] =	ssyncset.done $0x0  }
0x6e: {  	p0 =	sne.s32 s19, s9;
	[sflag:s18] =	ssyncadd.s32 $0xFFFFF800  }
.Ltmp2:
0x6f: {  	[bflag:$0x0] =	sbarrier.arrive $0xFFFF;
	(pc) =	sbr.rel @p0 .LBB2_1-.Ltmp2, $4  }
0x70: {  	[hbm:s8], [sflag:s12] =	dma.local [spmem:s13], $0x1870  }
0x71: {  	_ =	swait.ge [sflag:s11], $0x1870  }
0x72: {  	[sflag:s11] =	ssyncset.done $0x0  }
0x73: {  	[sflag:s11] =	ssyncadd.s32 $0xFFFFE790  }
0x74: {  	_ =	sfence.sel $0x180000  }
0x75: {  	[bflag:$0x0] =	sbarrier.arrive $0xFFFF  }
0x76: {  	p0 =	sne.s32 s1, $0x0;
	_ =	strace $0x90000047  }
0x77: {  	s0 =	sadd.s32 @!p0 $0x100000, s0;
	[bflag:$0x2] =	sbarrier.arrive $0xFFFF  }
0x78: {  	[sflag:s0] =	ssyncadd.tile.s32 @!p0 $0x1;
	_ =	shalt  }
.Lfunc_end2:
_tile_overlayer_lowered:
.L_overlay_start_2:
0x79: {  	(tag) =	ssettag $0x2  }
0x7a: {  	s0 =	rddreg [dreg:$0x0];
	s2 =	stileid.u32  }
0x7b: {  	s1 =	rddreg [dreg:$0x1];
	p0 =	sne.s32 s2, $0x0  }
0x7c: {  	s3 =	rddreg [dreg:$0x2];
	[bflag:$0x3] =	sbarrier.arrive $0xFFFF;
	s2 =	simm.s32 @!p0 $0x1C05  }
0x7d: {  	[timem:s3], [sflag:s2] =	dma.local @!p0 [hbm:s0], s1  }
0x7e: {  	s0 =	simm.s32 @!p0 $0x5  }
0x7f: {  	_ =	swait.ge @!p0 [sflag:s0], s1  }
0x80: {  	s1 =	ssub.s32 @!p0 $0x0, s1;
	[sflag:s0] =	ssyncset.done @!p0 $0x0  }
0x81: {  	[sflag:s0] =	ssyncadd.s32 @!p0 s1  }
0x82: {  	[bflag:$0x3] =	sbarrier.arrive $0xFFFF  }
0x83: {  	_ =	shalt  }

// kernel: kernel.13.cloned.1.call-start
scs
__scs_entry_jumppad:
0x0: {  	(pc) =	sbr.rel $0x88, $3  }
0x1: {  	(tag) =	ssettag $0x0;
	lr =	simm.s32 $0x1  }
0x2: {  	[smem:$0x3F8F] =	sst lr;
	_ =	strace $0xD0000000  }
0x3: {  	_ = 	snop  }
0x4: {  	_ = 	snop  }
0x5: {  	_ = 	snop  }
0x6: {  	_ = 	snop  }
0x7: {  	_ = 	snop  }
__scs_overlays_trampoline_lowered:
0x8: {  	[smem:$0x3F9E] =	sst s0  }
0x9: {  	[smem:$0x3F9F] =	sst s1  }
0xa: {  	[smem:$0x3FA0] =	sst s2  }
0xb: {  	[smem:$0x3FA1] =	sst s3  }
0xc: {  	[smem:$0x3FA2] =	sst s4  }
0xd: {  	[smem:$0x3FA3] =	sst s5  }
0xe: {  	[smem:$0x3FA4] =	sst s6  }
0xf: {  	[smem:$0x3FA5] =	sst s7  }
0x10: {  	[smem:$0x3FA6] =	sst s8  }
0x11: {  	[smem:$0x3FA7] =	sst s9;
	s0 =	simm.s32 @!p0 $0x0  }
0x12: {  	s1 =	sld [smem:$0x3F8D];
	s0 =	simm.s32 @p0 $0x1  }
0x13: {  	[smem:$0x3FA8] =	sst s0;
	s0 =	simm.s32 @!p1 $0x0  }
0x14: {  	s2 =	sld [smem:$0x3F8C];
	s0 =	simm.s32 @p1 $0x1  }
0x15: {  	[smem:$0x3FA9] =	sst s0;
	s0 =	simm.s32 @!p2 $0x0  }
0x16: {  	s3 =	sld [smem:$0x3FDB];
	s0 =	simm.s32 @p2 $0x1  }
0x17: {  	s4 =	simm.s32 $0x1BF5;
	[smem:$0x3FAB] =	sst s0  }
0x18: {  	s0 =	sld [smem:$0x3F8E];
	_ =	swait.ge [sflag:s4], $0x0  }
0x19: {  	s7 =	sld [smem:$0x3F8F]  }
0x1a: {  	s8 =	sadd.s32 $0xFFFFE003, lr  }
0x1b: {  	s9 =	sadd.s32 $0xFFFFFEF7, lr;
	s5 =	simm.s32 $0xFFFFFFFF;
	p2 =	slt.u32 s8, $0xFFFFF086  }
0x1c: {  	p1 =	slt.u32 s9, $0xF7A;
	s5 =	simm.s32 @!p2 $0x0  }
0x1d: {  	s5 =	simm.s32 @p1 $0x1;
	p0 =	seq.s32 s7, s2  }
0x1e: {  	s7 =	smul.u32 @!p0 $0xF7A, s2;
	p2 =	seq.s32 @!p0 s5, $0x0  }
0x1f: {  	s9 =	smul.u32 $0xF7A, s1;
	s8 =	simm.s32 @!p0 $0x1BF5;
	p2 =	por !p2, p0  }
0x20: {  	[sflag:s8] =	ssyncset.s32 @!p0 $0xFFFFF086;
	s6 =	sadd.s32 @!p0 s3, s7;
	s7 =	simm.s32 @!p0 $0x108  }
0x21: {  	s3 =	sadd.s32 s3, s9;
	s6 =	sadd.s32 @!p0 $0x88, s6;
	s7 =	simm.s32 @p2 $0x1082  }
0x22: {  	[simem:s7], [sflag:s8] =	dma.local @!p0 [hbm:s6], $0xF7A  }
0x23: {  	s9 =	sor.u32 $0xD0000000, s2;
	s6 =	simm.s32 $0x108;
	_ =	swait.ge @!p0 [sflag:s8], $0x0  }
0x24: {  	s3 =	sadd.s32 $0x88, s3;
	s6 =	simm.s32 @!p1 $0x1082;
	[sflag:s4] =	ssyncset.s32 $0xFFFFF086  }
0x25: {  	[simem:s6], [sflag:s4] =	dma.local [hbm:s3], $0xF7A  }
0x26: {  	[smem:$0x3F8F] =	sst s1;
	(tag) =	ssettag s2;
	_ =	strace s9  }
0x27: {  	s1 =	sld [smem:$0x3F9F]  }
0x28: {  	s2 =	sld [smem:$0x3FA0]  }
0x29: {  	s4 =	sld [smem:$0x3FA2]  }
0x2a: {  	p0 =	seq.s32 s5, $0x0;
	s5 =	sld [smem:$0x3FA3]  }
0x2b: {  	s6 =	sld [smem:$0x3FA4]  }
0x2c: {  	s7 =	sld [smem:$0x3FA5]  }
0x2d: {  	s3 =	simm.s32 $0x108;
	s8 =	sld [smem:$0x3FA6]  }
0x2e: {  	s3 =	simm.s32 @!p0 $0x1082;
	s9 =	sld [smem:$0x3FA7]  }
0x2f: {  	lr =	sadd.s32 s0, s3;
	s0 =	sld [smem:$0x3F9E]  }
0x30: {  	s3 =	sld [smem:$0x3FA1]  }
0x31: {  	[smem:$0x3FAA] =	sst s10  }
0x32: {  	s10 =	sld [smem:$0x3FA8];
	_ =	sdelay $0x3  }
0x33: {  	p0 =	seq.s32 s10, $0x1;
	s10 =	sld [smem:$0x3FAA];
	_ =	sdelay $0x3  }
0x34: {  	[smem:$0x3FAA] =	sst s10  }
0x35: {  	s10 =	sld [smem:$0x3FA9];
	_ =	sdelay $0x3  }
0x36: {  	p1 =	seq.s32 s10, $0x1;
	s10 =	sld [smem:$0x3FAA];
	_ =	sdelay $0x3  }
0x37: {  	[smem:$0x3FAA] =	sst s10  }
0x38: {  	s10 =	sld [smem:$0x3FAB]  }
0x39: {  	_ = 	snop;
	(pc) =	sbr.ind lr, $3  }
0x3a: {  	_ = 	snop  }
0x3b: {  	_ = 	snop  }
0x3c: {  	p2 =	seq.s32 s10, $0x1;
	s10 =	sld [smem:$0x3FAA]  }
0x3d: {  	_ =	shalt  }
0x3e: {  	_ =	shalt  }
0x3f: {  	_ =	shalt  }
0x40: {  	_ =	shalt  }
0x41: {  	_ =	shalt  }
0x42: {  	_ =	shalt  }
0x43: {  	_ =	shalt  }
0x44: {  	_ =	shalt  }
0x45: {  	_ =	shalt  }
0x46: {  	_ =	shalt  }
0x47: {  	_ =	shalt  }
0x48: {  	_ =	shalt  }
0x49: {  	_ =	shalt  }
0x4a: {  	_ =	shalt  }
0x4b: {  	_ =	shalt  }
0x4c: {  	_ =	shalt  }
0x4d: {  	_ =	shalt  }
0x4e: {  	_ =	shalt  }
0x4f: {  	_ =	shalt  }
0x50: {  	_ =	shalt  }
0x51: {  	_ =	shalt  }
0x52: {  	_ =	shalt  }
0x53: {  	_ =	shalt  }
0x54: {  	_ =	shalt  }
0x55: {  	_ =	shalt  }
0x56: {  	_ =	shalt  }
0x57: {  	_ =	shalt  }
0x58: {  	_ =	shalt  }
0x59: {  	_ =	shalt  }
0x5a: {  	_ =	shalt  }
0x5b: {  	_ =	shalt  }
0x5c: {  	_ =	shalt  }
0x5d: {  	_ =	shalt  }
0x5e: {  	_ =	shalt  }
0x5f: {  	_ =	shalt  }
0x60: {  	_ =	shalt  }
0x61: {  	_ =	shalt  }
0x62: {  	_ =	shalt  }
0x63: {  	_ =	shalt  }
0x64: {  	_ =	shalt  }
0x65: {  	_ =	shalt  }
0x66: {  	_ =	shalt  }
0x67: {  	_ =	shalt  }
0x68: {  	_ =	shalt  }
0x69: {  	_ =	shalt  }
0x6a: {  	_ =	shalt  }
0x6b: {  	_ =	shalt  }
0x6c: {  	_ =	shalt  }
0x6d: {  	_ =	shalt  }
0x6e: {  	_ =	shalt  }
0x6f: {  	_ =	shalt  }
0x70: {  	_ =	shalt  }
0x71: {  	_ =	shalt  }
0x72: {  	_ =	shalt  }
0x73: {  	_ =	shalt  }
0x74: {  	_ =	shalt  }
0x75: {  	_ =	shalt  }
0x76: {  	_ =	shalt  }
0x77: {  	_ =	shalt  }
0x78: {  	_ =	shalt  }
0x79: {  	_ =	shalt  }
0x7a: {  	_ =	shalt  }
0x7b: {  	_ =	shalt  }
0x7c: {  	_ =	shalt  }
0x7d: {  	_ =	shalt  }
0x7e: {  	_ =	shalt  }
0x7f: {  	_ =	shalt  }
0x80: {  	_ =	shalt  }
0x81: {  	_ =	shalt  }
0x82: {  	_ =	shalt  }
0x83: {  	_ =	shalt  }
0x84: {  	_ =	shalt  }
0x85: {  	_ =	shalt  }
0x86: {  	_ =	shalt  }
0x87: {  	_ =	shalt  }
.Lfunc_end0:
.L_simem_size_0:
called_computation.1_lowered:
.L_overlay_start_0:
0x88: {  	s2 =	sld [smem:$0x3FD9]  }
0x89: {  	s3 =	sld [smem:$0x3FFE];
	_ =	sdelay $0x1  }
0x8a: {  	s1 =	srdreg.scid  }
0x8b: {  	s0 =	sand.u32 $0x1, s1  }
0x8c: {  	s16 =	sshll.u32 s0, $0xA;
	s2 =	sadd.s32 s3, s2  }
0x8d: {  	s2 =	sadd.s32 s2, s16  }
0x8e: {  	[smem:$0x3FB6] =	sst s2  }
0x8f: {  	_ = 	snop  }
0x90: {  	(tm) =	ssettm $0x1  }
0x91: {  	s17 =	sld [smem:$0x3FFB];
	_ =	sdelay $0x3  }
0x92: {  	_ =	strace s17  }
0x93: {  	s2 =	sld [smem:$0x3FFC];
	_ =	sdelay $0x3  }
0x94: {  	_ =	strace s2  }
0x95: {  	s2 =	sld [smem:$0x3FFD];
	_ =	sdelay $0x3  }
0x96: {  	_ =	strace s2  }
0x97: {  	_ =	strace $0x8FFFFFFF  }
0x98: {  	s18 =	sld [smem:$0x3FDB];
	_ =	sdelay $0x1  }
0x99: {  	s19 =	simm.s32 $_scs_section_size  }
0x9a: {  	s4 =	simm.s32 $_size__tile_overlayer_lowered;
	s5 =	simm.s32 $_tile_overlayer_lowered  }
0x9b: {  	s22 =	simm.s32 $0x1BFF;
	s21 =	sshll.u32 s5, $0x1;
	s2 =	sadd.s32 s19, s18  }
0x9c: {  	s6 =	simm.s32 $0x0;
	s20 =	sshll.u32 s4, $0x1;
	s4 =	sadd.s32 s21, s2  }
0x9d: {  	[timem:s6], [sflag:s22] =	dma.local [hbm:s4], s20  }
0x9e: {  	_ =	swait.ge [sflag:s22], s20  }
0x9f: {  	s3 =	ssub.s32 $0x0, s20;
	[sflag:s22] =	ssyncset.done $0x0  }
0xa0: {  	[sflag:s22] =	ssyncadd.s32 s3;
	_ =	sdelay $0x1  }
0xa1: {  	s23 =	simm.s32 $0x1B8B  }
0xa2: {  	_ =	swait.ge [sflag:s23], $0x1  }
0xa3: {  	[sflag:s23] =	ssyncset.done $0x0  }
0xa4: {  	s25 =	simm.s32 $0x1B8E;
	s24 =	sld [smem:$0x3FFE];
	[sflag:s23] =	ssyncadd.s32 $0xFFFFFFFF  }
0xa5: {  	s26 =	simm.s32 $execute0_lowered;
	[smem:$0x3FD2] =	sst s25  }
0xa6: {  	s4 =	sshll.u32 s26, $0x1;
	_ =	strace $0x80000049;
	[dreg:$0x1] =	wrdreg $0xFFFFFFFF  }
0xa7: {  	s28 =	simm.s32 $_size_execute0_lowered;
	s2 =	sadd.s32 s2, s4;
	[dreg:$0x0] =	wrdreg $0x0  }
0xa8: {  	s4 =	sshll.u32 s28, $0x1;
	[dreg:$0x2] =	wrdreg s2  }
0xa9: {  	[dreg:$0x3] =	wrdreg s4  }
0xaa: {  	[dreg:$0x4] =	wrdreg $0xC0  }
0xab: {  	_ =	task [dreg:s6], $0x5FFFF  }
0xac: {  	[dreg:$0x1] =	wrdreg $0xFFFFFFFF  }
0xad: {  	[dreg:$0x0] =	wrdreg $0x60  }
0xae: {  	[dreg:$0x2] =	wrdreg s24  }
0xaf: {  	[dreg:$0x3] =	wrdreg $0x66800  }
0xb0: {  	[dreg:$0x4] =	wrdreg $0x9  }
0xb1: {  	_ =	task.clear_ibuf [dreg:s6], $0x5FFFF;
	_ =	strace $0x90000049  }
0xb2: {  	s29 =	simm.s32 $0x9;
	_ =	strace $0x8000004B  }
0xb3: {  	_ =	swait.ge [sflag:s29], $0x1  }
0xb4: {  	[sflag:s29] =	ssyncadd.s32 $0xFFFFFFFF  }
0xb5: {  	_ =	strace $0x9000004B  }
0xb6: {  	_ =	sfence  }
0xb7: {  	s30 =	sld [smem:$0x0];
	_ =	sdelay $0x2  }
0xb8: {  	s31 =	sshll.u32 s1, $0xD;
	s1 =	sshrl.u32 s1, $0x2  }
0xb9: {  	s3 =	sand.u32 $0x4000, s31;
	s1 =	sadd.s32 s1, s30  }
0xba: {  	s0 =	sor.u32 s3, s0;
	s1 =	sshll.u32 s1, $0x11  }
0xbb: {  	s0 =	sor.u32 s1, s0  }
0xbc: {  	s0 =	sadd.s32 $0x8F2B, s0  }
0xbd: {  	[sflag:s0] =	ssyncadd.remote.s32 $0x1  }
0xbe: {  	_ =	sfence.sel $0xFFFF  }
0xbf: {  	[dreg:$0x0] =	wrdreg $0xFFFFFFFF;
	(pc) =	sbr.abs _section_cstart, $3  }
0xc0: {  	[dreg:$0x1] =	wrdreg $0xFFFFFFFF  }
0xc1: {  	_ =	task.clear_ibuf [dreg:s6], $0x2FFFF;
	_ =	strace $0x9FFFFFFF  }
0xc2: {  	(tm) =	ssettm $0x7FFFFFFF  }
0xc3: {  	_ =	shalt  }
tec
execute0_lowered:
.L_overlay_start_1:
0x0: {  	(tag) =	ssettag $0x1  }
0x1: {  	s0 =	rddreg [dreg:$0x0]  }
0x2: {  	s2 =	rddreg [dreg:$0x1];
	s3 =	simm.s32 $0x0  }
0x3: {  	s1 =	srdreg.scid;
	s8 =	stileid.u32;
	s15 =	simm.s32 $0x80  }
0x4: {  	s16 =	simm.s32 $0x100;
	s28 =	simm.s32 $0x5;
	s29 =	simm.s32 $0x5680  }
0x5: {  	s30 =	simm.s32 $0x6;
	s31 =	simm.s32 $0x7;
	[smem:$0x7FF] =	sst s3  }
0x6: {  	s1 =	sand.u32 $0x1, s1;
	s4 =	smul.u32 $0x18700, s8;
	s6 =	sadd.s32 $0x113C00, s0  }
0x7: {  	s17 =	sadd.s32 $0x4C00, s0;
	s9 =	smul.u32 $0xC800, s8;
	s7 =	sadd.s32 $0x32E800, s0  }
0x8: {  	s10 =	sadd.s32 $0x7F800, s0;
	_ =	strace $0x8000004A;
	[dreg:$0x8] =	wrdreg s6  }
0x9: {  	s8 =	sshll.u32 s8, $0x6;
	s5 =	smul.u32 $0x187000, s1;
	[dreg:$0x9] =	wrdreg s17  }
0xa: {  	s18 =	smul.u32 $0xC8000, s1;
	[dreg:$0xb] =	wrdreg s10;
	s1 =	ssub.s32 $0x2, s1  }
0xb: {  	s8 =	sor.u32 $0x1C10, s8;
	s17 =	simm.s32 $0x180;
	[dreg:$0xa] =	wrdreg s9  }
0xc: {  	s10 =	simm.s32 $0x0;
	s19 =	sshrl.u32 s1, $0x1;
	[dreg:$0xc] =	wrdreg s8  }
0xd: {  	s5 =	sadd.s32 s4, s5;
	s6 =	sadd.s32 s9, s18;
	s1 =	ssub.s32 s1, s19  }
0xe: {  	s4 =	sadd.s32 s4, s2;
	s18 =	simm.s32 $0x200;
	s19 =	simm.s32 $0x1  }
0xf: {  	s5 =	sshrl.u32 s5, $0x3;
	s20 =	sor.u32 $0x200, s6;
	s9 =	sor.u32 $0x180, s6  }
0x10: {  	s22 =	sor.u32 $0x100, s6;
	s24 =	sor.u32 $0x80, s6;
	s26 =	sshrl.u32 s6, $0x3  }
0x11: {  	s1 =	smax.u32 s1, $0x1;
	s6 =	sshrl.u32 s4, $0x3;
	s4 =	simm.s32 $0xA  }
0x12: {  	s0 =	sadd.s32 s5, s0;
	s5 =	sshrl.u32 s20, $0x3;
	[dreg:$0xe] =	wrdreg s1  }
0x13: {  	s21 =	sshrl.u32 s9, $0x3;
	s23 =	sshrl.u32 s22, $0x3;
	[dreg:$0x7] =	wrdreg s26  }
0x14: {  	s25 =	sshrl.u32 s24, $0x3;
	s9 =	simm.s32 $0x10;
	[dreg:$0xf] =	wrdreg s6  }
0x15: {  	s20 =	simm.s32 $0x1680;
	s22 =	simm.s32 $0x2680;
	[dreg:$0x3] =	wrdreg s5  }
0x16: {  	s24 =	simm.s32 $0x3680;
	s26 =	simm.s32 $0x4680;
	[dreg:$0x4] =	wrdreg s21  }
0x17: {  	s1 =	simm.s32 $0x9;
	[dreg:$0x5] =	wrdreg s23;
	s0 =	sadd.s32 $0x82A00, s0  }
0x18: {  	[dreg:$0x6] =	wrdreg s25;
	s21 =	simm.s32 $0x2;
	s23 =	simm.s32 $0x3  }
0x19: {  	s25 =	simm.s32 $0x4;
	[dreg:$0xd] =	wrdreg s0;
	s0 =	simm.s32 $0x8  }
.LBB2_1:
0x1a: {  	[dreg:$0x10] =	wrdreg s10  }
0x1b: {  	s5 =	rddreg [dreg:$0xb]  }
0x1c: {  	[spmem:s6], [sflag:s8] =	dma.local [hbm:s5], $0x30E0  }
0x1d: {  	_ =	swait.ge [sflag:s9], $0x30E0  }
0x1e: {  	[sflag:s9] =	ssyncset.done $0x0  }
0x1f: {  	[sflag:s9] =	ssyncadd.s32 $0xFFFFCF20  }
0x20: {  	[bflag:$0x0] =	sbarrier.arrive $0xFFFF  }
0x21: {  	s10 =	simm.s32 $0x0;
	s8 =	rddreg [dreg:$0x8]  }
.LBB2_2:
0x22: {  	s5 =	smul.u32 $0x1400, s10  }
0x23: {  	s6 =	rddreg [dreg:$0xa]  }
0x24: {  	s5 =	sadd.s32 s6, s5  }
0x25: {  	s11 =	rddreg [dreg:$0x9];
	s5 =	sshrl.u32 s5, $0x3  }
0x26: {  	s12 =	simm.s32 $0x0;
	s5 =	sadd.s32 s11, s5;
	s11 =	simm.s32 $0x280  }
0x27: {  	[tilespmem:s11], [sflag:$0x10] =	stream.linear.gather [hbm4b:s5+s12], $0x1400, $0x38;
	[tilespmem:$0x1ED80] =	vst v63  }
0x28: {  	s13 =	sor.u32 s10, s12;
	_ =	swait.ge [sflag:s9], $0x1400  }
0x29: {  	p0 =	seq.s32 s13, $0x0;
	[sflag:s9] =	ssyncset.done $0x0  }
0x2a: {  	s5 =	simm.s32 @!p0 $0xB;
	[sflag:s9] =	ssyncadd.s32 $0xFFFFEC00  }
0x2b: {  	_ =	swait.ge @!p0 [sflag:s5], $0x1000  }
0x2c: {  	s14 =	rddreg [dreg:$0x7];
	[sflag:s5] =	ssyncset.done @!p0 $0x0  }
0x2d: {  	s6 =	simm.s32 @!p0 $0xC;
	[sflag:s5] =	ssyncadd.s32 @!p0 $0xFFFFF000;
	s9 =	sadd.s32 s8, s14  }
0x2e: {  	[tilespmem:s3], [sflag:$0x1] =	stream.linear.gather [hbm4b:s9+s3], $0x80, $0x38;
	[tilespmem:$0x1ED80] =	vst v63  }
0x2f: {  	_ =	swait.ge @!p0 [sflag:s6], $0x1000  }
0x30: {  	s11 =	rddreg [dreg:$0x6];
	[sflag:s6] =	ssyncset.done @!p0 $0x0  }
0x31: {  	[sflag:s6] =	ssyncadd.s32 @!p0 $0xFFFFF000;
	s5 =	sadd.s32 s8, s11;
	s6 =	simm.s32 @!p0 $0xD  }
0x32: {  	[tilespmem:s15], [sflag:$0x2] =	stream.linear.gather [hbm4b:s5+s3], $0x80, $0x38;
	[tilespmem:$0x1ED80] =	vst v63  }
0x33: {  	_ =	swait.ge @!p0 [sflag:s6], $0x1000  }
0x34: {  	s12 =	rddreg [dreg:$0x5];
	[sflag:s6] =	ssyncset.done @!p0 $0x0  }
0x35: {  	[sflag:s6] =	ssyncadd.s32 @!p0 $0xFFFFF000;
	s5 =	sadd.s32 s8, s12;
	s6 =	simm.s32 @!p0 $0xE  }
0x36: {  	[tilespmem:s16], [sflag:$0x3] =	stream.linear.gather [hbm4b:s5+s3], $0x80, $0x38;
	[tilespmem:$0x1ED80] =	vst v63  }
0x37: {  	_ =	swait.ge @!p0 [sflag:s6], $0x1000  }
0x38: {  	s13 =	rddreg [dreg:$0x4];
	[sflag:s6] =	ssyncset.done @!p0 $0x0  }
0x39: {  	[sflag:s6] =	ssyncadd.s32 @!p0 $0xFFFFF000;
	s5 =	sadd.s32 s8, s13;
	s6 =	simm.s32 @!p0 $0xF  }
0x3a: {  	[tilespmem:s17], [sflag:$0x4] =	stream.linear.gather [hbm4b:s5+s3], $0x80, $0x38;
	[tilespmem:$0x1ED80] =	vst v63  }
0x3b: {  	_ =	swait.ge @!p0 [sflag:s6], $0x1000  }
0x3c: {  	s14 =	rddreg [dreg:$0x3];
	[sflag:s6] =	ssyncset.done @!p0 $0x0  }
0x3d: {  	[sflag:s6] =	ssyncadd.s32 @!p0 $0xFFFFF000;
	s5 =	sadd.s32 s8, s14  }
0x3e: {  	[tilespmem:s18], [sflag:$0x5] =	stream.linear.gather [hbm4b:s5+s3], $0x80, $0x38;
	[tilespmem:$0x1ED80] =	vst v63  }
0x3f: {  	_ =	swait.ge [sflag:s19], $0x80  }
0x40: {  	[sflag:s19] =	ssyncset.done $0x0  }
0x41: {  	[sflag:s19] =	ssyncadd.s32 $0xFFFFFF80  }
0x42: {  	[tilespmem:s20], [sflag:$0x6] =	stream.indirect.gather [hbm4b:s7+s15], $0x20, s3, s15, $0xb8;
	[tilespmem:$0x1ED80] =	vst v63  }
0x43: {  	_ =	swait.ge [sflag:s21], $0x80  }
0x44: {  	[sflag:s21] =	ssyncset.done $0x0  }
0x45: {  	[sflag:s21] =	ssyncadd.s32 $0xFFFFFF80  }
0x46: {  	[tilespmem:s22], [sflag:$0x7] =	stream.indirect.gather [hbm4b:s7+s15], $0x20, s15, s15, $0xb8;
	[tilespmem:$0x1ED80] =	vst v63  }
0x47: {  	_ =	swait.ge [sflag:s23], $0x80  }
0x48: {  	[sflag:s23] =	ssyncset.done $0x0  }
0x49: {  	[sflag:s23] =	ssyncadd.s32 $0xFFFFFF80  }
0x4a: {  	[tilespmem:s24], [sflag:$0x8] =	stream.indirect.gather [hbm4b:s7+s15], $0x20, s16, s15, $0xb8;
	[tilespmem:$0x1ED80] =	vst v63  }
0x4b: {  	_ =	swait.ge [sflag:s25], $0x80  }
0x4c: {  	[sflag:s25] =	ssyncset.done $0x0  }
0x4d: {  	[sflag:s25] =	ssyncadd.s32 $0xFFFFFF80  }
0x4e: {  	[tilespmem:s26], [sflag:$0x9] =	stream.indirect.gather [hbm4b:s7+s15], $0x20, s17, s15, $0xb8;
	[tilespmem:$0x1ED80] =	vst v63  }
0x4f: {  	_ =	swait.ge [sflag:s28], $0x80  }
0x50: {  	[sflag:s28] =	ssyncset.done $0x0  }
0x51: {  	[sflag:s28] =	ssyncadd.s32 $0xFFFFFF80  }
0x52: {  	[tilespmem:s29], [sflag:$0xA] =	stream.indirect.gather [hbm4b:s7+s15], $0x20, s18, s15, $0xb8;
	[tilespmem:$0x1ED80] =	vst v63  }
0x53: {  	_ =	swait.ge [sflag:s30], $0x1000  }
0x54: {  	[sflag:s30] =	ssyncset.done $0x0  }
0x55: {  	s6 =	simm.s32 $0x280;
	[sflag:s30] =	ssyncadd.s32 $0xFFFFF000  }
0x56: {  	[spmem:s2] =	stream.indirect.scatter.add.f32 [tilespmem:s20], [sflag:$0xB], $0x20, s6, s15, $0xb8;
	[tilespmem:$0x1ED80] =	vst v63  }
0x57: {  	_ =	swait.ge [sflag:s31], $0x1000  }
0x58: {  	[sflag:s31] =	ssyncset.done $0x0  }
0x59: {  	s9 =	simm.s32 $0x300;
	[sflag:s31] =	ssyncadd.s32 $0xFFFFF000  }
0x5a: {  	[spmem:s2] =	stream.indirect.scatter.add.f32 [tilespmem:s22], [sflag:$0xC], $0x20, s9, s15, $0xb8;
	[tilespmem:$0x1ED80] =	vst v63  }
0x5b: {  	_ =	swait.ge [sflag:s0], $0x1000  }
0x5c: {  	[sflag:s0] =	ssyncset.done $0x0  }
0x5d: {  	s11 =	simm.s32 $0x380;
	[sflag:s0] =	ssyncadd.s32 $0xFFFFF000  }
0x5e: {  	[spmem:s2] =	stream.indirect.scatter.add.f32 [tilespmem:s24], [sflag:$0xD], $0x20, s11, s15, $0xb8;
	[tilespmem:$0x1ED80] =	vst v63  }
0x5f: {  	s14 =	simm.s32 $0x1;
	_ =	swait.ge [sflag:s1], $0x1000  }
0x60: {  	s13 =	sor.u32 s10, s14;
	[sflag:s1] =	ssyncset.done $0x0  }
0x61: {  	s12 =	simm.s32 $0x400;
	p1 =	seq.s32 s13, $0x0;
	[sflag:s1] =	ssyncadd.s32 $0xFFFFF000  }
0x62: {  	[spmem:s2] =	stream.indirect.scatter.add.f32 [tilespmem:s26], [sflag:$0xE], $0x20, s12, s15, $0xb8;
	[tilespmem:$0x1ED80] =	vst v63  }
0x63: {  	s6 =	simm.s32 $0x480;
	s9 =	simm.s32 $0xA00;
	_ =	swait.ge [sflag:s4], $0x1000  }
0x64: {  	s11 =	simm.s32 $0x1400;
	s12 =	sadd.s32 $0x50, s8;
	[sflag:s4] =	ssyncset.done $0x0  }
.LBB2_3:
0x65: {  	s13 =	simm.s32 @!p1 $0xB;
	[sflag:s4] =	ssyncadd.s32 $0xFFFFF000  }
0x66: {  	[spmem:s2] =	stream.indirect.scatter.add.f32 [tilespmem:s29], [sflag:$0xF], $0x20, s6, s15, $0xb8;
	[tilespmem:$0x1ED80] =	vst v63  }
0x67: {  	_ =	swait.ge @!p1 [sflag:s13], $0x1000  }
0x68: {  	[sflag:s13] =	ssyncset.done @!p1 $0x0;
	s6 =	rddreg [dreg:$0x7]  }
0x69: {  	[sflag:s13] =	ssyncadd.s32 @!p1 $0xFFFFF000;
	s6 =	sadd.s32 s12, s6;
	s13 =	simm.s32 @!p1 $0xC  }
0x6a: {  	[tilespmem:s3], [sflag:$0x1] =	stream.linear.gather [hbm4b:s6+s3], $0x80, $0x38;
	[tilespmem:$0x1ED80] =	vst v63  }
0x6b: {  	_ =	swait.ge @!p1 [sflag:s13], $0x1000  }
0x6c: {  	[sflag:s13] =	ssyncset.done @!p1 $0x0;
	s6 =	rddreg [dreg:$0x6]  }
0x6d: {  	[sflag:s13] =	ssyncadd.s32 @!p1 $0xFFFFF000;
	s6 =	sadd.s32 s12, s6;
	s13 =	simm.s32 @!p1 $0xD  }
0x6e: {  	[tilespmem:s15], [sflag:$0x2] =	stream.linear.gather [hbm4b:s6+s3], $0x80, $0x38;
	[tilespmem:$0x1ED80] =	vst v63  }
0x6f: {  	_ =	swait.ge @!p1 [sflag:s13], $0x1000  }
0x70: {  	[sflag:s13] =	ssyncset.done @!p1 $0x0;
	s6 =	rddreg [dreg:$0x5]  }
0x71: {  	[sflag:s13] =	ssyncadd.s32 @!p1 $0xFFFFF000;
	s6 =	sadd.s32 s12, s6;
	s13 =	simm.s32 @!p1 $0xE  }
0x72: {  	[tilespmem:s16], [sflag:$0x3] =	stream.linear.gather [hbm4b:s6+s3], $0x80, $0x38;
	[tilespmem:$0x1ED80] =	vst v63  }
0x73: {  	_ =	swait.ge @!p1 [sflag:s13], $0x1000  }
0x74: {  	[sflag:s13] =	ssyncset.done @!p1 $0x0;
	s6 =	rddreg [dreg:$0x4]  }
0x75: {  	[sflag:s13] =	ssyncadd.s32 @!p1 $0xFFFFF000;
	s6 =	sadd.s32 s12, s6;
	s13 =	simm.s32 @!p1 $0xF  }
0x76: {  	[tilespmem:s17], [sflag:$0x4] =	stream.linear.gather [hbm4b:s6+s3], $0x80, $0x38;
	[tilespmem:$0x1ED80] =	vst v63  }
0x77: {  	_ =	swait.ge @!p1 [sflag:s13], $0x1000  }
0x78: {  	[sflag:s13] =	ssyncset.done @!p1 $0x0;
	s6 =	rddreg [dreg:$0x3]  }
0x79: {  	[sflag:s13] =	ssyncadd.s32 @!p1 $0xFFFFF000;
	s6 =	sadd.s32 s12, s6  }
0x7a: {  	[tilespmem:s18], [sflag:$0x5] =	stream.linear.gather [hbm4b:s6+s3], $0x80, $0x38;
	[tilespmem:$0x1ED80] =	vst v63  }
0x7b: {  	_ =	swait.ge [sflag:s19], $0x80  }
0x7c: {  	[sflag:s19] =	ssyncset.done $0x0  }
0x7d: {  	[sflag:s19] =	ssyncadd.s32 $0xFFFFFF80  }
0x7e: {  	[tilespmem:s20], [sflag:$0x6] =	stream.indirect.gather [hbm4b:s7+s15], $0x20, s3, s15, $0xb8;
	[tilespmem:$0x1ED80] =	vst v63  }
0x7f: {  	_ =	swait.ge [sflag:s21], $0x80  }
0x80: {  	[sflag:s21] =	ssyncset.done $0x0  }
0x81: {  	[sflag:s21] =	ssyncadd.s32 $0xFFFFFF80  }
0x82: {  	[tilespmem:s22], [sflag:$0x7] =	stream.indirect.gather [hbm4b:s7+s15], $0x20, s15, s15, $0xb8;
	[tilespmem:$0x1ED80] =	vst v63  }
0x83: {  	_ =	swait.ge [sflag:s23], $0x80  }
0x84: {  	[sflag:s23] =	ssyncset.done $0x0  }
0x85: {  	[sflag:s23] =	ssyncadd.s32 $0xFFFFFF80  }
0x86: {  	[tilespmem:s24], [sflag:$0x8] =	stream.indirect.gather [hbm4b:s7+s15], $0x20, s16, s15, $0xb8;
	[tilespmem:$0x1ED80] =	vst v63  }
0x87: {  	_ =	swait.ge [sflag:s25], $0x80  }
0x88: {  	[sflag:s25] =	ssyncset.done $0x0  }
0x89: {  	[sflag:s25] =	ssyncadd.s32 $0xFFFFFF80  }
0x8a: {  	[tilespmem:s26], [sflag:$0x9] =	stream.indirect.gather [hbm4b:s7+s15], $0x20, s17, s15, $0xb8;
	[tilespmem:$0x1ED80] =	vst v63  }
0x8b: {  	_ =	swait.ge [sflag:s28], $0x80  }
0x8c: {  	[sflag:s28] =	ssyncset.done $0x0  }
0x8d: {  	[sflag:s28] =	ssyncadd.s32 $0xFFFFFF80  }
0x8e: {  	[tilespmem:s29], [sflag:$0xA] =	stream.indirect.gather [hbm4b:s7+s15], $0x20, s18, s15, $0xb8;
	[tilespmem:$0x1ED80] =	vst v63  }
0x8f: {  	_ =	swait.ge [sflag:s30], $0x1000  }
0x90: {  	s6 =	sshra.s32 s9, $0x2;
	[sflag:s30] =	ssyncset.done $0x0  }
0x91: {  	s13 =	sadd.s32 $0x280, s6;
	[sflag:s30] =	ssyncadd.s32 $0xFFFFF000  }
0x92: {  	[spmem:s2] =	stream.indirect.scatter.add.f32 [tilespmem:s20], [sflag:$0xB], $0x20, s13, s15, $0xb8;
	[tilespmem:$0x1ED80] =	vst v63  }
0x93: {  	_ =	swait.ge [sflag:s31], $0x1000  }
0x94: {  	[sflag:s31] =	ssyncset.done $0x0  }
0x95: {  	s13 =	sadd.s32 $0x300, s6;
	[sflag:s31] =	ssyncadd.s32 $0xFFFFF000  }
0x96: {  	[spmem:s2] =	stream.indirect.scatter.add.f32 [tilespmem:s22], [sflag:$0xC], $0x20, s13, s15, $0xb8;
	[tilespmem:$0x1ED80] =	vst v63  }
0x97: {  	_ =	swait.ge [sflag:s0], $0x1000  }
0x98: {  	s5 =	smov.u32 s11;
	[sflag:s0] =	ssyncset.done $0x0  }
0x99: {  	s11 =	sadd.s32 $0xA00, s11;
	s13 =	sadd.s32 $0x380, s6;
	[sflag:s0] =	ssyncadd.s32 $0xFFFFF000  }
0x9a: {  	[spmem:s2] =	stream.indirect.scatter.add.f32 [tilespmem:s24], [sflag:$0xD], $0x20, s13, s15, $0xb8;
	[tilespmem:$0x1ED80] =	vst v63  }
0x9b: {  	p0 =	sne.s32 s11, $0x5000;
	_ =	swait.ge [sflag:s1], $0x1000  }
.Ltmp0:
0x9c: {  	s14 =	sadd.s32 $0x1, s14;
	[sflag:s1] =	ssyncset.done $0x0;
	(pc) =	sbr.rel @p0 .LBB2_3-.Ltmp0, $4  }
0x9d: {  	s12 =	sadd.s32 $0x50, s12;
	s13 =	sadd.s32 $0x400, s6;
	[sflag:s1] =	ssyncadd.s32 $0xFFFFF000  }
0x9e: {  	[spmem:s2] =	stream.indirect.scatter.add.f32 [tilespmem:s26], [sflag:$0xE], $0x20, s13, s15, $0xb8;
	[tilespmem:$0x1ED80] =	vst v63  }
0x9f: {  	s9 =	smov.u32 s5;
	s13 =	sor.u32 s10, s14;
	_ =	swait.ge [sflag:s4], $0x1000  }
0xa0: {  	s6 =	sadd.s32 $0x480, s6;
	p1 =	seq.s32 s13, $0x0;
	[sflag:s4] =	ssyncset.done $0x0  }
0xa1: {  	s5 =	simm.s32 @!p1 $0xB;
	[sflag:s4] =	ssyncadd.s32 $0xFFFFF000  }
0xa2: {  	[spmem:s2] =	stream.indirect.scatter.add.f32 [tilespmem:s29], [sflag:$0xF], $0x20, s6, s15, $0xb8;
	[tilespmem:$0x1ED80] =	vst v63  }
0xa3: {  	_ =	swait.ge @!p1 [sflag:s5], $0x1000  }
0xa4: {  	s11 =	rddreg [dreg:$0x7];
	[sflag:s5] =	ssyncset.done @!p1 $0x0  }
0xa5: {  	s6 =	simm.s32 @!p1 $0xC;
	[sflag:s5] =	ssyncadd.s32 @!p1 $0xFFFFF000;
	s13 =	sadd.s32 s12, s11  }
0xa6: {  	[tilespmem:s3], [sflag:$0x1] =	stream.linear.gather [hbm4b:s13+s3], $0x80, $0x38;
	[tilespmem:$0x1ED80] =	vst v63  }
0xa7: {  	_ =	swait.ge @!p1 [sflag:s6], $0x1000  }
0xa8: {  	s14 =	rddreg [dreg:$0x6];
	[sflag:s6] =	ssyncset.done @!p1 $0x0  }
0xa9: {  	[sflag:s6] =	ssyncadd.s32 @!p1 $0xFFFFF000;
	s5 =	sadd.s32 s12, s14;
	s6 =	simm.s32 @!p1 $0xD  }
0xaa: {  	[tilespmem:s15], [sflag:$0x2] =	stream.linear.gather [hbm4b:s5+s3], $0x80, $0x38;
	[tilespmem:$0x1ED80] =	vst v63  }
0xab: {  	_ =	swait.ge @!p1 [sflag:s6], $0x1000  }
0xac: {  	s11 =	rddreg [dreg:$0x5];
	[sflag:s6] =	ssyncset.done @!p1 $0x0  }
0xad: {  	[sflag:s6] =	ssyncadd.s32 @!p1 $0xFFFFF000;
	s5 =	sadd.s32 s12, s11;
	s6 =	simm.s32 @!p1 $0xE  }
0xae: {  	[tilespmem:s16], [sflag:$0x3] =	stream.linear.gather [hbm4b:s5+s3], $0x80, $0x38;
	[tilespmem:$0x1ED80] =	vst v63  }
0xaf: {  	_ =	swait.ge @!p1 [sflag:s6], $0x1000  }
0xb0: {  	s13 =	rddreg [dreg:$0x4];
	[sflag:s6] =	ssyncset.done @!p1 $0x0  }
0xb1: {  	[sflag:s6] =	ssyncadd.s32 @!p1 $0xFFFFF000;
	s5 =	sadd.s32 s12, s13;
	s6 =	simm.s32 @!p1 $0xF  }
0xb2: {  	[tilespmem:s17], [sflag:$0x4] =	stream.linear.gather [hbm4b:s5+s3], $0x80, $0x38;
	[tilespmem:$0x1ED80] =	vst v63  }
0xb3: {  	_ =	swait.ge @!p1 [sflag:s6], $0x1000  }
0xb4: {  	s14 =	rddreg [dreg:$0x3];
	[sflag:s6] =	ssyncset.done @!p1 $0x0  }
0xb5: {  	[sflag:s6] =	ssyncadd.s32 @!p1 $0xFFFFF000;
	s5 =	sadd.s32 s12, s14  }
0xb6: {  	[tilespmem:s18], [sflag:$0x5] =	stream.linear.gather [hbm4b:s5+s3], $0x80, $0x38;
	[tilespmem:$0x1ED80] =	vst v63  }
0xb7: {  	_ =	swait.ge [sflag:s19], $0x80  }
0xb8: {  	[sflag:s19] =	ssyncset.done $0x0  }
0xb9: {  	[sflag:s19] =	ssyncadd.s32 $0xFFFFFF80  }
0xba: {  	[tilespmem:s20], [sflag:$0x6] =	stream.indirect.gather [hbm4b:s7+s15], $0x20, s3, s15, $0xb8;
	[tilespmem:$0x1ED80] =	vst v63  }
0xbb: {  	_ =	swait.ge [sflag:s21], $0x80  }
0xbc: {  	[sflag:s21] =	ssyncset.done $0x0  }
0xbd: {  	[sflag:s21] =	ssyncadd.s32 $0xFFFFFF80  }
0xbe: {  	[tilespmem:s22], [sflag:$0x7] =	stream.indirect.gather [hbm4b:s7+s15], $0x20, s15, s15, $0xb8;
	[tilespmem:$0x1ED80] =	vst v63  }
0xbf: {  	_ =	swait.ge [sflag:s23], $0x80  }
0xc0: {  	[sflag:s23] =	ssyncset.done $0x0  }
0xc1: {  	[sflag:s23] =	ssyncadd.s32 $0xFFFFFF80  }
0xc2: {  	[tilespmem:s24], [sflag:$0x8] =	stream.indirect.gather [hbm4b:s7+s15], $0x20, s16, s15, $0xb8;
	[tilespmem:$0x1ED80] =	vst v63  }
0xc3: {  	_ =	swait.ge [sflag:s25], $0x80  }
0xc4: {  	[sflag:s25] =	ssyncset.done $0x0  }
0xc5: {  	[sflag:s25] =	ssyncadd.s32 $0xFFFFFF80  }
0xc6: {  	[tilespmem:s26], [sflag:$0x9] =	stream.indirect.gather [hbm4b:s7+s15], $0x20, s17, s15, $0xb8;
	[tilespmem:$0x1ED80] =	vst v63  }
0xc7: {  	_ =	swait.ge [sflag:s28], $0x80  }
0xc8: {  	[sflag:s28] =	ssyncset.done $0x0  }
0xc9: {  	[sflag:s28] =	ssyncadd.s32 $0xFFFFFF80  }
0xca: {  	[tilespmem:s29], [sflag:$0xA] =	stream.indirect.gather [hbm4b:s7+s15], $0x20, s18, s15, $0xb8;
	[tilespmem:$0x1ED80] =	vst v63  }
0xcb: {  	_ =	swait.ge [sflag:s30], $0x1000  }
0xcc: {  	s9 =	sshra.s32 s9, $0x2;
	[sflag:s30] =	ssyncset.done $0x0  }
0xcd: {  	s11 =	sadd.s32 $0x280, s9;
	[sflag:s30] =	ssyncadd.s32 $0xFFFFF000  }
0xce: {  	[spmem:s2] =	stream.indirect.scatter.add.f32 [tilespmem:s20], [sflag:$0xB], $0x20, s11, s15, $0xb8;
	[tilespmem:$0x1ED80] =	vst v63  }
0xcf: {  	_ =	swait.ge [sflag:s31], $0x1000  }
0xd0: {  	[sflag:s31] =	ssyncset.done $0x0  }
0xd1: {  	s12 =	sadd.s32 $0x300, s9;
	[sflag:s31] =	ssyncadd.s32 $0xFFFFF000  }
0xd2: {  	[spmem:s2] =	stream.indirect.scatter.add.f32 [tilespmem:s22], [sflag:$0xC], $0x20, s12, s15, $0xb8;
	[tilespmem:$0x1ED80] =	vst v63  }
0xd3: {  	_ =	swait.ge [sflag:s0], $0x1000  }
0xd4: {  	[sflag:s0] =	ssyncset.done $0x0  }
0xd5: {  	s13 =	sadd.s32 $0x380, s9;
	[sflag:s0] =	ssyncadd.s32 $0xFFFFF000  }
0xd6: {  	[spmem:s2] =	stream.indirect.scatter.add.f32 [tilespmem:s24], [sflag:$0xD], $0x20, s13, s15, $0xb8;
	[tilespmem:$0x1ED80] =	vst v63  }
0xd7: {  	_ =	swait.ge [sflag:s1], $0x1000  }
0xd8: {  	s10 =	sadd.s32 $0x1, s10;
	[sflag:s1] =	ssyncset.done $0x0  }
0xd9: {  	p0 =	sne.s32 s10, $0xA;
	s14 =	sadd.s32 $0x400, s9;
	[sflag:s1] =	ssyncadd.s32 $0xFFFFF000  }
0xda: {  	[spmem:s2] =	stream.indirect.scatter.add.f32 [tilespmem:s26], [sflag:$0xE], $0x20, s14, s15, $0xb8;
	[tilespmem:$0x1ED80] =	vst v63  }
.Ltmp1:
0xdb: {  	_ = 	snop;
	(pc) =	sbr.rel @p0 .LBB2_2-.Ltmp1, $4  }
0xdc: {  	_ =	swait.ge [sflag:s4], $0x1000  }
0xdd: {  	s8 =	sadd.s32 $0x280, s8;
	[sflag:s4] =	ssyncset.done $0x0  }
0xde: {  	s5 =	sadd.s32 $0x480, s9;
	s9 =	simm.s32 $0x10;
	[sflag:s4] =	ssyncadd.s32 $0xFFFFF000  }
0xdf: {  	[spmem:s2] =	stream.indirect.scatter.add.f32 [tilespmem:s29], [sflag:$0xF], $0x20, s5, s15, $0xb8;
	[tilespmem:$0x1ED80] =	vst v63  }
0xe0: {  	s5 =	simm.s32 $0xB  }
0xe1: {  	_ =	swait.ge [sflag:s5], $0x1000  }
0xe2: {  	[sflag:s5] =	ssyncset.done $0x0  }
0xe3: {  	s8 =	simm.s32 $0xC;
	[sflag:s5] =	ssyncadd.s32 $0xFFFFF000  }
0xe4: {  	_ =	swait.ge [sflag:s8], $0x1000  }
0xe5: {  	[sflag:s8] =	ssyncset.done $0x0  }
0xe6: {  	s10 =	simm.s32 $0xD;
	[sflag:s8] =	ssyncadd.s32 $0xFFFFF000  }
0xe7: {  	_ =	swait.ge [sflag:s10], $0x1000  }
0xe8: {  	[sflag:s10] =	ssyncset.done $0x0  }
0xe9: {  	s11 =	simm.s32 $0xE;
	[sflag:s10] =	ssyncadd.s32 $0xFFFFF000  }
0xea: {  	_ =	swait.ge [sflag:s11], $0x1000  }
0xeb: {  	[sflag:s11] =	ssyncset.done $0x0  }
0xec: {  	s12 =	simm.s32 $0xF;
	[sflag:s11] =	ssyncadd.s32 $0xFFFFF000  }
0xed: {  	_ =	swait.ge [sflag:s12], $0x1000  }
0xee: {  	[sflag:s12] =	ssyncset.done $0x0  }
0xef: {  	[sflag:s12] =	ssyncadd.s32 $0xFFFFF000  }
0xf0: {  	[bflag:$0x0] =	sbarrier.arrive $0xFFFF  }
0xf1: {  	s8 =	rddreg [dreg:$0xc]  }
0xf2: {  	s13 =	rddreg [dreg:$0xd]  }
0xf3: {  	s6 =	rddreg [dreg:$0xf]  }
0xf4: {  	[hbm:s13], [sflag:s8] =	dma.local [spmem:s6], $0x30E0  }
0xf5: {  	_ =	swait.ge [sflag:s9], $0x30E0  }
0xf6: {  	s10 =	rddreg [dreg:$0x10]  }
0xf7: {  	s14 =	rddreg [dreg:$0xe];
	s10 =	sadd.s32 $0x1, s10  }
0xf8: {  	p0 =	sne.s32 s10, s14  }
.Ltmp2:
0xf9: {  	_ = 	snop;
	(pc) =	sbr.rel @p0 .LBB2_1-.Ltmp2, $3  }
0xfa: {  	_ =	sdelay $0x1  }
0xfb: {  	[sflag:s9] =	ssyncset.done $0x0  }
0xfc: {  	[sflag:s9] =	ssyncadd.s32 $0xFFFFCF20  }
0xfd: {  	_ =	sfence.sel $0x180000  }
0xfe: {  	[bflag:$0x0] =	sbarrier.arrive $0xFFFF  }
0xff: {  	_ =	strace $0x9000004A  }
0x100: {  	s0 =	stileid.u32;
	[bflag:$0x2] =	sbarrier.arrive $0xFFFF  }
0x101: {  	p0 =	sne.s32 s0, $0x0;
	s0 =	rddreg [dreg:$0x2]  }
0x102: {  	s0 =	sadd.s32 @!p0 $0x100000, s0  }
0x103: {  	[sflag:s0] =	ssyncadd.tile.s32 @!p0 $0x1;
	_ =	shalt  }
.Lfunc_end2:
_tile_overlayer_lowered:
.L_overlay_start_2:
0x104: {  	(tag) =	ssettag $0x2  }
0x105: {  	s0 =	rddreg [dreg:$0x0];
	s2 =	stileid.u32  }
0x106: {  	s1 =	rddreg [dreg:$0x1];
	p0 =	sne.s32 s2, $0x0  }
0x107: {  	s3 =	rddreg [dreg:$0x2];
	[bflag:$0x3] =	sbarrier.arrive $0xFFFF;
	s2 =	simm.s32 @!p0 $0x1C10  }
0x108: {  	[timem:s3], [sflag:s2] =	dma.local @!p0 [hbm:s0], s1  }
0x109: {  	s0 =	simm.s32 @!p0 $0x10  }
0x10a: {  	_ =	swait.ge @!p0 [sflag:s0], s1  }
0x10b: {  	s1 =	ssub.s32 @!p0 $0x0, s1;
	[sflag:s0] =	ssyncset.done @!p0 $0x0  }
0x10c: {  	[sflag:s0] =	ssyncadd.s32 @!p0 s1  }
0x10d: {  	[bflag:$0x3] =	sbarrier.arrive $0xFFFF  }
0x10e: {  	_ =	shalt  }

// kernel: kernel.16.cloned.1.call-start
scs
__scs_entry_jumppad:
0x0: {  	(pc) =	sbr.rel $0x88, $3  }
0x1: {  	(tag) =	ssettag $0x0;
	lr =	simm.s32 $0x1  }
0x2: {  	[smem:$0x3F8F] =	sst lr;
	_ =	strace $0xD0000000  }
0x3: {  	_ = 	snop  }
0x4: {  	_ = 	snop  }
0x5: {  	_ = 	snop  }
0x6: {  	_ = 	snop  }
0x7: {  	_ = 	snop  }
__scs_overlays_trampoline_lowered:
0x8: {  	[smem:$0x3F9E] =	sst s0  }
0x9: {  	[smem:$0x3F9F] =	sst s1  }
0xa: {  	[smem:$0x3FA0] =	sst s2  }
0xb: {  	[smem:$0x3FA1] =	sst s3  }
0xc: {  	[smem:$0x3FA2] =	sst s4  }
0xd: {  	[smem:$0x3FA3] =	sst s5  }
0xe: {  	[smem:$0x3FA4] =	sst s6  }
0xf: {  	[smem:$0x3FA5] =	sst s7  }
0x10: {  	[smem:$0x3FA6] =	sst s8  }
0x11: {  	[smem:$0x3FA7] =	sst s9;
	s0 =	simm.s32 @!p0 $0x0  }
0x12: {  	s1 =	sld [smem:$0x3F8D];
	s0 =	simm.s32 @p0 $0x1  }
0x13: {  	[smem:$0x3FA8] =	sst s0;
	s0 =	simm.s32 @!p1 $0x0  }
0x14: {  	s2 =	sld [smem:$0x3F8C];
	s0 =	simm.s32 @p1 $0x1  }
0x15: {  	[smem:$0x3FA9] =	sst s0;
	s0 =	simm.s32 @!p2 $0x0  }
0x16: {  	s3 =	sld [smem:$0x3FDB];
	s0 =	simm.s32 @p2 $0x1  }
0x17: {  	s4 =	simm.s32 $0x1BF5;
	[smem:$0x3FAB] =	sst s0  }
0x18: {  	s0 =	sld [smem:$0x3F8E];
	_ =	swait.ge [sflag:s4], $0x0  }
0x19: {  	s7 =	sld [smem:$0x3F8F]  }
0x1a: {  	s8 =	sadd.s32 $0xFFFFE003, lr  }
0x1b: {  	s9 =	sadd.s32 $0xFFFFFEF7, lr;
	s5 =	simm.s32 $0xFFFFFFFF;
	p2 =	slt.u32 s8, $0xFFFFF086  }
0x1c: {  	p1 =	slt.u32 s9, $0xF7A;
	s5 =	simm.s32 @!p2 $0x0  }
0x1d: {  	s5 =	simm.s32 @p1 $0x1;
	p0 =	seq.s32 s7, s2  }
0x1e: {  	s7 =	smul.u32 @!p0 $0xF7A, s2;
	p2 =	seq.s32 @!p0 s5, $0x0  }
0x1f: {  	s9 =	smul.u32 $0xF7A, s1;
	s8 =	simm.s32 @!p0 $0x1BF5;
	p2 =	por !p2, p0  }
0x20: {  	[sflag:s8] =	ssyncset.s32 @!p0 $0xFFFFF086;
	s6 =	sadd.s32 @!p0 s3, s7;
	s7 =	simm.s32 @!p0 $0x108  }
0x21: {  	s3 =	sadd.s32 s3, s9;
	s6 =	sadd.s32 @!p0 $0x88, s6;
	s7 =	simm.s32 @p2 $0x1082  }
0x22: {  	[simem:s7], [sflag:s8] =	dma.local @!p0 [hbm:s6], $0xF7A  }
0x23: {  	s9 =	sor.u32 $0xD0000000, s2;
	s6 =	simm.s32 $0x108;
	_ =	swait.ge @!p0 [sflag:s8], $0x0  }
0x24: {  	s3 =	sadd.s32 $0x88, s3;
	s6 =	simm.s32 @!p1 $0x1082;
	[sflag:s4] =	ssyncset.s32 $0xFFFFF086  }
0x25: {  	[simem:s6], [sflag:s4] =	dma.local [hbm:s3], $0xF7A  }
0x26: {  	[smem:$0x3F8F] =	sst s1;
	(tag) =	ssettag s2;
	_ =	strace s9  }
0x27: {  	s1 =	sld [smem:$0x3F9F]  }
0x28: {  	s2 =	sld [smem:$0x3FA0]  }
0x29: {  	s4 =	sld [smem:$0x3FA2]  }
0x2a: {  	p0 =	seq.s32 s5, $0x0;
	s5 =	sld [smem:$0x3FA3]  }
0x2b: {  	s6 =	sld [smem:$0x3FA4]  }
0x2c: {  	s7 =	sld [smem:$0x3FA5]  }
0x2d: {  	s3 =	simm.s32 $0x108;
	s8 =	sld [smem:$0x3FA6]  }
0x2e: {  	s3 =	simm.s32 @!p0 $0x1082;
	s9 =	sld [smem:$0x3FA7]  }
0x2f: {  	lr =	sadd.s32 s0, s3;
	s0 =	sld [smem:$0x3F9E]  }
0x30: {  	s3 =	sld [smem:$0x3FA1]  }
0x31: {  	[smem:$0x3FAA] =	sst s10  }
0x32: {  	s10 =	sld [smem:$0x3FA8];
	_ =	sdelay $0x3  }
0x33: {  	p0 =	seq.s32 s10, $0x1;
	s10 =	sld [smem:$0x3FAA];
	_ =	sdelay $0x3  }
0x34: {  	[smem:$0x3FAA] =	sst s10  }
0x35: {  	s10 =	sld [smem:$0x3FA9];
	_ =	sdelay $0x3  }
0x36: {  	p1 =	seq.s32 s10, $0x1;
	s10 =	sld [smem:$0x3FAA];
	_ =	sdelay $0x3  }
0x37: {  	[smem:$0x3FAA] =	sst s10  }
0x38: {  	s10 =	sld [smem:$0x3FAB]  }
0x39: {  	_ = 	snop;
	(pc) =	sbr.ind lr, $3  }
0x3a: {  	_ = 	snop  }
0x3b: {  	_ = 	snop  }
0x3c: {  	p2 =	seq.s32 s10, $0x1;
	s10 =	sld [smem:$0x3FAA]  }
0x3d: {  	_ =	shalt  }
0x3e: {  	_ =	shalt  }
0x3f: {  	_ =	shalt  }
0x40: {  	_ =	shalt  }
0x41: {  	_ =	shalt  }
0x42: {  	_ =	shalt  }
0x43: {  	_ =	shalt  }
0x44: {  	_ =	shalt  }
0x45: {  	_ =	shalt  }
0x46: {  	_ =	shalt  }
0x47: {  	_ =	shalt  }
0x48: {  	_ =	shalt  }
0x49: {  	_ =	shalt  }
0x4a: {  	_ =	shalt  }
0x4b: {  	_ =	shalt  }
0x4c: {  	_ =	shalt  }
0x4d: {  	_ =	shalt  }
0x4e: {  	_ =	shalt  }
0x4f: {  	_ =	shalt  }
0x50: {  	_ =	shalt  }
0x51: {  	_ =	shalt  }
0x52: {  	_ =	shalt  }
0x53: {  	_ =	shalt  }
0x54: {  	_ =	shalt  }
0x55: {  	_ =	shalt  }
0x56: {  	_ =	shalt  }
0x57: {  	_ =	shalt  }
0x58: {  	_ =	shalt  }
0x59: {  	_ =	shalt  }
0x5a: {  	_ =	shalt  }
0x5b: {  	_ =	shalt  }
0x5c: {  	_ =	shalt  }
0x5d: {  	_ =	shalt  }
0x5e: {  	_ =	shalt  }
0x5f: {  	_ =	shalt  }
0x60: {  	_ =	shalt  }
0x61: {  	_ =	shalt  }
0x62: {  	_ =	shalt  }
0x63: {  	_ =	shalt  }
0x64: {  	_ =	shalt  }
0x65: {  	_ =	shalt  }
0x66: {  	_ =	shalt  }
0x67: {  	_ =	shalt  }
0x68: {  	_ =	shalt  }
0x69: {  	_ =	shalt  }
0x6a: {  	_ =	shalt  }
0x6b: {  	_ =	shalt  }
0x6c: {  	_ =	shalt  }
0x6d: {  	_ =	shalt  }
0x6e: {  	_ =	shalt  }
0x6f: {  	_ =	shalt  }
0x70: {  	_ =	shalt  }
0x71: {  	_ =	shalt  }
0x72: {  	_ =	shalt  }
0x73: {  	_ =	shalt  }
0x74: {  	_ =	shalt  }
0x75: {  	_ =	shalt  }
0x76: {  	_ =	shalt  }
0x77: {  	_ =	shalt  }
0x78: {  	_ =	shalt  }
0x79: {  	_ =	shalt  }
0x7a: {  	_ =	shalt  }
0x7b: {  	_ =	shalt  }
0x7c: {  	_ =	shalt  }
0x7d: {  	_ =	shalt  }
0x7e: {  	_ =	shalt  }
0x7f: {  	_ =	shalt  }
0x80: {  	_ =	shalt  }
0x81: {  	_ =	shalt  }
0x82: {  	_ =	shalt  }
0x83: {  	_ =	shalt  }
0x84: {  	_ =	shalt  }
0x85: {  	_ =	shalt  }
0x86: {  	_ =	shalt  }
0x87: {  	_ =	shalt  }
.Lfunc_end0:
.L_simem_size_0:
called_computation.2_lowered:
.L_overlay_start_0:
0x88: {  	s2 =	sld [smem:$0x3FD9]  }
0x89: {  	s3 =	sld [smem:$0x3FFE];
	_ =	sdelay $0x1  }
0x8a: {  	s1 =	srdreg.scid  }
0x8b: {  	s0 =	sand.u32 $0x1, s1  }
0x8c: {  	s16 =	sshll.u32 s0, $0xA;
	s2 =	sadd.s32 s3, s2  }
0x8d: {  	s2 =	sadd.s32 s2, s16  }
0x8e: {  	[smem:$0x3FB6] =	sst s2  }
0x8f: {  	_ = 	snop  }
0x90: {  	(tm) =	ssettm $0x1  }
0x91: {  	s17 =	sld [smem:$0x3FFB];
	_ =	sdelay $0x3  }
0x92: {  	_ =	strace s17  }
0x93: {  	s2 =	sld [smem:$0x3FFC];
	_ =	sdelay $0x3  }
0x94: {  	_ =	strace s2  }
0x95: {  	s2 =	sld [smem:$0x3FFD];
	_ =	sdelay $0x3  }
0x96: {  	_ =	strace s2  }
0x97: {  	_ =	strace $0x8FFFFFFF  }
0x98: {  	s18 =	sld [smem:$0x3FDB];
	_ =	sdelay $0x1  }
0x99: {  	s19 =	simm.s32 $_scs_section_size  }
0x9a: {  	s4 =	simm.s32 $_size__tile_overlayer_lowered;
	s5 =	simm.s32 $_tile_overlayer_lowered  }
0x9b: {  	s22 =	simm.s32 $0x1BFF;
	s21 =	sshll.u32 s5, $0x1;
	s2 =	sadd.s32 s19, s18  }
0x9c: {  	s6 =	simm.s32 $0x0;
	s20 =	sshll.u32 s4, $0x1;
	s4 =	sadd.s32 s21, s2  }
0x9d: {  	[timem:s6], [sflag:s22] =	dma.local [hbm:s4], s20  }
0x9e: {  	_ =	swait.ge [sflag:s22], s20  }
0x9f: {  	s3 =	ssub.s32 $0x0, s20;
	[sflag:s22] =	ssyncset.done $0x0  }
0xa0: {  	[sflag:s22] =	ssyncadd.s32 s3;
	_ =	sdelay $0x1  }
0xa1: {  	s23 =	simm.s32 $0x1B8B  }
0xa2: {  	_ =	swait.ge [sflag:s23], $0x1  }
0xa3: {  	[sflag:s23] =	ssyncset.done $0x0  }
0xa4: {  	s25 =	simm.s32 $0x1B8E;
	s24 =	sld [smem:$0x3FFE];
	[sflag:s23] =	ssyncadd.s32 $0xFFFFFFFF  }
0xa5: {  	s26 =	simm.s32 $execute0_lowered;
	[smem:$0x3FD2] =	sst s25  }
0xa6: {  	s4 =	sshll.u32 s26, $0x1;
	_ =	strace $0x8000004C;
	[dreg:$0x1] =	wrdreg $0xFFFFFFFF  }
0xa7: {  	s28 =	simm.s32 $_size_execute0_lowered;
	s2 =	sadd.s32 s2, s4;
	[dreg:$0x0] =	wrdreg $0x0  }
0xa8: {  	s4 =	sshll.u32 s28, $0x1;
	[dreg:$0x2] =	wrdreg s2  }
0xa9: {  	[dreg:$0x3] =	wrdreg s4  }
0xaa: {  	[dreg:$0x4] =	wrdreg $0xC0  }
0xab: {  	_ =	task [dreg:s6], $0x5FFFF  }
0xac: {  	[dreg:$0x1] =	wrdreg $0xFFFFFFFF  }
0xad: {  	[dreg:$0x0] =	wrdreg $0x60  }
0xae: {  	[dreg:$0x2] =	wrdreg s24  }
0xaf: {  	[dreg:$0x3] =	wrdreg $0x66800  }
0xb0: {  	[dreg:$0x4] =	wrdreg $0x9  }
0xb1: {  	_ =	task.clear_ibuf [dreg:s6], $0x5FFFF;
	_ =	strace $0x9000004C  }
0xb2: {  	s29 =	simm.s32 $0x9;
	_ =	strace $0x8000004E  }
0xb3: {  	_ =	swait.ge [sflag:s29], $0x1  }
0xb4: {  	[sflag:s29] =	ssyncadd.s32 $0xFFFFFFFF  }
0xb5: {  	_ =	strace $0x9000004E  }
0xb6: {  	_ =	sfence  }
0xb7: {  	s30 =	sld [smem:$0x0];
	_ =	sdelay $0x2  }
0xb8: {  	s31 =	sshll.u32 s1, $0xD;
	s1 =	sshrl.u32 s1, $0x2  }
0xb9: {  	s3 =	sand.u32 $0x4000, s31;
	s1 =	sadd.s32 s1, s30  }
0xba: {  	s0 =	sor.u32 s3, s0;
	s1 =	sshll.u32 s1, $0x11  }
0xbb: {  	s0 =	sor.u32 s1, s0  }
0xbc: {  	s0 =	sadd.s32 $0x8F2B, s0  }
0xbd: {  	[sflag:s0] =	ssyncadd.remote.s32 $0x1  }
0xbe: {  	_ =	sfence.sel $0xFFFF  }
0xbf: {  	[dreg:$0x0] =	wrdreg $0xFFFFFFFF;
	(pc) =	sbr.abs _section_cstart, $3  }
0xc0: {  	[dreg:$0x1] =	wrdreg $0xFFFFFFFF  }
0xc1: {  	_ =	task.clear_ibuf [dreg:s6], $0x2FFFF;
	_ =	strace $0x9FFFFFFF  }
0xc2: {  	(tm) =	ssettm $0x7FFFFFFF  }
0xc3: {  	_ =	shalt  }
tec
execute0_lowered:
.L_overlay_start_1:
0x0: {  	(tag) =	ssettag $0x1  }
0x1: {  	s0 =	rddreg [dreg:$0x0]  }
0x2: {  	s2 =	rddreg [dreg:$0x1];
	s3 =	simm.s32 $0x0  }
0x3: {  	s1 =	srdreg.scid;
	s8 =	stileid.u32;
	s15 =	simm.s32 $0x80  }
0x4: {  	s16 =	simm.s32 $0x100;
	s28 =	simm.s32 $0x5;
	s29 =	simm.s32 $0x5680  }
0x5: {  	s30 =	simm.s32 $0x6;
	s31 =	simm.s32 $0x7;
	[smem:$0x7FF] =	sst s3  }
0x6: {  	s1 =	sand.u32 $0x1, s1;
	s4 =	smul.u32 $0x18700, s8;
	s6 =	sadd.s32 $0x113C00, s0  }
0x7: {  	s17 =	sadd.s32 $0x4C00, s0;
	s9 =	smul.u32 $0xC800, s8;
	s7 =	sadd.s32 $0x453C00, s0  }
0x8: {  	s10 =	sadd.s32 $0x7F800, s0;
	_ =	strace $0x8000004D;
	[dreg:$0x8] =	wrdreg s6  }
0x9: {  	s8 =	sshll.u32 s8, $0x6;
	s5 =	smul.u32 $0x187000, s1;
	[dreg:$0x9] =	wrdreg s17  }
0xa: {  	s18 =	smul.u32 $0xC8000, s1;
	[dreg:$0xb] =	wrdreg s10;
	s1 =	ssub.s32 $0x2, s1  }
0xb: {  	s8 =	sor.u32 $0x1C10, s8;
	s17 =	simm.s32 $0x180;
	[dreg:$0xa] =	wrdreg s9  }
0xc: {  	s10 =	simm.s32 $0x0;
	s19 =	sshrl.u32 s1, $0x1;
	[dreg:$0xc] =	wrdreg s8  }
0xd: {  	s5 =	sadd.s32 s4, s5;
	s6 =	sadd.s32 s9, s18;
	s1 =	ssub.s32 s1, s19  }
0xe: {  	s4 =	sadd.s32 s4, s2;
	s18 =	simm.s32 $0x200;
	s19 =	simm.s32 $0x1  }
0xf: {  	s5 =	sshrl.u32 s5, $0x3;
	s20 =	sor.u32 $0x200, s6;
	s9 =	sor.u32 $0x180, s6  }
0x10: {  	s22 =	sor.u32 $0x100, s6;
	s24 =	sor.u32 $0x80, s6;
	s26 =	sshrl.u32 s6, $0x3  }
0x11: {  	s1 =	smax.u32 s1, $0x1;
	s6 =	sshrl.u32 s4, $0x3;
	s4 =	simm.s32 $0xA  }
0x12: {  	s0 =	sadd.s32 s5, s0;
	s5 =	sshrl.u32 s20, $0x3;
	[dreg:$0xe] =	wrdreg s1  }
0x13: {  	s21 =	sshrl.u32 s9, $0x3;
	s23 =	sshrl.u32 s22, $0x3;
	[dreg:$0x7] =	wrdreg s26  }
0x14: {  	s25 =	sshrl.u32 s24, $0x3;
	s9 =	simm.s32 $0x10;
	[dreg:$0xf] =	wrdreg s6  }
0x15: {  	s20 =	simm.s32 $0x1680;
	s22 =	simm.s32 $0x2680;
	[dreg:$0x3] =	wrdreg s5  }
0x16: {  	s24 =	simm.s32 $0x3680;
	s26 =	simm.s32 $0x4680;
	[dreg:$0x4] =	wrdreg s21  }
0x17: {  	s1 =	simm.s32 $0x9;
	[dreg:$0x5] =	wrdreg s23;
	s0 =	sadd.s32 $0x145C00, s0  }
0x18: {  	[dreg:$0x6] =	wrdreg s25;
	s21 =	simm.s32 $0x2;
	s23 =	simm.s32 $0x3  }
0x19: {  	s25 =	simm.s32 $0x4;
	[dreg:$0xd] =	wrdreg s0;
	s0 =	simm.s32 $0x8  }
.LBB2_1:
0x1a: {  	[dreg:$0x10] =	wrdreg s10  }
0x1b: {  	s5 =	rddreg [dreg:$0xb]  }
0x1c: {  	[spmem:s6], [sflag:s8] =	dma.local [hbm:s5], $0x30E0  }
0x1d: {  	_ =	swait.ge [sflag:s9], $0x30E0  }
0x1e: {  	[sflag:s9] =	ssyncset.done $0x0  }
0x1f: {  	[sflag:s9] =	ssyncadd.s32 $0xFFFFCF20  }
0x20: {  	[bflag:$0x0] =	sbarrier.arrive $0xFFFF  }
0x21: {  	s10 =	simm.s32 $0x0;
	s8 =	rddreg [dreg:$0x8]  }
.LBB2_2:
0x22: {  	s5 =	smul.u32 $0x1400, s10  }
0x23: {  	s6 =	rddreg [dreg:$0xa]  }
0x24: {  	s5 =	sadd.s32 s6, s5  }
0x25: {  	s11 =	rddreg [dreg:$0x9];
	s5 =	sshrl.u32 s5, $0x3  }
0x26: {  	s12 =	simm.s32 $0x0;
	s5 =	sadd.s32 s11, s5;
	s11 =	simm.s32 $0x280  }
0x27: {  	[tilespmem:s11], [sflag:$0x10] =	stream.linear.gather [hbm4b:s5+s12], $0x1400, $0x38;
	[tilespmem:$0x1ED80] =	vst v63  }
0x28: {  	s13 =	sor.u32 s10, s12;
	_ =	swait.ge [sflag:s9], $0x1400  }
0x29: {  	p0 =	seq.s32 s13, $0x0;
	[sflag:s9] =	ssyncset.done $0x0  }
0x2a: {  	s5 =	simm.s32 @!p0 $0xB;
	[sflag:s9] =	ssyncadd.s32 $0xFFFFEC00  }
0x2b: {  	_ =	swait.ge @!p0 [sflag:s5], $0x1000  }
0x2c: {  	s14 =	rddreg [dreg:$0x7];
	[sflag:s5] =	ssyncset.done @!p0 $0x0  }
0x2d: {  	s6 =	simm.s32 @!p0 $0xC;
	[sflag:s5] =	ssyncadd.s32 @!p0 $0xFFFFF000;
	s9 =	sadd.s32 s8, s14  }
0x2e: {  	[tilespmem:s3], [sflag:$0x1] =	stream.linear.gather [hbm4b:s9+s3], $0x80, $0x38;
	[tilespmem:$0x1ED80] =	vst v63  }
0x2f: {  	_ =	swait.ge @!p0 [sflag:s6], $0x1000  }
0x30: {  	s11 =	rddreg [dreg:$0x6];
	[sflag:s6] =	ssyncset.done @!p0 $0x0  }
0x31: {  	[sflag:s6] =	ssyncadd.s32 @!p0 $0xFFFFF000;
	s5 =	sadd.s32 s8, s11;
	s6 =	simm.s32 @!p0 $0xD  }
0x32: {  	[tilespmem:s15], [sflag:$0x2] =	stream.linear.gather [hbm4b:s5+s3], $0x80, $0x38;
	[tilespmem:$0x1ED80] =	vst v63  }
0x33: {  	_ =	swait.ge @!p0 [sflag:s6], $0x1000  }
0x34: {  	s12 =	rddreg [dreg:$0x5];
	[sflag:s6] =	ssyncset.done @!p0 $0x0  }
0x35: {  	[sflag:s6] =	ssyncadd.s32 @!p0 $0xFFFFF000;
	s5 =	sadd.s32 s8, s12;
	s6 =	simm.s32 @!p0 $0xE  }
0x36: {  	[tilespmem:s16], [sflag:$0x3] =	stream.linear.gather [hbm4b:s5+s3], $0x80, $0x38;
	[tilespmem:$0x1ED80] =	vst v63  }
0x37: {  	_ =	swait.ge @!p0 [sflag:s6], $0x1000  }
0x38: {  	s13 =	rddreg [dreg:$0x4];
	[sflag:s6] =	ssyncset.done @!p0 $0x0  }
0x39: {  	[sflag:s6] =	ssyncadd.s32 @!p0 $0xFFFFF000;
	s5 =	sadd.s32 s8, s13;
	s6 =	simm.s32 @!p0 $0xF  }
0x3a: {  	[tilespmem:s17], [sflag:$0x4] =	stream.linear.gather [hbm4b:s5+s3], $0x80, $0x38;
	[tilespmem:$0x1ED80] =	vst v63  }
0x3b: {  	_ =	swait.ge @!p0 [sflag:s6], $0x1000  }
0x3c: {  	s14 =	rddreg [dreg:$0x3];
	[sflag:s6] =	ssyncset.done @!p0 $0x0  }
0x3d: {  	[sflag:s6] =	ssyncadd.s32 @!p0 $0xFFFFF000;
	s5 =	sadd.s32 s8, s14  }
0x3e: {  	[tilespmem:s18], [sflag:$0x5] =	stream.linear.gather [hbm4b:s5+s3], $0x80, $0x38;
	[tilespmem:$0x1ED80] =	vst v63  }
0x3f: {  	_ =	swait.ge [sflag:s19], $0x80  }
0x40: {  	[sflag:s19] =	ssyncset.done $0x0  }
0x41: {  	[sflag:s19] =	ssyncadd.s32 $0xFFFFFF80  }
0x42: {  	[tilespmem:s20], [sflag:$0x6] =	stream.indirect.gather [hbm4b:s7+s15], $0x20, s3, s15, $0xb8;
	[tilespmem:$0x1ED80] =	vst v63  }
0x43: {  	_ =	swait.ge [sflag:s21], $0x80  }
0x44: {  	[sflag:s21] =	ssyncset.done $0x0  }
0x45: {  	[sflag:s21] =	ssyncadd.s32 $0xFFFFFF80  }
0x46: {  	[tilespmem:s22], [sflag:$0x7] =	stream.indirect.gather [hbm4b:s7+s15], $0x20, s15, s15, $0xb8;
	[tilespmem:$0x1ED80] =	vst v63  }
0x47: {  	_ =	swait.ge [sflag:s23], $0x80  }
0x48: {  	[sflag:s23] =	ssyncset.done $0x0  }
0x49: {  	[sflag:s23] =	ssyncadd.s32 $0xFFFFFF80  }
0x4a: {  	[tilespmem:s24], [sflag:$0x8] =	stream.indirect.gather [hbm4b:s7+s15], $0x20, s16, s15, $0xb8;
	[tilespmem:$0x1ED80] =	vst v63  }
0x4b: {  	_ =	swait.ge [sflag:s25], $0x80  }
0x4c: {  	[sflag:s25] =	ssyncset.done $0x0  }
0x4d: {  	[sflag:s25] =	ssyncadd.s32 $0xFFFFFF80  }
0x4e: {  	[tilespmem:s26], [sflag:$0x9] =	stream.indirect.gather [hbm4b:s7+s15], $0x20, s17, s15, $0xb8;
	[tilespmem:$0x1ED80] =	vst v63  }
0x4f: {  	_ =	swait.ge [sflag:s28], $0x80  }
0x50: {  	[sflag:s28] =	ssyncset.done $0x0  }
0x51: {  	[sflag:s28] =	ssyncadd.s32 $0xFFFFFF80  }
0x52: {  	[tilespmem:s29], [sflag:$0xA] =	stream.indirect.gather [hbm4b:s7+s15], $0x20, s18, s15, $0xb8;
	[tilespmem:$0x1ED80] =	vst v63  }
0x53: {  	_ =	swait.ge [sflag:s30], $0x1000  }
0x54: {  	[sflag:s30] =	ssyncset.done $0x0  }
0x55: {  	s6 =	simm.s32 $0x280;
	[sflag:s30] =	ssyncadd.s32 $0xFFFFF000  }
0x56: {  	[spmem:s2] =	stream.indirect.scatter.add.f32 [tilespmem:s20], [sflag:$0xB], $0x20, s6, s15, $0xb8;
	[tilespmem:$0x1ED80] =	vst v63  }
0x57: {  	_ =	swait.ge [sflag:s31], $0x1000  }
0x58: {  	[sflag:s31] =	ssyncset.done $0x0  }
0x59: {  	s9 =	simm.s32 $0x300;
	[sflag:s31] =	ssyncadd.s32 $0xFFFFF000  }
0x5a: {  	[spmem:s2] =	stream.indirect.scatter.add.f32 [tilespmem:s22], [sflag:$0xC], $0x20, s9, s15, $0xb8;
	[tilespmem:$0x1ED80] =	vst v63  }
0x5b: {  	_ =	swait.ge [sflag:s0], $0x1000  }
0x5c: {  	[sflag:s0] =	ssyncset.done $0x0  }
0x5d: {  	s11 =	simm.s32 $0x380;
	[sflag:s0] =	ssyncadd.s32 $0xFFFFF000  }
0x5e: {  	[spmem:s2] =	stream.indirect.scatter.add.f32 [tilespmem:s24], [sflag:$0xD], $0x20, s11, s15, $0xb8;
	[tilespmem:$0x1ED80] =	vst v63  }
0x5f: {  	s14 =	simm.s32 $0x1;
	_ =	swait.ge [sflag:s1], $0x1000  }
0x60: {  	s13 =	sor.u32 s10, s14;
	[sflag:s1] =	ssyncset.done $0x0  }
0x61: {  	s12 =	simm.s32 $0x400;
	p1 =	seq.s32 s13, $0x0;
	[sflag:s1] =	ssyncadd.s32 $0xFFFFF000  }
0x62: {  	[spmem:s2] =	stream.indirect.scatter.add.f32 [tilespmem:s26], [sflag:$0xE], $0x20, s12, s15, $0xb8;
	[tilespmem:$0x1ED80] =	vst v63  }
0x63: {  	s6 =	simm.s32 $0x480;
	s9 =	simm.s32 $0xA00;
	_ =	swait.ge [sflag:s4], $0x1000  }
0x64: {  	s11 =	simm.s32 $0x1400;
	s12 =	sadd.s32 $0x50, s8;
	[sflag:s4] =	ssyncset.done $0x0  }
.LBB2_3:
0x65: {  	s13 =	simm.s32 @!p1 $0xB;
	[sflag:s4] =	ssyncadd.s32 $0xFFFFF000  }
0x66: {  	[spmem:s2] =	stream.indirect.scatter.add.f32 [tilespmem:s29], [sflag:$0xF], $0x20, s6, s15, $0xb8;
	[tilespmem:$0x1ED80] =	vst v63  }
0x67: {  	_ =	swait.ge @!p1 [sflag:s13], $0x1000  }
0x68: {  	[sflag:s13] =	ssyncset.done @!p1 $0x0;
	s6 =	rddreg [dreg:$0x7]  }
0x69: {  	[sflag:s13] =	ssyncadd.s32 @!p1 $0xFFFFF000;
	s6 =	sadd.s32 s12, s6;
	s13 =	simm.s32 @!p1 $0xC  }
0x6a: {  	[tilespmem:s3], [sflag:$0x1] =	stream.linear.gather [hbm4b:s6+s3], $0x80, $0x38;
	[tilespmem:$0x1ED80] =	vst v63  }
0x6b: {  	_ =	swait.ge @!p1 [sflag:s13], $0x1000  }
0x6c: {  	[sflag:s13] =	ssyncset.done @!p1 $0x0;
	s6 =	rddreg [dreg:$0x6]  }
0x6d: {  	[sflag:s13] =	ssyncadd.s32 @!p1 $0xFFFFF000;
	s6 =	sadd.s32 s12, s6;
	s13 =	simm.s32 @!p1 $0xD  }
0x6e: {  	[tilespmem:s15], [sflag:$0x2] =	stream.linear.gather [hbm4b:s6+s3], $0x80, $0x38;
	[tilespmem:$0x1ED80] =	vst v63  }
0x6f: {  	_ =	swait.ge @!p1 [sflag:s13], $0x1000  }
0x70: {  	[sflag:s13] =	ssyncset.done @!p1 $0x0;
	s6 =	rddreg [dreg:$0x5]  }
0x71: {  	[sflag:s13] =	ssyncadd.s32 @!p1 $0xFFFFF000;
	s6 =	sadd.s32 s12, s6;
	s13 =	simm.s32 @!p1 $0xE  }
0x72: {  	[tilespmem:s16], [sflag:$0x3] =	stream.linear.gather [hbm4b:s6+s3], $0x80, $0x38;
	[tilespmem:$0x1ED80] =	vst v63  }
0x73: {  	_ =	swait.ge @!p1 [sflag:s13], $0x1000  }
0x74: {  	[sflag:s13] =	ssyncset.done @!p1 $0x0;
	s6 =	rddreg [dreg:$0x4]  }
0x75: {  	[sflag:s13] =	ssyncadd.s32 @!p1 $0xFFFFF000;
	s6 =	sadd.s32 s12, s6;
	s13 =	simm.s32 @!p1 $0xF  }
0x76: {  	[tilespmem:s17], [sflag:$0x4] =	stream.linear.gather [hbm4b:s6+s3], $0x80, $0x38;
	[tilespmem:$0x1ED80] =	vst v63  }
0x77: {  	_ =	swait.ge @!p1 [sflag:s13], $0x1000  }
0x78: {  	[sflag:s13] =	ssyncset.done @!p1 $0x0;
	s6 =	rddreg [dreg:$0x3]  }
0x79: {  	[sflag:s13] =	ssyncadd.s32 @!p1 $0xFFFFF000;
	s6 =	sadd.s32 s12, s6  }
0x7a: {  	[tilespmem:s18], [sflag:$0x5] =	stream.linear.gather [hbm4b:s6+s3], $0x80, $0x38;
	[tilespmem:$0x1ED80] =	vst v63  }
0x7b: {  	_ =	swait.ge [sflag:s19], $0x80  }
0x7c: {  	[sflag:s19] =	ssyncset.done $0x0  }
0x7d: {  	[sflag:s19] =	ssyncadd.s32 $0xFFFFFF80  }
0x7e: {  	[tilespmem:s20], [sflag:$0x6] =	stream.indirect.gather [hbm4b:s7+s15], $0x20, s3, s15, $0xb8;
	[tilespmem:$0x1ED80] =	vst v63  }
0x7f: {  	_ =	swait.ge [sflag:s21], $0x80  }
0x80: {  	[sflag:s21] =	ssyncset.done $0x0  }
0x81: {  	[sflag:s21] =	ssyncadd.s32 $0xFFFFFF80  }
0x82: {  	[tilespmem:s22], [sflag:$0x7] =	stream.indirect.gather [hbm4b:s7+s15], $0x20, s15, s15, $0xb8;
	[tilespmem:$0x1ED80] =	vst v63  }
0x83: {  	_ =	swait.ge [sflag:s23], $0x80  }
0x84: {  	[sflag:s23] =	ssyncset.done $0x0  }
0x85: {  	[sflag:s23] =	ssyncadd.s32 $0xFFFFFF80  }
0x86: {  	[tilespmem:s24], [sflag:$0x8] =	stream.indirect.gather [hbm4b:s7+s15], $0x20, s16, s15, $0xb8;
	[tilespmem:$0x1ED80] =	vst v63  }
0x87: {  	_ =	swait.ge [sflag:s25], $0x80  }
0x88: {  	[sflag:s25] =	ssyncset.done $0x0  }
0x89: {  	[sflag:s25] =	ssyncadd.s32 $0xFFFFFF80  }
0x8a: {  	[tilespmem:s26], [sflag:$0x9] =	stream.indirect.gather [hbm4b:s7+s15], $0x20, s17, s15, $0xb8;
	[tilespmem:$0x1ED80] =	vst v63  }
0x8b: {  	_ =	swait.ge [sflag:s28], $0x80  }
0x8c: {  	[sflag:s28] =	ssyncset.done $0x0  }
0x8d: {  	[sflag:s28] =	ssyncadd.s32 $0xFFFFFF80  }
0x8e: {  	[tilespmem:s29], [sflag:$0xA] =	stream.indirect.gather [hbm4b:s7+s15], $0x20, s18, s15, $0xb8;
	[tilespmem:$0x1ED80] =	vst v63  }
0x8f: {  	_ =	swait.ge [sflag:s30], $0x1000  }
0x90: {  	s6 =	sshra.s32 s9, $0x2;
	[sflag:s30] =	ssyncset.done $0x0  }
0x91: {  	s13 =	sadd.s32 $0x280, s6;
	[sflag:s30] =	ssyncadd.s32 $0xFFFFF000  }
0x92: {  	[spmem:s2] =	stream.indirect.scatter.add.f32 [tilespmem:s20], [sflag:$0xB], $0x20, s13, s15, $0xb8;
	[tilespmem:$0x1ED80] =	vst v63  }
0x93: {  	_ =	swait.ge [sflag:s31], $0x1000  }
0x94: {  	[sflag:s31] =	ssyncset.done $0x0  }
0x95: {  	s13 =	sadd.s32 $0x300, s6;
	[sflag:s31] =	ssyncadd.s32 $0xFFFFF000  }
0x96: {  	[spmem:s2] =	stream.indirect.scatter.add.f32 [tilespmem:s22], [sflag:$0xC], $0x20, s13, s15, $0xb8;
	[tilespmem:$0x1ED80] =	vst v63  }
0x97: {  	_ =	swait.ge [sflag:s0], $0x1000  }
0x98: {  	s5 =	smov.u32 s11;
	[sflag:s0] =	ssyncset.done $0x0  }
0x99: {  	s11 =	sadd.s32 $0xA00, s11;
	s13 =	sadd.s32 $0x380, s6;
	[sflag:s0] =	ssyncadd.s32 $0xFFFFF000  }
0x9a: {  	[spmem:s2] =	stream.indirect.scatter.add.f32 [tilespmem:s24], [sflag:$0xD], $0x20, s13, s15, $0xb8;
	[tilespmem:$0x1ED80] =	vst v63  }
0x9b: {  	p0 =	sne.s32 s11, $0x5000;
	_ =	swait.ge [sflag:s1], $0x1000  }
.Ltmp0:
0x9c: {  	s14 =	sadd.s32 $0x1, s14;
	[sflag:s1] =	ssyncset.done $0x0;
	(pc) =	sbr.rel @p0 .LBB2_3-.Ltmp0, $4  }
0x9d: {  	s12 =	sadd.s32 $0x50, s12;
	s13 =	sadd.s32 $0x400, s6;
	[sflag:s1] =	ssyncadd.s32 $0xFFFFF000  }
0x9e: {  	[spmem:s2] =	stream.indirect.scatter.add.f32 [tilespmem:s26], [sflag:$0xE], $0x20, s13, s15, $0xb8;
	[tilespmem:$0x1ED80] =	vst v63  }
0x9f: {  	s9 =	smov.u32 s5;
	s13 =	sor.u32 s10, s14;
	_ =	swait.ge [sflag:s4], $0x1000  }
0xa0: {  	s6 =	sadd.s32 $0x480, s6;
	p1 =	seq.s32 s13, $0x0;
	[sflag:s4] =	ssyncset.done $0x0  }
0xa1: {  	s5 =	simm.s32 @!p1 $0xB;
	[sflag:s4] =	ssyncadd.s32 $0xFFFFF000  }
0xa2: {  	[spmem:s2] =	stream.indirect.scatter.add.f32 [tilespmem:s29], [sflag:$0xF], $0x20, s6, s15, $0xb8;
	[tilespmem:$0x1ED80] =	vst v63  }
0xa3: {  	_ =	swait.ge @!p1 [sflag:s5], $0x1000  }
0xa4: {  	s11 =	rddreg [dreg:$0x7];
	[sflag:s5] =	ssyncset.done @!p1 $0x0  }
0xa5: {  	s6 =	simm.s32 @!p1 $0xC;
	[sflag:s5] =	ssyncadd.s32 @!p1 $0xFFFFF000;
	s13 =	sadd.s32 s12, s11  }
0xa6: {  	[tilespmem:s3], [sflag:$0x1] =	stream.linear.gather [hbm4b:s13+s3], $0x80, $0x38;
	[tilespmem:$0x1ED80] =	vst v63  }
0xa7: {  	_ =	swait.ge @!p1 [sflag:s6], $0x1000  }
0xa8: {  	s14 =	rddreg [dreg:$0x6];
	[sflag:s6] =	ssyncset.done @!p1 $0x0  }
0xa9: {  	[sflag:s6] =	ssyncadd.s32 @!p1 $0xFFFFF000;
	s5 =	sadd.s32 s12, s14;
	s6 =	simm.s32 @!p1 $0xD  }
0xaa: {  	[tilespmem:s15], [sflag:$0x2] =	stream.linear.gather [hbm4b:s5+s3], $0x80, $0x38;
	[tilespmem:$0x1ED80] =	vst v63  }
0xab: {  	_ =	swait.ge @!p1 [sflag:s6], $0x1000  }
0xac: {  	s11 =	rddreg [dreg:$0x5];
	[sflag:s6] =	ssyncset.done @!p1 $0x0  }
0xad: {  	[sflag:s6] =	ssyncadd.s32 @!p1 $0xFFFFF000;
	s5 =	sadd.s32 s12, s11;
	s6 =	simm.s32 @!p1 $0xE  }
0xae: {  	[tilespmem:s16], [sflag:$0x3] =	stream.linear.gather [hbm4b:s5+s3], $0x80, $0x38;
	[tilespmem:$0x1ED80] =	vst v63  }
0xaf: {  	_ =	swait.ge @!p1 [sflag:s6], $0x1000  }
0xb0: {  	s13 =	rddreg [dreg:$0x4];
	[sflag:s6] =	ssyncset.done @!p1 $0x0  }
0xb1: {  	[sflag:s6] =	ssyncadd.s32 @!p1 $0xFFFFF000;
	s5 =	sadd.s32 s12, s13;
	s6 =	simm.s32 @!p1 $0xF  }
0xb2: {  	[tilespmem:s17], [sflag:$0x4] =	stream.linear.gather [hbm4b:s5+s3], $0x80, $0x38;
	[tilespmem:$0x1ED80] =	vst v63  }
0xb3: {  	_ =	swait.ge @!p1 [sflag:s6], $0x1000  }
0xb4: {  	s14 =	rddreg [dreg:$0x3];
	[sflag:s6] =	ssyncset.done @!p1 $0x0  }
0xb5: {  	[sflag:s6] =	ssyncadd.s32 @!p1 $0xFFFFF000;
	s5 =	sadd.s32 s12, s14  }
0xb6: {  	[tilespmem:s18], [sflag:$0x5] =	stream.linear.gather [hbm4b:s5+s3], $0x80, $0x38;
	[tilespmem:$0x1ED80] =	vst v63  }
0xb7: {  	_ =	swait.ge [sflag:s19], $0x80  }
0xb8: {  	[sflag:s19] =	ssyncset.done $0x0  }
0xb9: {  	[sflag:s19] =	ssyncadd.s32 $0xFFFFFF80  }
0xba: {  	[tilespmem:s20], [sflag:$0x6] =	stream.indirect.gather [hbm4b:s7+s15], $0x20, s3, s15, $0xb8;
	[tilespmem:$0x1ED80] =	vst v63  }
0xbb: {  	_ =	swait.ge [sflag:s21], $0x80  }
0xbc: {  	[sflag:s21] =	ssyncset.done $0x0  }
0xbd: {  	[sflag:s21] =	ssyncadd.s32 $0xFFFFFF80  }
0xbe: {  	[tilespmem:s22], [sflag:$0x7] =	stream.indirect.gather [hbm4b:s7+s15], $0x20, s15, s15, $0xb8;
	[tilespmem:$0x1ED80] =	vst v63  }
0xbf: {  	_ =	swait.ge [sflag:s23], $0x80  }
0xc0: {  	[sflag:s23] =	ssyncset.done $0x0  }
0xc1: {  	[sflag:s23] =	ssyncadd.s32 $0xFFFFFF80  }
0xc2: {  	[tilespmem:s24], [sflag:$0x8] =	stream.indirect.gather [hbm4b:s7+s15], $0x20, s16, s15, $0xb8;
	[tilespmem:$0x1ED80] =	vst v63  }
0xc3: {  	_ =	swait.ge [sflag:s25], $0x80  }
0xc4: {  	[sflag:s25] =	ssyncset.done $0x0  }
0xc5: {  	[sflag:s25] =	ssyncadd.s32 $0xFFFFFF80  }
0xc6: {  	[tilespmem:s26], [sflag:$0x9] =	stream.indirect.gather [hbm4b:s7+s15], $0x20, s17, s15, $0xb8;
	[tilespmem:$0x1ED80] =	vst v63  }
0xc7: {  	_ =	swait.ge [sflag:s28], $0x80  }
0xc8: {  	[sflag:s28] =	ssyncset.done $0x0  }
0xc9: {  	[sflag:s28] =	ssyncadd.s32 $0xFFFFFF80  }
0xca: {  	[tilespmem:s29], [sflag:$0xA] =	stream.indirect.gather [hbm4b:s7+s15], $0x20, s18, s15, $0xb8;
	[tilespmem:$0x1ED80] =	vst v63  }
0xcb: {  	_ =	swait.ge [sflag:s30], $0x1000  }
0xcc: {  	s9 =	sshra.s32 s9, $0x2;
	[sflag:s30] =	ssyncset.done $0x0  }
0xcd: {  	s11 =	sadd.s32 $0x280, s9;
	[sflag:s30] =	ssyncadd.s32 $0xFFFFF000  }
0xce: {  	[spmem:s2] =	stream.indirect.scatter.add.f32 [tilespmem:s20], [sflag:$0xB], $0x20, s11, s15, $0xb8;
	[tilespmem:$0x1ED80] =	vst v63  }
0xcf: {  	_ =	swait.ge [sflag:s31], $0x1000  }
0xd0: {  	[sflag:s31] =	ssyncset.done $0x0  }
0xd1: {  	s12 =	sadd.s32 $0x300, s9;
	[sflag:s31] =	ssyncadd.s32 $0xFFFFF000  }
0xd2: {  	[spmem:s2] =	stream.indirect.scatter.add.f32 [tilespmem:s22], [sflag:$0xC], $0x20, s12, s15, $0xb8;
	[tilespmem:$0x1ED80] =	vst v63  }
0xd3: {  	_ =	swait.ge [sflag:s0], $0x1000  }
0xd4: {  	[sflag:s0] =	ssyncset.done $0x0  }
0xd5: {  	s13 =	sadd.s32 $0x380, s9;
	[sflag:s0] =	ssyncadd.s32 $0xFFFFF000  }
0xd6: {  	[spmem:s2] =	stream.indirect.scatter.add.f32 [tilespmem:s24], [sflag:$0xD], $0x20, s13, s15, $0xb8;
	[tilespmem:$0x1ED80] =	vst v63  }
0xd7: {  	_ =	swait.ge [sflag:s1], $0x1000  }
0xd8: {  	s10 =	sadd.s32 $0x1, s10;
	[sflag:s1] =	ssyncset.done $0x0  }
0xd9: {  	p0 =	sne.s32 s10, $0xA;
	s14 =	sadd.s32 $0x400, s9;
	[sflag:s1] =	ssyncadd.s32 $0xFFFFF000  }
0xda: {  	[spmem:s2] =	stream.indirect.scatter.add.f32 [tilespmem:s26], [sflag:$0xE], $0x20, s14, s15, $0xb8;
	[tilespmem:$0x1ED80] =	vst v63  }
.Ltmp1:
0xdb: {  	_ = 	snop;
	(pc) =	sbr.rel @p0 .LBB2_2-.Ltmp1, $4  }
0xdc: {  	_ =	swait.ge [sflag:s4], $0x1000  }
0xdd: {  	s8 =	sadd.s32 $0x280, s8;
	[sflag:s4] =	ssyncset.done $0x0  }
0xde: {  	s5 =	sadd.s32 $0x480, s9;
	s9 =	simm.s32 $0x10;
	[sflag:s4] =	ssyncadd.s32 $0xFFFFF000  }
0xdf: {  	[spmem:s2] =	stream.indirect.scatter.add.f32 [tilespmem:s29], [sflag:$0xF], $0x20, s5, s15, $0xb8;
	[tilespmem:$0x1ED80] =	vst v63  }
0xe0: {  	s5 =	simm.s32 $0xB  }
0xe1: {  	_ =	swait.ge [sflag:s5], $0x1000  }
0xe2: {  	[sflag:s5] =	ssyncset.done $0x0  }
0xe3: {  	s8 =	simm.s32 $0xC;
	[sflag:s5] =	ssyncadd.s32 $0xFFFFF000  }
0xe4: {  	_ =	swait.ge [sflag:s8], $0x1000  }
0xe5: {  	[sflag:s8] =	ssyncset.done $0x0  }
0xe6: {  	s10 =	simm.s32 $0xD;
	[sflag:s8] =	ssyncadd.s32 $0xFFFFF000  }
0xe7: {  	_ =	swait.ge [sflag:s10], $0x1000  }
0xe8: {  	[sflag:s10] =	ssyncset.done $0x0  }
0xe9: {  	s11 =	simm.s32 $0xE;
	[sflag:s10] =	ssyncadd.s32 $0xFFFFF000  }
0xea: {  	_ =	swait.ge [sflag:s11], $0x1000  }
0xeb: {  	[sflag:s11] =	ssyncset.done $0x0  }
0xec: {  	s12 =	simm.s32 $0xF;
	[sflag:s11] =	ssyncadd.s32 $0xFFFFF000  }
0xed: {  	_ =	swait.ge [sflag:s12], $0x1000  }
0xee: {  	[sflag:s12] =	ssyncset.done $0x0  }
0xef: {  	[sflag:s12] =	ssyncadd.s32 $0xFFFFF000  }
0xf0: {  	[bflag:$0x0] =	sbarrier.arrive $0xFFFF  }
0xf1: {  	s8 =	rddreg [dreg:$0xc]  }
0xf2: {  	s13 =	rddreg [dreg:$0xd]  }
0xf3: {  	s6 =	rddreg [dreg:$0xf]  }
0xf4: {  	[hbm:s13], [sflag:s8] =	dma.local [spmem:s6], $0x30E0  }
0xf5: {  	_ =	swait.ge [sflag:s9], $0x30E0  }
0xf6: {  	s10 =	rddreg [dreg:$0x10]  }
0xf7: {  	s14 =	rddreg [dreg:$0xe];
	s10 =	sadd.s32 $0x1, s10  }
0xf8: {  	p0 =	sne.s32 s10, s14  }
.Ltmp2:
0xf9: {  	_ = 	snop;
	(pc) =	sbr.rel @p0 .LBB2_1-.Ltmp2, $3  }
0xfa: {  	_ =	sdelay $0x1  }
0xfb: {  	[sflag:s9] =	ssyncset.done $0x0  }
0xfc: {  	[sflag:s9] =	ssyncadd.s32 $0xFFFFCF20  }
0xfd: {  	_ =	sfence.sel $0x180000  }
0xfe: {  	[bflag:$0x0] =	sbarrier.arrive $0xFFFF  }
0xff: {  	_ =	strace $0x9000004D  }
0x100: {  	s0 =	stileid.u32;
	[bflag:$0x2] =	sbarrier.arrive $0xFFFF  }
0x101: {  	p0 =	sne.s32 s0, $0x0;
	s0 =	rddreg [dreg:$0x2]  }
0x102: {  	s0 =	sadd.s32 @!p0 $0x100000, s0  }
0x103: {  	[sflag:s0] =	ssyncadd.tile.s32 @!p0 $0x1;
	_ =	shalt  }
.Lfunc_end2:
_tile_overlayer_lowered:
.L_overlay_start_2:
0x104: {  	(tag) =	ssettag $0x2  }
0x105: {  	s0 =	rddreg [dreg:$0x0];
	s2 =	stileid.u32  }
0x106: {  	s1 =	rddreg [dreg:$0x1];
	p0 =	sne.s32 s2, $0x0  }
0x107: {  	s3 =	rddreg [dreg:$0x2];
	[bflag:$0x3] =	sbarrier.arrive $0xFFFF;
	s2 =	simm.s32 @!p0 $0x1C10  }
0x108: {  	[timem:s3], [sflag:s2] =	dma.local @!p0 [hbm:s0], s1  }
0x109: {  	s0 =	simm.s32 @!p0 $0x10  }
0x10a: {  	_ =	swait.ge @!p0 [sflag:s0], s1  }
0x10b: {  	s1 =	ssub.s32 @!p0 $0x0, s1;
	[sflag:s0] =	ssyncset.done @!p0 $0x0  }
0x10c: {  	[sflag:s0] =	ssyncadd.s32 @!p0 s1  }
0x10d: {  	[bflag:$0x3] =	sbarrier.arrive $0xFFFF  }
0x10e: {  	_ =	shalt  }

// kernel: kernel.19.cloned.1.call-start
scs
__scs_entry_jumppad:
0x0: {  	(pc) =	sbr.rel $0x88, $3  }
0x1: {  	(tag) =	ssettag $0x0;
	lr =	simm.s32 $0x1  }
0x2: {  	[smem:$0x3F8F] =	sst lr;
	_ =	strace $0xD0000000  }
0x3: {  	_ = 	snop  }
0x4: {  	_ = 	snop  }
0x5: {  	_ = 	snop  }
0x6: {  	_ = 	snop  }
0x7: {  	_ = 	snop  }
__scs_overlays_trampoline_lowered:
0x8: {  	[smem:$0x3F9E] =	sst s0  }
0x9: {  	[smem:$0x3F9F] =	sst s1  }
0xa: {  	[smem:$0x3FA0] =	sst s2  }
0xb: {  	[smem:$0x3FA1] =	sst s3  }
0xc: {  	[smem:$0x3FA2] =	sst s4  }
0xd: {  	[smem:$0x3FA3] =	sst s5  }
0xe: {  	[smem:$0x3FA4] =	sst s6  }
0xf: {  	[smem:$0x3FA5] =	sst s7  }
0x10: {  	[smem:$0x3FA6] =	sst s8  }
0x11: {  	[smem:$0x3FA7] =	sst s9;
	s0 =	simm.s32 @!p0 $0x0  }
0x12: {  	s1 =	sld [smem:$0x3F8D];
	s0 =	simm.s32 @p0 $0x1  }
0x13: {  	[smem:$0x3FA8] =	sst s0;
	s0 =	simm.s32 @!p1 $0x0  }
0x14: {  	s2 =	sld [smem:$0x3F8C];
	s0 =	simm.s32 @p1 $0x1  }
0x15: {  	[smem:$0x3FA9] =	sst s0;
	s0 =	simm.s32 @!p2 $0x0  }
0x16: {  	s3 =	sld [smem:$0x3FDB];
	s0 =	simm.s32 @p2 $0x1  }
0x17: {  	s4 =	simm.s32 $0x1BF5;
	[smem:$0x3FAB] =	sst s0  }
0x18: {  	s0 =	sld [smem:$0x3F8E];
	_ =	swait.ge [sflag:s4], $0x0  }
0x19: {  	s7 =	sld [smem:$0x3F8F]  }
0x1a: {  	s8 =	sadd.s32 $0xFFFFE003, lr  }
0x1b: {  	s9 =	sadd.s32 $0xFFFFFEF7, lr;
	s5 =	simm.s32 $0xFFFFFFFF;
	p2 =	slt.u32 s8, $0xFFFFF086  }
0x1c: {  	p1 =	slt.u32 s9, $0xF7A;
	s5 =	simm.s32 @!p2 $0x0  }
0x1d: {  	s5 =	simm.s32 @p1 $0x1;
	p0 =	seq.s32 s7, s2  }
0x1e: {  	s7 =	smul.u32 @!p0 $0xF7A, s2;
	p2 =	seq.s32 @!p0 s5, $0x0  }
0x1f: {  	s9 =	smul.u32 $0xF7A, s1;
	s8 =	simm.s32 @!p0 $0x1BF5;
	p2 =	por !p2, p0  }
0x20: {  	[sflag:s8] =	ssyncset.s32 @!p0 $0xFFFFF086;
	s6 =	sadd.s32 @!p0 s3, s7;
	s7 =	simm.s32 @!p0 $0x108  }
0x21: {  	s3 =	sadd.s32 s3, s9;
	s6 =	sadd.s32 @!p0 $0x88, s6;
	s7 =	simm.s32 @p2 $0x1082  }
0x22: {  	[simem:s7], [sflag:s8] =	dma.local @!p0 [hbm:s6], $0xF7A  }
0x23: {  	s9 =	sor.u32 $0xD0000000, s2;
	s6 =	simm.s32 $0x108;
	_ =	swait.ge @!p0 [sflag:s8], $0x0  }
0x24: {  	s3 =	sadd.s32 $0x88, s3;
	s6 =	simm.s32 @!p1 $0x1082;
	[sflag:s4] =	ssyncset.s32 $0xFFFFF086  }
0x25: {  	[simem:s6], [sflag:s4] =	dma.local [hbm:s3], $0xF7A  }
0x26: {  	[smem:$0x3F8F] =	sst s1;
	(tag) =	ssettag s2;
	_ =	strace s9  }
0x27: {  	s1 =	sld [smem:$0x3F9F]  }
0x28: {  	s2 =	sld [smem:$0x3FA0]  }
0x29: {  	s4 =	sld [smem:$0x3FA2]  }
0x2a: {  	p0 =	seq.s32 s5, $0x0;
	s5 =	sld [smem:$0x3FA3]  }
0x2b: {  	s6 =	sld [smem:$0x3FA4]  }
0x2c: {  	s7 =	sld [smem:$0x3FA5]  }
0x2d: {  	s3 =	simm.s32 $0x108;
	s8 =	sld [smem:$0x3FA6]  }
0x2e: {  	s3 =	simm.s32 @!p0 $0x1082;
	s9 =	sld [smem:$0x3FA7]  }
0x2f: {  	lr =	sadd.s32 s0, s3;
	s0 =	sld [smem:$0x3F9E]  }
0x30: {  	s3 =	sld [smem:$0x3FA1]  }
0x31: {  	[smem:$0x3FAA] =	sst s10  }
0x32: {  	s10 =	sld [smem:$0x3FA8];
	_ =	sdelay $0x3  }
0x33: {  	p0 =	seq.s32 s10, $0x1;
	s10 =	sld [smem:$0x3FAA];
	_ =	sdelay $0x3  }
0x34: {  	[smem:$0x3FAA] =	sst s10  }
0x35: {  	s10 =	sld [smem:$0x3FA9];
	_ =	sdelay $0x3  }
0x36: {  	p1 =	seq.s32 s10, $0x1;
	s10 =	sld [smem:$0x3FAA];
	_ =	sdelay $0x3  }
0x37: {  	[smem:$0x3FAA] =	sst s10  }
0x38: {  	s10 =	sld [smem:$0x3FAB]  }
0x39: {  	_ = 	snop;
	(pc) =	sbr.ind lr, $3  }
0x3a: {  	_ = 	snop  }
0x3b: {  	_ = 	snop  }
0x3c: {  	p2 =	seq.s32 s10, $0x1;
	s10 =	sld [smem:$0x3FAA]  }
0x3d: {  	_ =	shalt  }
0x3e: {  	_ =	shalt  }
0x3f: {  	_ =	shalt  }
0x40: {  	_ =	shalt  }
0x41: {  	_ =	shalt  }
0x42: {  	_ =	shalt  }
0x43: {  	_ =	shalt  }
0x44: {  	_ =	shalt  }
0x45: {  	_ =	shalt  }
0x46: {  	_ =	shalt  }
0x47: {  	_ =	shalt  }
0x48: {  	_ =	shalt  }
0x49: {  	_ =	shalt  }
0x4a: {  	_ =	shalt  }
0x4b: {  	_ =	shalt  }
0x4c: {  	_ =	shalt  }
0x4d: {  	_ =	shalt  }
0x4e: {  	_ =	shalt  }
0x4f: {  	_ =	shalt  }
0x50: {  	_ =	shalt  }
0x51: {  	_ =	shalt  }
0x52: {  	_ =	shalt  }
0x53: {  	_ =	shalt  }
0x54: {  	_ =	shalt  }
0x55: {  	_ =	shalt  }
0x56: {  	_ =	shalt  }
0x57: {  	_ =	shalt  }
0x58: {  	_ =	shalt  }
0x59: {  	_ =	shalt  }
0x5a: {  	_ =	shalt  }
0x5b: {  	_ =	shalt  }
0x5c: {  	_ =	shalt  }
0x5d: {  	_ =	shalt  }
0x5e: {  	_ =	shalt  }
0x5f: {  	_ =	shalt  }
0x60: {  	_ =	shalt  }
0x61: {  	_ =	shalt  }
0x62: {  	_ =	shalt  }
0x63: {  	_ =	shalt  }
0x64: {  	_ =	shalt  }
0x65: {  	_ =	shalt  }
0x66: {  	_ =	shalt  }
0x67: {  	_ =	shalt  }
0x68: {  	_ =	shalt  }
0x69: {  	_ =	shalt  }
0x6a: {  	_ =	shalt  }
0x6b: {  	_ =	shalt  }
0x6c: {  	_ =	shalt  }
0x6d: {  	_ =	shalt  }
0x6e: {  	_ =	shalt  }
0x6f: {  	_ =	shalt  }
0x70: {  	_ =	shalt  }
0x71: {  	_ =	shalt  }
0x72: {  	_ =	shalt  }
0x73: {  	_ =	shalt  }
0x74: {  	_ =	shalt  }
0x75: {  	_ =	shalt  }
0x76: {  	_ =	shalt  }
0x77: {  	_ =	shalt  }
0x78: {  	_ =	shalt  }
0x79: {  	_ =	shalt  }
0x7a: {  	_ =	shalt  }
0x7b: {  	_ =	shalt  }
0x7c: {  	_ =	shalt  }
0x7d: {  	_ =	shalt  }
0x7e: {  	_ =	shalt  }
0x7f: {  	_ =	shalt  }
0x80: {  	_ =	shalt  }
0x81: {  	_ =	shalt  }
0x82: {  	_ =	shalt  }
0x83: {  	_ =	shalt  }
0x84: {  	_ =	shalt  }
0x85: {  	_ =	shalt  }
0x86: {  	_ =	shalt  }
0x87: {  	_ =	shalt  }
.Lfunc_end0:
.L_simem_size_0:
called_computation.3_lowered:
.L_overlay_start_0:
0x88: {  	s2 =	sld [smem:$0x3FD9]  }
0x89: {  	s3 =	sld [smem:$0x3FFE];
	_ =	sdelay $0x1  }
0x8a: {  	s1 =	srdreg.scid  }
0x8b: {  	s0 =	sand.u32 $0x1, s1  }
0x8c: {  	s16 =	sshll.u32 s0, $0xA;
	s2 =	sadd.s32 s3, s2  }
0x8d: {  	s2 =	sadd.s32 s2, s16  }
0x8e: {  	[smem:$0x3FB6] =	sst s2  }
0x8f: {  	_ = 	snop  }
0x90: {  	(tm) =	ssettm $0x1  }
0x91: {  	s17 =	sld [smem:$0x3FFB];
	_ =	sdelay $0x3  }
0x92: {  	_ =	strace s17  }
0x93: {  	s2 =	sld [smem:$0x3FFC];
	_ =	sdelay $0x3  }
0x94: {  	_ =	strace s2  }
0x95: {  	s2 =	sld [smem:$0x3FFD];
	_ =	sdelay $0x3  }
0x96: {  	_ =	strace s2  }
0x97: {  	_ =	strace $0x8FFFFFFF  }
0x98: {  	s18 =	sld [smem:$0x3FDB];
	_ =	sdelay $0x1  }
0x99: {  	s19 =	simm.s32 $_scs_section_size  }
0x9a: {  	s4 =	simm.s32 $_size__tile_overlayer_lowered;
	s5 =	simm.s32 $_tile_overlayer_lowered  }
0x9b: {  	s22 =	simm.s32 $0x1BFF;
	s21 =	sshll.u32 s5, $0x1;
	s2 =	sadd.s32 s19, s18  }
0x9c: {  	s6 =	simm.s32 $0x0;
	s20 =	sshll.u32 s4, $0x1;
	s4 =	sadd.s32 s21, s2  }
0x9d: {  	[timem:s6], [sflag:s22] =	dma.local [hbm:s4], s20  }
0x9e: {  	_ =	swait.ge [sflag:s22], s20  }
0x9f: {  	s3 =	ssub.s32 $0x0, s20;
	[sflag:s22] =	ssyncset.done $0x0  }
0xa0: {  	[sflag:s22] =	ssyncadd.s32 s3;
	_ =	sdelay $0x1  }
0xa1: {  	s23 =	simm.s32 $0x1B8B  }
0xa2: {  	_ =	swait.ge [sflag:s23], $0x1  }
0xa3: {  	[sflag:s23] =	ssyncset.done $0x0  }
0xa4: {  	s25 =	simm.s32 $0x1B8E;
	s24 =	sld [smem:$0x3FFE];
	[sflag:s23] =	ssyncadd.s32 $0xFFFFFFFF  }
0xa5: {  	s26 =	simm.s32 $execute0_lowered;
	[smem:$0x3FD2] =	sst s25  }
0xa6: {  	s4 =	sshll.u32 s26, $0x1;
	_ =	strace $0x8000004F;
	[dreg:$0x1] =	wrdreg $0xFFFFFFFF  }
0xa7: {  	s28 =	simm.s32 $_size_execute0_lowered;
	s2 =	sadd.s32 s2, s4;
	[dreg:$0x0] =	wrdreg $0x0  }
0xa8: {  	s4 =	sshll.u32 s28, $0x1;
	[dreg:$0x2] =	wrdreg s2  }
0xa9: {  	[dreg:$0x3] =	wrdreg s4  }
0xaa: {  	[dreg:$0x4] =	wrdreg $0xC0  }
0xab: {  	_ =	task [dreg:s6], $0x5FFFF  }
0xac: {  	[dreg:$0x1] =	wrdreg $0xFFFFFFFF  }
0xad: {  	[dreg:$0x0] =	wrdreg $0x60  }
0xae: {  	[dreg:$0x2] =	wrdreg s24  }
0xaf: {  	[dreg:$0x3] =	wrdreg $0x66800  }
0xb0: {  	[dreg:$0x4] =	wrdreg $0x9  }
0xb1: {  	_ =	task.clear_ibuf [dreg:s6], $0x5FFFF;
	_ =	strace $0x9000004F  }
0xb2: {  	s29 =	simm.s32 $0x9;
	_ =	strace $0x80000051  }
0xb3: {  	_ =	swait.ge [sflag:s29], $0x1  }
0xb4: {  	[sflag:s29] =	ssyncadd.s32 $0xFFFFFFFF  }
0xb5: {  	_ =	strace $0x90000051  }
0xb6: {  	_ =	sfence  }
0xb7: {  	s30 =	sld [smem:$0x0];
	_ =	sdelay $0x2  }
0xb8: {  	s31 =	sshll.u32 s1, $0xD;
	s1 =	sshrl.u32 s1, $0x2  }
0xb9: {  	s3 =	sand.u32 $0x4000, s31;
	s1 =	sadd.s32 s1, s30  }
0xba: {  	s0 =	sor.u32 s3, s0;
	s1 =	sshll.u32 s1, $0x11  }
0xbb: {  	s0 =	sor.u32 s1, s0  }
0xbc: {  	s0 =	sadd.s32 $0x8F2B, s0  }
0xbd: {  	[sflag:s0] =	ssyncadd.remote.s32 $0x1  }
0xbe: {  	_ =	sfence.sel $0xFFFF  }
0xbf: {  	[dreg:$0x0] =	wrdreg $0xFFFFFFFF;
	(pc) =	sbr.abs _section_cstart, $3  }
0xc0: {  	[dreg:$0x1] =	wrdreg $0xFFFFFFFF  }
0xc1: {  	_ =	task.clear_ibuf [dreg:s6], $0x2FFFF;
	_ =	strace $0x9FFFFFFF  }
0xc2: {  	(tm) =	ssettm $0x7FFFFFFF  }
0xc3: {  	_ =	shalt  }
tec
execute0_lowered:
.L_overlay_start_1:
0x0: {  	(tag) =	ssettag $0x1  }
0x1: {  	s0 =	rddreg [dreg:$0x0]  }
0x2: {  	s2 =	rddreg [dreg:$0x1];
	s3 =	simm.s32 $0x0  }
0x3: {  	s1 =	srdreg.scid;
	s8 =	stileid.u32;
	s15 =	simm.s32 $0x80  }
0x4: {  	s16 =	simm.s32 $0x100;
	s28 =	simm.s32 $0x5;
	s29 =	simm.s32 $0x5680  }
0x5: {  	s30 =	simm.s32 $0x6;
	s31 =	simm.s32 $0x7;
	[smem:$0x7FF] =	sst s3  }
0x6: {  	s1 =	sand.u32 $0x1, s1;
	s4 =	smul.u32 $0x18700, s8;
	s6 =	sadd.s32 $0x113C00, s0  }
0x7: {  	s17 =	sadd.s32 $0x4C00, s0;
	s9 =	smul.u32 $0xC800, s8;
	s7 =	sadd.s32 $0x32E800, s0  }
0x8: {  	s10 =	sadd.s32 $0x7F800, s0;
	_ =	strace $0x80000050;
	[dreg:$0x8] =	wrdreg s6  }
0x9: {  	s8 =	sshll.u32 s8, $0x6;
	s5 =	smul.u32 $0x187000, s1;
	[dreg:$0x9] =	wrdreg s17  }
0xa: {  	s18 =	smul.u32 $0xC8000, s1;
	[dreg:$0xb] =	wrdreg s10;
	s1 =	ssub.s32 $0x2, s1  }
0xb: {  	s8 =	sor.u32 $0x1C10, s8;
	s17 =	simm.s32 $0x180;
	[dreg:$0xa] =	wrdreg s9  }
0xc: {  	s10 =	simm.s32 $0x0;
	s19 =	sshrl.u32 s1, $0x1;
	[dreg:$0xc] =	wrdreg s8  }
0xd: {  	s5 =	sadd.s32 s4, s5;
	s6 =	sadd.s32 s9, s18;
	s1 =	ssub.s32 s1, s19  }
0xe: {  	s4 =	sadd.s32 s4, s2;
	s18 =	simm.s32 $0x200;
	s19 =	simm.s32 $0x1  }
0xf: {  	s5 =	sshrl.u32 s5, $0x3;
	s20 =	sor.u32 $0x200, s6;
	s9 =	sor.u32 $0x180, s6  }
0x10: {  	s22 =	sor.u32 $0x100, s6;
	s24 =	sor.u32 $0x80, s6;
	s26 =	sshrl.u32 s6, $0x3  }
0x11: {  	s1 =	smax.u32 s1, $0x1;
	s6 =	sshrl.u32 s4, $0x3;
	s4 =	simm.s32 $0xA  }
0x12: {  	s0 =	sadd.s32 s5, s0;
	s5 =	sshrl.u32 s20, $0x3;
	[dreg:$0xe] =	wrdreg s1  }
0x13: {  	s21 =	sshrl.u32 s9, $0x3;
	s23 =	sshrl.u32 s22, $0x3;
	[dreg:$0x7] =	wrdreg s26  }
0x14: {  	s25 =	sshrl.u32 s24, $0x3;
	s9 =	simm.s32 $0x10;
	[dreg:$0xf] =	wrdreg s6  }
0x15: {  	s20 =	simm.s32 $0x1680;
	s22 =	simm.s32 $0x2680;
	[dreg:$0x3] =	wrdreg s5  }
0x16: {  	s24 =	simm.s32 $0x3680;
	s26 =	simm.s32 $0x4680;
	[dreg:$0x4] =	wrdreg s21  }
0x17: {  	s1 =	simm.s32 $0x9;
	[dreg:$0x5] =	wrdreg s23;
	s0 =	sadd.s32 $0x82A00, s0  }
0x18: {  	[dreg:$0x6] =	wrdreg s25;
	s21 =	simm.s32 $0x2;
	s23 =	simm.s32 $0x3  }
0x19: {  	s25 =	simm.s32 $0x4;
	[dreg:$0xd] =	wrdreg s0;
	s0 =	simm.s32 $0x8  }
.LBB2_1:
0x1a: {  	[dreg:$0x10] =	wrdreg s10  }
0x1b: {  	s5 =	rddreg [dreg:$0xb]  }
0x1c: {  	[spmem:s6], [sflag:s8] =	dma.local [hbm:s5], $0x30E0  }
0x1d: {  	_ =	swait.ge [sflag:s9], $0x30E0  }
0x1e: {  	[sflag:s9] =	ssyncset.done $0x0  }
0x1f: {  	[sflag:s9] =	ssyncadd.s32 $0xFFFFCF20  }
0x20: {  	[bflag:$0x0] =	sbarrier.arrive $0xFFFF  }
0x21: {  	s10 =	simm.s32 $0x0;
	s8 =	rddreg [dreg:$0x8]  }
.LBB2_2:
0x22: {  	s5 =	smul.u32 $0x1400, s10  }
0x23: {  	s6 =	rddreg [dreg:$0xa]  }
0x24: {  	s5 =	sadd.s32 s6, s5  }
0x25: {  	s11 =	rddreg [dreg:$0x9];
	s5 =	sshrl.u32 s5, $0x3  }
0x26: {  	s12 =	simm.s32 $0x0;
	s5 =	sadd.s32 s11, s5;
	s11 =	simm.s32 $0x280  }
0x27: {  	[tilespmem:s11], [sflag:$0x10] =	stream.linear.gather [hbm4b:s5+s12], $0x1400, $0x38;
	[tilespmem:$0x1ED80] =	vst v63  }
0x28: {  	s13 =	sor.u32 s10, s12;
	_ =	swait.ge [sflag:s9], $0x1400  }
0x29: {  	p0 =	seq.s32 s13, $0x0;
	[sflag:s9] =	ssyncset.done $0x0  }
0x2a: {  	s5 =	simm.s32 @!p0 $0xB;
	[sflag:s9] =	ssyncadd.s32 $0xFFFFEC00  }
0x2b: {  	_ =	swait.ge @!p0 [sflag:s5], $0x1000  }
0x2c: {  	s14 =	rddreg [dreg:$0x7];
	[sflag:s5] =	ssyncset.done @!p0 $0x0  }
0x2d: {  	s6 =	simm.s32 @!p0 $0xC;
	[sflag:s5] =	ssyncadd.s32 @!p0 $0xFFFFF000;
	s9 =	sadd.s32 s8, s14  }
0x2e: {  	[tilespmem:s3], [sflag:$0x1] =	stream.linear.gather [hbm4b:s9+s3], $0x80, $0x38;
	[tilespmem:$0x1ED80] =	vst v63  }
0x2f: {  	_ =	swait.ge @!p0 [sflag:s6], $0x1000  }
0x30: {  	s11 =	rddreg [dreg:$0x6];
	[sflag:s6] =	ssyncset.done @!p0 $0x0  }
0x31: {  	[sflag:s6] =	ssyncadd.s32 @!p0 $0xFFFFF000;
	s5 =	sadd.s32 s8, s11;
	s6 =	simm.s32 @!p0 $0xD  }
0x32: {  	[tilespmem:s15], [sflag:$0x2] =	stream.linear.gather [hbm4b:s5+s3], $0x80, $0x38;
	[tilespmem:$0x1ED80] =	vst v63  }
0x33: {  	_ =	swait.ge @!p0 [sflag:s6], $0x1000  }
0x34: {  	s12 =	rddreg [dreg:$0x5];
	[sflag:s6] =	ssyncset.done @!p0 $0x0  }
0x35: {  	[sflag:s6] =	ssyncadd.s32 @!p0 $0xFFFFF000;
	s5 =	sadd.s32 s8, s12;
	s6 =	simm.s32 @!p0 $0xE  }
0x36: {  	[tilespmem:s16], [sflag:$0x3] =	stream.linear.gather [hbm4b:s5+s3], $0x80, $0x38;
	[tilespmem:$0x1ED80] =	vst v63  }
0x37: {  	_ =	swait.ge @!p0 [sflag:s6], $0x1000  }
0x38: {  	s13 =	rddreg [dreg:$0x4];
	[sflag:s6] =	ssyncset.done @!p0 $0x0  }
0x39: {  	[sflag:s6] =	ssyncadd.s32 @!p0 $0xFFFFF000;
	s5 =	sadd.s32 s8, s13;
	s6 =	simm.s32 @!p0 $0xF  }
0x3a: {  	[tilespmem:s17], [sflag:$0x4] =	stream.linear.gather [hbm4b:s5+s3], $0x80, $0x38;
	[tilespmem:$0x1ED80] =	vst v63  }
0x3b: {  	_ =	swait.ge @!p0 [sflag:s6], $0x1000  }
0x3c: {  	s14 =	rddreg [dreg:$0x3];
	[sflag:s6] =	ssyncset.done @!p0 $0x0  }
0x3d: {  	[sflag:s6] =	ssyncadd.s32 @!p0 $0xFFFFF000;
	s5 =	sadd.s32 s8, s14  }
0x3e: {  	[tilespmem:s18], [sflag:$0x5] =	stream.linear.gather [hbm4b:s5+s3], $0x80, $0x38;
	[tilespmem:$0x1ED80] =	vst v63  }
0x3f: {  	_ =	swait.ge [sflag:s19], $0x80  }
0x40: {  	[sflag:s19] =	ssyncset.done $0x0  }
0x41: {  	[sflag:s19] =	ssyncadd.s32 $0xFFFFFF80  }
0x42: {  	[tilespmem:s20], [sflag:$0x6] =	stream.indirect.gather [hbm4b:s7+s15], $0x20, s3, s15, $0xb8;
	[tilespmem:$0x1ED80] =	vst v63  }
0x43: {  	_ =	swait.ge [sflag:s21], $0x80  }
0x44: {  	[sflag:s21] =	ssyncset.done $0x0  }
0x45: {  	[sflag:s21] =	ssyncadd.s32 $0xFFFFFF80  }
0x46: {  	[tilespmem:s22], [sflag:$0x7] =	stream.indirect.gather [hbm4b:s7+s15], $0x20, s15, s15, $0xb8;
	[tilespmem:$0x1ED80] =	vst v63  }
0x47: {  	_ =	swait.ge [sflag:s23], $0x80  }
0x48: {  	[sflag:s23] =	ssyncset.done $0x0  }
0x49: {  	[sflag:s23] =	ssyncadd.s32 $0xFFFFFF80  }
0x4a: {  	[tilespmem:s24], [sflag:$0x8] =	stream.indirect.gather [hbm4b:s7+s15], $0x20, s16, s15, $0xb8;
	[tilespmem:$0x1ED80] =	vst v63  }
0x4b: {  	_ =	swait.ge [sflag:s25], $0x80  }
0x4c: {  	[sflag:s25] =	ssyncset.done $0x0  }
0x4d: {  	[sflag:s25] =	ssyncadd.s32 $0xFFFFFF80  }
0x4e: {  	[tilespmem:s26], [sflag:$0x9] =	stream.indirect.gather [hbm4b:s7+s15], $0x20, s17, s15, $0xb8;
	[tilespmem:$0x1ED80] =	vst v63  }
0x4f: {  	_ =	swait.ge [sflag:s28], $0x80  }
0x50: {  	[sflag:s28] =	ssyncset.done $0x0  }
0x51: {  	[sflag:s28] =	ssyncadd.s32 $0xFFFFFF80  }
0x52: {  	[tilespmem:s29], [sflag:$0xA] =	stream.indirect.gather [hbm4b:s7+s15], $0x20, s18, s15, $0xb8;
	[tilespmem:$0x1ED80] =	vst v63  }
0x53: {  	_ =	swait.ge [sflag:s30], $0x1000  }
0x54: {  	[sflag:s30] =	ssyncset.done $0x0  }
0x55: {  	s6 =	simm.s32 $0x280;
	[sflag:s30] =	ssyncadd.s32 $0xFFFFF000  }
0x56: {  	[spmem:s2] =	stream.indirect.scatter.add.f32 [tilespmem:s20], [sflag:$0xB], $0x20, s6, s15, $0xb8;
	[tilespmem:$0x1ED80] =	vst v63  }
0x57: {  	_ =	swait.ge [sflag:s31], $0x1000  }
0x58: {  	[sflag:s31] =	ssyncset.done $0x0  }
0x59: {  	s9 =	simm.s32 $0x300;
	[sflag:s31] =	ssyncadd.s32 $0xFFFFF000  }
0x5a: {  	[spmem:s2] =	stream.indirect.scatter.add.f32 [tilespmem:s22], [sflag:$0xC], $0x20, s9, s15, $0xb8;
	[tilespmem:$0x1ED80] =	vst v63  }
0x5b: {  	_ =	swait.ge [sflag:s0], $0x1000  }
0x5c: {  	[sflag:s0] =	ssyncset.done $0x0  }
0x5d: {  	s11 =	simm.s32 $0x380;
	[sflag:s0] =	ssyncadd.s32 $0xFFFFF000  }
0x5e: {  	[spmem:s2] =	stream.indirect.scatter.add.f32 [tilespmem:s24], [sflag:$0xD], $0x20, s11, s15, $0xb8;
	[tilespmem:$0x1ED80] =	vst v63  }
0x5f: {  	s14 =	simm.s32 $0x1;
	_ =	swait.ge [sflag:s1], $0x1000  }
0x60: {  	s13 =	sor.u32 s10, s14;
	[sflag:s1] =	ssyncset.done $0x0  }
0x61: {  	s12 =	simm.s32 $0x400;
	p1 =	seq.s32 s13, $0x0;
	[sflag:s1] =	ssyncadd.s32 $0xFFFFF000  }
0x62: {  	[spmem:s2] =	stream.indirect.scatter.add.f32 [tilespmem:s26], [sflag:$0xE], $0x20, s12, s15, $0xb8;
	[tilespmem:$0x1ED80] =	vst v63  }
0x63: {  	s6 =	simm.s32 $0x480;
	s9 =	simm.s32 $0xA00;
	_ =	swait.ge [sflag:s4], $0x1000  }
0x64: {  	s11 =	simm.s32 $0x1400;
	s12 =	sadd.s32 $0x50, s8;
	[sflag:s4] =	ssyncset.done $0x0  }
.LBB2_3:
0x65: {  	s13 =	simm.s32 @!p1 $0xB;
	[sflag:s4] =	ssyncadd.s32 $0xFFFFF000  }
0x66: {  	[spmem:s2] =	stream.indirect.scatter.add.f32 [tilespmem:s29], [sflag:$0xF], $0x20, s6, s15, $0xb8;
	[tilespmem:$0x1ED80] =	vst v63  }
0x67: {  	_ =	swait.ge @!p1 [sflag:s13], $0x1000  }
0x68: {  	[sflag:s13] =	ssyncset.done @!p1 $0x0;
	s6 =	rddreg [dreg:$0x7]  }
0x69: {  	[sflag:s13] =	ssyncadd.s32 @!p1 $0xFFFFF000;
	s6 =	sadd.s32 s12, s6;
	s13 =	simm.s32 @!p1 $0xC  }
0x6a: {  	[tilespmem:s3], [sflag:$0x1] =	stream.linear.gather [hbm4b:s6+s3], $0x80, $0x38;
	[tilespmem:$0x1ED80] =	vst v63  }
0x6b: {  	_ =	swait.ge @!p1 [sflag:s13], $0x1000  }
0x6c: {  	[sflag:s13] =	ssyncset.done @!p1 $0x0;
	s6 =	rddreg [dreg:$0x6]  }
0x6d: {  	[sflag:s13] =	ssyncadd.s32 @!p1 $0xFFFFF000;
	s6 =	sadd.s32 s12, s6;
	s13 =	simm.s32 @!p1 $0xD  }
0x6e: {  	[tilespmem:s15], [sflag:$0x2] =	stream.linear.gather [hbm4b:s6+s3], $0x80, $0x38;
	[tilespmem:$0x1ED80] =	vst v63  }
0x6f: {  	_ =	swait.ge @!p1 [sflag:s13], $0x1000  }
0x70: {  	[sflag:s13] =	ssyncset.done @!p1 $0x0;
	s6 =	rddreg [dreg:$0x5]  }
0x71: {  	[sflag:s13] =	ssyncadd.s32 @!p1 $0xFFFFF000;
	s6 =	sadd.s32 s12, s6;
	s13 =	simm.s32 @!p1 $0xE  }
0x72: {  	[tilespmem:s16], [sflag:$0x3] =	stream.linear.gather [hbm4b:s6+s3], $0x80, $0x38;
	[tilespmem:$0x1ED80] =	vst v63  }
0x73: {  	_ =	swait.ge @!p1 [sflag:s13], $0x1000  }
0x74: {  	[sflag:s13] =	ssyncset.done @!p1 $0x0;
	s6 =	rddreg [dreg:$0x4]  }
0x75: {  	[sflag:s13] =	ssyncadd.s32 @!p1 $0xFFFFF000;
	s6 =	sadd.s32 s12, s6;
	s13 =	simm.s32 @!p1 $0xF  }
0x76: {  	[tilespmem:s17], [sflag:$0x4] =	stream.linear.gather [hbm4b:s6+s3], $0x80, $0x38;
	[tilespmem:$0x1ED80] =	vst v63  }
0x77: {  	_ =	swait.ge @!p1 [sflag:s13], $0x1000  }
0x78: {  	[sflag:s13] =	ssyncset.done @!p1 $0x0;
	s6 =	rddreg [dreg:$0x3]  }
0x79: {  	[sflag:s13] =	ssyncadd.s32 @!p1 $0xFFFFF000;
	s6 =	sadd.s32 s12, s6  }
0x7a: {  	[tilespmem:s18], [sflag:$0x5] =	stream.linear.gather [hbm4b:s6+s3], $0x80, $0x38;
	[tilespmem:$0x1ED80] =	vst v63  }
0x7b: {  	_ =	swait.ge [sflag:s19], $0x80  }
0x7c: {  	[sflag:s19] =	ssyncset.done $0x0  }
0x7d: {  	[sflag:s19] =	ssyncadd.s32 $0xFFFFFF80  }
0x7e: {  	[tilespmem:s20], [sflag:$0x6] =	stream.indirect.gather [hbm4b:s7+s15], $0x20, s3, s15, $0xb8;
	[tilespmem:$0x1ED80] =	vst v63  }
0x7f: {  	_ =	swait.ge [sflag:s21], $0x80  }
0x80: {  	[sflag:s21] =	ssyncset.done $0x0  }
0x81: {  	[sflag:s21] =	ssyncadd.s32 $0xFFFFFF80  }
0x82: {  	[tilespmem:s22], [sflag:$0x7] =	stream.indirect.gather [hbm4b:s7+s15], $0x20, s15, s15, $0xb8;
	[tilespmem:$0x1ED80] =	vst v63  }
0x83: {  	_ =	swait.ge [sflag:s23], $0x80  }
0x84: {  	[sflag:s23] =	ssyncset.done $0x0  }
0x85: {  	[sflag:s23] =	ssyncadd.s32 $0xFFFFFF80  }
0x86: {  	[tilespmem:s24], [sflag:$0x8] =	stream.indirect.gather [hbm4b:s7+s15], $0x20, s16, s15, $0xb8;
	[tilespmem:$0x1ED80] =	vst v63  }
0x87: {  	_ =	swait.ge [sflag:s25], $0x80  }
0x88: {  	[sflag:s25] =	ssyncset.done $0x0  }
0x89: {  	[sflag:s25] =	ssyncadd.s32 $0xFFFFFF80  }
0x8a: {  	[tilespmem:s26], [sflag:$0x9] =	stream.indirect.gather [hbm4b:s7+s15], $0x20, s17, s15, $0xb8;
	[tilespmem:$0x1ED80] =	vst v63  }
0x8b: {  	_ =	swait.ge [sflag:s28], $0x80  }
0x8c: {  	[sflag:s28] =	ssyncset.done $0x0  }
0x8d: {  	[sflag:s28] =	ssyncadd.s32 $0xFFFFFF80  }
0x8e: {  	[tilespmem:s29], [sflag:$0xA] =	stream.indirect.gather [hbm4b:s7+s15], $0x20, s18, s15, $0xb8;
	[tilespmem:$0x1ED80] =	vst v63  }
0x8f: {  	_ =	swait.ge [sflag:s30], $0x1000  }
0x90: {  	s6 =	sshra.s32 s9, $0x2;
	[sflag:s30] =	ssyncset.done $0x0  }
0x91: {  	s13 =	sadd.s32 $0x280, s6;
	[sflag:s30] =	ssyncadd.s32 $0xFFFFF000  }
0x92: {  	[spmem:s2] =	stream.indirect.scatter.add.f32 [tilespmem:s20], [sflag:$0xB], $0x20, s13, s15, $0xb8;
	[tilespmem:$0x1ED80] =	vst v63  }
0x93: {  	_ =	swait.ge [sflag:s31], $0x1000  }
0x94: {  	[sflag:s31] =	ssyncset.done $0x0  }
0x95: {  	s13 =	sadd.s32 $0x300, s6;
	[sflag:s31] =	ssyncadd.s32 $0xFFFFF000  }
0x96: {  	[spmem:s2] =	stream.indirect.scatter.add.f32 [tilespmem:s22], [sflag:$0xC], $0x20, s13, s15, $0xb8;
	[tilespmem:$0x1ED80] =	vst v63  }
0x97: {  	_ =	swait.ge [sflag:s0], $0x1000  }
0x98: {  	s5 =	smov.u32 s11;
	[sflag:s0] =	ssyncset.done $0x0  }
0x99: {  	s11 =	sadd.s32 $0xA00, s11;
	s13 =	sadd.s32 $0x380, s6;
	[sflag:s0] =	ssyncadd.s32 $0xFFFFF000  }
0x9a: {  	[spmem:s2] =	stream.indirect.scatter.add.f32 [tilespmem:s24], [sflag:$0xD], $0x20, s13, s15, $0xb8;
	[tilespmem:$0x1ED80] =	vst v63  }
0x9b: {  	p0 =	sne.s32 s11, $0x5000;
	_ =	swait.ge [sflag:s1], $0x1000  }
.Ltmp0:
0x9c: {  	s14 =	sadd.s32 $0x1, s14;
	[sflag:s1] =	ssyncset.done $0x0;
	(pc) =	sbr.rel @p0 .LBB2_3-.Ltmp0, $4  }
0x9d: {  	s12 =	sadd.s32 $0x50, s12;
	s13 =	sadd.s32 $0x400, s6;
	[sflag:s1] =	ssyncadd.s32 $0xFFFFF000  }
0x9e: {  	[spmem:s2] =	stream.indirect.scatter.add.f32 [tilespmem:s26], [sflag:$0xE], $0x20, s13, s15, $0xb8;
	[tilespmem:$0x1ED80] =	vst v63  }
0x9f: {  	s9 =	smov.u32 s5;
	s13 =	sor.u32 s10, s14;
	_ =	swait.ge [sflag:s4], $0x1000  }
0xa0: {  	s6 =	sadd.s32 $0x480, s6;
	p1 =	seq.s32 s13, $0x0;
	[sflag:s4] =	ssyncset.done $0x0  }
0xa1: {  	s5 =	simm.s32 @!p1 $0xB;
	[sflag:s4] =	ssyncadd.s32 $0xFFFFF000  }
0xa2: {  	[spmem:s2] =	stream.indirect.scatter.add.f32 [tilespmem:s29], [sflag:$0xF], $0x20, s6, s15, $0xb8;
	[tilespmem:$0x1ED80] =	vst v63  }
0xa3: {  	_ =	swait.ge @!p1 [sflag:s5], $0x1000  }
0xa4: {  	s11 =	rddreg [dreg:$0x7];
	[sflag:s5] =	ssyncset.done @!p1 $0x0  }
0xa5: {  	s6 =	simm.s32 @!p1 $0xC;
	[sflag:s5] =	ssyncadd.s32 @!p1 $0xFFFFF000;
	s13 =	sadd.s32 s12, s11  }
0xa6: {  	[tilespmem:s3], [sflag:$0x1] =	stream.linear.gather [hbm4b:s13+s3], $0x80, $0x38;
	[tilespmem:$0x1ED80] =	vst v63  }
0xa7: {  	_ =	swait.ge @!p1 [sflag:s6], $0x1000  }
0xa8: {  	s14 =	rddreg [dreg:$0x6];
	[sflag:s6] =	ssyncset.done @!p1 $0x0  }
0xa9: {  	[sflag:s6] =	ssyncadd.s32 @!p1 $0xFFFFF000;
	s5 =	sadd.s32 s12, s14;
	s6 =	simm.s32 @!p1 $0xD  }
0xaa: {  	[tilespmem:s15], [sflag:$0x2] =	stream.linear.gather [hbm4b:s5+s3], $0x80, $0x38;
	[tilespmem:$0x1ED80] =	vst v63  }
0xab: {  	_ =	swait.ge @!p1 [sflag:s6], $0x1000  }
0xac: {  	s11 =	rddreg [dreg:$0x5];
	[sflag:s6] =	ssyncset.done @!p1 $0x0  }
0xad: {  	[sflag:s6] =	ssyncadd.s32 @!p1 $0xFFFFF000;
	s5 =	sadd.s32 s12, s11;
	s6 =	simm.s32 @!p1 $0xE  }
0xae: {  	[tilespmem:s16], [sflag:$0x3] =	stream.linear.gather [hbm4b:s5+s3], $0x80, $0x38;
	[tilespmem:$0x1ED80] =	vst v63  }
0xaf: {  	_ =	swait.ge @!p1 [sflag:s6], $0x1000  }
0xb0: {  	s13 =	rddreg [dreg:$0x4];
	[sflag:s6] =	ssyncset.done @!p1 $0x0  }
0xb1: {  	[sflag:s6] =	ssyncadd.s32 @!p1 $0xFFFFF000;
	s5 =	sadd.s32 s12, s13;
	s6 =	simm.s32 @!p1 $0xF  }
0xb2: {  	[tilespmem:s17], [sflag:$0x4] =	stream.linear.gather [hbm4b:s5+s3], $0x80, $0x38;
	[tilespmem:$0x1ED80] =	vst v63  }
0xb3: {  	_ =	swait.ge @!p1 [sflag:s6], $0x1000  }
0xb4: {  	s14 =	rddreg [dreg:$0x3];
	[sflag:s6] =	ssyncset.done @!p1 $0x0  }
0xb5: {  	[sflag:s6] =	ssyncadd.s32 @!p1 $0xFFFFF000;
	s5 =	sadd.s32 s12, s14  }
0xb6: {  	[tilespmem:s18], [sflag:$0x5] =	stream.linear.gather [hbm4b:s5+s3], $0x80, $0x38;
	[tilespmem:$0x1ED80] =	vst v63  }
0xb7: {  	_ =	swait.ge [sflag:s19], $0x80  }
0xb8: {  	[sflag:s19] =	ssyncset.done $0x0  }
0xb9: {  	[sflag:s19] =	ssyncadd.s32 $0xFFFFFF80  }
0xba: {  	[tilespmem:s20], [sflag:$0x6] =	stream.indirect.gather [hbm4b:s7+s15], $0x20, s3, s15, $0xb8;
	[tilespmem:$0x1ED80] =	vst v63  }
0xbb: {  	_ =	swait.ge [sflag:s21], $0x80  }
0xbc: {  	[sflag:s21] =	ssyncset.done $0x0  }
0xbd: {  	[sflag:s21] =	ssyncadd.s32 $0xFFFFFF80  }
0xbe: {  	[tilespmem:s22], [sflag:$0x7] =	stream.indirect.gather [hbm4b:s7+s15], $0x20, s15, s15, $0xb8;
	[tilespmem:$0x1ED80] =	vst v63  }
0xbf: {  	_ =	swait.ge [sflag:s23], $0x80  }
0xc0: {  	[sflag:s23] =	ssyncset.done $0x0  }
0xc1: {  	[sflag:s23] =	ssyncadd.s32 $0xFFFFFF80  }
0xc2: {  	[tilespmem:s24], [sflag:$0x8] =	stream.indirect.gather [hbm4b:s7+s15], $0x20, s16, s15, $0xb8;
	[tilespmem:$0x1ED80] =	vst v63  }
0xc3: {  	_ =	swait.ge [sflag:s25], $0x80  }
0xc4: {  	[sflag:s25] =	ssyncset.done $0x0  }
0xc5: {  	[sflag:s25] =	ssyncadd.s32 $0xFFFFFF80  }
0xc6: {  	[tilespmem:s26], [sflag:$0x9] =	stream.indirect.gather [hbm4b:s7+s15], $0x20, s17, s15, $0xb8;
	[tilespmem:$0x1ED80] =	vst v63  }
0xc7: {  	_ =	swait.ge [sflag:s28], $0x80  }
0xc8: {  	[sflag:s28] =	ssyncset.done $0x0  }
0xc9: {  	[sflag:s28] =	ssyncadd.s32 $0xFFFFFF80  }
0xca: {  	[tilespmem:s29], [sflag:$0xA] =	stream.indirect.gather [hbm4b:s7+s15], $0x20, s18, s15, $0xb8;
	[tilespmem:$0x1ED80] =	vst v63  }
0xcb: {  	_ =	swait.ge [sflag:s30], $0x1000  }
0xcc: {  	s9 =	sshra.s32 s9, $0x2;
	[sflag:s30] =	ssyncset.done $0x0  }
0xcd: {  	s11 =	sadd.s32 $0x280, s9;
	[sflag:s30] =	ssyncadd.s32 $0xFFFFF000  }
0xce: {  	[spmem:s2] =	stream.indirect.scatter.add.f32 [tilespmem:s20], [sflag:$0xB], $0x20, s11, s15, $0xb8;
	[tilespmem:$0x1ED80] =	vst v63  }
0xcf: {  	_ =	swait.ge [sflag:s31], $0x1000  }
0xd0: {  	[sflag:s31] =	ssyncset.done $0x0  }
0xd1: {  	s12 =	sadd.s32 $0x300, s9;
	[sflag:s31] =	ssyncadd.s32 $0xFFFFF000  }
0xd2: {  	[spmem:s2] =	stream.indirect.scatter.add.f32 [tilespmem:s22], [sflag:$0xC], $0x20, s12, s15, $0xb8;
	[tilespmem:$0x1ED80] =	vst v63  }
0xd3: {  	_ =	swait.ge [sflag:s0], $0x1000  }
0xd4: {  	[sflag:s0] =	ssyncset.done $0x0  }
0xd5: {  	s13 =	sadd.s32 $0x380, s9;
	[sflag:s0] =	ssyncadd.s32 $0xFFFFF000  }
0xd6: {  	[spmem:s2] =	stream.indirect.scatter.add.f32 [tilespmem:s24], [sflag:$0xD], $0x20, s13, s15, $0xb8;
	[tilespmem:$0x1ED80] =	vst v63  }
0xd7: {  	_ =	swait.ge [sflag:s1], $0x1000  }
0xd8: {  	s10 =	sadd.s32 $0x1, s10;
	[sflag:s1] =	ssyncset.done $0x0  }
0xd9: {  	p0 =	sne.s32 s10, $0xA;
	s14 =	sadd.s32 $0x400, s9;
	[sflag:s1] =	ssyncadd.s32 $0xFFFFF000  }
0xda: {  	[spmem:s2] =	stream.indirect.scatter.add.f32 [tilespmem:s26], [sflag:$0xE], $0x20, s14, s15, $0xb8;
	[tilespmem:$0x1ED80] =	vst v63  }
.Ltmp1:
0xdb: {  	_ = 	snop;
	(pc) =	sbr.rel @p0 .LBB2_2-.Ltmp1, $4  }
0xdc: {  	_ =	swait.ge [sflag:s4], $0x1000  }
0xdd: {  	s8 =	sadd.s32 $0x280, s8;
	[sflag:s4] =	ssyncset.done $0x0  }
0xde: {  	s5 =	sadd.s32 $0x480, s9;
	s9 =	simm.s32 $0x10;
	[sflag:s4] =	ssyncadd.s32 $0xFFFFF000  }
0xdf: {  	[spmem:s2] =	stream.indirect.scatter.add.f32 [tilespmem:s29], [sflag:$0xF], $0x20, s5, s15, $0xb8;
	[tilespmem:$0x1ED80] =	vst v63  }
0xe0: {  	s5 =	simm.s32 $0xB  }
0xe1: {  	_ =	swait.ge [sflag:s5], $0x1000  }
0xe2: {  	[sflag:s5] =	ssyncset.done $0x0  }
0xe3: {  	s8 =	simm.s32 $0xC;
	[sflag:s5] =	ssyncadd.s32 $0xFFFFF000  }
0xe4: {  	_ =	swait.ge [sflag:s8], $0x1000  }
0xe5: {  	[sflag:s8] =	ssyncset.done $0x0  }
0xe6: {  	s10 =	simm.s32 $0xD;
	[sflag:s8] =	ssyncadd.s32 $0xFFFFF000  }
0xe7: {  	_ =	swait.ge [sflag:s10], $0x1000  }
0xe8: {  	[sflag:s10] =	ssyncset.done $0x0  }
0xe9: {  	s11 =	simm.s32 $0xE;
	[sflag:s10] =	ssyncadd.s32 $0xFFFFF000  }
0xea: {  	_ =	swait.ge [sflag:s11], $0x1000  }
0xeb: {  	[sflag:s11] =	ssyncset.done $0x0  }
0xec: {  	s12 =	simm.s32 $0xF;
	[sflag:s11] =	ssyncadd.s32 $0xFFFFF000  }
0xed: {  	_ =	swait.ge [sflag:s12], $0x1000  }
0xee: {  	[sflag:s12] =	ssyncset.done $0x0  }
0xef: {  	[sflag:s12] =	ssyncadd.s32 $0xFFFFF000  }
0xf0: {  	[bflag:$0x0] =	sbarrier.arrive $0xFFFF  }
0xf1: {  	s8 =	rddreg [dreg:$0xc]  }
0xf2: {  	s13 =	rddreg [dreg:$0xd]  }
0xf3: {  	s6 =	rddreg [dreg:$0xf]  }
0xf4: {  	[hbm:s13], [sflag:s8] =	dma.local [spmem:s6], $0x30E0  }
0xf5: {  	_ =	swait.ge [sflag:s9], $0x30E0  }
0xf6: {  	s10 =	rddreg [dreg:$0x10]  }
0xf7: {  	s14 =	rddreg [dreg:$0xe];
	s10 =	sadd.s32 $0x1, s10  }
0xf8: {  	p0 =	sne.s32 s10, s14  }
.Ltmp2:
0xf9: {  	_ = 	snop;
	(pc) =	sbr.rel @p0 .LBB2_1-.Ltmp2, $3  }
0xfa: {  	_ =	sdelay $0x1  }
0xfb: {  	[sflag:s9] =	ssyncset.done $0x0  }
0xfc: {  	[sflag:s9] =	ssyncadd.s32 $0xFFFFCF20  }
0xfd: {  	_ =	sfence.sel $0x180000  }
0xfe: {  	[bflag:$0x0] =	sbarrier.arrive $0xFFFF  }
0xff: {  	_ =	strace $0x90000050  }
0x100: {  	s0 =	stileid.u32;
	[bflag:$0x2] =	sbarrier.arrive $0xFFFF  }
0x101: {  	p0 =	sne.s32 s0, $0x0;
	s0 =	rddreg [dreg:$0x2]  }
0x102: {  	s0 =	sadd.s32 @!p0 $0x100000, s0  }
0x103: {  	[sflag:s0] =	ssyncadd.tile.s32 @!p0 $0x1;
	_ =	shalt  }
.Lfunc_end2:
_tile_overlayer_lowered:
.L_overlay_start_2:
0x104: {  	(tag) =	ssettag $0x2  }
0x105: {  	s0 =	rddreg [dreg:$0x0];
	s2 =	stileid.u32  }
0x106: {  	s1 =	rddreg [dreg:$0x1];
	p0 =	sne.s32 s2, $0x0  }
0x107: {  	s3 =	rddreg [dreg:$0x2];
	[bflag:$0x3] =	sbarrier.arrive $0xFFFF;
	s2 =	simm.s32 @!p0 $0x1C10  }
0x108: {  	[timem:s3], [sflag:s2] =	dma.local @!p0 [hbm:s0], s1  }
0x109: {  	s0 =	simm.s32 @!p0 $0x10  }
0x10a: {  	_ =	swait.ge @!p0 [sflag:s0], s1  }
0x10b: {  	s1 =	ssub.s32 @!p0 $0x0, s1;
	[sflag:s0] =	ssyncset.done @!p0 $0x0  }
0x10c: {  	[sflag:s0] =	ssyncadd.s32 @!p0 s1  }
0x10d: {  	[bflag:$0x3] =	sbarrier.arrive $0xFFFF  }
0x10e: {  	_ =	shalt  }

</sc_bundles>
